<compile_context>
chip_gen: v7x
topology: tpu7x:2x2x1
jax: 0.10.2.dev20260603
libtpu: 0.0.44.dev20260713+nightly
codegen_flags: <defaults>
</compile_context>

<pallas_src>
import functools

import jax
import jax.numpy as jnp
from jax import lax
from jax.experimental import pallas as pl
from jax.experimental.pallas import tpu as pltpu
from jax.experimental.pallas import tpu_sc as plsc

N_NODES = 10000
D = 128
N_EDGES = 320000

NC = 2
NS = 16
NW = NC * NS
E_PER_TILE = N_EDGES // NW
EB = 125
NB = E_PER_TILE // EB
INNER = 5
OUTER = NB // INNER

N_PAD = 10240
DEG_STRIPE = N_PAD // NS
ROW_STRIPE = 640
LAST_STRIPE = N_NODES - (NS - 1) * ROW_STRIPE
ZROWS = 128

_mesh = plsc.VectorSubcoreMesh(
    core_axis_name="c", subcore_axis_name="s", num_cores=NC, num_subcores=NS
)


@functools.partial(
    pl.kernel,
    out_type=jax.ShapeDtypeStruct((NC, N_PAD), jnp.float32),
    mesh=_mesh,
    compiler_params=pltpu.CompilerParams(use_tc_tiling_on_sc=False),
    scratch_types=[
        pltpu.VMEM_SHARED((N_PAD,), jnp.float32),
        pltpu.VMEM((NB, EB), jnp.int32),
        pltpu.VMEM((128,), jnp.float32),
        pltpu.VMEM((DEG_STRIPE,), jnp.float32),
    ],
)
def _deg_kernel(dst_hbm, out_hbm, acc, dstbuf, ones, zbuf):
    cid = lax.axis_index("c")
    sid = lax.axis_index("s")
    wid = cid * NS + sid

    zero16 = jnp.zeros((16,), jnp.float32)
    one16 = jnp.ones((16,), jnp.float32)

    @pl.loop(0, DEG_STRIPE // 16)
    def _(i):
        zbuf[pl.ds(i * 16, 16)] = zero16

    @pl.loop(0, 8)
    def _(i):
        ones[pl.ds(i * 16, 16)] = one16

    pltpu.sync_copy(zbuf, acc.at[pl.ds(sid * DEG_STRIPE, DEG_STRIPE)])
    pltpu.sync_copy(dst_hbm.at[pl.ds(wid * NB, NB)], dstbuf)
    plsc.subcore_barrier()

    @pl.loop(0, OUTER)
    def _(i):
        for j in range(INNER):
            pltpu.sync_copy(ones.at[pl.ds(0, EB)],
                            acc.at[dstbuf.at[i * INNER + j]], add=True)

    plsc.subcore_barrier()

    pltpu.sync_copy(acc.at[pl.ds(sid * DEG_STRIPE, DEG_STRIPE)],
                    out_hbm.at[cid, pl.ds(sid * DEG_STRIPE, DEG_STRIPE)])


STRIPE = N_NODES // NS
GEB = 40
GNB = E_PER_TILE // GEB
GNB_H = GNB // 2
NBUF = 6
GINNER = 6
GSTEADY = GNB_H // GINNER - 1


@functools.partial(
    pl.kernel,
    out_type=jax.ShapeDtypeStruct((NC, N_NODES, D), jnp.float32),
    mesh=_mesh,
    compiler_params=pltpu.CompilerParams(use_tc_tiling_on_sc=False),
    scratch_types=[
        pltpu.VMEM_SHARED((N_NODES, D), jnp.float32),
        pltpu.VMEM((GNB, GEB), jnp.int32),
        pltpu.VMEM((GNB_H, GEB), jnp.int32),
        pltpu.VMEM((NBUF, GEB, D), jnp.float32),
        [pltpu.SemaphoreType.DMA] * NBUF,
        pltpu.SemaphoreType.DMA,
        pltpu.SemaphoreType.DMA,
    ],
)
def _agg_kernel(h2_hbm, src_hbm, dst_hbm, out_hbm,
                acc, srcbuf, dstbuf, ringbuf, gsems, semi0, semi1):
    cid = lax.axis_index("c")
    sid = lax.axis_index("s")
    wid = cid * NS + sid

    zero16 = jnp.zeros((16,), jnp.float32)
    rows = [ringbuf.at[k] for k in range(NBUF)]

    ld_src = pltpu.async_copy(src_hbm.at[pl.ds(wid * GNB, GNB)], srcbuf, semi0)
    ld_dst = pltpu.async_copy(dst_hbm.at[pl.ds(wid * GNB, GNB_H)], dstbuf, semi1)

    @pl.loop(0, GEB)
    def _(i):
        for j in range(D // 16):
            ringbuf[0, i, pl.ds(j * 16, 16)] = zero16

    for k in range(STRIPE // GEB):
        pltpu.sync_copy(rows[0], acc.at[pl.ds(sid * STRIPE + k * GEB, GEB)])
    pltpu.sync_copy(rows[0].at[pl.ds(0, STRIPE % GEB)],
                    acc.at[pl.ds(sid * STRIPE + STRIPE - STRIPE % GEB,
                                 STRIPE % GEB)])

    ld_src.wait()
    for k in range(NBUF - 1):
        pltpu.async_copy(h2_hbm.at[srcbuf.at[k]], rows[k], gsems[k])
    ld_dst.wait()
    plsc.subcore_barrier()

    def block(b, dloc, p, prefetch):
        pltpu.make_async_copy(h2_hbm.at[srcbuf.at[b]], rows[p], gsems[p]).wait()
        if prefetch:
            q = (p + NBUF - 1) % NBUF
            pltpu.async_copy(h2_hbm.at[srcbuf.at[b + NBUF - 1]],
                             rows[q], gsems[q])
        pltpu.sync_copy(rows[p], acc.at[dstbuf.at[dloc]], add=True)

    for h in range(2):
        hp = (h * GNB_H) % NBUF

        @pl.loop(0, GSTEADY)
        def _(i):
            for j in range(GINNER):
                loc = i * GINNER + j
                block(h * GNB_H + loc, loc, (hp + j) % NBUF, True)

        for j in range(GNB_H - GSTEADY * GINNER):
            loc = GSTEADY * GINNER + j
            b = h * GNB_H + loc
            block(b, loc, (hp + loc) % NBUF, b + NBUF - 1 < GNB)

        if h == 0:
            pltpu.sync_copy(dst_hbm.at[pl.ds(wid * GNB + GNB_H, GNB_H)], dstbuf)

    plsc.subcore_barrier()

    for k in range(STRIPE // GEB):
        r0 = sid * STRIPE + k * GEB
        pltpu.sync_copy(acc.at[pl.ds(r0, GEB)],
                        out_hbm.at[cid, pl.ds(r0, GEB)])
    r0 = sid * STRIPE + STRIPE - STRIPE % GEB
    pltpu.sync_copy(acc.at[pl.ds(r0, STRIPE % GEB)],
                    out_hbm.at[cid, pl.ds(r0, STRIPE % GEB)])


ROWS_BLK = 1024
GRID = (N_NODES + ROWS_BLK - 1) // ROWS_BLK


def _mm_body(x_ref, w_ref, degp_ref, h2_ref):
    deg = degp_ref[0, :] + degp_ref[1, :] + 1.0
    dis = lax.rsqrt(deg)
    h = jnp.dot(x_ref[...], w_ref[...], preferred_element_type=jnp.float32)
    h2_ref[...] = h * dis[:, None]


def _matmul_scale(x, W, degp):
    return pl.pallas_call(
        _mm_body,
        grid=(GRID,),
        in_specs=[
            pl.BlockSpec((ROWS_BLK, D), lambda i: (i, 0)),
            pl.BlockSpec((D, D), lambda i: (0, 0)),
            pl.BlockSpec((NC, ROWS_BLK), lambda i: (0, i)),
        ],
        out_specs=pl.BlockSpec((ROWS_BLK, D), lambda i: (i, 0)),
        out_shape=jax.ShapeDtypeStruct((N_NODES, D), jnp.float32),
    )(x, W, degp)


def _fin_body(s_ref, h2_ref, degp_ref, b_ref, out_ref):
    deg = degp_ref[0, :] + degp_ref[1, :] + 1.0
    dis = lax.rsqrt(deg)
    tot = s_ref[0] + s_ref[1] + h2_ref[...]
    out_ref[...] = jnp.maximum(tot * dis[:, None] + b_ref[...], 0.0)


def _finalize(S, h2, degp, b2d):
    return pl.pallas_call(
        _fin_body,
        grid=(GRID,),
        in_specs=[
            pl.BlockSpec((NC, ROWS_BLK, D), lambda i: (0, i, 0)),
            pl.BlockSpec((ROWS_BLK, D), lambda i: (i, 0)),
            pl.BlockSpec((NC, ROWS_BLK), lambda i: (0, i)),
            pl.BlockSpec((1, D), lambda i: (0, 0)),
        ],
        out_specs=pl.BlockSpec((ROWS_BLK, D), lambda i: (i, 0)),
        out_shape=jax.ShapeDtypeStruct((N_NODES, D), jnp.float32),
    )(S, h2, degp, b2d)


def kernel(x, edge_index, W, b):
    src = edge_index[0].astype(jnp.int32)
    dst = edge_index[1].astype(jnp.int32)
    degp = _deg_kernel(dst.reshape(NW * NB, EB))
    h2 = _matmul_scale(x, W, degp)
    S = _agg_kernel(h2, src.reshape(NW * GNB, GEB), dst.reshape(NW * GNB, GEB))
    return _finalize(S, h2, degp, b.reshape(1, D))

# --- scband reference (transcript-rebuilt; emitter-appended) ---
"""Pipeline reference for scband-basic-block-73203422593428 (READ-ONLY COPY).

The authoritative reference and input builder live on the scoring server;
editing this copy changes nothing except your own understanding.
"""

import jax, jax.numpy as jnp
import numpy as np

N_NODES = 10000
D_IN = 128
D_OUT = 128
N_EDGES = 320000

def setup_inputs(seed: int = 0) -> dict:
    key = jax.random.key(seed)
    k_x, k_e, k_w, k_b = jax.random.split(key, 4)
    x = jax.random.normal(k_x, (N_NODES, D_IN), dtype=jnp.float32)
    edge_index = jax.random.randint(k_e, (2, N_EDGES), 0, N_NODES, dtype=jnp.int64)
    # GCNConv learned parameters (PyG default: glorot weight, zero bias)
    limit = float(np.sqrt(6.0 / (D_IN + D_OUT)))
    W = jax.random.uniform(k_w, (D_IN, D_OUT), dtype=jnp.float32, minval=-limit, maxval=limit)
    b = jnp.zeros((D_OUT,), dtype=jnp.float32)
    return {"x": x, "edge_index": edge_index, "W": W, "b": b}

def reference(x, edge_index, W, b):
    # Faithful GCNConv (PyG semantics): add self-loops, symmetric normalization,
    # linear transform, sum aggregation over source->dest, bias add.
    N = x.shape[0]
    self_loops = jnp.arange(N, dtype=edge_index.dtype)
    src = jnp.concatenate([edge_index[0], self_loops])
    dst = jnp.concatenate([edge_index[1], self_loops])
    # degree computed on destination nodes (edge weight = 1)
    deg = jnp.zeros((N,), dtype=jnp.float32).at[dst].add(1.0)
    deg_inv_sqrt = jnp.where(deg > 0, 1.0 / jnp.sqrt(deg), 0.0)
    norm = deg_inv_sqrt[src] * deg_inv_sqrt[dst]
    h = x @ W
    msg = h[src] * norm[:, None]
    out = jax.ops.segment_sum(msg, dst, num_segments=N)
    out = out + b
    # BasicBlock: ReLU then Dropout(p=0.0) which is identity
    out = jax.nn.relu(out)
    return out

if __name__ == "__main__":
    import jax
    _d = setup_inputs()
    print(jax.jit(kernel)(*tuple(_d.values())))

</pallas_src>

<mosaic_0001>
#map = affine_map<(d0, d1) -> (0, 0)>
#map1 = affine_map<(d0, d1) -> (0, 0, 0)>
module attributes {stable_mosaic.version = 14 : i64} {
  func.func @_agg_kernel(%arg0: i32, %arg1: i32, %arg2: memref<10000x128xf32, #tpu.memory_space<hbm>>, %arg3: memref<8000x40xi32, #tpu.memory_space<hbm>>, %arg4: memref<8000x40xi32, #tpu.memory_space<hbm>>, %arg5: memref<2x10000x128xf32, #tpu.memory_space<hbm>>, %arg6: memref<10000x128xf32, #tpu.memory_space<vmem_shared>>, %arg7: memref<250x40xi32, #tpu.memory_space<vmem>>, %arg8: memref<125x40xi32, #tpu.memory_space<vmem>>, %arg9: memref<6x40x128xf32, #tpu.memory_space<vmem>>, %arg10: memref<!tpu.dma_semaphore, #tpu.memory_space<semaphore_mem>>, %arg11: memref<!tpu.dma_semaphore, #tpu.memory_space<semaphore_mem>>, %arg12: memref<!tpu.dma_semaphore, #tpu.memory_space<semaphore_mem>>, %arg13: memref<!tpu.dma_semaphore, #tpu.memory_space<semaphore_mem>>, %arg14: memref<!tpu.dma_semaphore, #tpu.memory_space<semaphore_mem>>, %arg15: memref<!tpu.dma_semaphore, #tpu.memory_space<semaphore_mem>>, %arg16: memref<!tpu.dma_semaphore, #tpu.memory_space<semaphore_mem>>, %arg17: memref<!tpu.dma_semaphore, #tpu.memory_space<semaphore_mem>>) attributes {dimension_semantics = [#tpu.dimension_semantics<core_parallel>, #tpu.dimension_semantics<subcore_parallel>], iteration_bounds = array<i64: 2, 16>, scalar_prefetch = 0 : i64, scratch_operands = 12 : i64, tpu.core_type = #tpu.core_type<sc_vector_subcore>, window_params = [{transform_indices = #map}, {transform_indices = #map}, {transform_indices = #map}, {transform_indices = #map1}]} {
    %mul3A = arith.constant 16 : i32
    %mul3A_0 = arith.muli %arg0, %mul3A : i32
    %add3A = arith.addi %mul3A_0, %arg1 : i32
    %broadcast_in_dim3A = arith.constant 0.000000e+00 : f32
    %broadcast_in_dim3A_1 = vector.broadcast %broadcast_in_dim3A : f32 to vector<16xf32>
    %mul3A_2 = arith.constant 250 : i32
    %mul3A_3 = arith.muli %add3A, %mul3A_2 : i32
    %dma_start3A = arith.constant 0 : i32
    %dma_start3A_4 = tpu.memref_slice %arg3[%mul3A_3, %dma_start3A] : memref<8000x40xi32, #tpu.memory_space<hbm>> -> memref<250x40xi32, #tpu.memory_space<hbm>>
    %dma_start3A_5 = arith.constant 0 : i32
    %dma_start3A_6 = tpu.memref_slice %arg3[%mul3A_3, %dma_start3A_5] : memref<8000x40xi32, #tpu.memory_space<hbm>> -> memref<250x40xi32, #tpu.memory_space<hbm>>
    tpu.enqueue_dma source(%dma_start3A_6 : memref<250x40xi32, #tpu.memory_space<hbm>>) target(%arg7 : memref<250x40xi32, #tpu.memory_space<vmem>>) target_semaphore(%arg16 : memref<!tpu.dma_semaphore, #tpu.memory_space<semaphore_mem>>)
    %mul3A_7 = arith.constant 250 : i32
    %mul3A_8 = arith.muli %add3A, %mul3A_7 : i32
    %dma_start3A_9 = arith.constant 0 : i32
    %dma_start3A_10 = tpu.memref_slice %arg4[%mul3A_8, %dma_start3A_9] : memref<8000x40xi32, #tpu.memory_space<hbm>> -> memref<125x40xi32, #tpu.memory_space<hbm>>
    %dma_start3A_11 = arith.constant 0 : i32
    %dma_start3A_12 = tpu.memref_slice %arg4[%mul3A_8, %dma_start3A_11] : memref<8000x40xi32, #tpu.memory_space<hbm>> -> memref<125x40xi32, #tpu.memory_space<hbm>>
    tpu.enqueue_dma source(%dma_start3A_12 : memref<125x40xi32, #tpu.memory_space<hbm>>) target(%arg8 : memref<125x40xi32, #tpu.memory_space<vmem>>) target_semaphore(%arg17 : memref<!tpu.dma_semaphore, #tpu.memory_space<semaphore_mem>>)
    %scan3A = arith.constant 0 : i32
    %scan3A_13 = arith.constant 40 : i32
    %scan3A_14 = arith.addi %scan3A, %scan3A_13 : i32
    %scan3A_15 = arith.constant 1 : i32
    scf.for %scan3A_769 = %scan3A to %scan3A_14 step %scan3A_15  : i32 {
      %mul3A_770 = arith.constant 1 : i32
      %mul3A_771 = arith.muli %scan3A_769, %mul3A_770 : i32
      %add3A_772 = arith.constant 0 : i32
      %add3A_773 = arith.addi %add3A_772, %mul3A_771 : i32
      %swap3A = arith.constant 0 : i32
      %swap3A_774 = arith.index_cast %swap3A : i32 to index
      %swap3A_775 = arith.index_cast %add3A_773 : i32 to index
      %swap3A_776 = arith.constant 0 : index
      %swap3A_777 = tpu.vector_load %arg9[%swap3A_774, %swap3A_775, %swap3A_776] {strides = array<i32>} : memref<6x40x128xf32, #tpu.memory_space<vmem>>, vector<1x1x16xf32>,
      %swap3A_778 = vector.shape_cast %swap3A_777 : vector<1x1x16xf32> to vector<16xf32>
      %swap3A_779 = vector.shape_cast %broadcast_in_dim3A_1 : vector<16xf32> to vector<1x1x16xf32>
      tpu.vector_store %arg9[%swap3A_774, %swap3A_775, %swap3A_776], %swap3A_779 {strides = array<i32>} : memref<6x40x128xf32, #tpu.memory_space<vmem>>, vector<1x1x16xf32>,
      %swap3A_780 = arith.constant 0 : i32
      %swap3A_781 = arith.index_cast %swap3A_780 : i32 to index
      %swap3A_782 = arith.index_cast %add3A_773 : i32 to index
      %swap3A_783 = arith.constant 16 : index
      %swap3A_784 = tpu.vector_load %arg9[%swap3A_781, %swap3A_782, %swap3A_783] {strides = array<i32>} : memref<6x40x128xf32, #tpu.memory_space<vmem>>, vector<1x1x16xf32>,
      %swap3A_785 = vector.shape_cast %swap3A_784 : vector<1x1x16xf32> to vector<16xf32>
      %swap3A_786 = vector.shape_cast %broadcast_in_dim3A_1 : vector<16xf32> to vector<1x1x16xf32>
      tpu.vector_store %arg9[%swap3A_781, %swap3A_782, %swap3A_783], %swap3A_786 {strides = array<i32>} : memref<6x40x128xf32, #tpu.memory_space<vmem>>, vector<1x1x16xf32>,
      %swap3A_787 = arith.constant 0 : i32
      %swap3A_788 = arith.index_cast %swap3A_787 : i32 to index
      %swap3A_789 = arith.index_cast %add3A_773 : i32 to index
      %swap3A_790 = arith.constant 32 : index
      %swap3A_791 = tpu.vector_load %arg9[%swap3A_788, %swap3A_789, %swap3A_790] {strides = array<i32>} : memref<6x40x128xf32, #tpu.memory_space<vmem>>, vector<1x1x16xf32>,
      %swap3A_792 = vector.shape_cast %swap3A_791 : vector<1x1x16xf32> to vector<16xf32>
      %swap3A_793 = vector.shape_cast %broadcast_in_dim3A_1 : vector<16xf32> to vector<1x1x16xf32>
      tpu.vector_store %arg9[%swap3A_788, %swap3A_789, %swap3A_790], %swap3A_793 {strides = array<i32>} : memref<6x40x128xf32, #tpu.memory_space<vmem>>, vector<1x1x16xf32>,
      %swap3A_794 = arith.constant 0 : i32
      %swap3A_795 = arith.index_cast %swap3A_794 : i32 to index
      %swap3A_796 = arith.index_cast %add3A_773 : i32 to index
      %swap3A_797 = arith.constant 48 : index
      %swap3A_798 = tpu.vector_load %arg9[%swap3A_795, %swap3A_796, %swap3A_797] {strides = array<i32>} : memref<6x40x128xf32, #tpu.memory_space<vmem>>, vector<1x1x16xf32>,
      %swap3A_799 = vector.shape_cast %swap3A_798 : vector<1x1x16xf32> to vector<16xf32>
      %swap3A_800 = vector.shape_cast %broadcast_in_dim3A_1 : vector<16xf32> to vector<1x1x16xf32>
      tpu.vector_store %arg9[%swap3A_795, %swap3A_796, %swap3A_797], %swap3A_800 {strides = array<i32>} : memref<6x40x128xf32, #tpu.memory_space<vmem>>, vector<1x1x16xf32>,
      %swap3A_801 = arith.constant 0 : i32
      %swap3A_802 = arith.index_cast %swap3A_801 : i32 to index
      %swap3A_803 = arith.index_cast %add3A_773 : i32 to index
      %swap3A_804 = arith.constant 64 : index
      %swap3A_805 = tpu.vector_load %arg9[%swap3A_802, %swap3A_803, %swap3A_804] {strides = array<i32>} : memref<6x40x128xf32, #tpu.memory_space<vmem>>, vector<1x1x16xf32>,
      %swap3A_806 = vector.shape_cast %swap3A_805 : vector<1x1x16xf32> to vector<16xf32>
      %swap3A_807 = vector.shape_cast %broadcast_in_dim3A_1 : vector<16xf32> to vector<1x1x16xf32>
      tpu.vector_store %arg9[%swap3A_802, %swap3A_803, %swap3A_804], %swap3A_807 {strides = array<i32>} : memref<6x40x128xf32, #tpu.memory_space<vmem>>, vector<1x1x16xf32>,
      %swap3A_808 = arith.constant 0 : i32
      %swap3A_809 = arith.index_cast %swap3A_808 : i32 to index
      %swap3A_810 = arith.index_cast %add3A_773 : i32 to index
      %swap3A_811 = arith.constant 80 : index
      %swap3A_812 = tpu.vector_load %arg9[%swap3A_809, %swap3A_810, %swap3A_811] {strides = array<i32>} : memref<6x40x128xf32, #tpu.memory_space<vmem>>, vector<1x1x16xf32>,
      %swap3A_813 = vector.shape_cast %swap3A_812 : vector<1x1x16xf32> to vector<16xf32>
      %swap3A_814 = vector.shape_cast %broadcast_in_dim3A_1 : vector<16xf32> to vector<1x1x16xf32>
      tpu.vector_store %arg9[%swap3A_809, %swap3A_810, %swap3A_811], %swap3A_814 {strides = array<i32>} : memref<6x40x128xf32, #tpu.memory_space<vmem>>, vector<1x1x16xf32>,
      %swap3A_815 = arith.constant 0 : i32
      %swap3A_816 = arith.index_cast %swap3A_815 : i32 to index
      %swap3A_817 = arith.index_cast %add3A_773 : i32 to index
      %swap3A_818 = arith.constant 96 : index
      %swap3A_819 = tpu.vector_load %arg9[%swap3A_816, %swap3A_817, %swap3A_818] {strides = array<i32>} : memref<6x40x128xf32, #tpu.memory_space<vmem>>, vector<1x1x16xf32>,
      %swap3A_820 = vector.shape_cast %swap3A_819 : vector<1x1x16xf32> to vector<16xf32>
      %swap3A_821 = vector.shape_cast %broadcast_in_dim3A_1 : vector<16xf32> to vector<1x1x16xf32>
      tpu.vector_store %arg9[%swap3A_816, %swap3A_817, %swap3A_818], %swap3A_821 {strides = array<i32>} : memref<6x40x128xf32, #tpu.memory_space<vmem>>, vector<1x1x16xf32>,
      %swap3A_822 = arith.constant 0 : i32
      %swap3A_823 = arith.index_cast %swap3A_822 : i32 to index
      %swap3A_824 = arith.index_cast %add3A_773 : i32 to index
      %swap3A_825 = arith.constant 112 : index
      %swap3A_826 = tpu.vector_load %arg9[%swap3A_823, %swap3A_824, %swap3A_825] {strides = array<i32>} : memref<6x40x128xf32, #tpu.memory_space<vmem>>, vector<1x1x16xf32>,
      %swap3A_827 = vector.shape_cast %swap3A_826 : vector<1x1x16xf32> to vector<16xf32>
      %swap3A_828 = vector.shape_cast %broadcast_in_dim3A_1 : vector<16xf32> to vector<1x1x16xf32>
      tpu.vector_store %arg9[%swap3A_823, %swap3A_824, %swap3A_825], %swap3A_828 {strides = array<i32>} : memref<6x40x128xf32, #tpu.memory_space<vmem>>, vector<1x1x16xf32>,
    }
    %scan3A_16 = arith.constant 40 : i32
    %mul3A_17 = arith.constant 625 : i32
    %mul3A_18 = arith.muli %arg1, %mul3A_17 : i32
    %add3A_19 = arith.constant 0 : i32
    %add3A_20 = arith.addi %mul3A_18, %add3A_19 : i32
    %run_scoped3A = arith.constant 0 : i32
    "tpu.region"() ({
      %run_scoped3A_769 = tpu.sem_alloc : memref<!tpu.dma_semaphore, #tpu.memory_space<semaphore_mem>>
      %dma_start3A_770 = arith.constant 0 : i32
      %dma_start3A_771 = arith.constant 0 : i32
      %dma_start3A_772 = tpu.memref_slice %arg9[%run_scoped3A, %dma_start3A_770, %dma_start3A_771] : memref<6x40x128xf32, #tpu.memory_space<vmem>> -> memref<1x40x128xf32, #tpu.memory_space<vmem>>
      %dma_start3A_773 = tpu.memref_squeeze %dma_start3A_772 : memref<1x40x128xf32, #tpu.memory_space<vmem>> -> memref<40x128xf32, #tpu.memory_space<vmem>>
      %dma_start3A_774 = arith.constant 0 : i32
      %dma_start3A_775 = tpu.memref_slice %arg6[%add3A_20, %dma_start3A_774] : memref<10000x128xf32, #tpu.memory_space<vmem_shared>> -> memref<40x128xf32, #tpu.memory_space<vmem_shared>>
      %dma_start3A_776 = arith.constant 0 : i32
      %dma_start3A_777 = tpu.memref_slice %arg6[%add3A_20, %dma_start3A_776] : memref<10000x128xf32, #tpu.memory_space<vmem_shared>> -> memref<40x128xf32, #tpu.memory_space<vmem_shared>>
      %dma_start3A_778 = arith.constant 0 : i32
      %dma_start3A_779 = arith.constant 0 : i32
      %dma_start3A_780 = tpu.memref_slice %arg9[%run_scoped3A, %dma_start3A_778, %dma_start3A_779] : memref<6x40x128xf32, #tpu.memory_space<vmem>> -> memref<1x40x128xf32, #tpu.memory_space<vmem>>
      %dma_start3A_781 = tpu.memref_squeeze %dma_start3A_780 : memref<1x40x128xf32, #tpu.memory_space<vmem>> -> memref<40x128xf32, #tpu.memory_space<vmem>>
      tpu.enqueue_dma source(%dma_start3A_781 : memref<40x128xf32, #tpu.memory_space<vmem>>) target(%dma_start3A_777 : memref<40x128xf32, #tpu.memory_space<vmem_shared>>) target_semaphore(%run_scoped3A_769 : memref<!tpu.dma_semaphore, #tpu.memory_space<semaphore_mem>>)
      %dma_wait3A_782 = arith.constant 0 : i32
      %dma_wait3A_783 = arith.constant 0 : i32
      %dma_wait3A_784 = tpu.memref_slice %arg9[%run_scoped3A, %dma_wait3A_782, %dma_wait3A_783] : memref<6x40x128xf32, #tpu.memory_space<vmem>> -> memref<1x40x128xf32, #tpu.memory_space<vmem>>
      %dma_wait3A_785 = tpu.memref_squeeze %dma_wait3A_784 : memref<1x40x128xf32, #tpu.memory_space<vmem>> -> memref<40x128xf32, #tpu.memory_space<vmem>>
      %dma_wait3A_786 = arith.constant 0 : i32
      %dma_wait3A_787 = tpu.memref_slice %arg6[%add3A_20, %dma_wait3A_786] : memref<10000x128xf32, #tpu.memory_space<vmem_shared>> -> memref<40x128xf32, #tpu.memory_space<vmem_shared>>
      %dma_wait3A_788 = arith.constant 0 : i32
      %dma_wait3A_789 = tpu.memref_slice %arg6[%add3A_20, %dma_wait3A_788] : memref<10000x128xf32, #tpu.memory_space<vmem_shared>> -> memref<40x128xf32, #tpu.memory_space<vmem_shared>>
      %dma_wait3A_790 = arith.constant 0 : i32
      %dma_wait3A_791 = arith.constant 0 : i32
      %dma_wait3A_792 = tpu.memref_slice %arg9[%run_scoped3A, %dma_wait3A_790, %dma_wait3A_791] : memref<6x40x128xf32, #tpu.memory_space<vmem>> -> memref<1x40x128xf32, #tpu.memory_space<vmem>>
      %dma_wait3A_793 = tpu.memref_squeeze %dma_wait3A_792 : memref<1x40x128xf32, #tpu.memory_space<vmem>> -> memref<40x128xf32, #tpu.memory_space<vmem>>
      tpu.wait_dma2 semaphore(%run_scoped3A_769 : memref<!tpu.dma_semaphore, #tpu.memory_space<semaphore_mem>>) src(%dma_wait3A_793 : memref<40x128xf32, #tpu.memory_space<vmem>>) dst(%dma_wait3A_789 : memref<40x128xf32, #tpu.memory_space<vmem_shared>>)
      tpu.yield
    }) : () -> ()
    %mul3A_21 = arith.constant 625 : i32
    %mul3A_22 = arith.muli %arg1, %mul3A_21 : i32
    %add3A_23 = arith.constant 40 : i32
    %add3A_24 = arith.addi %mul3A_22, %add3A_23 : i32
    %run_scoped3A_25 = arith.constant 0 : i32
    "tpu.region"() ({
      %run_scoped3A_769 = tpu.sem_alloc : memref<!tpu.dma_semaphore, #tpu.memory_space<semaphore_mem>>
      %dma_start3A_770 = arith.constant 0 : i32
      %dma_start3A_771 = arith.constant 0 : i32
      %dma_start3A_772 = tpu.memref_slice %arg9[%run_scoped3A_25, %dma_start3A_770, %dma_start3A_771] : memref<6x40x128xf32, #tpu.memory_space<vmem>> -> memref<1x40x128xf32, #tpu.memory_space<vmem>>
      %dma_start3A_773 = tpu.memref_squeeze %dma_start3A_772 : memref<1x40x128xf32, #tpu.memory_space<vmem>> -> memref<40x128xf32, #tpu.memory_space<vmem>>
      %dma_start3A_774 = arith.constant 0 : i32
      %dma_start3A_775 = tpu.memref_slice %arg6[%add3A_24, %dma_start3A_774] : memref<10000x128xf32, #tpu.memory_space<vmem_shared>> -> memref<40x128xf32, #tpu.memory_space<vmem_shared>>
      %dma_start3A_776 = arith.constant 0 : i32
      %dma_start3A_777 = tpu.memref_slice %arg6[%add3A_24, %dma_start3A_776] : memref<10000x128xf32, #tpu.memory_space<vmem_shared>> -> memref<40x128xf32, #tpu.memory_space<vmem_shared>>
      %dma_start3A_778 = arith.constant 0 : i32
      %dma_start3A_779 = arith.constant 0 : i32
      %dma_start3A_780 = tpu.memref_slice %arg9[%run_scoped3A_25, %dma_start3A_778, %dma_start3A_779] : memref<6x40x128xf32, #tpu.memory_space<vmem>> -> memref<1x40x128xf32, #tpu.memory_space<vmem>>
      %dma_start3A_781 = tpu.memref_squeeze %dma_start3A_780 : memref<1x40x128xf32, #tpu.memory_space<vmem>> -> memref<40x128xf32, #tpu.memory_space<vmem>>
      tpu.enqueue_dma source(%dma_start3A_781 : memref<40x128xf32, #tpu.memory_space<vmem>>) target(%dma_start3A_777 : memref<40x128xf32, #tpu.memory_space<vmem_shared>>) target_semaphore(%run_scoped3A_769 : memref<!tpu.dma_semaphore, #tpu.memory_space<semaphore_mem>>)
      %dma_wait3A_782 = arith.constant 0 : i32
      %dma_wait3A_783 = arith.constant 0 : i32
      %dma_wait3A_784 = tpu.memref_slice %arg9[%run_scoped3A_25, %dma_wait3A_782, %dma_wait3A_783] : memref<6x40x128xf32, #tpu.memory_space<vmem>> -> memref<1x40x128xf32, #tpu.memory_space<vmem>>
      %dma_wait3A_785 = tpu.memref_squeeze %dma_wait3A_784 : memref<1x40x128xf32, #tpu.memory_space<vmem>> -> memref<40x128xf32, #tpu.memory_space<vmem>>
      %dma_wait3A_786 = arith.constant 0 : i32
      %dma_wait3A_787 = tpu.memref_slice %arg6[%add3A_24, %dma_wait3A_786] : memref<10000x128xf32, #tpu.memory_space<vmem_shared>> -> memref<40x128xf32, #tpu.memory_space<vmem_shared>>
      %dma_wait3A_788 = arith.constant 0 : i32
      %dma_wait3A_789 = tpu.memref_slice %arg6[%add3A_24, %dma_wait3A_788] : memref<10000x128xf32, #tpu.memory_space<vmem_shared>> -> memref<40x128xf32, #tpu.memory_space<vmem_shared>>
      %dma_wait3A_790 = arith.constant 0 : i32
      %dma_wait3A_791 = arith.constant 0 : i32
      %dma_wait3A_792 = tpu.memref_slice %arg9[%run_scoped3A_25, %dma_wait3A_790, %dma_wait3A_791] : memref<6x40x128xf32, #tpu.memory_space<vmem>> -> memref<1x40x128xf32, #tpu.memory_space<vmem>>
      %dma_wait3A_793 = tpu.memref_squeeze %dma_wait3A_792 : memref<1x40x128xf32, #tpu.memory_space<vmem>> -> memref<40x128xf32, #tpu.memory_space<vmem>>
      tpu.wait_dma2 semaphore(%run_scoped3A_769 : memref<!tpu.dma_semaphore, #tpu.memory_space<semaphore_mem>>) src(%dma_wait3A_793 : memref<40x128xf32, #tpu.memory_space<vmem>>) dst(%dma_wait3A_789 : memref<40x128xf32, #tpu.memory_space<vmem_shared>>)
      tpu.yield
    }) : () -> ()
    %mul3A_26 = arith.constant 625 : i32
    %mul3A_27 = arith.muli %arg1, %mul3A_26 : i32
    %add3A_28 = arith.constant 80 : i32
    %add3A_29 = arith.addi %mul3A_27, %add3A_28 : i32
    %run_scoped3A_30 = arith.constant 0 : i32
    "tpu.region"() ({
      %run_scoped3A_769 = tpu.sem_alloc : memref<!tpu.dma_semaphore, #tpu.memory_space<semaphore_mem>>
      %dma_start3A_770 = arith.constant 0 : i32
      %dma_start3A_771 = arith.constant 0 : i32
      %dma_start3A_772 = tpu.memref_slice %arg9[%run_scoped3A_30, %dma_start3A_770, %dma_start3A_771] : memref<6x40x128xf32, #tpu.memory_space<vmem>> -> memref<1x40x128xf32, #tpu.memory_space<vmem>>
      %dma_start3A_773 = tpu.memref_squeeze %dma_start3A_772 : memref<1x40x128xf32, #tpu.memory_space<vmem>> -> memref<40x128xf32, #tpu.memory_space<vmem>>
      %dma_start3A_774 = arith.constant 0 : i32
      %dma_start3A_775 = tpu.memref_slice %arg6[%add3A_29, %dma_start3A_774] : memref<10000x128xf32, #tpu.memory_space<vmem_shared>> -> memref<40x128xf32, #tpu.memory_space<vmem_shared>>
      %dma_start3A_776 = arith.constant 0 : i32
      %dma_start3A_777 = tpu.memref_slice %arg6[%add3A_29, %dma_start3A_776] : memref<10000x128xf32, #tpu.memory_space<vmem_shared>> -> memref<40x128xf32, #tpu.memory_space<vmem_shared>>
      %dma_start3A_778 = arith.constant 0 : i32
      %dma_start3A_779 = arith.constant 0 : i32
      %dma_start3A_780 = tpu.memref_slice %arg9[%run_scoped3A_30, %dma_start3A_778, %dma_start3A_779] : memref<6x40x128xf32, #tpu.memory_space<vmem>> -> memref<1x40x128xf32, #tpu.memory_space<vmem>>
      %dma_start3A_781 = tpu.memref_squeeze %dma_start3A_780 : memref<1x40x128xf32, #tpu.memory_space<vmem>> -> memref<40x128xf32, #tpu.memory_space<vmem>>
      tpu.enqueue_dma source(%dma_start3A_781 : memref<40x128xf32, #tpu.memory_space<vmem>>) target(%dma_start3A_777 : memref<40x128xf32, #tpu.memory_space<vmem_shared>>) target_semaphore(%run_scoped3A_769 : memref<!tpu.dma_semaphore, #tpu.memory_space<semaphore_mem>>)
      %dma_wait3A_782 = arith.constant 0 : i32
      %dma_wait3A_783 = arith.constant 0 : i32
      %dma_wait3A_784 = tpu.memref_slice %arg9[%run_scoped3A_30, %dma_wait3A_782, %dma_wait3A_783] : memref<6x40x128xf32, #tpu.memory_space<vmem>> -> memref<1x40x128xf32, #tpu.memory_space<vmem>>
      %dma_wait3A_785 = tpu.memref_squeeze %dma_wait3A_784 : memref<1x40x128xf32, #tpu.memory_space<vmem>> -> memref<40x128xf32, #tpu.memory_space<vmem>>
      %dma_wait3A_786 = arith.constant 0 : i32
      %dma_wait3A_787 = tpu.memref_slice %arg6[%add3A_29, %dma_wait3A_786] : memref<10000x128xf32, #tpu.memory_space<vmem_shared>> -> memref<40x128xf32, #tpu.memory_space<vmem_shared>>
      %dma_wait3A_788 = arith.constant 0 : i32
      %dma_wait3A_789 = tpu.memref_slice %arg6[%add3A_29, %dma_wait3A_788] : memref<10000x128xf32, #tpu.memory_space<vmem_shared>> -> memref<40x128xf32, #tpu.memory_space<vmem_shared>>
      %dma_wait3A_790 = arith.constant 0 : i32
      %dma_wait3A_791 = arith.constant 0 : i32
      %dma_wait3A_792 = tpu.memref_slice %arg9[%run_scoped3A_30, %dma_wait3A_790, %dma_wait3A_791] : memref<6x40x128xf32, #tpu.memory_space<vmem>> -> memref<1x40x128xf32, #tpu.memory_space<vmem>>
      %dma_wait3A_793 = tpu.memref_squeeze %dma_wait3A_792 : memref<1x40x128xf32, #tpu.memory_space<vmem>> -> memref<40x128xf32, #tpu.memory_space<vmem>>
      tpu.wait_dma2 semaphore(%run_scoped3A_769 : memref<!tpu.dma_semaphore, #tpu.memory_space<semaphore_mem>>) src(%dma_wait3A_793 : memref<40x128xf32, #tpu.memory_space<vmem>>) dst(%dma_wait3A_789 : memref<40x128xf32, #tpu.memory_space<vmem_shared>>)
      tpu.yield
    }) : () -> ()
    %mul3A_31 = arith.constant 625 : i32
    %mul3A_32 = arith.muli %arg1, %mul3A_31 : i32
    %add3A_33 = arith.constant 120 : i32
    %add3A_34 = arith.addi %mul3A_32, %add3A_33 : i32
    %run_scoped3A_35 = arith.constant 0 : i32
    "tpu.region"() ({
      %run_scoped3A_769 = tpu.sem_alloc : memref<!tpu.dma_semaphore, #tpu.memory_space<semaphore_mem>>
      %dma_start3A_770 = arith.constant 0 : i32
      %dma_start3A_771 = arith.constant 0 : i32
      %dma_start3A_772 = tpu.memref_slice %arg9[%run_scoped3A_35, %dma_start3A_770, %dma_start3A_771] : memref<6x40x128xf32, #tpu.memory_space<vmem>> -> memref<1x40x128xf32, #tpu.memory_space<vmem>>
      %dma_start3A_773 = tpu.memref_squeeze %dma_start3A_772 : memref<1x40x128xf32, #tpu.memory_space<vmem>> -> memref<40x128xf32, #tpu.memory_space<vmem>>
      %dma_start3A_774 = arith.constant 0 : i32
      %dma_start3A_775 = tpu.memref_slice %arg6[%add3A_34, %dma_start3A_774] : memref<10000x128xf32, #tpu.memory_space<vmem_shared>> -> memref<40x128xf32, #tpu.memory_space<vmem_shared>>
      %dma_start3A_776 = arith.constant 0 : i32
      %dma_start3A_777 = tpu.memref_slice %arg6[%add3A_34, %dma_start3A_776] : memref<10000x128xf32, #tpu.memory_space<vmem_shared>> -> memref<40x128xf32, #tpu.memory_space<vmem_shared>>
      %dma_start3A_778 = arith.constant 0 : i32
      %dma_start3A_779 = arith.constant 0 : i32
      %dma_start3A_780 = tpu.memref_slice %arg9[%run_scoped3A_35, %dma_start3A_778, %dma_start3A_779] : memref<6x40x128xf32, #tpu.memory_space<vmem>> -> memref<1x40x128xf32, #tpu.memory_space<vmem>>
      %dma_start3A_781 = tpu.memref_squeeze %dma_start3A_780 : memref<1x40x128xf32, #tpu.memory_space<vmem>> -> memref<40x128xf32, #tpu.memory_space<vmem>>
      tpu.enqueue_dma source(%dma_start3A_781 : memref<40x128xf32, #tpu.memory_space<vmem>>) target(%dma_start3A_777 : memref<40x128xf32, #tpu.memory_space<vmem_shared>>) target_semaphore(%run_scoped3A_769 : memref<!tpu.dma_semaphore, #tpu.memory_space<semaphore_mem>>)
      %dma_wait3A_782 = arith.constant 0 : i32
      %dma_wait3A_783 = arith.constant 0 : i32
      %dma_wait3A_784 = tpu.memref_slice %arg9[%run_scoped3A_35, %dma_wait3A_782, %dma_wait3A_783] : memref<6x40x128xf32, #tpu.memory_space<vmem>> -> memref<1x40x128xf32, #tpu.memory_space<vmem>>
      %dma_wait3A_785 = tpu.memref_squeeze %dma_wait3A_784 : memref<1x40x128xf32, #tpu.memory_space<vmem>> -> memref<40x128xf32, #tpu.memory_space<vmem>>
      %dma_wait3A_786 = arith.constant 0 : i32
      %dma_wait3A_787 = tpu.memref_slice %arg6[%add3A_34, %dma_wait3A_786] : memref<10000x128xf32, #tpu.memory_space<vmem_shared>> -> memref<40x128xf32, #tpu.memory_space<vmem_shared>>
      %dma_wait3A_788 = arith.constant 0 : i32
      %dma_wait3A_789 = tpu.memref_slice %arg6[%add3A_34, %dma_wait3A_788] : memref<10000x128xf32, #tpu.memory_space<vmem_shared>> -> memref<40x128xf32, #tpu.memory_space<vmem_shared>>
      %dma_wait3A_790 = arith.constant 0 : i32
      %dma_wait3A_791 = arith.constant 0 : i32
      %dma_wait3A_792 = tpu.memref_slice %arg9[%run_scoped3A_35, %dma_wait3A_790, %dma_wait3A_791] : memref<6x40x128xf32, #tpu.memory_space<vmem>> -> memref<1x40x128xf32, #tpu.memory_space<vmem>>
      %dma_wait3A_793 = tpu.memref_squeeze %dma_wait3A_792 : memref<1x40x128xf32, #tpu.memory_space<vmem>> -> memref<40x128xf32, #tpu.memory_space<vmem>>
      tpu.wait_dma2 semaphore(%run_scoped3A_769 : memref<!tpu.dma_semaphore, #tpu.memory_space<semaphore_mem>>) src(%dma_wait3A_793 : memref<40x128xf32, #tpu.memory_space<vmem>>) dst(%dma_wait3A_789 : memref<40x128xf32, #tpu.memory_space<vmem_shared>>)
      tpu.yield
    }) : () -> ()
    %mul3A_36 = arith.constant 625 : i32
    %mul3A_37 = arith.muli %arg1, %mul3A_36 : i32
    %add3A_38 = arith.constant 160 : i32
    %add3A_39 = arith.addi %mul3A_37, %add3A_38 : i32
    %run_scoped3A_40 = arith.constant 0 : i32
    "tpu.region"() ({
      %run_scoped3A_769 = tpu.sem_alloc : memref<!tpu.dma_semaphore, #tpu.memory_space<semaphore_mem>>
      %dma_start3A_770 = arith.constant 0 : i32
      %dma_start3A_771 = arith.constant 0 : i32
      %dma_start3A_772 = tpu.memref_slice %arg9[%run_scoped3A_40, %dma_start3A_770, %dma_start3A_771] : memref<6x40x128xf32, #tpu.memory_space<vmem>> -> memref<1x40x128xf32, #tpu.memory_space<vmem>>
      %dma_start3A_773 = tpu.memref_squeeze %dma_start3A_772 : memref<1x40x128xf32, #tpu.memory_space<vmem>> -> memref<40x128xf32, #tpu.memory_space<vmem>>
      %dma_start3A_774 = arith.constant 0 : i32
      %dma_start3A_775 = tpu.memref_slice %arg6[%add3A_39, %dma_start3A_774] : memref<10000x128xf32, #tpu.memory_space<vmem_shared>> -> memref<40x128xf32, #tpu.memory_space<vmem_shared>>
      %dma_start3A_776 = arith.constant 0 : i32
      %dma_start3A_777 = tpu.memref_slice %arg6[%add3A_39, %dma_start3A_776] : memref<10000x128xf32, #tpu.memory_space<vmem_shared>> -> memref<40x128xf32, #tpu.memory_space<vmem_shared>>
      %dma_start3A_778 = arith.constant 0 : i32
      %dma_start3A_779 = arith.constant 0 : i32
      %dma_start3A_780 = tpu.memref_slice %arg9[%run_scoped3A_40, %dma_start3A_778, %dma_start3A_779] : memref<6x40x128xf32, #tpu.memory_space<vmem>> -> memref<1x40x128xf32, #tpu.memory_space<vmem>>
      %dma_start3A_781 = tpu.memref_squeeze %dma_start3A_780 : memref<1x40x128xf32, #tpu.memory_space<vmem>> -> memref<40x128xf32, #tpu.memory_space<vmem>>
      tpu.enqueue_dma source(%dma_start3A_781 : memref<40x128xf32, #tpu.memory_space<vmem>>) target(%dma_start3A_777 : memref<40x128xf32, #tpu.memory_space<vmem_shared>>) target_semaphore(%run_scoped3A_769 : memref<!tpu.dma_semaphore, #tpu.memory_space<semaphore_mem>>)
      %dma_wait3A_782 = arith.constant 0 : i32
      %dma_wait3A_783 = arith.constant 0 : i32
      %dma_wait3A_784 = tpu.memref_slice %arg9[%run_scoped3A_40, %dma_wait3A_782, %dma_wait3A_783] : memref<6x40x128xf32, #tpu.memory_space<vmem>> -> memref<1x40x128xf32, #tpu.memory_space<vmem>>
      %dma_wait3A_785 = tpu.memref_squeeze %dma_wait3A_784 : memref<1x40x128xf32, #tpu.memory_space<vmem>> -> memref<40x128xf32, #tpu.memory_space<vmem>>
      %dma_wait3A_786 = arith.constant 0 : i32
      %dma_wait3A_787 = tpu.memref_slice %arg6[%add3A_39, %dma_wait3A_786] : memref<10000x128xf32, #tpu.memory_space<vmem_shared>> -> memref<40x128xf32, #tpu.memory_space<vmem_shared>>
      %dma_wait3A_788 = arith.constant 0 : i32
      %dma_wait3A_789 = tpu.memref_slice %arg6[%add3A_39, %dma_wait3A_788] : memref<10000x128xf32, #tpu.memory_space<vmem_shared>> -> memref<40x128xf32, #tpu.memory_space<vmem_shared>>
      %dma_wait3A_790 = arith.constant 0 : i32
      %dma_wait3A_791 = arith.constant 0 : i32
      %dma_wait3A_792 = tpu.memref_slice %arg9[%run_scoped3A_40, %dma_wait3A_790, %dma_wait3A_791] : memref<6x40x128xf32, #tpu.memory_space<vmem>> -> memref<1x40x128xf32, #tpu.memory_space<vmem>>
      %dma_wait3A_793 = tpu.memref_squeeze %dma_wait3A_792 : memref<1x40x128xf32, #tpu.memory_space<vmem>> -> memref<40x128xf32, #tpu.memory_space<vmem>>
      tpu.wait_dma2 semaphore(%run_scoped3A_769 : memref<!tpu.dma_semaphore, #tpu.memory_space<semaphore_mem>>) src(%dma_wait3A_793 : memref<40x128xf32, #tpu.memory_space<vmem>>) dst(%dma_wait3A_789 : memref<40x128xf32, #tpu.memory_space<vmem_shared>>)
      tpu.yield
    }) : () -> ()
    %mul3A_41 = arith.constant 625 : i32
    %mul3A_42 = arith.muli %arg1, %mul3A_41 : i32
    %add3A_43 = arith.constant 200 : i32
    %add3A_44 = arith.addi %mul3A_42, %add3A_43 : i32
    %run_scoped3A_45 = arith.constant 0 : i32
    "tpu.region"() ({
      %run_scoped3A_769 = tpu.sem_alloc : memref<!tpu.dma_semaphore, #tpu.memory_space<semaphore_mem>>
      %dma_start3A_770 = arith.constant 0 : i32
      %dma_start3A_771 = arith.constant 0 : i32
      %dma_start3A_772 = tpu.memref_slice %arg9[%run_scoped3A_45, %dma_start3A_770, %dma_start3A_771] : memref<6x40x128xf32, #tpu.memory_space<vmem>> -> memref<1x40x128xf32, #tpu.memory_space<vmem>>
      %dma_start3A_773 = tpu.memref_squeeze %dma_start3A_772 : memref<1x40x128xf32, #tpu.memory_space<vmem>> -> memref<40x128xf32, #tpu.memory_space<vmem>>
      %dma_start3A_774 = arith.constant 0 : i32
      %dma_start3A_775 = tpu.memref_slice %arg6[%add3A_44, %dma_start3A_774] : memref<10000x128xf32, #tpu.memory_space<vmem_shared>> -> memref<40x128xf32, #tpu.memory_space<vmem_shared>>
      %dma_start3A_776 = arith.constant 0 : i32
      %dma_start3A_777 = tpu.memref_slice %arg6[%add3A_44, %dma_start3A_776] : memref<10000x128xf32, #tpu.memory_space<vmem_shared>> -> memref<40x128xf32, #tpu.memory_space<vmem_shared>>
      %dma_start3A_778 = arith.constant 0 : i32
      %dma_start3A_779 = arith.constant 0 : i32
      %dma_start3A_780 = tpu.memref_slice %arg9[%run_scoped3A_45, %dma_start3A_778, %dma_start3A_779] : memref<6x40x128xf32, #tpu.memory_space<vmem>> -> memref<1x40x128xf32, #tpu.memory_space<vmem>>
      %dma_start3A_781 = tpu.memref_squeeze %dma_start3A_780 : memref<1x40x128xf32, #tpu.memory_space<vmem>> -> memref<40x128xf32, #tpu.memory_space<vmem>>
      tpu.enqueue_dma source(%dma_start3A_781 : memref<40x128xf32, #tpu.memory_space<vmem>>) target(%dma_start3A_777 : memref<40x128xf32, #tpu.memory_space<vmem_shared>>) target_semaphore(%run_scoped3A_769 : memref<!tpu.dma_semaphore, #tpu.memory_space<semaphore_mem>>)
      %dma_wait3A_782 = arith.constant 0 : i32
      %dma_wait3A_783 = arith.constant 0 : i32
      %dma_wait3A_784 = tpu.memref_slice %arg9[%run_scoped3A_45, %dma_wait3A_782, %dma_wait3A_783] : memref<6x40x128xf32, #tpu.memory_space<vmem>> -> memref<1x40x128xf32, #tpu.memory_space<vmem>>
      %dma_wait3A_785 = tpu.memref_squeeze %dma_wait3A_784 : memref<1x40x128xf32, #tpu.memory_space<vmem>> -> memref<40x128xf32, #tpu.memory_space<vmem>>
      %dma_wait3A_786 = arith.constant 0 : i32
      %dma_wait3A_787 = tpu.memref_slice %arg6[%add3A_44, %dma_wait3A_786] : memref<10000x128xf32, #tpu.memory_space<vmem_shared>> -> memref<40x128xf32, #tpu.memory_space<vmem_shared>>
      %dma_wait3A_788 = arith.constant 0 : i32
      %dma_wait3A_789 = tpu.memref_slice %arg6[%add3A_44, %dma_wait3A_788] : memref<10000x128xf32, #tpu.memory_space<vmem_shared>> -> memref<40x128xf32, #tpu.memory_space<vmem_shared>>
      %dma_wait3A_790 = arith.constant 0 : i32
      %dma_wait3A_791 = arith.constant 0 : i32
      %dma_wait3A_792 = tpu.memref_slice %arg9[%run_scoped3A_45, %dma_wait3A_790, %dma_wait3A_791] : memref<6x40x128xf32, #tpu.memory_space<vmem>> -> memref<1x40x128xf32, #tpu.memory_space<vmem>>
      %dma_wait3A_793 = tpu.memref_squeeze %dma_wait3A_792 : memref<1x40x128xf32, #tpu.memory_space<vmem>> -> memref<40x128xf32, #tpu.memory_space<vmem>>
      tpu.wait_dma2 semaphore(%run_scoped3A_769 : memref<!tpu.dma_semaphore, #tpu.memory_space<semaphore_mem>>) src(%dma_wait3A_793 : memref<40x128xf32, #tpu.memory_space<vmem>>) dst(%dma_wait3A_789 : memref<40x128xf32, #tpu.memory_space<vmem_shared>>)
      tpu.yield
    }) : () -> ()
    %mul3A_46 = arith.constant 625 : i32
    %mul3A_47 = arith.muli %arg1, %mul3A_46 : i32
    %add3A_48 = arith.constant 240 : i32
    %add3A_49 = arith.addi %mul3A_47, %add3A_48 : i32
    %run_scoped3A_50 = arith.constant 0 : i32
    "tpu.region"() ({
      %run_scoped3A_769 = tpu.sem_alloc : memref<!tpu.dma_semaphore, #tpu.memory_space<semaphore_mem>>
      %dma_start3A_770 = arith.constant 0 : i32
      %dma_start3A_771 = arith.constant 0 : i32
      %dma_start3A_772 = tpu.memref_slice %arg9[%run_scoped3A_50, %dma_start3A_770, %dma_start3A_771] : memref<6x40x128xf32, #tpu.memory_space<vmem>> -> memref<1x40x128xf32, #tpu.memory_space<vmem>>
      %dma_start3A_773 = tpu.memref_squeeze %dma_start3A_772 : memref<1x40x128xf32, #tpu.memory_space<vmem>> -> memref<40x128xf32, #tpu.memory_space<vmem>>
      %dma_start3A_774 = arith.constant 0 : i32
      %dma_start3A_775 = tpu.memref_slice %arg6[%add3A_49, %dma_start3A_774] : memref<10000x128xf32, #tpu.memory_space<vmem_shared>> -> memref<40x128xf32, #tpu.memory_space<vmem_shared>>
      %dma_start3A_776 = arith.constant 0 : i32
      %dma_start3A_777 = tpu.memref_slice %arg6[%add3A_49, %dma_start3A_776] : memref<10000x128xf32, #tpu.memory_space<vmem_shared>> -> memref<40x128xf32, #tpu.memory_space<vmem_shared>>
      %dma_start3A_778 = arith.constant 0 : i32
      %dma_start3A_779 = arith.constant 0 : i32
      %dma_start3A_780 = tpu.memref_slice %arg9[%run_scoped3A_50, %dma_start3A_778, %dma_start3A_779] : memref<6x40x128xf32, #tpu.memory_space<vmem>> -> memref<1x40x128xf32, #tpu.memory_space<vmem>>
      %dma_start3A_781 = tpu.memref_squeeze %dma_start3A_780 : memref<1x40x128xf32, #tpu.memory_space<vmem>> -> memref<40x128xf32, #tpu.memory_space<vmem>>
      tpu.enqueue_dma source(%dma_start3A_781 : memref<40x128xf32, #tpu.memory_space<vmem>>) target(%dma_start3A_777 : memref<40x128xf32, #tpu.memory_space<vmem_shared>>) target_semaphore(%run_scoped3A_769 : memref<!tpu.dma_semaphore, #tpu.memory_space<semaphore_mem>>)
      %dma_wait3A_782 = arith.constant 0 : i32
      %dma_wait3A_783 = arith.constant 0 : i32
      %dma_wait3A_784 = tpu.memref_slice %arg9[%run_scoped3A_50, %dma_wait3A_782, %dma_wait3A_783] : memref<6x40x128xf32, #tpu.memory_space<vmem>> -> memref<1x40x128xf32, #tpu.memory_space<vmem>>
      %dma_wait3A_785 = tpu.memref_squeeze %dma_wait3A_784 : memref<1x40x128xf32, #tpu.memory_space<vmem>> -> memref<40x128xf32, #tpu.memory_space<vmem>>
      %dma_wait3A_786 = arith.constant 0 : i32
      %dma_wait3A_787 = tpu.memref_slice %arg6[%add3A_49, %dma_wait3A_786] : memref<10000x128xf32, #tpu.memory_space<vmem_shared>> -> memref<40x128xf32, #tpu.memory_space<vmem_shared>>
      %dma_wait3A_788 = arith.constant 0 : i32
      %dma_wait3A_789 = tpu.memref_slice %arg6[%add3A_49, %dma_wait3A_788] : memref<10000x128xf32, #tpu.memory_space<vmem_shared>> -> memref<40x128xf32, #tpu.memory_space<vmem_shared>>
      %dma_wait3A_790 = arith.constant 0 : i32
      %dma_wait3A_791 = arith.constant 0 : i32
      %dma_wait3A_792 = tpu.memref_slice %arg9[%run_scoped3A_50, %dma_wait3A_790, %dma_wait3A_791] : memref<6x40x128xf32, #tpu.memory_space<vmem>> -> memref<1x40x128xf32, #tpu.memory_space<vmem>>
      %dma_wait3A_793 = tpu.memref_squeeze %dma_wait3A_792 : memref<1x40x128xf32, #tpu.memory_space<vmem>> -> memref<40x128xf32, #tpu.memory_space<vmem>>
      tpu.wait_dma2 semaphore(%run_scoped3A_769 : memref<!tpu.dma_semaphore, #tpu.memory_space<semaphore_mem>>) src(%dma_wait3A_793 : memref<40x128xf32, #tpu.memory_space<vmem>>) dst(%dma_wait3A_789 : memref<40x128xf32, #tpu.memory_space<vmem_shared>>)
      tpu.yield
    }) : () -> ()
    %mul3A_51 = arith.constant 625 : i32
    %mul3A_52 = arith.muli %arg1, %mul3A_51 : i32
    %add3A_53 = arith.constant 280 : i32
    %add3A_54 = arith.addi %mul3A_52, %add3A_53 : i32
    %run_scoped3A_55 = arith.constant 0 : i32
    "tpu.region"() ({
      %run_scoped3A_769 = tpu.sem_alloc : memref<!tpu.dma_semaphore, #tpu.memory_space<semaphore_mem>>
      %dma_start3A_770 = arith.constant 0 : i32
      %dma_start3A_771 = arith.constant 0 : i32
      %dma_start3A_772 = tpu.memref_slice %arg9[%run_scoped3A_55, %dma_start3A_770, %dma_start3A_771] : memref<6x40x128xf32, #tpu.memory_space<vmem>> -> memref<1x40x128xf32, #tpu.memory_space<vmem>>
      %dma_start3A_773 = tpu.memref_squeeze %dma_start3A_772 : memref<1x40x128xf32, #tpu.memory_space<vmem>> -> memref<40x128xf32, #tpu.memory_space<vmem>>
      %dma_start3A_774 = arith.constant 0 : i32
      %dma_start3A_775 = tpu.memref_slice %arg6[%add3A_54, %dma_start3A_774] : memref<10000x128xf32, #tpu.memory_space<vmem_shared>> -> memref<40x128xf32, #tpu.memory_space<vmem_shared>>
      %dma_start3A_776 = arith.constant 0 : i32
      %dma_start3A_777 = tpu.memref_slice %arg6[%add3A_54, %dma_start3A_776] : memref<10000x128xf32, #tpu.memory_space<vmem_shared>> -> memref<40x128xf32, #tpu.memory_space<vmem_shared>>
      %dma_start3A_778 = arith.constant 0 : i32
      %dma_start3A_779 = arith.constant 0 : i32
      %dma_start3A_780 = tpu.memref_slice %arg9[%run_scoped3A_55, %dma_start3A_778, %dma_start3A_779] : memref<6x40x128xf32, #tpu.memory_space<vmem>> -> memref<1x40x128xf32, #tpu.memory_space<vmem>>
      %dma_start3A_781 = tpu.memref_squeeze %dma_start3A_780 : memref<1x40x128xf32, #tpu.memory_space<vmem>> -> memref<40x128xf32, #tpu.memory_space<vmem>>
      tpu.enqueue_dma source(%dma_start3A_781 : memref<40x128xf32, #tpu.memory_space<vmem>>) target(%dma_start3A_777 : memref<40x128xf32, #tpu.memory_space<vmem_shared>>) target_semaphore(%run_scoped3A_769 : memref<!tpu.dma_semaphore, #tpu.memory_space<semaphore_mem>>)
      %dma_wait3A_782 = arith.constant 0 : i32
      %dma_wait3A_783 = arith.constant 0 : i32
      %dma_wait3A_784 = tpu.memref_slice %arg9[%run_scoped3A_55, %dma_wait3A_782, %dma_wait3A_783] : memref<6x40x128xf32, #tpu.memory_space<vmem>> -> memref<1x40x128xf32, #tpu.memory_space<vmem>>
      %dma_wait3A_785 = tpu.memref_squeeze %dma_wait3A_784 : memref<1x40x128xf32, #tpu.memory_space<vmem>> -> memref<40x128xf32, #tpu.memory_space<vmem>>
      %dma_wait3A_786 = arith.constant 0 : i32
      %dma_wait3A_787 = tpu.memref_slice %arg6[%add3A_54, %dma_wait3A_786] : memref<10000x128xf32, #tpu.memory_space<vmem_shared>> -> memref<40x128xf32, #tpu.memory_space<vmem_shared>>
      %dma_wait3A_788 = arith.constant 0 : i32
      %dma_wait3A_789 = tpu.memref_slice %arg6[%add3A_54, %dma_wait3A_788] : memref<10000x128xf32, #tpu.memory_space<vmem_shared>> -> memref<40x128xf32, #tpu.memory_space<vmem_shared>>
      %dma_wait3A_790 = arith.constant 0 : i32
      %dma_wait3A_791 = arith.constant 0 : i32
      %dma_wait3A_792 = tpu.memref_slice %arg9[%run_scoped3A_55, %dma_wait3A_790, %dma_wait3A_791] : memref<6x40x128xf32, #tpu.memory_space<vmem>> -> memref<1x40x128xf32, #tpu.memory_space<vmem>>
      %dma_wait3A_793 = tpu.memref_squeeze %dma_wait3A_792 : memref<1x40x128xf32, #tpu.memory_space<vmem>> -> memref<40x128xf32, #tpu.memory_space<vmem>>
      tpu.wait_dma2 semaphore(%run_scoped3A_769 : memref<!tpu.dma_semaphore, #tpu.memory_space<semaphore_mem>>) src(%dma_wait3A_793 : memref<40x128xf32, #tpu.memory_space<vmem>>) dst(%dma_wait3A_789 : memref<40x128xf32, #tpu.memory_space<vmem_shared>>)
      tpu.yield
    }) : () -> ()
    %mul3A_56 = arith.constant 625 : i32
    %mul3A_57 = arith.muli %arg1, %mul3A_56 : i32
    %add3A_58 = arith.constant 320 : i32
    %add3A_59 = arith.addi %mul3A_57, %add3A_58 : i32
    %run_scoped3A_60 = arith.constant 0 : i32
    "tpu.region"() ({
      %run_scoped3A_769 = tpu.sem_alloc : memref<!tpu.dma_semaphore, #tpu.memory_space<semaphore_mem>>
      %dma_start3A_770 = arith.constant 0 : i32
      %dma_start3A_771 = arith.constant 0 : i32
      %dma_start3A_772 = tpu.memref_slice %arg9[%run_scoped3A_60, %dma_start3A_770, %dma_start3A_771] : memref<6x40x128xf32, #tpu.memory_space<vmem>> -> memref<1x40x128xf32, #tpu.memory_space<vmem>>
      %dma_start3A_773 = tpu.memref_squeeze %dma_start3A_772 : memref<1x40x128xf32, #tpu.memory_space<vmem>> -> memref<40x128xf32, #tpu.memory_space<vmem>>
      %dma_start3A_774 = arith.constant 0 : i32
      %dma_start3A_775 = tpu.memref_slice %arg6[%add3A_59, %dma_start3A_774] : memref<10000x128xf32, #tpu.memory_space<vmem_shared>> -> memref<40x128xf32, #tpu.memory_space<vmem_shared>>
      %dma_start3A_776 = arith.constant 0 : i32
      %dma_start3A_777 = tpu.memref_slice %arg6[%add3A_59, %dma_start3A_776] : memref<10000x128xf32, #tpu.memory_space<vmem_shared>> -> memref<40x128xf32, #tpu.memory_space<vmem_shared>>
      %dma_start3A_778 = arith.constant 0 : i32
      %dma_start3A_779 = arith.constant 0 : i32
      %dma_start3A_780 = tpu.memref_slice %arg9[%run_scoped3A_60, %dma_start3A_778, %dma_start3A_779] : memref<6x40x128xf32, #tpu.memory_space<vmem>> -> memref<1x40x128xf32, #tpu.memory_space<vmem>>
      %dma_start3A_781 = tpu.memref_squeeze %dma_start3A_780 : memref<1x40x128xf32, #tpu.memory_space<vmem>> -> memref<40x128xf32, #tpu.memory_space<vmem>>
      tpu.enqueue_dma source(%dma_start3A_781 : memref<40x128xf32, #tpu.memory_space<vmem>>) target(%dma_start3A_777 : memref<40x128xf32, #tpu.memory_space<vmem_shared>>) target_semaphore(%run_scoped3A_769 : memref<!tpu.dma_semaphore, #tpu.memory_space<semaphore_mem>>)
      %dma_wait3A_782 = arith.constant 0 : i32
      %dma_wait3A_783 = arith.constant 0 : i32
      %dma_wait3A_784 = tpu.memref_slice %arg9[%run_scoped3A_60, %dma_wait3A_782, %dma_wait3A_783] : memref<6x40x128xf32, #tpu.memory_space<vmem>> -> memref<1x40x128xf32, #tpu.memory_space<vmem>>
      %dma_wait3A_785 = tpu.memref_squeeze %dma_wait3A_784 : memref<1x40x128xf32, #tpu.memory_space<vmem>> -> memref<40x128xf32, #tpu.memory_space<vmem>>
      %dma_wait3A_786 = arith.constant 0 : i32
      %dma_wait3A_787 = tpu.memref_slice %arg6[%add3A_59, %dma_wait3A_786] : memref<10000x128xf32, #tpu.memory_space<vmem_shared>> -> memref<40x128xf32, #tpu.memory_space<vmem_shared>>
      %dma_wait3A_788 = arith.constant 0 : i32
      %dma_wait3A_789 = tpu.memref_slice %arg6[%add3A_59, %dma_wait3A_788] : memref<10000x128xf32, #tpu.memory_space<vmem_shared>> -> memref<40x128xf32, #tpu.memory_space<vmem_shared>>
      %dma_wait3A_790 = arith.constant 0 : i32
      %dma_wait3A_791 = arith.constant 0 : i32
      %dma_wait3A_792 = tpu.memref_slice %arg9[%run_scoped3A_60, %dma_wait3A_790, %dma_wait3A_791] : memref<6x40x128xf32, #tpu.memory_space<vmem>> -> memref<1x40x128xf32, #tpu.memory_space<vmem>>
      %dma_wait3A_793 = tpu.memref_squeeze %dma_wait3A_792 : memref<1x40x128xf32, #tpu.memory_space<vmem>> -> memref<40x128xf32, #tpu.memory_space<vmem>>
      tpu.wait_dma2 semaphore(%run_scoped3A_769 : memref<!tpu.dma_semaphore, #tpu.memory_space<semaphore_mem>>) src(%dma_wait3A_793 : memref<40x128xf32, #tpu.memory_space<vmem>>) dst(%dma_wait3A_789 : memref<40x128xf32, #tpu.memory_space<vmem_shared>>)
      tpu.yield
    }) : () -> ()
    %mul3A_61 = arith.constant 625 : i32
    %mul3A_62 = arith.muli %arg1, %mul3A_61 : i32
    %add3A_63 = arith.constant 360 : i32
    %add3A_64 = arith.addi %mul3A_62, %add3A_63 : i32
    %run_scoped3A_65 = arith.constant 0 : i32
    "tpu.region"() ({
      %run_scoped3A_769 = tpu.sem_alloc : memref<!tpu.dma_semaphore, #tpu.memory_space<semaphore_mem>>
      %dma_start3A_770 = arith.constant 0 : i32
      %dma_start3A_771 = arith.constant 0 : i32
      %dma_start3A_772 = tpu.memref_slice %arg9[%run_scoped3A_65, %dma_start3A_770, %dma_start3A_771] : memref<6x40x128xf32, #tpu.memory_space<vmem>> -> memref<1x40x128xf32, #tpu.memory_space<vmem>>
      %dma_start3A_773 = tpu.memref_squeeze %dma_start3A_772 : memref<1x40x128xf32, #tpu.memory_space<vmem>> -> memref<40x128xf32, #tpu.memory_space<vmem>>
      %dma_start3A_774 = arith.constant 0 : i32
      %dma_start3A_775 = tpu.memref_slice %arg6[%add3A_64, %dma_start3A_774] : memref<10000x128xf32, #tpu.memory_space<vmem_shared>> -> memref<40x128xf32, #tpu.memory_space<vmem_shared>>
      %dma_start3A_776 = arith.constant 0 : i32
      %dma_start3A_777 = tpu.memref_slice %arg6[%add3A_64, %dma_start3A_776] : memref<10000x128xf32, #tpu.memory_space<vmem_shared>> -> memref<40x128xf32, #tpu.memory_space<vmem_shared>>
      %dma_start3A_778 = arith.constant 0 : i32
      %dma_start3A_779 = arith.constant 0 : i32
      %dma_start3A_780 = tpu.memref_slice %arg9[%run_scoped3A_65, %dma_start3A_778, %dma_start3A_779] : memref<6x40x128xf32, #tpu.memory_space<vmem>> -> memref<1x40x128xf32, #tpu.memory_space<vmem>>
      %dma_start3A_781 = tpu.memref_squeeze %dma_start3A_780 : memref<1x40x128xf32, #tpu.memory_space<vmem>> -> memref<40x128xf32, #tpu.memory_space<vmem>>
      tpu.enqueue_dma source(%dma_start3A_781 : memref<40x128xf32, #tpu.memory_space<vmem>>) target(%dma_start3A_777 : memref<40x128xf32, #tpu.memory_space<vmem_shared>>) target_semaphore(%run_scoped3A_769 : memref<!tpu.dma_semaphore, #tpu.memory_space<semaphore_mem>>)
      %dma_wait3A_782 = arith.constant 0 : i32
      %dma_wait3A_783 = arith.constant 0 : i32
      %dma_wait3A_784 = tpu.memref_slice %arg9[%run_scoped3A_65, %dma_wait3A_782, %dma_wait3A_783] : memref<6x40x128xf32, #tpu.memory_space<vmem>> -> memref<1x40x128xf32, #tpu.memory_space<vmem>>
      %dma_wait3A_785 = tpu.memref_squeeze %dma_wait3A_784 : memref<1x40x128xf32, #tpu.memory_space<vmem>> -> memref<40x128xf32, #tpu.memory_space<vmem>>
      %dma_wait3A_786 = arith.constant 0 : i32
      %dma_wait3A_787 = tpu.memref_slice %arg6[%add3A_64, %dma_wait3A_786] : memref<10000x128xf32, #tpu.memory_space<vmem_shared>> -> memref<40x128xf32, #tpu.memory_space<vmem_shared>>
      %dma_wait3A_788 = arith.constant 0 : i32
      %dma_wait3A_789 = tpu.memref_slice %arg6[%add3A_64, %dma_wait3A_788] : memref<10000x128xf32, #tpu.memory_space<vmem_shared>> -> memref<40x128xf32, #tpu.memory_space<vmem_shared>>
      %dma_wait3A_790 = arith.constant 0 : i32
      %dma_wait3A_791 = arith.constant 0 : i32
      %dma_wait3A_792 = tpu.memref_slice %arg9[%run_scoped3A_65, %dma_wait3A_790, %dma_wait3A_791] : memref<6x40x128xf32, #tpu.memory_space<vmem>> -> memref<1x40x128xf32, #tpu.memory_space<vmem>>
      %dma_wait3A_793 = tpu.memref_squeeze %dma_wait3A_792 : memref<1x40x128xf32, #tpu.memory_space<vmem>> -> memref<40x128xf32, #tpu.memory_space<vmem>>
      tpu.wait_dma2 semaphore(%run_scoped3A_769 : memref<!tpu.dma_semaphore, #tpu.memory_space<semaphore_mem>>) src(%dma_wait3A_793 : memref<40x128xf32, #tpu.memory_space<vmem>>) dst(%dma_wait3A_789 : memref<40x128xf32, #tpu.memory_space<vmem_shared>>)
      tpu.yield
    }) : () -> ()
    %mul3A_66 = arith.constant 625 : i32
    %mul3A_67 = arith.muli %arg1, %mul3A_66 : i32
    %add3A_68 = arith.constant 400 : i32
    %add3A_69 = arith.addi %mul3A_67, %add3A_68 : i32
    %run_scoped3A_70 = arith.constant 0 : i32
    "tpu.region"() ({
      %run_scoped3A_769 = tpu.sem_alloc : memref<!tpu.dma_semaphore, #tpu.memory_space<semaphore_mem>>
      %dma_start3A_770 = arith.constant 0 : i32
      %dma_start3A_771 = arith.constant 0 : i32
      %dma_start3A_772 = tpu.memref_slice %arg9[%run_scoped3A_70, %dma_start3A_770, %dma_start3A_771] : memref<6x40x128xf32, #tpu.memory_space<vmem>> -> memref<1x40x128xf32, #tpu.memory_space<vmem>>
      %dma_start3A_773 = tpu.memref_squeeze %dma_start3A_772 : memref<1x40x128xf32, #tpu.memory_space<vmem>> -> memref<40x128xf32, #tpu.memory_space<vmem>>
      %dma_start3A_774 = arith.constant 0 : i32
      %dma_start3A_775 = tpu.memref_slice %arg6[%add3A_69, %dma_start3A_774] : memref<10000x128xf32, #tpu.memory_space<vmem_shared>> -> memref<40x128xf32, #tpu.memory_space<vmem_shared>>
      %dma_start3A_776 = arith.constant 0 : i32
      %dma_start3A_777 = tpu.memref_slice %arg6[%add3A_69, %dma_start3A_776] : memref<10000x128xf32, #tpu.memory_space<vmem_shared>> -> memref<40x128xf32, #tpu.memory_space<vmem_shared>>
      %dma_start3A_778 = arith.constant 0 : i32
      %dma_start3A_779 = arith.constant 0 : i32
      %dma_start3A_780 = tpu.memref_slice %arg9[%run_scoped3A_70, %dma_start3A_778, %dma_start3A_779] : memref<6x40x128xf32, #tpu.memory_space<vmem>> -> memref<1x40x128xf32, #tpu.memory_space<vmem>>
      %dma_start3A_781 = tpu.memref_squeeze %dma_start3A_780 : memref<1x40x128xf32, #tpu.memory_space<vmem>> -> memref<40x128xf32, #tpu.memory_space<vmem>>
      tpu.enqueue_dma source(%dma_start3A_781 : memref<40x128xf32, #tpu.memory_space<vmem>>) target(%dma_start3A_777 : memref<40x128xf32, #tpu.memory_space<vmem_shared>>) target_semaphore(%run_scoped3A_769 : memref<!tpu.dma_semaphore, #tpu.memory_space<semaphore_mem>>)
      %dma_wait3A_782 = arith.constant 0 : i32
      %dma_wait3A_783 = arith.constant 0 : i32
      %dma_wait3A_784 = tpu.memref_slice %arg9[%run_scoped3A_70, %dma_wait3A_782, %dma_wait3A_783] : memref<6x40x128xf32, #tpu.memory_space<vmem>> -> memref<1x40x128xf32, #tpu.memory_space<vmem>>
      %dma_wait3A_785 = tpu.memref_squeeze %dma_wait3A_784 : memref<1x40x128xf32, #tpu.memory_space<vmem>> -> memref<40x128xf32, #tpu.memory_space<vmem>>
      %dma_wait3A_786 = arith.constant 0 : i32
      %dma_wait3A_787 = tpu.memref_slice %arg6[%add3A_69, %dma_wait3A_786] : memref<10000x128xf32, #tpu.memory_space<vmem_shared>> -> memref<40x128xf32, #tpu.memory_space<vmem_shared>>
      %dma_wait3A_788 = arith.constant 0 : i32
      %dma_wait3A_789 = tpu.memref_slice %arg6[%add3A_69, %dma_wait3A_788] : memref<10000x128xf32, #tpu.memory_space<vmem_shared>> -> memref<40x128xf32, #tpu.memory_space<vmem_shared>>
      %dma_wait3A_790 = arith.constant 0 : i32
      %dma_wait3A_791 = arith.constant 0 : i32
      %dma_wait3A_792 = tpu.memref_slice %arg9[%run_scoped3A_70, %dma_wait3A_790, %dma_wait3A_791] : memref<6x40x128xf32, #tpu.memory_space<vmem>> -> memref<1x40x128xf32, #tpu.memory_space<vmem>>
      %dma_wait3A_793 = tpu.memref_squeeze %dma_wait3A_792 : memref<1x40x128xf32, #tpu.memory_space<vmem>> -> memref<40x128xf32, #tpu.memory_space<vmem>>
      tpu.wait_dma2 semaphore(%run_scoped3A_769 : memref<!tpu.dma_semaphore, #tpu.memory_space<semaphore_mem>>) src(%dma_wait3A_793 : memref<40x128xf32, #tpu.memory_space<vmem>>) dst(%dma_wait3A_789 : memref<40x128xf32, #tpu.memory_space<vmem_shared>>)
      tpu.yield
    }) : () -> ()
    %mul3A_71 = arith.constant 625 : i32
    %mul3A_72 = arith.muli %arg1, %mul3A_71 : i32
    %add3A_73 = arith.constant 440 : i32
    %add3A_74 = arith.addi %mul3A_72, %add3A_73 : i32
    %run_scoped3A_75 = arith.constant 0 : i32
    "tpu.region"() ({
      %run_scoped3A_769 = tpu.sem_alloc : memref<!tpu.dma_semaphore, #tpu.memory_space<semaphore_mem>>
      %dma_start3A_770 = arith.constant 0 : i32
      %dma_start3A_771 = arith.constant 0 : i32
      %dma_start3A_772 = tpu.memref_slice %arg9[%run_scoped3A_75, %dma_start3A_770, %dma_start3A_771] : memref<6x40x128xf32, #tpu.memory_space<vmem>> -> memref<1x40x128xf32, #tpu.memory_space<vmem>>
      %dma_start3A_773 = tpu.memref_squeeze %dma_start3A_772 : memref<1x40x128xf32, #tpu.memory_space<vmem>> -> memref<40x128xf32, #tpu.memory_space<vmem>>
      %dma_start3A_774 = arith.constant 0 : i32
      %dma_start3A_775 = tpu.memref_slice %arg6[%add3A_74, %dma_start3A_774] : memref<10000x128xf32, #tpu.memory_space<vmem_shared>> -> memref<40x128xf32, #tpu.memory_space<vmem_shared>>
      %dma_start3A_776 = arith.constant 0 : i32
      %dma_start3A_777 = tpu.memref_slice %arg6[%add3A_74, %dma_start3A_776] : memref<10000x128xf32, #tpu.memory_space<vmem_shared>> -> memref<40x128xf32, #tpu.memory_space<vmem_shared>>
      %dma_start3A_778 = arith.constant 0 : i32
      %dma_start3A_779 = arith.constant 0 : i32
      %dma_start3A_780 = tpu.memref_slice %arg9[%run_scoped3A_75, %dma_start3A_778, %dma_start3A_779] : memref<6x40x128xf32, #tpu.memory_space<vmem>> -> memref<1x40x128xf32, #tpu.memory_space<vmem>>
      %dma_start3A_781 = tpu.memref_squeeze %dma_start3A_780 : memref<1x40x128xf32, #tpu.memory_space<vmem>> -> memref<40x128xf32, #tpu.memory_space<vmem>>
      tpu.enqueue_dma source(%dma_start3A_781 : memref<40x128xf32, #tpu.memory_space<vmem>>) target(%dma_start3A_777 : memref<40x128xf32, #tpu.memory_space<vmem_shared>>) target_semaphore(%run_scoped3A_769 : memref<!tpu.dma_semaphore, #tpu.memory_space<semaphore_mem>>)
      %dma_wait3A_782 = arith.constant 0 : i32
      %dma_wait3A_783 = arith.constant 0 : i32
      %dma_wait3A_784 = tpu.memref_slice %arg9[%run_scoped3A_75, %dma_wait3A_782, %dma_wait3A_783] : memref<6x40x128xf32, #tpu.memory_space<vmem>> -> memref<1x40x128xf32, #tpu.memory_space<vmem>>
      %dma_wait3A_785 = tpu.memref_squeeze %dma_wait3A_784 : memref<1x40x128xf32, #tpu.memory_space<vmem>> -> memref<40x128xf32, #tpu.memory_space<vmem>>
      %dma_wait3A_786 = arith.constant 0 : i32
      %dma_wait3A_787 = tpu.memref_slice %arg6[%add3A_74, %dma_wait3A_786] : memref<10000x128xf32, #tpu.memory_space<vmem_shared>> -> memref<40x128xf32, #tpu.memory_space<vmem_shared>>
      %dma_wait3A_788 = arith.constant 0 : i32
      %dma_wait3A_789 = tpu.memref_slice %arg6[%add3A_74, %dma_wait3A_788] : memref<10000x128xf32, #tpu.memory_space<vmem_shared>> -> memref<40x128xf32, #tpu.memory_space<vmem_shared>>
      %dma_wait3A_790 = arith.constant 0 : i32
      %dma_wait3A_791 = arith.constant 0 : i32
      %dma_wait3A_792 = tpu.memref_slice %arg9[%run_scoped3A_75, %dma_wait3A_790, %dma_wait3A_791] : memref<6x40x128xf32, #tpu.memory_space<vmem>> -> memref<1x40x128xf32, #tpu.memory_space<vmem>>
      %dma_wait3A_793 = tpu.memref_squeeze %dma_wait3A_792 : memref<1x40x128xf32, #tpu.memory_space<vmem>> -> memref<40x128xf32, #tpu.memory_space<vmem>>
      tpu.wait_dma2 semaphore(%run_scoped3A_769 : memref<!tpu.dma_semaphore, #tpu.memory_space<semaphore_mem>>) src(%dma_wait3A_793 : memref<40x128xf32, #tpu.memory_space<vmem>>) dst(%dma_wait3A_789 : memref<40x128xf32, #tpu.memory_space<vmem_shared>>)
      tpu.yield
    }) : () -> ()
    %mul3A_76 = arith.constant 625 : i32
    %mul3A_77 = arith.muli %arg1, %mul3A_76 : i32
    %add3A_78 = arith.constant 480 : i32
    %add3A_79 = arith.addi %mul3A_77, %add3A_78 : i32
    %run_scoped3A_80 = arith.constant 0 : i32
    "tpu.region"() ({
      %run_scoped3A_769 = tpu.sem_alloc : memref<!tpu.dma_semaphore, #tpu.memory_space<semaphore_mem>>
      %dma_start3A_770 = arith.constant 0 : i32
      %dma_start3A_771 = arith.constant 0 : i32
      %dma_start3A_772 = tpu.memref_slice %arg9[%run_scoped3A_80, %dma_start3A_770, %dma_start3A_771] : memref<6x40x128xf32, #tpu.memory_space<vmem>> -> memref<1x40x128xf32, #tpu.memory_space<vmem>>
      %dma_start3A_773 = tpu.memref_squeeze %dma_start3A_772 : memref<1x40x128xf32, #tpu.memory_space<vmem>> -> memref<40x128xf32, #tpu.memory_space<vmem>>
      %dma_start3A_774 = arith.constant 0 : i32
      %dma_start3A_775 = tpu.memref_slice %arg6[%add3A_79, %dma_start3A_774] : memref<10000x128xf32, #tpu.memory_space<vmem_shared>> -> memref<40x128xf32, #tpu.memory_space<vmem_shared>>
      %dma_start3A_776 = arith.constant 0 : i32
      %dma_start3A_777 = tpu.memref_slice %arg6[%add3A_79, %dma_start3A_776] : memref<10000x128xf32, #tpu.memory_space<vmem_shared>> -> memref<40x128xf32, #tpu.memory_space<vmem_shared>>
      %dma_start3A_778 = arith.constant 0 : i32
      %dma_start3A_779 = arith.constant 0 : i32
      %dma_start3A_780 = tpu.memref_slice %arg9[%run_scoped3A_80, %dma_start3A_778, %dma_start3A_779] : memref<6x40x128xf32, #tpu.memory_space<vmem>> -> memref<1x40x128xf32, #tpu.memory_space<vmem>>
      %dma_start3A_781 = tpu.memref_squeeze %dma_start3A_780 : memref<1x40x128xf32, #tpu.memory_space<vmem>> -> memref<40x128xf32, #tpu.memory_space<vmem>>
      tpu.enqueue_dma source(%dma_start3A_781 : memref<40x128xf32, #tpu.memory_space<vmem>>) target(%dma_start3A_777 : memref<40x128xf32, #tpu.memory_space<vmem_shared>>) target_semaphore(%run_scoped3A_769 : memref<!tpu.dma_semaphore, #tpu.memory_space<semaphore_mem>>)
      %dma_wait3A_782 = arith.constant 0 : i32
      %dma_wait3A_783 = arith.constant 0 : i32
      %dma_wait3A_784 = tpu.memref_slice %arg9[%run_scoped3A_80, %dma_wait3A_782, %dma_wait3A_783] : memref<6x40x128xf32, #tpu.memory_space<vmem>> -> memref<1x40x128xf32, #tpu.memory_space<vmem>>
      %dma_wait3A_785 = tpu.memref_squeeze %dma_wait3A_784 : memref<1x40x128xf32, #tpu.memory_space<vmem>> -> memref<40x128xf32, #tpu.memory_space<vmem>>
      %dma_wait3A_786 = arith.constant 0 : i32
      %dma_wait3A_787 = tpu.memref_slice %arg6[%add3A_79, %dma_wait3A_786] : memref<10000x128xf32, #tpu.memory_space<vmem_shared>> -> memref<40x128xf32, #tpu.memory_space<vmem_shared>>
      %dma_wait3A_788 = arith.constant 0 : i32
      %dma_wait3A_789 = tpu.memref_slice %arg6[%add3A_79, %dma_wait3A_788] : memref<10000x128xf32, #tpu.memory_space<vmem_shared>> -> memref<40x128xf32, #tpu.memory_space<vmem_shared>>
      %dma_wait3A_790 = arith.constant 0 : i32
      %dma_wait3A_791 = arith.constant 0 : i32
      %dma_wait3A_792 = tpu.memref_slice %arg9[%run_scoped3A_80, %dma_wait3A_790, %dma_wait3A_791] : memref<6x40x128xf32, #tpu.memory_space<vmem>> -> memref<1x40x128xf32, #tpu.memory_space<vmem>>
      %dma_wait3A_793 = tpu.memref_squeeze %dma_wait3A_792 : memref<1x40x128xf32, #tpu.memory_space<vmem>> -> memref<40x128xf32, #tpu.memory_space<vmem>>
      tpu.wait_dma2 semaphore(%run_scoped3A_769 : memref<!tpu.dma_semaphore, #tpu.memory_space<semaphore_mem>>) src(%dma_wait3A_793 : memref<40x128xf32, #tpu.memory_space<vmem>>) dst(%dma_wait3A_789 : memref<40x128xf32, #tpu.memory_space<vmem_shared>>)
      tpu.yield
    }) : () -> ()
    %mul3A_81 = arith.constant 625 : i32
    %mul3A_82 = arith.muli %arg1, %mul3A_81 : i32
    %add3A_83 = arith.constant 520 : i32
    %add3A_84 = arith.addi %mul3A_82, %add3A_83 : i32
    %run_scoped3A_85 = arith.constant 0 : i32
    "tpu.region"() ({
      %run_scoped3A_769 = tpu.sem_alloc : memref<!tpu.dma_semaphore, #tpu.memory_space<semaphore_mem>>
      %dma_start3A_770 = arith.constant 0 : i32
      %dma_start3A_771 = arith.constant 0 : i32
      %dma_start3A_772 = tpu.memref_slice %arg9[%run_scoped3A_85, %dma_start3A_770, %dma_start3A_771] : memref<6x40x128xf32, #tpu.memory_space<vmem>> -> memref<1x40x128xf32, #tpu.memory_space<vmem>>
      %dma_start3A_773 = tpu.memref_squeeze %dma_start3A_772 : memref<1x40x128xf32, #tpu.memory_space<vmem>> -> memref<40x128xf32, #tpu.memory_space<vmem>>
      %dma_start3A_774 = arith.constant 0 : i32
      %dma_start3A_775 = tpu.memref_slice %arg6[%add3A_84, %dma_start3A_774] : memref<10000x128xf32, #tpu.memory_space<vmem_shared>> -> memref<40x128xf32, #tpu.memory_space<vmem_shared>>
      %dma_start3A_776 = arith.constant 0 : i32
      %dma_start3A_777 = tpu.memref_slice %arg6[%add3A_84, %dma_start3A_776] : memref<10000x128xf32, #tpu.memory_space<vmem_shared>> -> memref<40x128xf32, #tpu.memory_space<vmem_shared>>
      %dma_start3A_778 = arith.constant 0 : i32
      %dma_start3A_779 = arith.constant 0 : i32
      %dma_start3A_780 = tpu.memref_slice %arg9[%run_scoped3A_85, %dma_start3A_778, %dma_start3A_779] : memref<6x40x128xf32, #tpu.memory_space<vmem>> -> memref<1x40x128xf32, #tpu.memory_space<vmem>>
      %dma_start3A_781 = tpu.memref_squeeze %dma_start3A_780 : memref<1x40x128xf32, #tpu.memory_space<vmem>> -> memref<40x128xf32, #tpu.memory_space<vmem>>
      tpu.enqueue_dma source(%dma_start3A_781 : memref<40x128xf32, #tpu.memory_space<vmem>>) target(%dma_start3A_777 : memref<40x128xf32, #tpu.memory_space<vmem_shared>>) target_semaphore(%run_scoped3A_769 : memref<!tpu.dma_semaphore, #tpu.memory_space<semaphore_mem>>)
      %dma_wait3A_782 = arith.constant 0 : i32
      %dma_wait3A_783 = arith.constant 0 : i32
      %dma_wait3A_784 = tpu.memref_slice %arg9[%run_scoped3A_85, %dma_wait3A_782, %dma_wait3A_783] : memref<6x40x128xf32, #tpu.memory_space<vmem>> -> memref<1x40x128xf32, #tpu.memory_space<vmem>>
      %dma_wait3A_785 = tpu.memref_squeeze %dma_wait3A_784 : memref<1x40x128xf32, #tpu.memory_space<vmem>> -> memref<40x128xf32, #tpu.memory_space<vmem>>
      %dma_wait3A_786 = arith.constant 0 : i32
      %dma_wait3A_787 = tpu.memref_slice %arg6[%add3A_84, %dma_wait3A_786] : memref<10000x128xf32, #tpu.memory_space<vmem_shared>> -> memref<40x128xf32, #tpu.memory_space<vmem_shared>>
      %dma_wait3A_788 = arith.constant 0 : i32
      %dma_wait3A_789 = tpu.memref_slice %arg6[%add3A_84, %dma_wait3A_788] : memref<10000x128xf32, #tpu.memory_space<vmem_shared>> -> memref<40x128xf32, #tpu.memory_space<vmem_shared>>
      %dma_wait3A_790 = arith.constant 0 : i32
      %dma_wait3A_791 = arith.constant 0 : i32
      %dma_wait3A_792 = tpu.memref_slice %arg9[%run_scoped3A_85, %dma_wait3A_790, %dma_wait3A_791] : memref<6x40x128xf32, #tpu.memory_space<vmem>> -> memref<1x40x128xf32, #tpu.memory_space<vmem>>
      %dma_wait3A_793 = tpu.memref_squeeze %dma_wait3A_792 : memref<1x40x128xf32, #tpu.memory_space<vmem>> -> memref<40x128xf32, #tpu.memory_space<vmem>>
      tpu.wait_dma2 semaphore(%run_scoped3A_769 : memref<!tpu.dma_semaphore, #tpu.memory_space<semaphore_mem>>) src(%dma_wait3A_793 : memref<40x128xf32, #tpu.memory_space<vmem>>) dst(%dma_wait3A_789 : memref<40x128xf32, #tpu.memory_space<vmem_shared>>)
      tpu.yield
    }) : () -> ()
    %mul3A_86 = arith.constant 625 : i32
    %mul3A_87 = arith.muli %arg1, %mul3A_86 : i32
    %add3A_88 = arith.constant 560 : i32
    %add3A_89 = arith.addi %mul3A_87, %add3A_88 : i32
    %run_scoped3A_90 = arith.constant 0 : i32
    "tpu.region"() ({
      %run_scoped3A_769 = tpu.sem_alloc : memref<!tpu.dma_semaphore, #tpu.memory_space<semaphore_mem>>
      %dma_start3A_770 = arith.constant 0 : i32
      %dma_start3A_771 = arith.constant 0 : i32
      %dma_start3A_772 = tpu.memref_slice %arg9[%run_scoped3A_90, %dma_start3A_770, %dma_start3A_771] : memref<6x40x128xf32, #tpu.memory_space<vmem>> -> memref<1x40x128xf32, #tpu.memory_space<vmem>>
      %dma_start3A_773 = tpu.memref_squeeze %dma_start3A_772 : memref<1x40x128xf32, #tpu.memory_space<vmem>> -> memref<40x128xf32, #tpu.memory_space<vmem>>
      %dma_start3A_774 = arith.constant 0 : i32
      %dma_start3A_775 = tpu.memref_slice %arg6[%add3A_89, %dma_start3A_774] : memref<10000x128xf32, #tpu.memory_space<vmem_shared>> -> memref<40x128xf32, #tpu.memory_space<vmem_shared>>
      %dma_start3A_776 = arith.constant 0 : i32
      %dma_start3A_777 = tpu.memref_slice %arg6[%add3A_89, %dma_start3A_776] : memref<10000x128xf32, #tpu.memory_space<vmem_shared>> -> memref<40x128xf32, #tpu.memory_space<vmem_shared>>
      %dma_start3A_778 = arith.constant 0 : i32
      %dma_start3A_779 = arith.constant 0 : i32
      %dma_start3A_780 = tpu.memref_slice %arg9[%run_scoped3A_90, %dma_start3A_778, %dma_start3A_779] : memref<6x40x128xf32, #tpu.memory_space<vmem>> -> memref<1x40x128xf32, #tpu.memory_space<vmem>>
      %dma_start3A_781 = tpu.memref_squeeze %dma_start3A_780 : memref<1x40x128xf32, #tpu.memory_space<vmem>> -> memref<40x128xf32, #tpu.memory_space<vmem>>
      tpu.enqueue_dma source(%dma_start3A_781 : memref<40x128xf32, #tpu.memory_space<vmem>>) target(%dma_start3A_777 : memref<40x128xf32, #tpu.memory_space<vmem_shared>>) target_semaphore(%run_scoped3A_769 : memref<!tpu.dma_semaphore, #tpu.memory_space<semaphore_mem>>)
      %dma_wait3A_782 = arith.constant 0 : i32
      %dma_wait3A_783 = arith.constant 0 : i32
      %dma_wait3A_784 = tpu.memref_slice %arg9[%run_scoped3A_90, %dma_wait3A_782, %dma_wait3A_783] : memref<6x40x128xf32, #tpu.memory_space<vmem>> -> memref<1x40x128xf32, #tpu.memory_space<vmem>>
      %dma_wait3A_785 = tpu.memref_squeeze %dma_wait3A_784 : memref<1x40x128xf32, #tpu.memory_space<vmem>> -> memref<40x128xf32, #tpu.memory_space<vmem>>
      %dma_wait3A_786 = arith.constant 0 : i32
      %dma_wait3A_787 = tpu.memref_slice %arg6[%add3A_89, %dma_wait3A_786] : memref<10000x128xf32, #tpu.memory_space<vmem_shared>> -> memref<40x128xf32, #tpu.memory_space<vmem_shared>>
      %dma_wait3A_788 = arith.constant 0 : i32
      %dma_wait3A_789 = tpu.memref_slice %arg6[%add3A_89, %dma_wait3A_788] : memref<10000x128xf32, #tpu.memory_space<vmem_shared>> -> memref<40x128xf32, #tpu.memory_space<vmem_shared>>
      %dma_wait3A_790 = arith.constant 0 : i32
      %dma_wait3A_791 = arith.constant 0 : i32
      %dma_wait3A_792 = tpu.memref_slice %arg9[%run_scoped3A_90, %dma_wait3A_790, %dma_wait3A_791] : memref<6x40x128xf32, #tpu.memory_space<vmem>> -> memref<1x40x128xf32, #tpu.memory_space<vmem>>
      %dma_wait3A_793 = tpu.memref_squeeze %dma_wait3A_792 : memref<1x40x128xf32, #tpu.memory_space<vmem>> -> memref<40x128xf32, #tpu.memory_space<vmem>>
      tpu.wait_dma2 semaphore(%run_scoped3A_769 : memref<!tpu.dma_semaphore, #tpu.memory_space<semaphore_mem>>) src(%dma_wait3A_793 : memref<40x128xf32, #tpu.memory_space<vmem>>) dst(%dma_wait3A_789 : memref<40x128xf32, #tpu.memory_space<vmem_shared>>)
      tpu.yield
    }) : () -> ()
    %mul3A_91 = arith.constant 625 : i32
    %mul3A_92 = arith.muli %arg1, %mul3A_91 : i32
    %add3A_93 = arith.constant 625 : i32
    %add3A_94 = arith.addi %mul3A_92, %add3A_93 : i32
    %sub3A = arith.constant 25 : i32
    %sub3A_95 = arith.subi %add3A_94, %sub3A : i32
    %run_scoped3A_96 = arith.constant 0 : i32
    "tpu.region"() ({
      %run_scoped3A_769 = tpu.sem_alloc : memref<!tpu.dma_semaphore, #tpu.memory_space<semaphore_mem>>
      %dma_start3A_770 = arith.constant 0 : i32
      %dma_start3A_771 = arith.constant 0 : i32
      %dma_start3A_772 = tpu.memref_slice %arg9[%run_scoped3A_96, %dma_start3A_770, %dma_start3A_771] : memref<6x40x128xf32, #tpu.memory_space<vmem>> -> memref<1x40x128xf32, #tpu.memory_space<vmem>>
      %dma_start3A_773 = tpu.memref_squeeze %dma_start3A_772 : memref<1x40x128xf32, #tpu.memory_space<vmem>> -> memref<40x128xf32, #tpu.memory_space<vmem>>
      %dma_start3A_774 = arith.constant 0 : i32
      %dma_start3A_775 = arith.constant 0 : i32
      %dma_start3A_776 = tpu.memref_slice %dma_start3A_773[%dma_start3A_774, %dma_start3A_775] : memref<40x128xf32, #tpu.memory_space<vmem>> -> memref<25x128xf32, #tpu.memory_space<vmem>>
      %dma_start3A_777 = arith.constant 0 : i32
      %dma_start3A_778 = tpu.memref_slice %arg6[%sub3A_95, %dma_start3A_777] : memref<10000x128xf32, #tpu.memory_space<vmem_shared>> -> memref<25x128xf32, #tpu.memory_space<vmem_shared>>
      %dma_start3A_779 = arith.constant 0 : i32
      %dma_start3A_780 = tpu.memref_slice %arg6[%sub3A_95, %dma_start3A_779] : memref<10000x128xf32, #tpu.memory_space<vmem_shared>> -> memref<25x128xf32, #tpu.memory_space<vmem_shared>>
      %dma_start3A_781 = arith.constant 0 : i32
      %dma_start3A_782 = arith.constant 0 : i32
      %dma_start3A_783 = tpu.memref_slice %arg9[%run_scoped3A_96, %dma_start3A_781, %dma_start3A_782] : memref<6x40x128xf32, #tpu.memory_space<vmem>> -> memref<1x40x128xf32, #tpu.memory_space<vmem>>
      %dma_start3A_784 = tpu.memref_squeeze %dma_start3A_783 : memref<1x40x128xf32, #tpu.memory_space<vmem>> -> memref<40x128xf32, #tpu.memory_space<vmem>>
      %dma_start3A_785 = arith.constant 0 : i32
      %dma_start3A_786 = arith.constant 0 : i32
      %dma_start3A_787 = tpu.memref_slice %dma_start3A_784[%dma_start3A_785, %dma_start3A_786] : memref<40x128xf32, #tpu.memory_space<vmem>> -> memref<25x128xf32, #tpu.memory_space<vmem>>
      tpu.enqueue_dma source(%dma_start3A_787 : memref<25x128xf32, #tpu.memory_space<vmem>>) target(%dma_start3A_780 : memref<25x128xf32, #tpu.memory_space<vmem_shared>>) target_semaphore(%run_scoped3A_769 : memref<!tpu.dma_semaphore, #tpu.memory_space<semaphore_mem>>)
      %dma_wait3A_788 = arith.constant 0 : i32
      %dma_wait3A_789 = arith.constant 0 : i32
      %dma_wait3A_790 = tpu.memref_slice %arg9[%run_scoped3A_96, %dma_wait3A_788, %dma_wait3A_789] : memref<6x40x128xf32, #tpu.memory_space<vmem>> -> memref<1x40x128xf32, #tpu.memory_space<vmem>>
      %dma_wait3A_791 = tpu.memref_squeeze %dma_wait3A_790 : memref<1x40x128xf32, #tpu.memory_space<vmem>> -> memref<40x128xf32, #tpu.memory_space<vmem>>
      %dma_wait3A_792 = arith.constant 0 : i32
      %dma_wait3A_793 = arith.constant 0 : i32
      %dma_wait3A_794 = tpu.memref_slice %dma_wait3A_791[%dma_wait3A_792, %dma_wait3A_793] : memref<40x128xf32, #tpu.memory_space<vmem>> -> memref<25x128xf32, #tpu.memory_space<vmem>>
      %dma_wait3A_795 = arith.constant 0 : i32
      %dma_wait3A_796 = tpu.memref_slice %arg6[%sub3A_95, %dma_wait3A_795] : memref<10000x128xf32, #tpu.memory_space<vmem_shared>> -> memref<25x128xf32, #tpu.memory_space<vmem_shared>>
      %dma_wait3A_797 = arith.constant 0 : i32
      %dma_wait3A_798 = tpu.memref_slice %arg6[%sub3A_95, %dma_wait3A_797] : memref<10000x128xf32, #tpu.memory_space<vmem_shared>> -> memref<25x128xf32, #tpu.memory_space<vmem_shared>>
      %dma_wait3A_799 = arith.constant 0 : i32
      %dma_wait3A_800 = arith.constant 0 : i32
      %dma_wait3A_801 = tpu.memref_slice %arg9[%run_scoped3A_96, %dma_wait3A_799, %dma_wait3A_800] : memref<6x40x128xf32, #tpu.memory_space<vmem>> -> memref<1x40x128xf32, #tpu.memory_space<vmem>>
      %dma_wait3A_802 = tpu.memref_squeeze %dma_wait3A_801 : memref<1x40x128xf32, #tpu.memory_space<vmem>> -> memref<40x128xf32, #tpu.memory_space<vmem>>
      %dma_wait3A_803 = arith.constant 0 : i32
      %dma_wait3A_804 = arith.constant 0 : i32
      %dma_wait3A_805 = tpu.memref_slice %dma_wait3A_802[%dma_wait3A_803, %dma_wait3A_804] : memref<40x128xf32, #tpu.memory_space<vmem>> -> memref<25x128xf32, #tpu.memory_space<vmem>>
      tpu.wait_dma2 semaphore(%run_scoped3A_769 : memref<!tpu.dma_semaphore, #tpu.memory_space<semaphore_mem>>) src(%dma_wait3A_805 : memref<25x128xf32, #tpu.memory_space<vmem>>) dst(%dma_wait3A_798 : memref<25x128xf32, #tpu.memory_space<vmem_shared>>)
      tpu.yield
    }) : () -> ()
    %dma_wait3A = arith.constant 0 : i32
    %dma_wait3A_97 = tpu.memref_slice %arg3[%mul3A_3, %dma_wait3A] : memref<8000x40xi32, #tpu.memory_space<hbm>> -> memref<250x40xi32, #tpu.memory_space<hbm>>
    %dma_wait3A_98 = arith.constant 0 : i32
    %dma_wait3A_99 = tpu.memref_slice %arg3[%mul3A_3, %dma_wait3A_98] : memref<8000x40xi32, #tpu.memory_space<hbm>> -> memref<250x40xi32, #tpu.memory_space<hbm>>
    tpu.wait_dma2 semaphore(%arg16 : memref<!tpu.dma_semaphore, #tpu.memory_space<semaphore_mem>>) src(%dma_wait3A_99 : memref<250x40xi32, #tpu.memory_space<hbm>>) dst(%arg7 : memref<250x40xi32, #tpu.memory_space<vmem>>)
    %dma_start3A_100 = arith.constant 0 : i32
    %dma_start3A_101 = arith.constant 0 : i32
    %dma_start3A_102 = arith.constant 0 : i32
    %dma_start3A_103 = arith.constant 0 : i32
    %dma_start3A_104 = tpu.memref_slice %arg9[%dma_start3A_101, %dma_start3A_102, %dma_start3A_103] : memref<6x40x128xf32, #tpu.memory_space<vmem>> -> memref<1x40x128xf32, #tpu.memory_space<vmem>>
    %dma_start3A_105 = tpu.memref_squeeze %dma_start3A_104 : memref<1x40x128xf32, #tpu.memory_space<vmem>> -> memref<40x128xf32, #tpu.memory_space<vmem>>
    %dma_start3A_106 = arith.constant 0 : i32
    %dma_start3A_107 = tpu.memref_slice %arg7[%dma_start3A_100, %dma_start3A_106] : memref<250x40xi32, #tpu.memory_space<vmem>> -> memref<1x40xi32, #tpu.memory_space<vmem>>
    %dma_start3A_108 = tpu.memref_squeeze %dma_start3A_107 : memref<1x40xi32, #tpu.memory_space<vmem>> -> memref<40xi32, #tpu.memory_space<vmem>>
    %dma_start3A_109 = arith.constant 0 : i32
    %dma_start3A_110 = arith.constant 0 : i32
    %dma_start3A_111 = tpu.memref_slice %arg2[%dma_start3A_109, %dma_start3A_110] : memref<10000x128xf32, #tpu.memory_space<hbm>> -> memref<10000x128xf32, #tpu.memory_space<hbm>>
    tpu.enqueue_indirect_dma source(%dma_start3A_111 : memref<10000x128xf32, #tpu.memory_space<hbm>>) target(%dma_start3A_105 : memref<40x128xf32, #tpu.memory_space<vmem>>) offsets(%dma_start3A_108 : memref<40xi32, #tpu.memory_space<vmem>>) semaphore(%arg10 : memref<!tpu.dma_semaphore, #tpu.memory_space<semaphore_mem>>)
    %dma_start3A_112 = arith.constant 1 : i32
    %dma_start3A_113 = arith.constant 1 : i32
    %dma_start3A_114 = arith.constant 0 : i32
    %dma_start3A_115 = arith.constant 0 : i32
    %dma_start3A_116 = tpu.memref_slice %arg9[%dma_start3A_113, %dma_start3A_114, %dma_start3A_115] : memref<6x40x128xf32, #tpu.memory_space<vmem>> -> memref<1x40x128xf32, #tpu.memory_space<vmem>>
    %dma_start3A_117 = tpu.memref_squeeze %dma_start3A_116 : memref<1x40x128xf32, #tpu.memory_space<vmem>> -> memref<40x128xf32, #tpu.memory_space<vmem>>
    %dma_start3A_118 = arith.constant 0 : i32
    %dma_start3A_119 = tpu.memref_slice %arg7[%dma_start3A_112, %dma_start3A_118] : memref<250x40xi32, #tpu.memory_space<vmem>> -> memref<1x40xi32, #tpu.memory_space<vmem>>
    %dma_start3A_120 = tpu.memref_squeeze %dma_start3A_119 : memref<1x40xi32, #tpu.memory_space<vmem>> -> memref<40xi32, #tpu.memory_space<vmem>>
    %dma_start3A_121 = arith.constant 0 : i32
    %dma_start3A_122 = arith.constant 0 : i32
    %dma_start3A_123 = tpu.memref_slice %arg2[%dma_start3A_121, %dma_start3A_122] : memref<10000x128xf32, #tpu.memory_space<hbm>> -> memref<10000x128xf32, #tpu.memory_space<hbm>>
    tpu.enqueue_indirect_dma source(%dma_start3A_123 : memref<10000x128xf32, #tpu.memory_space<hbm>>) target(%dma_start3A_117 : memref<40x128xf32, #tpu.memory_space<vmem>>) offsets(%dma_start3A_120 : memref<40xi32, #tpu.memory_space<vmem>>) semaphore(%arg11 : memref<!tpu.dma_semaphore, #tpu.memory_space<semaphore_mem>>)
    %dma_start3A_124 = arith.constant 2 : i32
    %dma_start3A_125 = arith.constant 2 : i32
    %dma_start3A_126 = arith.constant 0 : i32
    %dma_start3A_127 = arith.constant 0 : i32
    %dma_start3A_128 = tpu.memref_slice %arg9[%dma_start3A_125, %dma_start3A_126, %dma_start3A_127] : memref<6x40x128xf32, #tpu.memory_space<vmem>> -> memref<1x40x128xf32, #tpu.memory_space<vmem>>
    %dma_start3A_129 = tpu.memref_squeeze %dma_start3A_128 : memref<1x40x128xf32, #tpu.memory_space<vmem>> -> memref<40x128xf32, #tpu.memory_space<vmem>>
    %dma_start3A_130 = arith.constant 0 : i32
    %dma_start3A_131 = tpu.memref_slice %arg7[%dma_start3A_124, %dma_start3A_130] : memref<250x40xi32, #tpu.memory_space<vmem>> -> memref<1x40xi32, #tpu.memory_space<vmem>>
    %dma_start3A_132 = tpu.memref_squeeze %dma_start3A_131 : memref<1x40xi32, #tpu.memory_space<vmem>> -> memref<40xi32, #tpu.memory_space<vmem>>
    %dma_start3A_133 = arith.constant 0 : i32
    %dma_start3A_134 = arith.constant 0 : i32
    %dma_start3A_135 = tpu.memref_slice %arg2[%dma_start3A_133, %dma_start3A_134] : memref<10000x128xf32, #tpu.memory_space<hbm>> -> memref<10000x128xf32, #tpu.memory_space<hbm>>
    tpu.enqueue_indirect_dma source(%dma_start3A_135 : memref<10000x128xf32, #tpu.memory_space<hbm>>) target(%dma_start3A_129 : memref<40x128xf32, #tpu.memory_space<vmem>>) offsets(%dma_start3A_132 : memref<40xi32, #tpu.memory_space<vmem>>) semaphore(%arg12 : memref<!tpu.dma_semaphore, #tpu.memory_space<semaphore_mem>>)
    %dma_start3A_136 = arith.constant 3 : i32
    %dma_start3A_137 = arith.constant 3 : i32
    %dma_start3A_138 = arith.constant 0 : i32
    %dma_start3A_139 = arith.constant 0 : i32
    %dma_start3A_140 = tpu.memref_slice %arg9[%dma_start3A_137, %dma_start3A_138, %dma_start3A_139] : memref<6x40x128xf32, #tpu.memory_space<vmem>> -> memref<1x40x128xf32, #tpu.memory_space<vmem>>
    %dma_start3A_141 = tpu.memref_squeeze %dma_start3A_140 : memref<1x40x128xf32, #tpu.memory_space<vmem>> -> memref<40x128xf32, #tpu.memory_space<vmem>>
    %dma_start3A_142 = arith.constant 0 : i32
    %dma_start3A_143 = tpu.memref_slice %arg7[%dma_start3A_136, %dma_start3A_142] : memref<250x40xi32, #tpu.memory_space<vmem>> -> memref<1x40xi32, #tpu.memory_space<vmem>>
    %dma_start3A_144 = tpu.memref_squeeze %dma_start3A_143 : memref<1x40xi32, #tpu.memory_space<vmem>> -> memref<40xi32, #tpu.memory_space<vmem>>
    %dma_start3A_145 = arith.constant 0 : i32
    %dma_start3A_146 = arith.constant 0 : i32
    %dma_start3A_147 = tpu.memref_slice %arg2[%dma_start3A_145, %dma_start3A_146] : memref<10000x128xf32, #tpu.memory_space<hbm>> -> memref<10000x128xf32, #tpu.memory_space<hbm>>
    tpu.enqueue_indirect_dma source(%dma_start3A_147 : memref<10000x128xf32, #tpu.memory_space<hbm>>) target(%dma_start3A_141 : memref<40x128xf32, #tpu.memory_space<vmem>>) offsets(%dma_start3A_144 : memref<40xi32, #tpu.memory_space<vmem>>) semaphore(%arg13 : memref<!tpu.dma_semaphore, #tpu.memory_space<semaphore_mem>>)
    %dma_start3A_148 = arith.constant 4 : i32
    %dma_start3A_149 = arith.constant 4 : i32
    %dma_start3A_150 = arith.constant 0 : i32
    %dma_start3A_151 = arith.constant 0 : i32
    %dma_start3A_152 = tpu.memref_slice %arg9[%dma_start3A_149, %dma_start3A_150, %dma_start3A_151] : memref<6x40x128xf32, #tpu.memory_space<vmem>> -> memref<1x40x128xf32, #tpu.memory_space<vmem>>
    %dma_start3A_153 = tpu.memref_squeeze %dma_start3A_152 : memref<1x40x128xf32, #tpu.memory_space<vmem>> -> memref<40x128xf32, #tpu.memory_space<vmem>>
    %dma_start3A_154 = arith.constant 0 : i32
    %dma_start3A_155 = tpu.memref_slice %arg7[%dma_start3A_148, %dma_start3A_154] : memref<250x40xi32, #tpu.memory_space<vmem>> -> memref<1x40xi32, #tpu.memory_space<vmem>>
    %dma_start3A_156 = tpu.memref_squeeze %dma_start3A_155 : memref<1x40xi32, #tpu.memory_space<vmem>> -> memref<40xi32, #tpu.memory_space<vmem>>
    %dma_start3A_157 = arith.constant 0 : i32
    %dma_start3A_158 = arith.constant 0 : i32
    %dma_start3A_159 = tpu.memref_slice %arg2[%dma_start3A_157, %dma_start3A_158] : memref<10000x128xf32, #tpu.memory_space<hbm>> -> memref<10000x128xf32, #tpu.memory_space<hbm>>
    tpu.enqueue_indirect_dma source(%dma_start3A_159 : memref<10000x128xf32, #tpu.memory_space<hbm>>) target(%dma_start3A_153 : memref<40x128xf32, #tpu.memory_space<vmem>>) offsets(%dma_start3A_156 : memref<40xi32, #tpu.memory_space<vmem>>) semaphore(%arg14 : memref<!tpu.dma_semaphore, #tpu.memory_space<semaphore_mem>>)
    %dma_wait3A_160 = arith.constant 0 : i32
    %dma_wait3A_161 = tpu.memref_slice %arg4[%mul3A_8, %dma_wait3A_160] : memref<8000x40xi32, #tpu.memory_space<hbm>> -> memref<125x40xi32, #tpu.memory_space<hbm>>
    %dma_wait3A_162 = arith.constant 0 : i32
    %dma_wait3A_163 = tpu.memref_slice %arg4[%mul3A_8, %dma_wait3A_162] : memref<8000x40xi32, #tpu.memory_space<hbm>> -> memref<125x40xi32, #tpu.memory_space<hbm>>
    tpu.wait_dma2 semaphore(%arg17 : memref<!tpu.dma_semaphore, #tpu.memory_space<semaphore_mem>>) src(%dma_wait3A_163 : memref<125x40xi32, #tpu.memory_space<hbm>>) dst(%arg8 : memref<125x40xi32, #tpu.memory_space<vmem>>)
    %barrier3A = arith.constant 0 : index
    tpu.barrier barrier_id(%barrier3A)
    %scan3A_164 = arith.constant 0 : i32
    %scan3A_165 = arith.constant 5 : i32
    %scan3A_166 = arith.constant 1 : i32
    %scan3A_167 = arith.constant 2 : i32
    %scan3A_168 = arith.constant 3 : i32
    %scan3A_169 = arith.constant 4 : i32
    %scan3A_170 = arith.constant 0 : i32
    %scan3A_171 = arith.constant 19 : i32
    %scan3A_172 = arith.addi %scan3A_170, %scan3A_171 : i32
    %scan3A_173 = arith.constant 1 : i32
    scf.for %scan3A_769 = %scan3A_170 to %scan3A_172 step %scan3A_173  : i32 {
      %mul3A_770 = arith.constant 1 : i32
      %mul3A_771 = arith.muli %scan3A_769, %mul3A_770 : i32
      %add3A_772 = arith.constant 0 : i32
      %add3A_773 = arith.addi %add3A_772, %mul3A_771 : i32
      %mul3A_774 = arith.constant 6 : i32
      %mul3A_775 = arith.muli %add3A_773, %mul3A_774 : i32
      %add3A_776 = arith.constant 0 : i32
      %add3A_777 = arith.addi %mul3A_775, %add3A_776 : i32
      %add3A_778 = arith.constant 0 : i32
      %add3A_779 = arith.addi %add3A_778, %add3A_777 : i32
      %dma_wait3A_780 = arith.constant 0 : i32
      %dma_wait3A_781 = arith.constant 0 : i32
      %dma_wait3A_782 = tpu.memref_slice %arg9[%scan3A_164, %dma_wait3A_780, %dma_wait3A_781] : memref<6x40x128xf32, #tpu.memory_space<vmem>> -> memref<1x40x128xf32, #tpu.memory_space<vmem>>
      %dma_wait3A_783 = tpu.memref_squeeze %dma_wait3A_782 : memref<1x40x128xf32, #tpu.memory_space<vmem>> -> memref<40x128xf32, #tpu.memory_space<vmem>>
      %dma_wait3A_784 = arith.constant 0 : i32
      %dma_wait3A_785 = tpu.memref_slice %arg7[%add3A_779, %dma_wait3A_784] : memref<250x40xi32, #tpu.memory_space<vmem>> -> memref<1x40xi32, #tpu.memory_space<vmem>>
      %dma_wait3A_786 = tpu.memref_squeeze %dma_wait3A_785 : memref<1x40xi32, #tpu.memory_space<vmem>> -> memref<40xi32, #tpu.memory_space<vmem>>
      %dma_wait3A_787 = arith.constant 0 : i32
      %dma_wait3A_788 = arith.constant 0 : i32
      %dma_wait3A_789 = tpu.memref_slice %arg2[%dma_wait3A_787, %dma_wait3A_788] : memref<10000x128xf32, #tpu.memory_space<hbm>> -> memref<10000x128xf32, #tpu.memory_space<hbm>>
      tpu.wait_indirect_dma semaphore(%arg10 : memref<!tpu.dma_semaphore, #tpu.memory_space<semaphore_mem>>) src(%dma_wait3A_789 : memref<10000x128xf32, #tpu.memory_space<hbm>>) dst(%dma_wait3A_783 : memref<40x128xf32, #tpu.memory_space<vmem>>)
      %add3A_790 = arith.constant 6 : i32
      %add3A_791 = arith.addi %add3A_779, %add3A_790 : i32
      %sub3A_792 = arith.constant 1 : i32
      %sub3A_793 = arith.subi %add3A_791, %sub3A_792 : i32
      %dma_start3A_794 = arith.constant 0 : i32
      %dma_start3A_795 = arith.constant 0 : i32
      %dma_start3A_796 = tpu.memref_slice %arg9[%scan3A_165, %dma_start3A_794, %dma_start3A_795] : memref<6x40x128xf32, #tpu.memory_space<vmem>> -> memref<1x40x128xf32, #tpu.memory_space<vmem>>
      %dma_start3A_797 = tpu.memref_squeeze %dma_start3A_796 : memref<1x40x128xf32, #tpu.memory_space<vmem>> -> memref<40x128xf32, #tpu.memory_space<vmem>>
      %dma_start3A_798 = arith.constant 0 : i32
      %dma_start3A_799 = tpu.memref_slice %arg7[%sub3A_793, %dma_start3A_798] : memref<250x40xi32, #tpu.memory_space<vmem>> -> memref<1x40xi32, #tpu.memory_space<vmem>>
      %dma_start3A_800 = tpu.memref_squeeze %dma_start3A_799 : memref<1x40xi32, #tpu.memory_space<vmem>> -> memref<40xi32, #tpu.memory_space<vmem>>
      %dma_start3A_801 = arith.constant 0 : i32
      %dma_start3A_802 = arith.constant 0 : i32
      %dma_start3A_803 = tpu.memref_slice %arg2[%dma_start3A_801, %dma_start3A_802] : memref<10000x128xf32, #tpu.memory_space<hbm>> -> memref<10000x128xf32, #tpu.memory_space<hbm>>
      tpu.enqueue_indirect_dma source(%dma_start3A_803 : memref<10000x128xf32, #tpu.memory_space<hbm>>) target(%dma_start3A_797 : memref<40x128xf32, #tpu.memory_space<vmem>>) offsets(%dma_start3A_800 : memref<40xi32, #tpu.memory_space<vmem>>) semaphore(%arg15 : memref<!tpu.dma_semaphore, #tpu.memory_space<semaphore_mem>>)
      "tpu.region"() ({
        %run_scoped3A_954 = tpu.sem_alloc : memref<!tpu.dma_semaphore, #tpu.memory_space<semaphore_mem>>
        %dma_start3A_955 = arith.constant 0 : i32
        %dma_start3A_956 = arith.constant 0 : i32
        %dma_start3A_957 = tpu.memref_slice %arg9[%scan3A_164, %dma_start3A_955, %dma_start3A_956] : memref<6x40x128xf32, #tpu.memory_space<vmem>> -> memref<1x40x128xf32, #tpu.memory_space<vmem>>
        %dma_start3A_958 = tpu.memref_squeeze %dma_start3A_957 : memref<1x40x128xf32, #tpu.memory_space<vmem>> -> memref<40x128xf32, #tpu.memory_space<vmem>>
        %dma_start3A_959 = arith.constant 0 : i32
        %dma_start3A_960 = tpu.memref_slice %arg8[%add3A_777, %dma_start3A_959] : memref<125x40xi32, #tpu.memory_space<vmem>> -> memref<1x40xi32, #tpu.memory_space<vmem>>
        %dma_start3A_961 = tpu.memref_squeeze %dma_start3A_960 : memref<1x40xi32, #tpu.memory_space<vmem>> -> memref<40xi32, #tpu.memory_space<vmem>>
        %dma_start3A_962 = arith.constant 0 : i32
        %dma_start3A_963 = arith.constant 0 : i32
        %dma_start3A_964 = tpu.memref_slice %arg6[%dma_start3A_962, %dma_start3A_963] : memref<10000x128xf32, #tpu.memory_space<vmem_shared>> -> memref<10000x128xf32, #tpu.memory_space<vmem_shared>>
        tpu.enqueue_indirect_dma source(%dma_start3A_958 : memref<40x128xf32, #tpu.memory_space<vmem>>) target(%dma_start3A_964 : memref<10000x128xf32, #tpu.memory_space<vmem_shared>>) offsets(%dma_start3A_961 : memref<40xi32, #tpu.memory_space<vmem>>) semaphore(%run_scoped3A_954 : memref<!tpu.dma_semaphore, #tpu.memory_space<semaphore_mem>>) {add = true}
        %dma_wait3A_965 = arith.constant 0 : i32
        %dma_wait3A_966 = arith.constant 0 : i32
        %dma_wait3A_967 = tpu.memref_slice %arg9[%scan3A_164, %dma_wait3A_965, %dma_wait3A_966] : memref<6x40x128xf32, #tpu.memory_space<vmem>> -> memref<1x40x128xf32, #tpu.memory_space<vmem>>
        %dma_wait3A_968 = tpu.memref_squeeze %dma_wait3A_967 : memref<1x40x128xf32, #tpu.memory_space<vmem>> -> memref<40x128xf32, #tpu.memory_space<vmem>>
        %dma_wait3A_969 = arith.constant 0 : i32
        %dma_wait3A_970 = tpu.memref_slice %arg8[%add3A_777, %dma_wait3A_969] : memref<125x40xi32, #tpu.memory_space<vmem>> -> memref<1x40xi32, #tpu.memory_space<vmem>>
        %dma_wait3A_971 = tpu.memref_squeeze %dma_wait3A_970 : memref<1x40xi32, #tpu.memory_space<vmem>> -> memref<40xi32, #tpu.memory_space<vmem>>
        %dma_wait3A_972 = arith.constant 0 : i32
        %dma_wait3A_973 = arith.constant 0 : i32
        %dma_wait3A_974 = tpu.memref_slice %arg6[%dma_wait3A_972, %dma_wait3A_973] : memref<10000x128xf32, #tpu.memory_space<vmem_shared>> -> memref<10000x128xf32, #tpu.memory_space<vmem_shared>>
        tpu.wait_indirect_dma semaphore(%run_scoped3A_954 : memref<!tpu.dma_semaphore, #tpu.memory_space<semaphore_mem>>) src(%dma_wait3A_968 : memref<40x128xf32, #tpu.memory_space<vmem>>) dst(%dma_wait3A_974 : memref<10000x128xf32, #tpu.memory_space<vmem_shared>>)
        tpu.yield
      }) : () -> ()
      %mul3A_804 = arith.constant 6 : i32
      %mul3A_805 = arith.muli %add3A_773, %mul3A_804 : i32
      %add3A_806 = arith.constant 1 : i32
      %add3A_807 = arith.addi %mul3A_805, %add3A_806 : i32
      %add3A_808 = arith.constant 0 : i32
      %add3A_809 = arith.addi %add3A_808, %add3A_807 : i32
      %dma_wait3A_810 = arith.constant 0 : i32
      %dma_wait3A_811 = arith.constant 0 : i32
      %dma_wait3A_812 = tpu.memref_slice %arg9[%scan3A_166, %dma_wait3A_810, %dma_wait3A_811] : memref<6x40x128xf32, #tpu.memory_space<vmem>> -> memref<1x40x128xf32, #tpu.memory_space<vmem>>
      %dma_wait3A_813 = tpu.memref_squeeze %dma_wait3A_812 : memref<1x40x128xf32, #tpu.memory_space<vmem>> -> memref<40x128xf32, #tpu.memory_space<vmem>>
      %dma_wait3A_814 = arith.constant 0 : i32
      %dma_wait3A_815 = tpu.memref_slice %arg7[%add3A_809, %dma_wait3A_814] : memref<250x40xi32, #tpu.memory_space<vmem>> -> memref<1x40xi32, #tpu.memory_space<vmem>>
      %dma_wait3A_816 = tpu.memref_squeeze %dma_wait3A_815 : memref<1x40xi32, #tpu.memory_space<vmem>> -> memref<40xi32, #tpu.memory_space<vmem>>
      %dma_wait3A_817 = arith.constant 0 : i32
      %dma_wait3A_818 = arith.constant 0 : i32
      %dma_wait3A_819 = tpu.memref_slice %arg2[%dma_wait3A_817, %dma_wait3A_818] : memref<10000x128xf32, #tpu.memory_space<hbm>> -> memref<10000x128xf32, #tpu.memory_space<hbm>>
      tpu.wait_indirect_dma semaphore(%arg11 : memref<!tpu.dma_semaphore, #tpu.memory_space<semaphore_mem>>) src(%dma_wait3A_819 : memref<10000x128xf32, #tpu.memory_space<hbm>>) dst(%dma_wait3A_813 : memref<40x128xf32, #tpu.memory_space<vmem>>)
      %add3A_820 = arith.constant 6 : i32
      %add3A_821 = arith.addi %add3A_809, %add3A_820 : i32
      %sub3A_822 = arith.constant 1 : i32
      %sub3A_823 = arith.subi %add3A_821, %sub3A_822 : i32
      %dma_start3A_824 = arith.constant 0 : i32
      %dma_start3A_825 = arith.constant 0 : i32
      %dma_start3A_826 = tpu.memref_slice %arg9[%scan3A_164, %dma_start3A_824, %dma_start3A_825] : memref<6x40x128xf32, #tpu.memory_space<vmem>> -> memref<1x40x128xf32, #tpu.memory_space<vmem>>
      %dma_start3A_827 = tpu.memref_squeeze %dma_start3A_826 : memref<1x40x128xf32, #tpu.memory_space<vmem>> -> memref<40x128xf32, #tpu.memory_space<vmem>>
      %dma_start3A_828 = arith.constant 0 : i32
      %dma_start3A_829 = tpu.memref_slice %arg7[%sub3A_823, %dma_start3A_828] : memref<250x40xi32, #tpu.memory_space<vmem>> -> memref<1x40xi32, #tpu.memory_space<vmem>>
      %dma_start3A_830 = tpu.memref_squeeze %dma_start3A_829 : memref<1x40xi32, #tpu.memory_space<vmem>> -> memref<40xi32, #tpu.memory_space<vmem>>
      %dma_start3A_831 = arith.constant 0 : i32
      %dma_start3A_832 = arith.constant 0 : i32
      %dma_start3A_833 = tpu.memref_slice %arg2[%dma_start3A_831, %dma_start3A_832] : memref<10000x128xf32, #tpu.memory_space<hbm>> -> memref<10000x128xf32, #tpu.memory_space<hbm>>
      tpu.enqueue_indirect_dma source(%dma_start3A_833 : memref<10000x128xf32, #tpu.memory_space<hbm>>) target(%dma_start3A_827 : memref<40x128xf32, #tpu.memory_space<vmem>>) offsets(%dma_start3A_830 : memref<40xi32, #tpu.memory_space<vmem>>) semaphore(%arg10 : memref<!tpu.dma_semaphore, #tpu.memory_space<semaphore_mem>>)
      "tpu.region"() ({
        %run_scoped3A_954 = tpu.sem_alloc : memref<!tpu.dma_semaphore, #tpu.memory_space<semaphore_mem>>
        %dma_start3A_955 = arith.constant 0 : i32
        %dma_start3A_956 = arith.constant 0 : i32
        %dma_start3A_957 = tpu.memref_slice %arg9[%scan3A_166, %dma_start3A_955, %dma_start3A_956] : memref<6x40x128xf32, #tpu.memory_space<vmem>> -> memref<1x40x128xf32, #tpu.memory_space<vmem>>
        %dma_start3A_958 = tpu.memref_squeeze %dma_start3A_957 : memref<1x40x128xf32, #tpu.memory_space<vmem>> -> memref<40x128xf32, #tpu.memory_space<vmem>>
        %dma_start3A_959 = arith.constant 0 : i32
        %dma_start3A_960 = tpu.memref_slice %arg8[%add3A_807, %dma_start3A_959] : memref<125x40xi32, #tpu.memory_space<vmem>> -> memref<1x40xi32, #tpu.memory_space<vmem>>
        %dma_start3A_961 = tpu.memref_squeeze %dma_start3A_960 : memref<1x40xi32, #tpu.memory_space<vmem>> -> memref<40xi32, #tpu.memory_space<vmem>>
        %dma_start3A_962 = arith.constant 0 : i32
        %dma_start3A_963 = arith.constant 0 : i32
        %dma_start3A_964 = tpu.memref_slice %arg6[%dma_start3A_962, %dma_start3A_963] : memref<10000x128xf32, #tpu.memory_space<vmem_shared>> -> memref<10000x128xf32, #tpu.memory_space<vmem_shared>>
        tpu.enqueue_indirect_dma source(%dma_start3A_958 : memref<40x128xf32, #tpu.memory_space<vmem>>) target(%dma_start3A_964 : memref<10000x128xf32, #tpu.memory_space<vmem_shared>>) offsets(%dma_start3A_961 : memref<40xi32, #tpu.memory_space<vmem>>) semaphore(%run_scoped3A_954 : memref<!tpu.dma_semaphore, #tpu.memory_space<semaphore_mem>>) {add = true}
        %dma_wait3A_965 = arith.constant 0 : i32
        %dma_wait3A_966 = arith.constant 0 : i32
        %dma_wait3A_967 = tpu.memref_slice %arg9[%scan3A_166, %dma_wait3A_965, %dma_wait3A_966] : memref<6x40x128xf32, #tpu.memory_space<vmem>> -> memref<1x40x128xf32, #tpu.memory_space<vmem>>
        %dma_wait3A_968 = tpu.memref_squeeze %dma_wait3A_967 : memref<1x40x128xf32, #tpu.memory_space<vmem>> -> memref<40x128xf32, #tpu.memory_space<vmem>>
        %dma_wait3A_969 = arith.constant 0 : i32
        %dma_wait3A_970 = tpu.memref_slice %arg8[%add3A_807, %dma_wait3A_969] : memref<125x40xi32, #tpu.memory_space<vmem>> -> memref<1x40xi32, #tpu.memory_space<vmem>>
        %dma_wait3A_971 = tpu.memref_squeeze %dma_wait3A_970 : memref<1x40xi32, #tpu.memory_space<vmem>> -> memref<40xi32, #tpu.memory_space<vmem>>
        %dma_wait3A_972 = arith.constant 0 : i32
        %dma_wait3A_973 = arith.constant 0 : i32
        %dma_wait3A_974 = tpu.memref_slice %arg6[%dma_wait3A_972, %dma_wait3A_973] : memref<10000x128xf32, #tpu.memory_space<vmem_shared>> -> memref<10000x128xf32, #tpu.memory_space<vmem_shared>>
        tpu.wait_indirect_dma semaphore(%run_scoped3A_954 : memref<!tpu.dma_semaphore, #tpu.memory_space<semaphore_mem>>) src(%dma_wait3A_968 : memref<40x128xf32, #tpu.memory_space<vmem>>) dst(%dma_wait3A_974 : memref<10000x128xf32, #tpu.memory_space<vmem_shared>>)
        tpu.yield
      }) : () -> ()
      %mul3A_834 = arith.constant 6 : i32
      %mul3A_835 = arith.muli %add3A_773, %mul3A_834 : i32
      %add3A_836 = arith.constant 2 : i32
      %add3A_837 = arith.addi %mul3A_835, %add3A_836 : i32
      %add3A_838 = arith.constant 0 : i32
      %add3A_839 = arith.addi %add3A_838, %add3A_837 : i32
      %dma_wait3A_840 = arith.constant 0 : i32
      %dma_wait3A_841 = arith.constant 0 : i32
      %dma_wait3A_842 = tpu.memref_slice %arg9[%scan3A_167, %dma_wait3A_840, %dma_wait3A_841] : memref<6x40x128xf32, #tpu.memory_space<vmem>> -> memref<1x40x128xf32, #tpu.memory_space<vmem>>
      %dma_wait3A_843 = tpu.memref_squeeze %dma_wait3A_842 : memref<1x40x128xf32, #tpu.memory_space<vmem>> -> memref<40x128xf32, #tpu.memory_space<vmem>>
      %dma_wait3A_844 = arith.constant 0 : i32
      %dma_wait3A_845 = tpu.memref_slice %arg7[%add3A_839, %dma_wait3A_844] : memref<250x40xi32, #tpu.memory_space<vmem>> -> memref<1x40xi32, #tpu.memory_space<vmem>>
      %dma_wait3A_846 = tpu.memref_squeeze %dma_wait3A_845 : memref<1x40xi32, #tpu.memory_space<vmem>> -> memref<40xi32, #tpu.memory_space<vmem>>
      %dma_wait3A_847 = arith.constant 0 : i32
      %dma_wait3A_848 = arith.constant 0 : i32
      %dma_wait3A_849 = tpu.memref_slice %arg2[%dma_wait3A_847, %dma_wait3A_848] : memref<10000x128xf32, #tpu.memory_space<hbm>> -> memref<10000x128xf32, #tpu.memory_space<hbm>>
      tpu.wait_indirect_dma semaphore(%arg12 : memref<!tpu.dma_semaphore, #tpu.memory_space<semaphore_mem>>) src(%dma_wait3A_849 : memref<10000x128xf32, #tpu.memory_space<hbm>>) dst(%dma_wait3A_843 : memref<40x128xf32, #tpu.memory_space<vmem>>)
      %add3A_850 = arith.constant 6 : i32
      %add3A_851 = arith.addi %add3A_839, %add3A_850 : i32
      %sub3A_852 = arith.constant 1 : i32
      %sub3A_853 = arith.subi %add3A_851, %sub3A_852 : i32
      %dma_start3A_854 = arith.constant 0 : i32
      %dma_start3A_855 = arith.constant 0 : i32
      %dma_start3A_856 = tpu.memref_slice %arg9[%scan3A_166, %dma_start3A_854, %dma_start3A_855] : memref<6x40x128xf32, #tpu.memory_space<vmem>> -> memref<1x40x128xf32, #tpu.memory_space<vmem>>
      %dma_start3A_857 = tpu.memref_squeeze %dma_start3A_856 : memref<1x40x128xf32, #tpu.memory_space<vmem>> -> memref<40x128xf32, #tpu.memory_space<vmem>>
      %dma_start3A_858 = arith.constant 0 : i32
      %dma_start3A_859 = tpu.memref_slice %arg7[%sub3A_853, %dma_start3A_858] : memref<250x40xi32, #tpu.memory_space<vmem>> -> memref<1x40xi32, #tpu.memory_space<vmem>>
      %dma_start3A_860 = tpu.memref_squeeze %dma_start3A_859 : memref<1x40xi32, #tpu.memory_space<vmem>> -> memref<40xi32, #tpu.memory_space<vmem>>
      %dma_start3A_861 = arith.constant 0 : i32
      %dma_start3A_862 = arith.constant 0 : i32
      %dma_start3A_863 = tpu.memref_slice %arg2[%dma_start3A_861, %dma_start3A_862] : memref<10000x128xf32, #tpu.memory_space<hbm>> -> memref<10000x128xf32, #tpu.memory_space<hbm>>
      tpu.enqueue_indirect_dma source(%dma_start3A_863 : memref<10000x128xf32, #tpu.memory_space<hbm>>) target(%dma_start3A_857 : memref<40x128xf32, #tpu.memory_space<vmem>>) offsets(%dma_start3A_860 : memref<40xi32, #tpu.memory_space<vmem>>) semaphore(%arg11 : memref<!tpu.dma_semaphore, #tpu.memory_space<semaphore_mem>>)
      "tpu.region"() ({
        %run_scoped3A_954 = tpu.sem_alloc : memref<!tpu.dma_semaphore, #tpu.memory_space<semaphore_mem>>
        %dma_start3A_955 = arith.constant 0 : i32
        %dma_start3A_956 = arith.constant 0 : i32
        %dma_start3A_957 = tpu.memref_slice %arg9[%scan3A_167, %dma_start3A_955, %dma_start3A_956] : memref<6x40x128xf32, #tpu.memory_space<vmem>> -> memref<1x40x128xf32, #tpu.memory_space<vmem>>
        %dma_start3A_958 = tpu.memref_squeeze %dma_start3A_957 : memref<1x40x128xf32, #tpu.memory_space<vmem>> -> memref<40x128xf32, #tpu.memory_space<vmem>>
        %dma_start3A_959 = arith.constant 0 : i32
        %dma_start3A_960 = tpu.memref_slice %arg8[%add3A_837, %dma_start3A_959] : memref<125x40xi32, #tpu.memory_space<vmem>> -> memref<1x40xi32, #tpu.memory_space<vmem>>
        %dma_start3A_961 = tpu.memref_squeeze %dma_start3A_960 : memref<1x40xi32, #tpu.memory_space<vmem>> -> memref<40xi32, #tpu.memory_space<vmem>>
        %dma_start3A_962 = arith.constant 0 : i32
        %dma_start3A_963 = arith.constant 0 : i32
        %dma_start3A_964 = tpu.memref_slice %arg6[%dma_start3A_962, %dma_start3A_963] : memref<10000x128xf32, #tpu.memory_space<vmem_shared>> -> memref<10000x128xf32, #tpu.memory_space<vmem_shared>>
        tpu.enqueue_indirect_dma source(%dma_start3A_958 : memref<40x128xf32, #tpu.memory_space<vmem>>) target(%dma_start3A_964 : memref<10000x128xf32, #tpu.memory_space<vmem_shared>>) offsets(%dma_start3A_961 : memref<40xi32, #tpu.memory_space<vmem>>) semaphore(%run_scoped3A_954 : memref<!tpu.dma_semaphore, #tpu.memory_space<semaphore_mem>>) {add = true}
        %dma_wait3A_965 = arith.constant 0 : i32
        %dma_wait3A_966 = arith.constant 0 : i32
        %dma_wait3A_967 = tpu.memref_slice %arg9[%scan3A_167, %dma_wait3A_965, %dma_wait3A_966] : memref<6x40x128xf32, #tpu.memory_space<vmem>> -> memref<1x40x128xf32, #tpu.memory_space<vmem>>
        %dma_wait3A_968 = tpu.memref_squeeze %dma_wait3A_967 : memref<1x40x128xf32, #tpu.memory_space<vmem>> -> memref<40x128xf32, #tpu.memory_space<vmem>>
        %dma_wait3A_969 = arith.constant 0 : i32
        %dma_wait3A_970 = tpu.memref_slice %arg8[%add3A_837, %dma_wait3A_969] : memref<125x40xi32, #tpu.memory_space<vmem>> -> memref<1x40xi32, #tpu.memory_space<vmem>>
        %dma_wait3A_971 = tpu.memref_squeeze %dma_wait3A_970 : memref<1x40xi32, #tpu.memory_space<vmem>> -> memref<40xi32, #tpu.memory_space<vmem>>
        %dma_wait3A_972 = arith.constant 0 : i32
        %dma_wait3A_973 = arith.constant 0 : i32
        %dma_wait3A_974 = tpu.memref_slice %arg6[%dma_wait3A_972, %dma_wait3A_973] : memref<10000x128xf32, #tpu.memory_space<vmem_shared>> -> memref<10000x128xf32, #tpu.memory_space<vmem_shared>>
        tpu.wait_indirect_dma semaphore(%run_scoped3A_954 : memref<!tpu.dma_semaphore, #tpu.memory_space<semaphore_mem>>) src(%dma_wait3A_968 : memref<40x128xf32, #tpu.memory_space<vmem>>) dst(%dma_wait3A_974 : memref<10000x128xf32, #tpu.memory_space<vmem_shared>>)
        tpu.yield
      }) : () -> ()
      %mul3A_864 = arith.constant 6 : i32
      %mul3A_865 = arith.muli %add3A_773, %mul3A_864 : i32
      %add3A_866 = arith.constant 3 : i32
      %add3A_867 = arith.addi %mul3A_865, %add3A_866 : i32
      %add3A_868 = arith.constant 0 : i32
      %add3A_869 = arith.addi %add3A_868, %add3A_867 : i32
      %dma_wait3A_870 = arith.constant 0 : i32
      %dma_wait3A_871 = arith.constant 0 : i32
      %dma_wait3A_872 = tpu.memref_slice %arg9[%scan3A_168, %dma_wait3A_870, %dma_wait3A_871] : memref<6x40x128xf32, #tpu.memory_space<vmem>> -> memref<1x40x128xf32, #tpu.memory_space<vmem>>
      %dma_wait3A_873 = tpu.memref_squeeze %dma_wait3A_872 : memref<1x40x128xf32, #tpu.memory_space<vmem>> -> memref<40x128xf32, #tpu.memory_space<vmem>>
      %dma_wait3A_874 = arith.constant 0 : i32
      %dma_wait3A_875 = tpu.memref_slice %arg7[%add3A_869, %dma_wait3A_874] : memref<250x40xi32, #tpu.memory_space<vmem>> -> memref<1x40xi32, #tpu.memory_space<vmem>>
      %dma_wait3A_876 = tpu.memref_squeeze %dma_wait3A_875 : memref<1x40xi32, #tpu.memory_space<vmem>> -> memref<40xi32, #tpu.memory_space<vmem>>
      %dma_wait3A_877 = arith.constant 0 : i32
      %dma_wait3A_878 = arith.constant 0 : i32
      %dma_wait3A_879 = tpu.memref_slice %arg2[%dma_wait3A_877, %dma_wait3A_878] : memref<10000x128xf32, #tpu.memory_space<hbm>> -> memref<10000x128xf32, #tpu.memory_space<hbm>>
      tpu.wait_indirect_dma semaphore(%arg13 : memref<!tpu.dma_semaphore, #tpu.memory_space<semaphore_mem>>) src(%dma_wait3A_879 : memref<10000x128xf32, #tpu.memory_space<hbm>>) dst(%dma_wait3A_873 : memref<40x128xf32, #tpu.memory_space<vmem>>)
      %add3A_880 = arith.constant 6 : i32
      %add3A_881 = arith.addi %add3A_869, %add3A_880 : i32
      %sub3A_882 = arith.constant 1 : i32
      %sub3A_883 = arith.subi %add3A_881, %sub3A_882 : i32
      %dma_start3A_884 = arith.constant 0 : i32
      %dma_start3A_885 = arith.constant 0 : i32
      %dma_start3A_886 = tpu.memref_slice %arg9[%scan3A_167, %dma_start3A_884, %dma_start3A_885] : memref<6x40x128xf32, #tpu.memory_space<vmem>> -> memref<1x40x128xf32, #tpu.memory_space<vmem>>
      %dma_start3A_887 = tpu.memref_squeeze %dma_start3A_886 : memref<1x40x128xf32, #tpu.memory_space<vmem>> -> memref<40x128xf32, #tpu.memory_space<vmem>>
      %dma_start3A_888 = arith.constant 0 : i32
      %dma_start3A_889 = tpu.memref_slice %arg7[%sub3A_883, %dma_start3A_888] : memref<250x40xi32, #tpu.memory_space<vmem>> -> memref<1x40xi32, #tpu.memory_space<vmem>>
      %dma_start3A_890 = tpu.memref_squeeze %dma_start3A_889 : memref<1x40xi32, #tpu.memory_space<vmem>> -> memref<40xi32, #tpu.memory_space<vmem>>
      %dma_start3A_891 = arith.constant 0 : i32
      %dma_start3A_892 = arith.constant 0 : i32
      %dma_start3A_893 = tpu.memref_slice %arg2[%dma_start3A_891, %dma_start3A_892] : memref<10000x128xf32, #tpu.memory_space<hbm>> -> memref<10000x128xf32, #tpu.memory_space<hbm>>
      tpu.enqueue_indirect_dma source(%dma_start3A_893 : memref<10000x128xf32, #tpu.memory_space<hbm>>) target(%dma_start3A_887 : memref<40x128xf32, #tpu.memory_space<vmem>>) offsets(%dma_start3A_890 : memref<40xi32, #tpu.memory_space<vmem>>) semaphore(%arg12 : memref<!tpu.dma_semaphore, #tpu.memory_space<semaphore_mem>>)
      "tpu.region"() ({
        %run_scoped3A_954 = tpu.sem_alloc : memref<!tpu.dma_semaphore, #tpu.memory_space<semaphore_mem>>
        %dma_start3A_955 = arith.constant 0 : i32
        %dma_start3A_956 = arith.constant 0 : i32
        %dma_start3A_957 = tpu.memref_slice %arg9[%scan3A_168, %dma_start3A_955, %dma_start3A_956] : memref<6x40x128xf32, #tpu.memory_space<vmem>> -> memref<1x40x128xf32, #tpu.memory_space<vmem>>
        %dma_start3A_958 = tpu.memref_squeeze %dma_start3A_957 : memref<1x40x128xf32, #tpu.memory_space<vmem>> -> memref<40x128xf32, #tpu.memory_space<vmem>>
        %dma_start3A_959 = arith.constant 0 : i32
        %dma_start3A_960 = tpu.memref_slice %arg8[%add3A_867, %dma_start3A_959] : memref<125x40xi32, #tpu.memory_space<vmem>> -> memref<1x40xi32, #tpu.memory_space<vmem>>
        %dma_start3A_961 = tpu.memref_squeeze %dma_start3A_960 : memref<1x40xi32, #tpu.memory_space<vmem>> -> memref<40xi32, #tpu.memory_space<vmem>>
        %dma_start3A_962 = arith.constant 0 : i32
        %dma_start3A_963 = arith.constant 0 : i32
        %dma_start3A_964 = tpu.memref_slice %arg6[%dma_start3A_962, %dma_start3A_963] : memref<10000x128xf32, #tpu.memory_space<vmem_shared>> -> memref<10000x128xf32, #tpu.memory_space<vmem_shared>>
        tpu.enqueue_indirect_dma source(%dma_start3A_958 : memref<40x128xf32, #tpu.memory_space<vmem>>) target(%dma_start3A_964 : memref<10000x128xf32, #tpu.memory_space<vmem_shared>>) offsets(%dma_start3A_961 : memref<40xi32, #tpu.memory_space<vmem>>) semaphore(%run_scoped3A_954 : memref<!tpu.dma_semaphore, #tpu.memory_space<semaphore_mem>>) {add = true}
        %dma_wait3A_965 = arith.constant 0 : i32
        %dma_wait3A_966 = arith.constant 0 : i32
        %dma_wait3A_967 = tpu.memref_slice %arg9[%scan3A_168, %dma_wait3A_965, %dma_wait3A_966] : memref<6x40x128xf32, #tpu.memory_space<vmem>> -> memref<1x40x128xf32, #tpu.memory_space<vmem>>
        %dma_wait3A_968 = tpu.memref_squeeze %dma_wait3A_967 : memref<1x40x128xf32, #tpu.memory_space<vmem>> -> memref<40x128xf32, #tpu.memory_space<vmem>>
        %dma_wait3A_969 = arith.constant 0 : i32
        %dma_wait3A_970 = tpu.memref_slice %arg8[%add3A_867, %dma_wait3A_969] : memref<125x40xi32, #tpu.memory_space<vmem>> -> memref<1x40xi32, #tpu.memory_space<vmem>>
        %dma_wait3A_971 = tpu.memref_squeeze %dma_wait3A_970 : memref<1x40xi32, #tpu.memory_space<vmem>> -> memref<40xi32, #tpu.memory_space<vmem>>
        %dma_wait3A_972 = arith.constant 0 : i32
        %dma_wait3A_973 = arith.constant 0 : i32
        %dma_wait3A_974 = tpu.memref_slice %arg6[%dma_wait3A_972, %dma_wait3A_973] : memref<10000x128xf32, #tpu.memory_space<vmem_shared>> -> memref<10000x128xf32, #tpu.memory_space<vmem_shared>>
        tpu.wait_indirect_dma semaphore(%run_scoped3A_954 : memref<!tpu.dma_semaphore, #tpu.memory_space<semaphore_mem>>) src(%dma_wait3A_968 : memref<40x128xf32, #tpu.memory_space<vmem>>) dst(%dma_wait3A_974 : memref<10000x128xf32, #tpu.memory_space<vmem_shared>>)
        tpu.yield
      }) : () -> ()
      %mul3A_894 = arith.constant 6 : i32
      %mul3A_895 = arith.muli %add3A_773, %mul3A_894 : i32
      %add3A_896 = arith.constant 4 : i32
      %add3A_897 = arith.addi %mul3A_895, %add3A_896 : i32
      %add3A_898 = arith.constant 0 : i32
      %add3A_899 = arith.addi %add3A_898, %add3A_897 : i32
      %dma_wait3A_900 = arith.constant 0 : i32
      %dma_wait3A_901 = arith.constant 0 : i32
      %dma_wait3A_902 = tpu.memref_slice %arg9[%scan3A_169, %dma_wait3A_900, %dma_wait3A_901] : memref<6x40x128xf32, #tpu.memory_space<vmem>> -> memref<1x40x128xf32, #tpu.memory_space<vmem>>
      %dma_wait3A_903 = tpu.memref_squeeze %dma_wait3A_902 : memref<1x40x128xf32, #tpu.memory_space<vmem>> -> memref<40x128xf32, #tpu.memory_space<vmem>>
      %dma_wait3A_904 = arith.constant 0 : i32
      %dma_wait3A_905 = tpu.memref_slice %arg7[%add3A_899, %dma_wait3A_904] : memref<250x40xi32, #tpu.memory_space<vmem>> -> memref<1x40xi32, #tpu.memory_space<vmem>>
      %dma_wait3A_906 = tpu.memref_squeeze %dma_wait3A_905 : memref<1x40xi32, #tpu.memory_space<vmem>> -> memref<40xi32, #tpu.memory_space<vmem>>
      %dma_wait3A_907 = arith.constant 0 : i32
      %dma_wait3A_908 = arith.constant 0 : i32
      %dma_wait3A_909 = tpu.memref_slice %arg2[%dma_wait3A_907, %dma_wait3A_908] : memref<10000x128xf32, #tpu.memory_space<hbm>> -> memref<10000x128xf32, #tpu.memory_space<hbm>>
      tpu.wait_indirect_dma semaphore(%arg14 : memref<!tpu.dma_semaphore, #tpu.memory_space<semaphore_mem>>) src(%dma_wait3A_909 : memref<10000x128xf32, #tpu.memory_space<hbm>>) dst(%dma_wait3A_903 : memref<40x128xf32, #tpu.memory_space<vmem>>)
      %add3A_910 = arith.constant 6 : i32
      %add3A_911 = arith.addi %add3A_899, %add3A_910 : i32
      %sub3A_912 = arith.constant 1 : i32
      %sub3A_913 = arith.subi %add3A_911, %sub3A_912 : i32
      %dma_start3A_914 = arith.constant 0 : i32
      %dma_start3A_915 = arith.constant 0 : i32
      %dma_start3A_916 = tpu.memref_slice %arg9[%scan3A_168, %dma_start3A_914, %dma_start3A_915] : memref<6x40x128xf32, #tpu.memory_space<vmem>> -> memref<1x40x128xf32, #tpu.memory_space<vmem>>
      %dma_start3A_917 = tpu.memref_squeeze %dma_start3A_916 : memref<1x40x128xf32, #tpu.memory_space<vmem>> -> memref<40x128xf32, #tpu.memory_space<vmem>>
      %dma_start3A_918 = arith.constant 0 : i32
      %dma_start3A_919 = tpu.memref_slice %arg7[%sub3A_913, %dma_start3A_918] : memref<250x40xi32, #tpu.memory_space<vmem>> -> memref<1x40xi32, #tpu.memory_space<vmem>>
      %dma_start3A_920 = tpu.memref_squeeze %dma_start3A_919 : memref<1x40xi32, #tpu.memory_space<vmem>> -> memref<40xi32, #tpu.memory_space<vmem>>
      %dma_start3A_921 = arith.constant 0 : i32
      %dma_start3A_922 = arith.constant 0 : i32
      %dma_start3A_923 = tpu.memref_slice %arg2[%dma_start3A_921, %dma_start3A_922] : memref<10000x128xf32, #tpu.memory_space<hbm>> -> memref<10000x128xf32, #tpu.memory_space<hbm>>
      tpu.enqueue_indirect_dma source(%dma_start3A_923 : memref<10000x128xf32, #tpu.memory_space<hbm>>) target(%dma_start3A_917 : memref<40x128xf32, #tpu.memory_space<vmem>>) offsets(%dma_start3A_920 : memref<40xi32, #tpu.memory_space<vmem>>) semaphore(%arg13 : memref<!tpu.dma_semaphore, #tpu.memory_space<semaphore_mem>>)
      "tpu.region"() ({
        %run_scoped3A_954 = tpu.sem_alloc : memref<!tpu.dma_semaphore, #tpu.memory_space<semaphore_mem>>
        %dma_start3A_955 = arith.constant 0 : i32
        %dma_start3A_956 = arith.constant 0 : i32
        %dma_start3A_957 = tpu.memref_slice %arg9[%scan3A_169, %dma_start3A_955, %dma_start3A_956] : memref<6x40x128xf32, #tpu.memory_space<vmem>> -> memref<1x40x128xf32, #tpu.memory_space<vmem>>
        %dma_start3A_958 = tpu.memref_squeeze %dma_start3A_957 : memref<1x40x128xf32, #tpu.memory_space<vmem>> -> memref<40x128xf32, #tpu.memory_space<vmem>>
        %dma_start3A_959 = arith.constant 0 : i32
        %dma_start3A_960 = tpu.memref_slice %arg8[%add3A_897, %dma_start3A_959] : memref<125x40xi32, #tpu.memory_space<vmem>> -> memref<1x40xi32, #tpu.memory_space<vmem>>
        %dma_start3A_961 = tpu.memref_squeeze %dma_start3A_960 : memref<1x40xi32, #tpu.memory_space<vmem>> -> memref<40xi32, #tpu.memory_space<vmem>>
        %dma_start3A_962 = arith.constant 0 : i32
        %dma_start3A_963 = arith.constant 0 : i32
        %dma_start3A_964 = tpu.memref_slice %arg6[%dma_start3A_962, %dma_start3A_963] : memref<10000x128xf32, #tpu.memory_space<vmem_shared>> -> memref<10000x128xf32, #tpu.memory_space<vmem_shared>>
        tpu.enqueue_indirect_dma source(%dma_start3A_958 : memref<40x128xf32, #tpu.memory_space<vmem>>) target(%dma_start3A_964 : memref<10000x128xf32, #tpu.memory_space<vmem_shared>>) offsets(%dma_start3A_961 : memref<40xi32, #tpu.memory_space<vmem>>) semaphore(%run_scoped3A_954 : memref<!tpu.dma_semaphore, #tpu.memory_space<semaphore_mem>>) {add = true}
        %dma_wait3A_965 = arith.constant 0 : i32
        %dma_wait3A_966 = arith.constant 0 : i32
        %dma_wait3A_967 = tpu.memref_slice %arg9[%scan3A_169, %dma_wait3A_965, %dma_wait3A_966] : memref<6x40x128xf32, #tpu.memory_space<vmem>> -> memref<1x40x128xf32, #tpu.memory_space<vmem>>
        %dma_wait3A_968 = tpu.memref_squeeze %dma_wait3A_967 : memref<1x40x128xf32, #tpu.memory_space<vmem>> -> memref<40x128xf32, #tpu.memory_space<vmem>>
        %dma_wait3A_969 = arith.constant 0 : i32
        %dma_wait3A_970 = tpu.memref_slice %arg8[%add3A_897, %dma_wait3A_969] : memref<125x40xi32, #tpu.memory_space<vmem>> -> memref<1x40xi32, #tpu.memory_space<vmem>>
        %dma_wait3A_971 = tpu.memref_squeeze %dma_wait3A_970 : memref<1x40xi32, #tpu.memory_space<vmem>> -> memref<40xi32, #tpu.memory_space<vmem>>
        %dma_wait3A_972 = arith.constant 0 : i32
        %dma_wait3A_973 = arith.constant 0 : i32
        %dma_wait3A_974 = tpu.memref_slice %arg6[%dma_wait3A_972, %dma_wait3A_973] : memref<10000x128xf32, #tpu.memory_space<vmem_shared>> -> memref<10000x128xf32, #tpu.memory_space<vmem_shared>>
        tpu.wait_indirect_dma semaphore(%run_scoped3A_954 : memref<!tpu.dma_semaphore, #tpu.memory_space<semaphore_mem>>) src(%dma_wait3A_968 : memref<40x128xf32, #tpu.memory_space<vmem>>) dst(%dma_wait3A_974 : memref<10000x128xf32, #tpu.memory_space<vmem_shared>>)
        tpu.yield
      }) : () -> ()
      %mul3A_924 = arith.constant 6 : i32
      %mul3A_925 = arith.muli %add3A_773, %mul3A_924 : i32
      %add3A_926 = arith.constant 5 : i32
      %add3A_927 = arith.addi %mul3A_925, %add3A_926 : i32
      %add3A_928 = arith.constant 0 : i32
      %add3A_929 = arith.addi %add3A_928, %add3A_927 : i32
      %dma_wait3A_930 = arith.constant 0 : i32
      %dma_wait3A_931 = arith.constant 0 : i32
      %dma_wait3A_932 = tpu.memref_slice %arg9[%scan3A_165, %dma_wait3A_930, %dma_wait3A_931] : memref<6x40x128xf32, #tpu.memory_space<vmem>> -> memref<1x40x128xf32, #tpu.memory_space<vmem>>
      %dma_wait3A_933 = tpu.memref_squeeze %dma_wait3A_932 : memref<1x40x128xf32, #tpu.memory_space<vmem>> -> memref<40x128xf32, #tpu.memory_space<vmem>>
      %dma_wait3A_934 = arith.constant 0 : i32
      %dma_wait3A_935 = tpu.memref_slice %arg7[%add3A_929, %dma_wait3A_934] : memref<250x40xi32, #tpu.memory_space<vmem>> -> memref<1x40xi32, #tpu.memory_space<vmem>>
      %dma_wait3A_936 = tpu.memref_squeeze %dma_wait3A_935 : memref<1x40xi32, #tpu.memory_space<vmem>> -> memref<40xi32, #tpu.memory_space<vmem>>
      %dma_wait3A_937 = arith.constant 0 : i32
      %dma_wait3A_938 = arith.constant 0 : i32
      %dma_wait3A_939 = tpu.memref_slice %arg2[%dma_wait3A_937, %dma_wait3A_938] : memref<10000x128xf32, #tpu.memory_space<hbm>> -> memref<10000x128xf32, #tpu.memory_space<hbm>>
      tpu.wait_indirect_dma semaphore(%arg15 : memref<!tpu.dma_semaphore, #tpu.memory_space<semaphore_mem>>) src(%dma_wait3A_939 : memref<10000x128xf32, #tpu.memory_space<hbm>>) dst(%dma_wait3A_933 : memref<40x128xf32, #tpu.memory_space<vmem>>)
      %add3A_940 = arith.constant 6 : i32
      %add3A_941 = arith.addi %add3A_929, %add3A_940 : i32
      %sub3A_942 = arith.constant 1 : i32
      %sub3A_943 = arith.subi %add3A_941, %sub3A_942 : i32
      %dma_start3A_944 = arith.constant 0 : i32
      %dma_start3A_945 = arith.constant 0 : i32
      %dma_start3A_946 = tpu.memref_slice %arg9[%scan3A_169, %dma_start3A_944, %dma_start3A_945] : memref<6x40x128xf32, #tpu.memory_space<vmem>> -> memref<1x40x128xf32, #tpu.memory_space<vmem>>
      %dma_start3A_947 = tpu.memref_squeeze %dma_start3A_946 : memref<1x40x128xf32, #tpu.memory_space<vmem>> -> memref<40x128xf32, #tpu.memory_space<vmem>>
      %dma_start3A_948 = arith.constant 0 : i32
      %dma_start3A_949 = tpu.memref_slice %arg7[%sub3A_943, %dma_start3A_948] : memref<250x40xi32, #tpu.memory_space<vmem>> -> memref<1x40xi32, #tpu.memory_space<vmem>>
      %dma_start3A_950 = tpu.memref_squeeze %dma_start3A_949 : memref<1x40xi32, #tpu.memory_space<vmem>> -> memref<40xi32, #tpu.memory_space<vmem>>
      %dma_start3A_951 = arith.constant 0 : i32
      %dma_start3A_952 = arith.constant 0 : i32
      %dma_start3A_953 = tpu.memref_slice %arg2[%dma_start3A_951, %dma_start3A_952] : memref<10000x128xf32, #tpu.memory_space<hbm>> -> memref<10000x128xf32, #tpu.memory_space<hbm>>
      tpu.enqueue_indirect_dma source(%dma_start3A_953 : memref<10000x128xf32, #tpu.memory_space<hbm>>) target(%dma_start3A_947 : memref<40x128xf32, #tpu.memory_space<vmem>>) offsets(%dma_start3A_950 : memref<40xi32, #tpu.memory_space<vmem>>) semaphore(%arg14 : memref<!tpu.dma_semaphore, #tpu.memory_space<semaphore_mem>>)
      "tpu.region"() ({
        %run_scoped3A_954 = tpu.sem_alloc : memref<!tpu.dma_semaphore, #tpu.memory_space<semaphore_mem>>
        %dma_start3A_955 = arith.constant 0 : i32
        %dma_start3A_956 = arith.constant 0 : i32
        %dma_start3A_957 = tpu.memref_slice %arg9[%scan3A_165, %dma_start3A_955, %dma_start3A_956] : memref<6x40x128xf32, #tpu.memory_space<vmem>> -> memref<1x40x128xf32, #tpu.memory_space<vmem>>
        %dma_start3A_958 = tpu.memref_squeeze %dma_start3A_957 : memref<1x40x128xf32, #tpu.memory_space<vmem>> -> memref<40x128xf32, #tpu.memory_space<vmem>>
        %dma_start3A_959 = arith.constant 0 : i32
        %dma_start3A_960 = tpu.memref_slice %arg8[%add3A_927, %dma_start3A_959] : memref<125x40xi32, #tpu.memory_space<vmem>> -> memref<1x40xi32, #tpu.memory_space<vmem>>
        %dma_start3A_961 = tpu.memref_squeeze %dma_start3A_960 : memref<1x40xi32, #tpu.memory_space<vmem>> -> memref<40xi32, #tpu.memory_space<vmem>>
        %dma_start3A_962 = arith.constant 0 : i32
        %dma_start3A_963 = arith.constant 0 : i32
        %dma_start3A_964 = tpu.memref_slice %arg6[%dma_start3A_962, %dma_start3A_963] : memref<10000x128xf32, #tpu.memory_space<vmem_shared>> -> memref<10000x128xf32, #tpu.memory_space<vmem_shared>>
        tpu.enqueue_indirect_dma source(%dma_start3A_958 : memref<40x128xf32, #tpu.memory_space<vmem>>) target(%dma_start3A_964 : memref<10000x128xf32, #tpu.memory_space<vmem_shared>>) offsets(%dma_start3A_961 : memref<40xi32, #tpu.memory_space<vmem>>) semaphore(%run_scoped3A_954 : memref<!tpu.dma_semaphore, #tpu.memory_space<semaphore_mem>>) {add = true}
        %dma_wait3A_965 = arith.constant 0 : i32
        %dma_wait3A_966 = arith.constant 0 : i32
        %dma_wait3A_967 = tpu.memref_slice %arg9[%scan3A_165, %dma_wait3A_965, %dma_wait3A_966] : memref<6x40x128xf32, #tpu.memory_space<vmem>> -> memref<1x40x128xf32, #tpu.memory_space<vmem>>
        %dma_wait3A_968 = tpu.memref_squeeze %dma_wait3A_967 : memref<1x40x128xf32, #tpu.memory_space<vmem>> -> memref<40x128xf32, #tpu.memory_space<vmem>>
        %dma_wait3A_969 = arith.constant 0 : i32
        %dma_wait3A_970 = tpu.memref_slice %arg8[%add3A_927, %dma_wait3A_969] : memref<125x40xi32, #tpu.memory_space<vmem>> -> memref<1x40xi32, #tpu.memory_space<vmem>>
        %dma_wait3A_971 = tpu.memref_squeeze %dma_wait3A_970 : memref<1x40xi32, #tpu.memory_space<vmem>> -> memref<40xi32, #tpu.memory_space<vmem>>
        %dma_wait3A_972 = arith.constant 0 : i32
        %dma_wait3A_973 = arith.constant 0 : i32
        %dma_wait3A_974 = tpu.memref_slice %arg6[%dma_wait3A_972, %dma_wait3A_973] : memref<10000x128xf32, #tpu.memory_space<vmem_shared>> -> memref<10000x128xf32, #tpu.memory_space<vmem_shared>>
        tpu.wait_indirect_dma semaphore(%run_scoped3A_954 : memref<!tpu.dma_semaphore, #tpu.memory_space<semaphore_mem>>) src(%dma_wait3A_968 : memref<40x128xf32, #tpu.memory_space<vmem>>) dst(%dma_wait3A_974 : memref<10000x128xf32, #tpu.memory_space<vmem_shared>>)
        tpu.yield
      }) : () -> ()
    }
    %scan3A_174 = arith.constant 19 : i32
    %dma_wait3A_175 = arith.constant 114 : i32
    %dma_wait3A_176 = arith.constant 0 : i32
    %dma_wait3A_177 = arith.constant 0 : i32
    %dma_wait3A_178 = arith.constant 0 : i32
    %dma_wait3A_179 = tpu.memref_slice %arg9[%dma_wait3A_176, %dma_wait3A_177, %dma_wait3A_178] : memref<6x40x128xf32, #tpu.memory_space<vmem>> -> memref<1x40x128xf32, #tpu.memory_space<vmem>>
    %dma_wait3A_180 = tpu.memref_squeeze %dma_wait3A_179 : memref<1x40x128xf32, #tpu.memory_space<vmem>> -> memref<40x128xf32, #tpu.memory_space<vmem>>
    %dma_wait3A_181 = arith.constant 0 : i32
    %dma_wait3A_182 = tpu.memref_slice %arg7[%dma_wait3A_175, %dma_wait3A_181] : memref<250x40xi32, #tpu.memory_space<vmem>> -> memref<1x40xi32, #tpu.memory_space<vmem>>
    %dma_wait3A_183 = tpu.memref_squeeze %dma_wait3A_182 : memref<1x40xi32, #tpu.memory_space<vmem>> -> memref<40xi32, #tpu.memory_space<vmem>>
    %dma_wait3A_184 = arith.constant 0 : i32
    %dma_wait3A_185 = arith.constant 0 : i32
    %dma_wait3A_186 = tpu.memref_slice %arg2[%dma_wait3A_184, %dma_wait3A_185] : memref<10000x128xf32, #tpu.memory_space<hbm>> -> memref<10000x128xf32, #tpu.memory_space<hbm>>
    tpu.wait_indirect_dma semaphore(%arg10 : memref<!tpu.dma_semaphore, #tpu.memory_space<semaphore_mem>>) src(%dma_wait3A_186 : memref<10000x128xf32, #tpu.memory_space<hbm>>) dst(%dma_wait3A_180 : memref<40x128xf32, #tpu.memory_space<vmem>>)
    %dma_start3A_187 = arith.constant 119 : i32
    %dma_start3A_188 = arith.constant 5 : i32
    %dma_start3A_189 = arith.constant 0 : i32
    %dma_start3A_190 = arith.constant 0 : i32
    %dma_start3A_191 = tpu.memref_slice %arg9[%dma_start3A_188, %dma_start3A_189, %dma_start3A_190] : memref<6x40x128xf32, #tpu.memory_space<vmem>> -> memref<1x40x128xf32, #tpu.memory_space<vmem>>
    %dma_start3A_192 = tpu.memref_squeeze %dma_start3A_191 : memref<1x40x128xf32, #tpu.memory_space<vmem>> -> memref<40x128xf32, #tpu.memory_space<vmem>>
    %dma_start3A_193 = arith.constant 0 : i32
    %dma_start3A_194 = tpu.memref_slice %arg7[%dma_start3A_187, %dma_start3A_193] : memref<250x40xi32, #tpu.memory_space<vmem>> -> memref<1x40xi32, #tpu.memory_space<vmem>>
    %dma_start3A_195 = tpu.memref_squeeze %dma_start3A_194 : memref<1x40xi32, #tpu.memory_space<vmem>> -> memref<40xi32, #tpu.memory_space<vmem>>
    %dma_start3A_196 = arith.constant 0 : i32
    %dma_start3A_197 = arith.constant 0 : i32
    %dma_start3A_198 = tpu.memref_slice %arg2[%dma_start3A_196, %dma_start3A_197] : memref<10000x128xf32, #tpu.memory_space<hbm>> -> memref<10000x128xf32, #tpu.memory_space<hbm>>
    tpu.enqueue_indirect_dma source(%dma_start3A_198 : memref<10000x128xf32, #tpu.memory_space<hbm>>) target(%dma_start3A_192 : memref<40x128xf32, #tpu.memory_space<vmem>>) offsets(%dma_start3A_195 : memref<40xi32, #tpu.memory_space<vmem>>) semaphore(%arg15 : memref<!tpu.dma_semaphore, #tpu.memory_space<semaphore_mem>>)
    %run_scoped3A_199 = arith.constant 0 : i32
    %run_scoped3A_200 = arith.constant 114 : i32
    "tpu.region"() ({
      %run_scoped3A_769 = tpu.sem_alloc : memref<!tpu.dma_semaphore, #tpu.memory_space<semaphore_mem>>
      %dma_start3A_770 = arith.constant 0 : i32
      %dma_start3A_771 = arith.constant 0 : i32
      %dma_start3A_772 = tpu.memref_slice %arg9[%run_scoped3A_199, %dma_start3A_770, %dma_start3A_771] : memref<6x40x128xf32, #tpu.memory_space<vmem>> -> memref<1x40x128xf32, #tpu.memory_space<vmem>>
      %dma_start3A_773 = tpu.memref_squeeze %dma_start3A_772 : memref<1x40x128xf32, #tpu.memory_space<vmem>> -> memref<40x128xf32, #tpu.memory_space<vmem>>
      %dma_start3A_774 = arith.constant 0 : i32
      %dma_start3A_775 = tpu.memref_slice %arg8[%run_scoped3A_200, %dma_start3A_774] : memref<125x40xi32, #tpu.memory_space<vmem>> -> memref<1x40xi32, #tpu.memory_space<vmem>>
      %dma_start3A_776 = tpu.memref_squeeze %dma_start3A_775 : memref<1x40xi32, #tpu.memory_space<vmem>> -> memref<40xi32, #tpu.memory_space<vmem>>
      %dma_start3A_777 = arith.constant 0 : i32
      %dma_start3A_778 = arith.constant 0 : i32
      %dma_start3A_779 = tpu.memref_slice %arg6[%dma_start3A_777, %dma_start3A_778] : memref<10000x128xf32, #tpu.memory_space<vmem_shared>> -> memref<10000x128xf32, #tpu.memory_space<vmem_shared>>
      tpu.enqueue_indirect_dma source(%dma_start3A_773 : memref<40x128xf32, #tpu.memory_space<vmem>>) target(%dma_start3A_779 : memref<10000x128xf32, #tpu.memory_space<vmem_shared>>) offsets(%dma_start3A_776 : memref<40xi32, #tpu.memory_space<vmem>>) semaphore(%run_scoped3A_769 : memref<!tpu.dma_semaphore, #tpu.memory_space<semaphore_mem>>) {add = true}
      %dma_wait3A_780 = arith.constant 0 : i32
      %dma_wait3A_781 = arith.constant 0 : i32
      %dma_wait3A_782 = tpu.memref_slice %arg9[%run_scoped3A_199, %dma_wait3A_780, %dma_wait3A_781] : memref<6x40x128xf32, #tpu.memory_space<vmem>> -> memref<1x40x128xf32, #tpu.memory_space<vmem>>
      %dma_wait3A_783 = tpu.memref_squeeze %dma_wait3A_782 : memref<1x40x128xf32, #tpu.memory_space<vmem>> -> memref<40x128xf32, #tpu.memory_space<vmem>>
      %dma_wait3A_784 = arith.constant 0 : i32
      %dma_wait3A_785 = tpu.memref_slice %arg8[%run_scoped3A_200, %dma_wait3A_784] : memref<125x40xi32, #tpu.memory_space<vmem>> -> memref<1x40xi32, #tpu.memory_space<vmem>>
      %dma_wait3A_786 = tpu.memref_squeeze %dma_wait3A_785 : memref<1x40xi32, #tpu.memory_space<vmem>> -> memref<40xi32, #tpu.memory_space<vmem>>
      %dma_wait3A_787 = arith.constant 0 : i32
      %dma_wait3A_788 = arith.constant 0 : i32
      %dma_wait3A_789 = tpu.memref_slice %arg6[%dma_wait3A_787, %dma_wait3A_788] : memref<10000x128xf32, #tpu.memory_space<vmem_shared>> -> memref<10000x128xf32, #tpu.memory_space<vmem_shared>>
      tpu.wait_indirect_dma semaphore(%run_scoped3A_769 : memref<!tpu.dma_semaphore, #tpu.memory_space<semaphore_mem>>) src(%dma_wait3A_783 : memref<40x128xf32, #tpu.memory_space<vmem>>) dst(%dma_wait3A_789 : memref<10000x128xf32, #tpu.memory_space<vmem_shared>>)
      tpu.yield
    }) : () -> ()
    %dma_wait3A_201 = arith.constant 115 : i32
    %dma_wait3A_202 = arith.constant 1 : i32
    %dma_wait3A_203 = arith.constant 0 : i32
    %dma_wait3A_204 = arith.constant 0 : i32
    %dma_wait3A_205 = tpu.memref_slice %arg9[%dma_wait3A_202, %dma_wait3A_203, %dma_wait3A_204] : memref<6x40x128xf32, #tpu.memory_space<vmem>> -> memref<1x40x128xf32, #tpu.memory_space<vmem>>
    %dma_wait3A_206 = tpu.memref_squeeze %dma_wait3A_205 : memref<1x40x128xf32, #tpu.memory_space<vmem>> -> memref<40x128xf32, #tpu.memory_space<vmem>>
    %dma_wait3A_207 = arith.constant 0 : i32
    %dma_wait3A_208 = tpu.memref_slice %arg7[%dma_wait3A_201, %dma_wait3A_207] : memref<250x40xi32, #tpu.memory_space<vmem>> -> memref<1x40xi32, #tpu.memory_space<vmem>>
    %dma_wait3A_209 = tpu.memref_squeeze %dma_wait3A_208 : memref<1x40xi32, #tpu.memory_space<vmem>> -> memref<40xi32, #tpu.memory_space<vmem>>
    %dma_wait3A_210 = arith.constant 0 : i32
    %dma_wait3A_211 = arith.constant 0 : i32
    %dma_wait3A_212 = tpu.memref_slice %arg2[%dma_wait3A_210, %dma_wait3A_211] : memref<10000x128xf32, #tpu.memory_space<hbm>> -> memref<10000x128xf32, #tpu.memory_space<hbm>>
    tpu.wait_indirect_dma semaphore(%arg11 : memref<!tpu.dma_semaphore, #tpu.memory_space<semaphore_mem>>) src(%dma_wait3A_212 : memref<10000x128xf32, #tpu.memory_space<hbm>>) dst(%dma_wait3A_206 : memref<40x128xf32, #tpu.memory_space<vmem>>)
    %dma_start3A_213 = arith.constant 120 : i32
    %dma_start3A_214 = arith.constant 0 : i32
    %dma_start3A_215 = arith.constant 0 : i32
    %dma_start3A_216 = arith.constant 0 : i32
    %dma_start3A_217 = tpu.memref_slice %arg9[%dma_start3A_214, %dma_start3A_215, %dma_start3A_216] : memref<6x40x128xf32, #tpu.memory_space<vmem>> -> memref<1x40x128xf32, #tpu.memory_space<vmem>>
    %dma_start3A_218 = tpu.memref_squeeze %dma_start3A_217 : memref<1x40x128xf32, #tpu.memory_space<vmem>> -> memref<40x128xf32, #tpu.memory_space<vmem>>
    %dma_start3A_219 = arith.constant 0 : i32
    %dma_start3A_220 = tpu.memref_slice %arg7[%dma_start3A_213, %dma_start3A_219] : memref<250x40xi32, #tpu.memory_space<vmem>> -> memref<1x40xi32, #tpu.memory_space<vmem>>
    %dma_start3A_221 = tpu.memref_squeeze %dma_start3A_220 : memref<1x40xi32, #tpu.memory_space<vmem>> -> memref<40xi32, #tpu.memory_space<vmem>>
    %dma_start3A_222 = arith.constant 0 : i32
    %dma_start3A_223 = arith.constant 0 : i32
    %dma_start3A_224 = tpu.memref_slice %arg2[%dma_start3A_222, %dma_start3A_223] : memref<10000x128xf32, #tpu.memory_space<hbm>> -> memref<10000x128xf32, #tpu.memory_space<hbm>>
    tpu.enqueue_indirect_dma source(%dma_start3A_224 : memref<10000x128xf32, #tpu.memory_space<hbm>>) target(%dma_start3A_218 : memref<40x128xf32, #tpu.memory_space<vmem>>) offsets(%dma_start3A_221 : memref<40xi32, #tpu.memory_space<vmem>>) semaphore(%arg10 : memref<!tpu.dma_semaphore, #tpu.memory_space<semaphore_mem>>)
    %run_scoped3A_225 = arith.constant 1 : i32
    %run_scoped3A_226 = arith.constant 115 : i32
    "tpu.region"() ({
      %run_scoped3A_769 = tpu.sem_alloc : memref<!tpu.dma_semaphore, #tpu.memory_space<semaphore_mem>>
      %dma_start3A_770 = arith.constant 0 : i32
      %dma_start3A_771 = arith.constant 0 : i32
      %dma_start3A_772 = tpu.memref_slice %arg9[%run_scoped3A_225, %dma_start3A_770, %dma_start3A_771] : memref<6x40x128xf32, #tpu.memory_space<vmem>> -> memref<1x40x128xf32, #tpu.memory_space<vmem>>
      %dma_start3A_773 = tpu.memref_squeeze %dma_start3A_772 : memref<1x40x128xf32, #tpu.memory_space<vmem>> -> memref<40x128xf32, #tpu.memory_space<vmem>>
      %dma_start3A_774 = arith.constant 0 : i32
      %dma_start3A_775 = tpu.memref_slice %arg8[%run_scoped3A_226, %dma_start3A_774] : memref<125x40xi32, #tpu.memory_space<vmem>> -> memref<1x40xi32, #tpu.memory_space<vmem>>
      %dma_start3A_776 = tpu.memref_squeeze %dma_start3A_775 : memref<1x40xi32, #tpu.memory_space<vmem>> -> memref<40xi32, #tpu.memory_space<vmem>>
      %dma_start3A_777 = arith.constant 0 : i32
      %dma_start3A_778 = arith.constant 0 : i32
      %dma_start3A_779 = tpu.memref_slice %arg6[%dma_start3A_777, %dma_start3A_778] : memref<10000x128xf32, #tpu.memory_space<vmem_shared>> -> memref<10000x128xf32, #tpu.memory_space<vmem_shared>>
      tpu.enqueue_indirect_dma source(%dma_start3A_773 : memref<40x128xf32, #tpu.memory_space<vmem>>) target(%dma_start3A_779 : memref<10000x128xf32, #tpu.memory_space<vmem_shared>>) offsets(%dma_start3A_776 : memref<40xi32, #tpu.memory_space<vmem>>) semaphore(%run_scoped3A_769 : memref<!tpu.dma_semaphore, #tpu.memory_space<semaphore_mem>>) {add = true}
      %dma_wait3A_780 = arith.constant 0 : i32
      %dma_wait3A_781 = arith.constant 0 : i32
      %dma_wait3A_782 = tpu.memref_slice %arg9[%run_scoped3A_225, %dma_wait3A_780, %dma_wait3A_781] : memref<6x40x128xf32, #tpu.memory_space<vmem>> -> memref<1x40x128xf32, #tpu.memory_space<vmem>>
      %dma_wait3A_783 = tpu.memref_squeeze %dma_wait3A_782 : memref<1x40x128xf32, #tpu.memory_space<vmem>> -> memref<40x128xf32, #tpu.memory_space<vmem>>
      %dma_wait3A_784 = arith.constant 0 : i32
      %dma_wait3A_785 = tpu.memref_slice %arg8[%run_scoped3A_226, %dma_wait3A_784] : memref<125x40xi32, #tpu.memory_space<vmem>> -> memref<1x40xi32, #tpu.memory_space<vmem>>
      %dma_wait3A_786 = tpu.memref_squeeze %dma_wait3A_785 : memref<1x40xi32, #tpu.memory_space<vmem>> -> memref<40xi32, #tpu.memory_space<vmem>>
      %dma_wait3A_787 = arith.constant 0 : i32
      %dma_wait3A_788 = arith.constant 0 : i32
      %dma_wait3A_789 = tpu.memref_slice %arg6[%dma_wait3A_787, %dma_wait3A_788] : memref<10000x128xf32, #tpu.memory_space<vmem_shared>> -> memref<10000x128xf32, #tpu.memory_space<vmem_shared>>
      tpu.wait_indirect_dma semaphore(%run_scoped3A_769 : memref<!tpu.dma_semaphore, #tpu.memory_space<semaphore_mem>>) src(%dma_wait3A_783 : memref<40x128xf32, #tpu.memory_space<vmem>>) dst(%dma_wait3A_789 : memref<10000x128xf32, #tpu.memory_space<vmem_shared>>)
      tpu.yield
    }) : () -> ()
    %dma_wait3A_227 = arith.constant 116 : i32
    %dma_wait3A_228 = arith.constant 2 : i32
    %dma_wait3A_229 = arith.constant 0 : i32
    %dma_wait3A_230 = arith.constant 0 : i32
    %dma_wait3A_231 = tpu.memref_slice %arg9[%dma_wait3A_228, %dma_wait3A_229, %dma_wait3A_230] : memref<6x40x128xf32, #tpu.memory_space<vmem>> -> memref<1x40x128xf32, #tpu.memory_space<vmem>>
    %dma_wait3A_232 = tpu.memref_squeeze %dma_wait3A_231 : memref<1x40x128xf32, #tpu.memory_space<vmem>> -> memref<40x128xf32, #tpu.memory_space<vmem>>
    %dma_wait3A_233 = arith.constant 0 : i32
    %dma_wait3A_234 = tpu.memref_slice %arg7[%dma_wait3A_227, %dma_wait3A_233] : memref<250x40xi32, #tpu.memory_space<vmem>> -> memref<1x40xi32, #tpu.memory_space<vmem>>
    %dma_wait3A_235 = tpu.memref_squeeze %dma_wait3A_234 : memref<1x40xi32, #tpu.memory_space<vmem>> -> memref<40xi32, #tpu.memory_space<vmem>>
    %dma_wait3A_236 = arith.constant 0 : i32
    %dma_wait3A_237 = arith.constant 0 : i32
    %dma_wait3A_238 = tpu.memref_slice %arg2[%dma_wait3A_236, %dma_wait3A_237] : memref<10000x128xf32, #tpu.memory_space<hbm>> -> memref<10000x128xf32, #tpu.memory_space<hbm>>
    tpu.wait_indirect_dma semaphore(%arg12 : memref<!tpu.dma_semaphore, #tpu.memory_space<semaphore_mem>>) src(%dma_wait3A_238 : memref<10000x128xf32, #tpu.memory_space<hbm>>) dst(%dma_wait3A_232 : memref<40x128xf32, #tpu.memory_space<vmem>>)
    %dma_start3A_239 = arith.constant 121 : i32
    %dma_start3A_240 = arith.constant 1 : i32
    %dma_start3A_241 = arith.constant 0 : i32
    %dma_start3A_242 = arith.constant 0 : i32
    %dma_start3A_243 = tpu.memref_slice %arg9[%dma_start3A_240, %dma_start3A_241, %dma_start3A_242] : memref<6x40x128xf32, #tpu.memory_space<vmem>> -> memref<1x40x128xf32, #tpu.memory_space<vmem>>
    %dma_start3A_244 = tpu.memref_squeeze %dma_start3A_243 : memref<1x40x128xf32, #tpu.memory_space<vmem>> -> memref<40x128xf32, #tpu.memory_space<vmem>>
    %dma_start3A_245 = arith.constant 0 : i32
    %dma_start3A_246 = tpu.memref_slice %arg7[%dma_start3A_239, %dma_start3A_245] : memref<250x40xi32, #tpu.memory_space<vmem>> -> memref<1x40xi32, #tpu.memory_space<vmem>>
    %dma_start3A_247 = tpu.memref_squeeze %dma_start3A_246 : memref<1x40xi32, #tpu.memory_space<vmem>> -> memref<40xi32, #tpu.memory_space<vmem>>
    %dma_start3A_248 = arith.constant 0 : i32
    %dma_start3A_249 = arith.constant 0 : i32
    %dma_start3A_250 = tpu.memref_slice %arg2[%dma_start3A_248, %dma_start3A_249] : memref<10000x128xf32, #tpu.memory_space<hbm>> -> memref<10000x128xf32, #tpu.memory_space<hbm>>
    tpu.enqueue_indirect_dma source(%dma_start3A_250 : memref<10000x128xf32, #tpu.memory_space<hbm>>) target(%dma_start3A_244 : memref<40x128xf32, #tpu.memory_space<vmem>>) offsets(%dma_start3A_247 : memref<40xi32, #tpu.memory_space<vmem>>) semaphore(%arg11 : memref<!tpu.dma_semaphore, #tpu.memory_space<semaphore_mem>>)
    %run_scoped3A_251 = arith.constant 2 : i32
    %run_scoped3A_252 = arith.constant 116 : i32
    "tpu.region"() ({
      %run_scoped3A_769 = tpu.sem_alloc : memref<!tpu.dma_semaphore, #tpu.memory_space<semaphore_mem>>
      %dma_start3A_770 = arith.constant 0 : i32
      %dma_start3A_771 = arith.constant 0 : i32
      %dma_start3A_772 = tpu.memref_slice %arg9[%run_scoped3A_251, %dma_start3A_770, %dma_start3A_771] : memref<6x40x128xf32, #tpu.memory_space<vmem>> -> memref<1x40x128xf32, #tpu.memory_space<vmem>>
      %dma_start3A_773 = tpu.memref_squeeze %dma_start3A_772 : memref<1x40x128xf32, #tpu.memory_space<vmem>> -> memref<40x128xf32, #tpu.memory_space<vmem>>
      %dma_start3A_774 = arith.constant 0 : i32
      %dma_start3A_775 = tpu.memref_slice %arg8[%run_scoped3A_252, %dma_start3A_774] : memref<125x40xi32, #tpu.memory_space<vmem>> -> memref<1x40xi32, #tpu.memory_space<vmem>>
      %dma_start3A_776 = tpu.memref_squeeze %dma_start3A_775 : memref<1x40xi32, #tpu.memory_space<vmem>> -> memref<40xi32, #tpu.memory_space<vmem>>
      %dma_start3A_777 = arith.constant 0 : i32
      %dma_start3A_778 = arith.constant 0 : i32
      %dma_start3A_779 = tpu.memref_slice %arg6[%dma_start3A_777, %dma_start3A_778] : memref<10000x128xf32, #tpu.memory_space<vmem_shared>> -> memref<10000x128xf32, #tpu.memory_space<vmem_shared>>
      tpu.enqueue_indirect_dma source(%dma_start3A_773 : memref<40x128xf32, #tpu.memory_space<vmem>>) target(%dma_start3A_779 : memref<10000x128xf32, #tpu.memory_space<vmem_shared>>) offsets(%dma_start3A_776 : memref<40xi32, #tpu.memory_space<vmem>>) semaphore(%run_scoped3A_769 : memref<!tpu.dma_semaphore, #tpu.memory_space<semaphore_mem>>) {add = true}
      %dma_wait3A_780 = arith.constant 0 : i32
      %dma_wait3A_781 = arith.constant 0 : i32
      %dma_wait3A_782 = tpu.memref_slice %arg9[%run_scoped3A_251, %dma_wait3A_780, %dma_wait3A_781] : memref<6x40x128xf32, #tpu.memory_space<vmem>> -> memref<1x40x128xf32, #tpu.memory_space<vmem>>
      %dma_wait3A_783 = tpu.memref_squeeze %dma_wait3A_782 : memref<1x40x128xf32, #tpu.memory_space<vmem>> -> memref<40x128xf32, #tpu.memory_space<vmem>>
      %dma_wait3A_784 = arith.constant 0 : i32
      %dma_wait3A_785 = tpu.memref_slice %arg8[%run_scoped3A_252, %dma_wait3A_784] : memref<125x40xi32, #tpu.memory_space<vmem>> -> memref<1x40xi32, #tpu.memory_space<vmem>>
      %dma_wait3A_786 = tpu.memref_squeeze %dma_wait3A_785 : memref<1x40xi32, #tpu.memory_space<vmem>> -> memref<40xi32, #tpu.memory_space<vmem>>
      %dma_wait3A_787 = arith.constant 0 : i32
      %dma_wait3A_788 = arith.constant 0 : i32
      %dma_wait3A_789 = tpu.memref_slice %arg6[%dma_wait3A_787, %dma_wait3A_788] : memref<10000x128xf32, #tpu.memory_space<vmem_shared>> -> memref<10000x128xf32, #tpu.memory_space<vmem_shared>>
      tpu.wait_indirect_dma semaphore(%run_scoped3A_769 : memref<!tpu.dma_semaphore, #tpu.memory_space<semaphore_mem>>) src(%dma_wait3A_783 : memref<40x128xf32, #tpu.memory_space<vmem>>) dst(%dma_wait3A_789 : memref<10000x128xf32, #tpu.memory_space<vmem_shared>>)
      tpu.yield
    }) : () -> ()
    %dma_wait3A_253 = arith.constant 117 : i32
    %dma_wait3A_254 = arith.constant 3 : i32
    %dma_wait3A_255 = arith.constant 0 : i32
    %dma_wait3A_256 = arith.constant 0 : i32
    %dma_wait3A_257 = tpu.memref_slice %arg9[%dma_wait3A_254, %dma_wait3A_255, %dma_wait3A_256] : memref<6x40x128xf32, #tpu.memory_space<vmem>> -> memref<1x40x128xf32, #tpu.memory_space<vmem>>
    %dma_wait3A_258 = tpu.memref_squeeze %dma_wait3A_257 : memref<1x40x128xf32, #tpu.memory_space<vmem>> -> memref<40x128xf32, #tpu.memory_space<vmem>>
    %dma_wait3A_259 = arith.constant 0 : i32
    %dma_wait3A_260 = tpu.memref_slice %arg7[%dma_wait3A_253, %dma_wait3A_259] : memref<250x40xi32, #tpu.memory_space<vmem>> -> memref<1x40xi32, #tpu.memory_space<vmem>>
    %dma_wait3A_261 = tpu.memref_squeeze %dma_wait3A_260 : memref<1x40xi32, #tpu.memory_space<vmem>> -> memref<40xi32, #tpu.memory_space<vmem>>
    %dma_wait3A_262 = arith.constant 0 : i32
    %dma_wait3A_263 = arith.constant 0 : i32
    %dma_wait3A_264 = tpu.memref_slice %arg2[%dma_wait3A_262, %dma_wait3A_263] : memref<10000x128xf32, #tpu.memory_space<hbm>> -> memref<10000x128xf32, #tpu.memory_space<hbm>>
    tpu.wait_indirect_dma semaphore(%arg13 : memref<!tpu.dma_semaphore, #tpu.memory_space<semaphore_mem>>) src(%dma_wait3A_264 : memref<10000x128xf32, #tpu.memory_space<hbm>>) dst(%dma_wait3A_258 : memref<40x128xf32, #tpu.memory_space<vmem>>)
    %dma_start3A_265 = arith.constant 122 : i32
    %dma_start3A_266 = arith.constant 2 : i32
    %dma_start3A_267 = arith.constant 0 : i32
    %dma_start3A_268 = arith.constant 0 : i32
    %dma_start3A_269 = tpu.memref_slice %arg9[%dma_start3A_266, %dma_start3A_267, %dma_start3A_268] : memref<6x40x128xf32, #tpu.memory_space<vmem>> -> memref<1x40x128xf32, #tpu.memory_space<vmem>>
    %dma_start3A_270 = tpu.memref_squeeze %dma_start3A_269 : memref<1x40x128xf32, #tpu.memory_space<vmem>> -> memref<40x128xf32, #tpu.memory_space<vmem>>
    %dma_start3A_271 = arith.constant 0 : i32
    %dma_start3A_272 = tpu.memref_slice %arg7[%dma_start3A_265, %dma_start3A_271] : memref<250x40xi32, #tpu.memory_space<vmem>> -> memref<1x40xi32, #tpu.memory_space<vmem>>
    %dma_start3A_273 = tpu.memref_squeeze %dma_start3A_272 : memref<1x40xi32, #tpu.memory_space<vmem>> -> memref<40xi32, #tpu.memory_space<vmem>>
    %dma_start3A_274 = arith.constant 0 : i32
    %dma_start3A_275 = arith.constant 0 : i32
    %dma_start3A_276 = tpu.memref_slice %arg2[%dma_start3A_274, %dma_start3A_275] : memref<10000x128xf32, #tpu.memory_space<hbm>> -> memref<10000x128xf32, #tpu.memory_space<hbm>>
    tpu.enqueue_indirect_dma source(%dma_start3A_276 : memref<10000x128xf32, #tpu.memory_space<hbm>>) target(%dma_start3A_270 : memref<40x128xf32, #tpu.memory_space<vmem>>) offsets(%dma_start3A_273 : memref<40xi32, #tpu.memory_space<vmem>>) semaphore(%arg12 : memref<!tpu.dma_semaphore, #tpu.memory_space<semaphore_mem>>)
    %run_scoped3A_277 = arith.constant 3 : i32
    %run_scoped3A_278 = arith.constant 117 : i32
    "tpu.region"() ({
      %run_scoped3A_769 = tpu.sem_alloc : memref<!tpu.dma_semaphore, #tpu.memory_space<semaphore_mem>>
      %dma_start3A_770 = arith.constant 0 : i32
      %dma_start3A_771 = arith.constant 0 : i32
      %dma_start3A_772 = tpu.memref_slice %arg9[%run_scoped3A_277, %dma_start3A_770, %dma_start3A_771] : memref<6x40x128xf32, #tpu.memory_space<vmem>> -> memref<1x40x128xf32, #tpu.memory_space<vmem>>
      %dma_start3A_773 = tpu.memref_squeeze %dma_start3A_772 : memref<1x40x128xf32, #tpu.memory_space<vmem>> -> memref<40x128xf32, #tpu.memory_space<vmem>>
      %dma_start3A_774 = arith.constant 0 : i32
      %dma_start3A_775 = tpu.memref_slice %arg8[%run_scoped3A_278, %dma_start3A_774] : memref<125x40xi32, #tpu.memory_space<vmem>> -> memref<1x40xi32, #tpu.memory_space<vmem>>
      %dma_start3A_776 = tpu.memref_squeeze %dma_start3A_775 : memref<1x40xi32, #tpu.memory_space<vmem>> -> memref<40xi32, #tpu.memory_space<vmem>>
      %dma_start3A_777 = arith.constant 0 : i32
      %dma_start3A_778 = arith.constant 0 : i32
      %dma_start3A_779 = tpu.memref_slice %arg6[%dma_start3A_777, %dma_start3A_778] : memref<10000x128xf32, #tpu.memory_space<vmem_shared>> -> memref<10000x128xf32, #tpu.memory_space<vmem_shared>>
      tpu.enqueue_indirect_dma source(%dma_start3A_773 : memref<40x128xf32, #tpu.memory_space<vmem>>) target(%dma_start3A_779 : memref<10000x128xf32, #tpu.memory_space<vmem_shared>>) offsets(%dma_start3A_776 : memref<40xi32, #tpu.memory_space<vmem>>) semaphore(%run_scoped3A_769 : memref<!tpu.dma_semaphore, #tpu.memory_space<semaphore_mem>>) {add = true}
      %dma_wait3A_780 = arith.constant 0 : i32
      %dma_wait3A_781 = arith.constant 0 : i32
      %dma_wait3A_782 = tpu.memref_slice %arg9[%run_scoped3A_277, %dma_wait3A_780, %dma_wait3A_781] : memref<6x40x128xf32, #tpu.memory_space<vmem>> -> memref<1x40x128xf32, #tpu.memory_space<vmem>>
      %dma_wait3A_783 = tpu.memref_squeeze %dma_wait3A_782 : memref<1x40x128xf32, #tpu.memory_space<vmem>> -> memref<40x128xf32, #tpu.memory_space<vmem>>
      %dma_wait3A_784 = arith.constant 0 : i32
      %dma_wait3A_785 = tpu.memref_slice %arg8[%run_scoped3A_278, %dma_wait3A_784] : memref<125x40xi32, #tpu.memory_space<vmem>> -> memref<1x40xi32, #tpu.memory_space<vmem>>
      %dma_wait3A_786 = tpu.memref_squeeze %dma_wait3A_785 : memref<1x40xi32, #tpu.memory_space<vmem>> -> memref<40xi32, #tpu.memory_space<vmem>>
      %dma_wait3A_787 = arith.constant 0 : i32
      %dma_wait3A_788 = arith.constant 0 : i32
      %dma_wait3A_789 = tpu.memref_slice %arg6[%dma_wait3A_787, %dma_wait3A_788] : memref<10000x128xf32, #tpu.memory_space<vmem_shared>> -> memref<10000x128xf32, #tpu.memory_space<vmem_shared>>
      tpu.wait_indirect_dma semaphore(%run_scoped3A_769 : memref<!tpu.dma_semaphore, #tpu.memory_space<semaphore_mem>>) src(%dma_wait3A_783 : memref<40x128xf32, #tpu.memory_space<vmem>>) dst(%dma_wait3A_789 : memref<10000x128xf32, #tpu.memory_space<vmem_shared>>)
      tpu.yield
    }) : () -> ()
    %dma_wait3A_279 = arith.constant 118 : i32
    %dma_wait3A_280 = arith.constant 4 : i32
    %dma_wait3A_281 = arith.constant 0 : i32
    %dma_wait3A_282 = arith.constant 0 : i32
    %dma_wait3A_283 = tpu.memref_slice %arg9[%dma_wait3A_280, %dma_wait3A_281, %dma_wait3A_282] : memref<6x40x128xf32, #tpu.memory_space<vmem>> -> memref<1x40x128xf32, #tpu.memory_space<vmem>>
    %dma_wait3A_284 = tpu.memref_squeeze %dma_wait3A_283 : memref<1x40x128xf32, #tpu.memory_space<vmem>> -> memref<40x128xf32, #tpu.memory_space<vmem>>
    %dma_wait3A_285 = arith.constant 0 : i32
    %dma_wait3A_286 = tpu.memref_slice %arg7[%dma_wait3A_279, %dma_wait3A_285] : memref<250x40xi32, #tpu.memory_space<vmem>> -> memref<1x40xi32, #tpu.memory_space<vmem>>
    %dma_wait3A_287 = tpu.memref_squeeze %dma_wait3A_286 : memref<1x40xi32, #tpu.memory_space<vmem>> -> memref<40xi32, #tpu.memory_space<vmem>>
    %dma_wait3A_288 = arith.constant 0 : i32
    %dma_wait3A_289 = arith.constant 0 : i32
    %dma_wait3A_290 = tpu.memref_slice %arg2[%dma_wait3A_288, %dma_wait3A_289] : memref<10000x128xf32, #tpu.memory_space<hbm>> -> memref<10000x128xf32, #tpu.memory_space<hbm>>
    tpu.wait_indirect_dma semaphore(%arg14 : memref<!tpu.dma_semaphore, #tpu.memory_space<semaphore_mem>>) src(%dma_wait3A_290 : memref<10000x128xf32, #tpu.memory_space<hbm>>) dst(%dma_wait3A_284 : memref<40x128xf32, #tpu.memory_space<vmem>>)
    %dma_start3A_291 = arith.constant 123 : i32
    %dma_start3A_292 = arith.constant 3 : i32
    %dma_start3A_293 = arith.constant 0 : i32
    %dma_start3A_294 = arith.constant 0 : i32
    %dma_start3A_295 = tpu.memref_slice %arg9[%dma_start3A_292, %dma_start3A_293, %dma_start3A_294] : memref<6x40x128xf32, #tpu.memory_space<vmem>> -> memref<1x40x128xf32, #tpu.memory_space<vmem>>
    %dma_start3A_296 = tpu.memref_squeeze %dma_start3A_295 : memref<1x40x128xf32, #tpu.memory_space<vmem>> -> memref<40x128xf32, #tpu.memory_space<vmem>>
    %dma_start3A_297 = arith.constant 0 : i32
    %dma_start3A_298 = tpu.memref_slice %arg7[%dma_start3A_291, %dma_start3A_297] : memref<250x40xi32, #tpu.memory_space<vmem>> -> memref<1x40xi32, #tpu.memory_space<vmem>>
    %dma_start3A_299 = tpu.memref_squeeze %dma_start3A_298 : memref<1x40xi32, #tpu.memory_space<vmem>> -> memref<40xi32, #tpu.memory_space<vmem>>
    %dma_start3A_300 = arith.constant 0 : i32
    %dma_start3A_301 = arith.constant 0 : i32
    %dma_start3A_302 = tpu.memref_slice %arg2[%dma_start3A_300, %dma_start3A_301] : memref<10000x128xf32, #tpu.memory_space<hbm>> -> memref<10000x128xf32, #tpu.memory_space<hbm>>
    tpu.enqueue_indirect_dma source(%dma_start3A_302 : memref<10000x128xf32, #tpu.memory_space<hbm>>) target(%dma_start3A_296 : memref<40x128xf32, #tpu.memory_space<vmem>>) offsets(%dma_start3A_299 : memref<40xi32, #tpu.memory_space<vmem>>) semaphore(%arg13 : memref<!tpu.dma_semaphore, #tpu.memory_space<semaphore_mem>>)
    %run_scoped3A_303 = arith.constant 4 : i32
    %run_scoped3A_304 = arith.constant 118 : i32
    "tpu.region"() ({
      %run_scoped3A_769 = tpu.sem_alloc : memref<!tpu.dma_semaphore, #tpu.memory_space<semaphore_mem>>
      %dma_start3A_770 = arith.constant 0 : i32
      %dma_start3A_771 = arith.constant 0 : i32
      %dma_start3A_772 = tpu.memref_slice %arg9[%run_scoped3A_303, %dma_start3A_770, %dma_start3A_771] : memref<6x40x128xf32, #tpu.memory_space<vmem>> -> memref<1x40x128xf32, #tpu.memory_space<vmem>>
      %dma_start3A_773 = tpu.memref_squeeze %dma_start3A_772 : memref<1x40x128xf32, #tpu.memory_space<vmem>> -> memref<40x128xf32, #tpu.memory_space<vmem>>
      %dma_start3A_774 = arith.constant 0 : i32
      %dma_start3A_775 = tpu.memref_slice %arg8[%run_scoped3A_304, %dma_start3A_774] : memref<125x40xi32, #tpu.memory_space<vmem>> -> memref<1x40xi32, #tpu.memory_space<vmem>>
      %dma_start3A_776 = tpu.memref_squeeze %dma_start3A_775 : memref<1x40xi32, #tpu.memory_space<vmem>> -> memref<40xi32, #tpu.memory_space<vmem>>
      %dma_start3A_777 = arith.constant 0 : i32
      %dma_start3A_778 = arith.constant 0 : i32
      %dma_start3A_779 = tpu.memref_slice %arg6[%dma_start3A_777, %dma_start3A_778] : memref<10000x128xf32, #tpu.memory_space<vmem_shared>> -> memref<10000x128xf32, #tpu.memory_space<vmem_shared>>
      tpu.enqueue_indirect_dma source(%dma_start3A_773 : memref<40x128xf32, #tpu.memory_space<vmem>>) target(%dma_start3A_779 : memref<10000x128xf32, #tpu.memory_space<vmem_shared>>) offsets(%dma_start3A_776 : memref<40xi32, #tpu.memory_space<vmem>>) semaphore(%run_scoped3A_769 : memref<!tpu.dma_semaphore, #tpu.memory_space<semaphore_mem>>) {add = true}
      %dma_wait3A_780 = arith.constant 0 : i32
      %dma_wait3A_781 = arith.constant 0 : i32
      %dma_wait3A_782 = tpu.memref_slice %arg9[%run_scoped3A_303, %dma_wait3A_780, %dma_wait3A_781] : memref<6x40x128xf32, #tpu.memory_space<vmem>> -> memref<1x40x128xf32, #tpu.memory_space<vmem>>
      %dma_wait3A_783 = tpu.memref_squeeze %dma_wait3A_782 : memref<1x40x128xf32, #tpu.memory_space<vmem>> -> memref<40x128xf32, #tpu.memory_space<vmem>>
      %dma_wait3A_784 = arith.constant 0 : i32
      %dma_wait3A_785 = tpu.memref_slice %arg8[%run_scoped3A_304, %dma_wait3A_784] : memref<125x40xi32, #tpu.memory_space<vmem>> -> memref<1x40xi32, #tpu.memory_space<vmem>>
      %dma_wait3A_786 = tpu.memref_squeeze %dma_wait3A_785 : memref<1x40xi32, #tpu.memory_space<vmem>> -> memref<40xi32, #tpu.memory_space<vmem>>
      %dma_wait3A_787 = arith.constant 0 : i32
      %dma_wait3A_788 = arith.constant 0 : i32
      %dma_wait3A_789 = tpu.memref_slice %arg6[%dma_wait3A_787, %dma_wait3A_788] : memref<10000x128xf32, #tpu.memory_space<vmem_shared>> -> memref<10000x128xf32, #tpu.memory_space<vmem_shared>>
      tpu.wait_indirect_dma semaphore(%run_scoped3A_769 : memref<!tpu.dma_semaphore, #tpu.memory_space<semaphore_mem>>) src(%dma_wait3A_783 : memref<40x128xf32, #tpu.memory_space<vmem>>) dst(%dma_wait3A_789 : memref<10000x128xf32, #tpu.memory_space<vmem_shared>>)
      tpu.yield
    }) : () -> ()
    %dma_wait3A_305 = arith.constant 119 : i32
    %dma_wait3A_306 = arith.constant 5 : i32
    %dma_wait3A_307 = arith.constant 0 : i32
    %dma_wait3A_308 = arith.constant 0 : i32
    %dma_wait3A_309 = tpu.memref_slice %arg9[%dma_wait3A_306, %dma_wait3A_307, %dma_wait3A_308] : memref<6x40x128xf32, #tpu.memory_space<vmem>> -> memref<1x40x128xf32, #tpu.memory_space<vmem>>
    %dma_wait3A_310 = tpu.memref_squeeze %dma_wait3A_309 : memref<1x40x128xf32, #tpu.memory_space<vmem>> -> memref<40x128xf32, #tpu.memory_space<vmem>>
    %dma_wait3A_311 = arith.constant 0 : i32
    %dma_wait3A_312 = tpu.memref_slice %arg7[%dma_wait3A_305, %dma_wait3A_311] : memref<250x40xi32, #tpu.memory_space<vmem>> -> memref<1x40xi32, #tpu.memory_space<vmem>>
    %dma_wait3A_313 = tpu.memref_squeeze %dma_wait3A_312 : memref<1x40xi32, #tpu.memory_space<vmem>> -> memref<40xi32, #tpu.memory_space<vmem>>
    %dma_wait3A_314 = arith.constant 0 : i32
    %dma_wait3A_315 = arith.constant 0 : i32
    %dma_wait3A_316 = tpu.memref_slice %arg2[%dma_wait3A_314, %dma_wait3A_315] : memref<10000x128xf32, #tpu.memory_space<hbm>> -> memref<10000x128xf32, #tpu.memory_space<hbm>>
    tpu.wait_indirect_dma semaphore(%arg15 : memref<!tpu.dma_semaphore, #tpu.memory_space<semaphore_mem>>) src(%dma_wait3A_316 : memref<10000x128xf32, #tpu.memory_space<hbm>>) dst(%dma_wait3A_310 : memref<40x128xf32, #tpu.memory_space<vmem>>)
    %dma_start3A_317 = arith.constant 124 : i32
    %dma_start3A_318 = arith.constant 4 : i32
    %dma_start3A_319 = arith.constant 0 : i32
    %dma_start3A_320 = arith.constant 0 : i32
    %dma_start3A_321 = tpu.memref_slice %arg9[%dma_start3A_318, %dma_start3A_319, %dma_start3A_320] : memref<6x40x128xf32, #tpu.memory_space<vmem>> -> memref<1x40x128xf32, #tpu.memory_space<vmem>>
    %dma_start3A_322 = tpu.memref_squeeze %dma_start3A_321 : memref<1x40x128xf32, #tpu.memory_space<vmem>> -> memref<40x128xf32, #tpu.memory_space<vmem>>
    %dma_start3A_323 = arith.constant 0 : i32
    %dma_start3A_324 = tpu.memref_slice %arg7[%dma_start3A_317, %dma_start3A_323] : memref<250x40xi32, #tpu.memory_space<vmem>> -> memref<1x40xi32, #tpu.memory_space<vmem>>
    %dma_start3A_325 = tpu.memref_squeeze %dma_start3A_324 : memref<1x40xi32, #tpu.memory_space<vmem>> -> memref<40xi32, #tpu.memory_space<vmem>>
    %dma_start3A_326 = arith.constant 0 : i32
    %dma_start3A_327 = arith.constant 0 : i32
    %dma_start3A_328 = tpu.memref_slice %arg2[%dma_start3A_326, %dma_start3A_327] : memref<10000x128xf32, #tpu.memory_space<hbm>> -> memref<10000x128xf32, #tpu.memory_space<hbm>>
    tpu.enqueue_indirect_dma source(%dma_start3A_328 : memref<10000x128xf32, #tpu.memory_space<hbm>>) target(%dma_start3A_322 : memref<40x128xf32, #tpu.memory_space<vmem>>) offsets(%dma_start3A_325 : memref<40xi32, #tpu.memory_space<vmem>>) semaphore(%arg14 : memref<!tpu.dma_semaphore, #tpu.memory_space<semaphore_mem>>)
    %run_scoped3A_329 = arith.constant 5 : i32
    %run_scoped3A_330 = arith.constant 119 : i32
    "tpu.region"() ({
      %run_scoped3A_769 = tpu.sem_alloc : memref<!tpu.dma_semaphore, #tpu.memory_space<semaphore_mem>>
      %dma_start3A_770 = arith.constant 0 : i32
      %dma_start3A_771 = arith.constant 0 : i32
      %dma_start3A_772 = tpu.memref_slice %arg9[%run_scoped3A_329, %dma_start3A_770, %dma_start3A_771] : memref<6x40x128xf32, #tpu.memory_space<vmem>> -> memref<1x40x128xf32, #tpu.memory_space<vmem>>
      %dma_start3A_773 = tpu.memref_squeeze %dma_start3A_772 : memref<1x40x128xf32, #tpu.memory_space<vmem>> -> memref<40x128xf32, #tpu.memory_space<vmem>>
      %dma_start3A_774 = arith.constant 0 : i32
      %dma_start3A_775 = tpu.memref_slice %arg8[%run_scoped3A_330, %dma_start3A_774] : memref<125x40xi32, #tpu.memory_space<vmem>> -> memref<1x40xi32, #tpu.memory_space<vmem>>
      %dma_start3A_776 = tpu.memref_squeeze %dma_start3A_775 : memref<1x40xi32, #tpu.memory_space<vmem>> -> memref<40xi32, #tpu.memory_space<vmem>>
      %dma_start3A_777 = arith.constant 0 : i32
      %dma_start3A_778 = arith.constant 0 : i32
      %dma_start3A_779 = tpu.memref_slice %arg6[%dma_start3A_777, %dma_start3A_778] : memref<10000x128xf32, #tpu.memory_space<vmem_shared>> -> memref<10000x128xf32, #tpu.memory_space<vmem_shared>>
      tpu.enqueue_indirect_dma source(%dma_start3A_773 : memref<40x128xf32, #tpu.memory_space<vmem>>) target(%dma_start3A_779 : memref<10000x128xf32, #tpu.memory_space<vmem_shared>>) offsets(%dma_start3A_776 : memref<40xi32, #tpu.memory_space<vmem>>) semaphore(%run_scoped3A_769 : memref<!tpu.dma_semaphore, #tpu.memory_space<semaphore_mem>>) {add = true}
      %dma_wait3A_780 = arith.constant 0 : i32
      %dma_wait3A_781 = arith.constant 0 : i32
      %dma_wait3A_782 = tpu.memref_slice %arg9[%run_scoped3A_329, %dma_wait3A_780, %dma_wait3A_781] : memref<6x40x128xf32, #tpu.memory_space<vmem>> -> memref<1x40x128xf32, #tpu.memory_space<vmem>>
      %dma_wait3A_783 = tpu.memref_squeeze %dma_wait3A_782 : memref<1x40x128xf32, #tpu.memory_space<vmem>> -> memref<40x128xf32, #tpu.memory_space<vmem>>
      %dma_wait3A_784 = arith.constant 0 : i32
      %dma_wait3A_785 = tpu.memref_slice %arg8[%run_scoped3A_330, %dma_wait3A_784] : memref<125x40xi32, #tpu.memory_space<vmem>> -> memref<1x40xi32, #tpu.memory_space<vmem>>
      %dma_wait3A_786 = tpu.memref_squeeze %dma_wait3A_785 : memref<1x40xi32, #tpu.memory_space<vmem>> -> memref<40xi32, #tpu.memory_space<vmem>>
      %dma_wait3A_787 = arith.constant 0 : i32
      %dma_wait3A_788 = arith.constant 0 : i32
      %dma_wait3A_789 = tpu.memref_slice %arg6[%dma_wait3A_787, %dma_wait3A_788] : memref<10000x128xf32, #tpu.memory_space<vmem_shared>> -> memref<10000x128xf32, #tpu.memory_space<vmem_shared>>
      tpu.wait_indirect_dma semaphore(%run_scoped3A_769 : memref<!tpu.dma_semaphore, #tpu.memory_space<semaphore_mem>>) src(%dma_wait3A_783 : memref<40x128xf32, #tpu.memory_space<vmem>>) dst(%dma_wait3A_789 : memref<10000x128xf32, #tpu.memory_space<vmem_shared>>)
      tpu.yield
    }) : () -> ()
    %dma_wait3A_331 = arith.constant 120 : i32
    %dma_wait3A_332 = arith.constant 0 : i32
    %dma_wait3A_333 = arith.constant 0 : i32
    %dma_wait3A_334 = arith.constant 0 : i32
    %dma_wait3A_335 = tpu.memref_slice %arg9[%dma_wait3A_332, %dma_wait3A_333, %dma_wait3A_334] : memref<6x40x128xf32, #tpu.memory_space<vmem>> -> memref<1x40x128xf32, #tpu.memory_space<vmem>>
    %dma_wait3A_336 = tpu.memref_squeeze %dma_wait3A_335 : memref<1x40x128xf32, #tpu.memory_space<vmem>> -> memref<40x128xf32, #tpu.memory_space<vmem>>
    %dma_wait3A_337 = arith.constant 0 : i32
    %dma_wait3A_338 = tpu.memref_slice %arg7[%dma_wait3A_331, %dma_wait3A_337] : memref<250x40xi32, #tpu.memory_space<vmem>> -> memref<1x40xi32, #tpu.memory_space<vmem>>
    %dma_wait3A_339 = tpu.memref_squeeze %dma_wait3A_338 : memref<1x40xi32, #tpu.memory_space<vmem>> -> memref<40xi32, #tpu.memory_space<vmem>>
    %dma_wait3A_340 = arith.constant 0 : i32
    %dma_wait3A_341 = arith.constant 0 : i32
    %dma_wait3A_342 = tpu.memref_slice %arg2[%dma_wait3A_340, %dma_wait3A_341] : memref<10000x128xf32, #tpu.memory_space<hbm>> -> memref<10000x128xf32, #tpu.memory_space<hbm>>
    tpu.wait_indirect_dma semaphore(%arg10 : memref<!tpu.dma_semaphore, #tpu.memory_space<semaphore_mem>>) src(%dma_wait3A_342 : memref<10000x128xf32, #tpu.memory_space<hbm>>) dst(%dma_wait3A_336 : memref<40x128xf32, #tpu.memory_space<vmem>>)
    %dma_start3A_343 = arith.constant 125 : i32
    %dma_start3A_344 = arith.constant 5 : i32
    %dma_start3A_345 = arith.constant 0 : i32
    %dma_start3A_346 = arith.constant 0 : i32
    %dma_start3A_347 = tpu.memref_slice %arg9[%dma_start3A_344, %dma_start3A_345, %dma_start3A_346] : memref<6x40x128xf32, #tpu.memory_space<vmem>> -> memref<1x40x128xf32, #tpu.memory_space<vmem>>
    %dma_start3A_348 = tpu.memref_squeeze %dma_start3A_347 : memref<1x40x128xf32, #tpu.memory_space<vmem>> -> memref<40x128xf32, #tpu.memory_space<vmem>>
    %dma_start3A_349 = arith.constant 0 : i32
    %dma_start3A_350 = tpu.memref_slice %arg7[%dma_start3A_343, %dma_start3A_349] : memref<250x40xi32, #tpu.memory_space<vmem>> -> memref<1x40xi32, #tpu.memory_space<vmem>>
    %dma_start3A_351 = tpu.memref_squeeze %dma_start3A_350 : memref<1x40xi32, #tpu.memory_space<vmem>> -> memref<40xi32, #tpu.memory_space<vmem>>
    %dma_start3A_352 = arith.constant 0 : i32
    %dma_start3A_353 = arith.constant 0 : i32
    %dma_start3A_354 = tpu.memref_slice %arg2[%dma_start3A_352, %dma_start3A_353] : memref<10000x128xf32, #tpu.memory_space<hbm>> -> memref<10000x128xf32, #tpu.memory_space<hbm>>
    tpu.enqueue_indirect_dma source(%dma_start3A_354 : memref<10000x128xf32, #tpu.memory_space<hbm>>) target(%dma_start3A_348 : memref<40x128xf32, #tpu.memory_space<vmem>>) offsets(%dma_start3A_351 : memref<40xi32, #tpu.memory_space<vmem>>) semaphore(%arg15 : memref<!tpu.dma_semaphore, #tpu.memory_space<semaphore_mem>>)
    %run_scoped3A_355 = arith.constant 0 : i32
    %run_scoped3A_356 = arith.constant 120 : i32
    "tpu.region"() ({
      %run_scoped3A_769 = tpu.sem_alloc : memref<!tpu.dma_semaphore, #tpu.memory_space<semaphore_mem>>
      %dma_start3A_770 = arith.constant 0 : i32
      %dma_start3A_771 = arith.constant 0 : i32
      %dma_start3A_772 = tpu.memref_slice %arg9[%run_scoped3A_355, %dma_start3A_770, %dma_start3A_771] : memref<6x40x128xf32, #tpu.memory_space<vmem>> -> memref<1x40x128xf32, #tpu.memory_space<vmem>>
      %dma_start3A_773 = tpu.memref_squeeze %dma_start3A_772 : memref<1x40x128xf32, #tpu.memory_space<vmem>> -> memref<40x128xf32, #tpu.memory_space<vmem>>
      %dma_start3A_774 = arith.constant 0 : i32
      %dma_start3A_775 = tpu.memref_slice %arg8[%run_scoped3A_356, %dma_start3A_774] : memref<125x40xi32, #tpu.memory_space<vmem>> -> memref<1x40xi32, #tpu.memory_space<vmem>>
      %dma_start3A_776 = tpu.memref_squeeze %dma_start3A_775 : memref<1x40xi32, #tpu.memory_space<vmem>> -> memref<40xi32, #tpu.memory_space<vmem>>
      %dma_start3A_777 = arith.constant 0 : i32
      %dma_start3A_778 = arith.constant 0 : i32
      %dma_start3A_779 = tpu.memref_slice %arg6[%dma_start3A_777, %dma_start3A_778] : memref<10000x128xf32, #tpu.memory_space<vmem_shared>> -> memref<10000x128xf32, #tpu.memory_space<vmem_shared>>
      tpu.enqueue_indirect_dma source(%dma_start3A_773 : memref<40x128xf32, #tpu.memory_space<vmem>>) target(%dma_start3A_779 : memref<10000x128xf32, #tpu.memory_space<vmem_shared>>) offsets(%dma_start3A_776 : memref<40xi32, #tpu.memory_space<vmem>>) semaphore(%run_scoped3A_769 : memref<!tpu.dma_semaphore, #tpu.memory_space<semaphore_mem>>) {add = true}
      %dma_wait3A_780 = arith.constant 0 : i32
      %dma_wait3A_781 = arith.constant 0 : i32
      %dma_wait3A_782 = tpu.memref_slice %arg9[%run_scoped3A_355, %dma_wait3A_780, %dma_wait3A_781] : memref<6x40x128xf32, #tpu.memory_space<vmem>> -> memref<1x40x128xf32, #tpu.memory_space<vmem>>
      %dma_wait3A_783 = tpu.memref_squeeze %dma_wait3A_782 : memref<1x40x128xf32, #tpu.memory_space<vmem>> -> memref<40x128xf32, #tpu.memory_space<vmem>>
      %dma_wait3A_784 = arith.constant 0 : i32
      %dma_wait3A_785 = tpu.memref_slice %arg8[%run_scoped3A_356, %dma_wait3A_784] : memref<125x40xi32, #tpu.memory_space<vmem>> -> memref<1x40xi32, #tpu.memory_space<vmem>>
      %dma_wait3A_786 = tpu.memref_squeeze %dma_wait3A_785 : memref<1x40xi32, #tpu.memory_space<vmem>> -> memref<40xi32, #tpu.memory_space<vmem>>
      %dma_wait3A_787 = arith.constant 0 : i32
      %dma_wait3A_788 = arith.constant 0 : i32
      %dma_wait3A_789 = tpu.memref_slice %arg6[%dma_wait3A_787, %dma_wait3A_788] : memref<10000x128xf32, #tpu.memory_space<vmem_shared>> -> memref<10000x128xf32, #tpu.memory_space<vmem_shared>>
      tpu.wait_indirect_dma semaphore(%run_scoped3A_769 : memref<!tpu.dma_semaphore, #tpu.memory_space<semaphore_mem>>) src(%dma_wait3A_783 : memref<40x128xf32, #tpu.memory_space<vmem>>) dst(%dma_wait3A_789 : memref<10000x128xf32, #tpu.memory_space<vmem_shared>>)
      tpu.yield
    }) : () -> ()
    %dma_wait3A_357 = arith.constant 121 : i32
    %dma_wait3A_358 = arith.constant 1 : i32
    %dma_wait3A_359 = arith.constant 0 : i32
    %dma_wait3A_360 = arith.constant 0 : i32
    %dma_wait3A_361 = tpu.memref_slice %arg9[%dma_wait3A_358, %dma_wait3A_359, %dma_wait3A_360] : memref<6x40x128xf32, #tpu.memory_space<vmem>> -> memref<1x40x128xf32, #tpu.memory_space<vmem>>
    %dma_wait3A_362 = tpu.memref_squeeze %dma_wait3A_361 : memref<1x40x128xf32, #tpu.memory_space<vmem>> -> memref<40x128xf32, #tpu.memory_space<vmem>>
    %dma_wait3A_363 = arith.constant 0 : i32
    %dma_wait3A_364 = tpu.memref_slice %arg7[%dma_wait3A_357, %dma_wait3A_363] : memref<250x40xi32, #tpu.memory_space<vmem>> -> memref<1x40xi32, #tpu.memory_space<vmem>>
    %dma_wait3A_365 = tpu.memref_squeeze %dma_wait3A_364 : memref<1x40xi32, #tpu.memory_space<vmem>> -> memref<40xi32, #tpu.memory_space<vmem>>
    %dma_wait3A_366 = arith.constant 0 : i32
    %dma_wait3A_367 = arith.constant 0 : i32
    %dma_wait3A_368 = tpu.memref_slice %arg2[%dma_wait3A_366, %dma_wait3A_367] : memref<10000x128xf32, #tpu.memory_space<hbm>> -> memref<10000x128xf32, #tpu.memory_space<hbm>>
    tpu.wait_indirect_dma semaphore(%arg11 : memref<!tpu.dma_semaphore, #tpu.memory_space<semaphore_mem>>) src(%dma_wait3A_368 : memref<10000x128xf32, #tpu.memory_space<hbm>>) dst(%dma_wait3A_362 : memref<40x128xf32, #tpu.memory_space<vmem>>)
    %dma_start3A_369 = arith.constant 126 : i32
    %dma_start3A_370 = arith.constant 0 : i32
    %dma_start3A_371 = arith.constant 0 : i32
    %dma_start3A_372 = arith.constant 0 : i32
    %dma_start3A_373 = tpu.memref_slice %arg9[%dma_start3A_370, %dma_start3A_371, %dma_start3A_372] : memref<6x40x128xf32, #tpu.memory_space<vmem>> -> memref<1x40x128xf32, #tpu.memory_space<vmem>>
    %dma_start3A_374 = tpu.memref_squeeze %dma_start3A_373 : memref<1x40x128xf32, #tpu.memory_space<vmem>> -> memref<40x128xf32, #tpu.memory_space<vmem>>
    %dma_start3A_375 = arith.constant 0 : i32
    %dma_start3A_376 = tpu.memref_slice %arg7[%dma_start3A_369, %dma_start3A_375] : memref<250x40xi32, #tpu.memory_space<vmem>> -> memref<1x40xi32, #tpu.memory_space<vmem>>
    %dma_start3A_377 = tpu.memref_squeeze %dma_start3A_376 : memref<1x40xi32, #tpu.memory_space<vmem>> -> memref<40xi32, #tpu.memory_space<vmem>>
    %dma_start3A_378 = arith.constant 0 : i32
    %dma_start3A_379 = arith.constant 0 : i32
    %dma_start3A_380 = tpu.memref_slice %arg2[%dma_start3A_378, %dma_start3A_379] : memref<10000x128xf32, #tpu.memory_space<hbm>> -> memref<10000x128xf32, #tpu.memory_space<hbm>>
    tpu.enqueue_indirect_dma source(%dma_start3A_380 : memref<10000x128xf32, #tpu.memory_space<hbm>>) target(%dma_start3A_374 : memref<40x128xf32, #tpu.memory_space<vmem>>) offsets(%dma_start3A_377 : memref<40xi32, #tpu.memory_space<vmem>>) semaphore(%arg10 : memref<!tpu.dma_semaphore, #tpu.memory_space<semaphore_mem>>)
    %run_scoped3A_381 = arith.constant 1 : i32
    %run_scoped3A_382 = arith.constant 121 : i32
    "tpu.region"() ({
      %run_scoped3A_769 = tpu.sem_alloc : memref<!tpu.dma_semaphore, #tpu.memory_space<semaphore_mem>>
      %dma_start3A_770 = arith.constant 0 : i32
      %dma_start3A_771 = arith.constant 0 : i32
      %dma_start3A_772 = tpu.memref_slice %arg9[%run_scoped3A_381, %dma_start3A_770, %dma_start3A_771] : memref<6x40x128xf32, #tpu.memory_space<vmem>> -> memref<1x40x128xf32, #tpu.memory_space<vmem>>
      %dma_start3A_773 = tpu.memref_squeeze %dma_start3A_772 : memref<1x40x128xf32, #tpu.memory_space<vmem>> -> memref<40x128xf32, #tpu.memory_space<vmem>>
      %dma_start3A_774 = arith.constant 0 : i32
      %dma_start3A_775 = tpu.memref_slice %arg8[%run_scoped3A_382, %dma_start3A_774] : memref<125x40xi32, #tpu.memory_space<vmem>> -> memref<1x40xi32, #tpu.memory_space<vmem>>
      %dma_start3A_776 = tpu.memref_squeeze %dma_start3A_775 : memref<1x40xi32, #tpu.memory_space<vmem>> -> memref<40xi32, #tpu.memory_space<vmem>>
      %dma_start3A_777 = arith.constant 0 : i32
      %dma_start3A_778 = arith.constant 0 : i32
      %dma_start3A_779 = tpu.memref_slice %arg6[%dma_start3A_777, %dma_start3A_778] : memref<10000x128xf32, #tpu.memory_space<vmem_shared>> -> memref<10000x128xf32, #tpu.memory_space<vmem_shared>>
      tpu.enqueue_indirect_dma source(%dma_start3A_773 : memref<40x128xf32, #tpu.memory_space<vmem>>) target(%dma_start3A_779 : memref<10000x128xf32, #tpu.memory_space<vmem_shared>>) offsets(%dma_start3A_776 : memref<40xi32, #tpu.memory_space<vmem>>) semaphore(%run_scoped3A_769 : memref<!tpu.dma_semaphore, #tpu.memory_space<semaphore_mem>>) {add = true}
      %dma_wait3A_780 = arith.constant 0 : i32
      %dma_wait3A_781 = arith.constant 0 : i32
      %dma_wait3A_782 = tpu.memref_slice %arg9[%run_scoped3A_381, %dma_wait3A_780, %dma_wait3A_781] : memref<6x40x128xf32, #tpu.memory_space<vmem>> -> memref<1x40x128xf32, #tpu.memory_space<vmem>>
      %dma_wait3A_783 = tpu.memref_squeeze %dma_wait3A_782 : memref<1x40x128xf32, #tpu.memory_space<vmem>> -> memref<40x128xf32, #tpu.memory_space<vmem>>
      %dma_wait3A_784 = arith.constant 0 : i32
      %dma_wait3A_785 = tpu.memref_slice %arg8[%run_scoped3A_382, %dma_wait3A_784] : memref<125x40xi32, #tpu.memory_space<vmem>> -> memref<1x40xi32, #tpu.memory_space<vmem>>
      %dma_wait3A_786 = tpu.memref_squeeze %dma_wait3A_785 : memref<1x40xi32, #tpu.memory_space<vmem>> -> memref<40xi32, #tpu.memory_space<vmem>>
      %dma_wait3A_787 = arith.constant 0 : i32
      %dma_wait3A_788 = arith.constant 0 : i32
      %dma_wait3A_789 = tpu.memref_slice %arg6[%dma_wait3A_787, %dma_wait3A_788] : memref<10000x128xf32, #tpu.memory_space<vmem_shared>> -> memref<10000x128xf32, #tpu.memory_space<vmem_shared>>
      tpu.wait_indirect_dma semaphore(%run_scoped3A_769 : memref<!tpu.dma_semaphore, #tpu.memory_space<semaphore_mem>>) src(%dma_wait3A_783 : memref<40x128xf32, #tpu.memory_space<vmem>>) dst(%dma_wait3A_789 : memref<10000x128xf32, #tpu.memory_space<vmem_shared>>)
      tpu.yield
    }) : () -> ()
    %dma_wait3A_383 = arith.constant 122 : i32
    %dma_wait3A_384 = arith.constant 2 : i32
    %dma_wait3A_385 = arith.constant 0 : i32
    %dma_wait3A_386 = arith.constant 0 : i32
    %dma_wait3A_387 = tpu.memref_slice %arg9[%dma_wait3A_384, %dma_wait3A_385, %dma_wait3A_386] : memref<6x40x128xf32, #tpu.memory_space<vmem>> -> memref<1x40x128xf32, #tpu.memory_space<vmem>>
    %dma_wait3A_388 = tpu.memref_squeeze %dma_wait3A_387 : memref<1x40x128xf32, #tpu.memory_space<vmem>> -> memref<40x128xf32, #tpu.memory_space<vmem>>
    %dma_wait3A_389 = arith.constant 0 : i32
    %dma_wait3A_390 = tpu.memref_slice %arg7[%dma_wait3A_383, %dma_wait3A_389] : memref<250x40xi32, #tpu.memory_space<vmem>> -> memref<1x40xi32, #tpu.memory_space<vmem>>
    %dma_wait3A_391 = tpu.memref_squeeze %dma_wait3A_390 : memref<1x40xi32, #tpu.memory_space<vmem>> -> memref<40xi32, #tpu.memory_space<vmem>>
    %dma_wait3A_392 = arith.constant 0 : i32
    %dma_wait3A_393 = arith.constant 0 : i32
    %dma_wait3A_394 = tpu.memref_slice %arg2[%dma_wait3A_392, %dma_wait3A_393] : memref<10000x128xf32, #tpu.memory_space<hbm>> -> memref<10000x128xf32, #tpu.memory_space<hbm>>
    tpu.wait_indirect_dma semaphore(%arg12 : memref<!tpu.dma_semaphore, #tpu.memory_space<semaphore_mem>>) src(%dma_wait3A_394 : memref<10000x128xf32, #tpu.memory_space<hbm>>) dst(%dma_wait3A_388 : memref<40x128xf32, #tpu.memory_space<vmem>>)
    %dma_start3A_395 = arith.constant 127 : i32
    %dma_start3A_396 = arith.constant 1 : i32
    %dma_start3A_397 = arith.constant 0 : i32
    %dma_start3A_398 = arith.constant 0 : i32
    %dma_start3A_399 = tpu.memref_slice %arg9[%dma_start3A_396, %dma_start3A_397, %dma_start3A_398] : memref<6x40x128xf32, #tpu.memory_space<vmem>> -> memref<1x40x128xf32, #tpu.memory_space<vmem>>
    %dma_start3A_400 = tpu.memref_squeeze %dma_start3A_399 : memref<1x40x128xf32, #tpu.memory_space<vmem>> -> memref<40x128xf32, #tpu.memory_space<vmem>>
    %dma_start3A_401 = arith.constant 0 : i32
    %dma_start3A_402 = tpu.memref_slice %arg7[%dma_start3A_395, %dma_start3A_401] : memref<250x40xi32, #tpu.memory_space<vmem>> -> memref<1x40xi32, #tpu.memory_space<vmem>>
    %dma_start3A_403 = tpu.memref_squeeze %dma_start3A_402 : memref<1x40xi32, #tpu.memory_space<vmem>> -> memref<40xi32, #tpu.memory_space<vmem>>
    %dma_start3A_404 = arith.constant 0 : i32
    %dma_start3A_405 = arith.constant 0 : i32
    %dma_start3A_406 = tpu.memref_slice %arg2[%dma_start3A_404, %dma_start3A_405] : memref<10000x128xf32, #tpu.memory_space<hbm>> -> memref<10000x128xf32, #tpu.memory_space<hbm>>
    tpu.enqueue_indirect_dma source(%dma_start3A_406 : memref<10000x128xf32, #tpu.memory_space<hbm>>) target(%dma_start3A_400 : memref<40x128xf32, #tpu.memory_space<vmem>>) offsets(%dma_start3A_403 : memref<40xi32, #tpu.memory_space<vmem>>) semaphore(%arg11 : memref<!tpu.dma_semaphore, #tpu.memory_space<semaphore_mem>>)
    %run_scoped3A_407 = arith.constant 2 : i32
    %run_scoped3A_408 = arith.constant 122 : i32
    "tpu.region"() ({
      %run_scoped3A_769 = tpu.sem_alloc : memref<!tpu.dma_semaphore, #tpu.memory_space<semaphore_mem>>
      %dma_start3A_770 = arith.constant 0 : i32
      %dma_start3A_771 = arith.constant 0 : i32
      %dma_start3A_772 = tpu.memref_slice %arg9[%run_scoped3A_407, %dma_start3A_770, %dma_start3A_771] : memref<6x40x128xf32, #tpu.memory_space<vmem>> -> memref<1x40x128xf32, #tpu.memory_space<vmem>>
      %dma_start3A_773 = tpu.memref_squeeze %dma_start3A_772 : memref<1x40x128xf32, #tpu.memory_space<vmem>> -> memref<40x128xf32, #tpu.memory_space<vmem>>
      %dma_start3A_774 = arith.constant 0 : i32
      %dma_start3A_775 = tpu.memref_slice %arg8[%run_scoped3A_408, %dma_start3A_774] : memref<125x40xi32, #tpu.memory_space<vmem>> -> memref<1x40xi32, #tpu.memory_space<vmem>>
      %dma_start3A_776 = tpu.memref_squeeze %dma_start3A_775 : memref<1x40xi32, #tpu.memory_space<vmem>> -> memref<40xi32, #tpu.memory_space<vmem>>
      %dma_start3A_777 = arith.constant 0 : i32
      %dma_start3A_778 = arith.constant 0 : i32
      %dma_start3A_779 = tpu.memref_slice %arg6[%dma_start3A_777, %dma_start3A_778] : memref<10000x128xf32, #tpu.memory_space<vmem_shared>> -> memref<10000x128xf32, #tpu.memory_space<vmem_shared>>
      tpu.enqueue_indirect_dma source(%dma_start3A_773 : memref<40x128xf32, #tpu.memory_space<vmem>>) target(%dma_start3A_779 : memref<10000x128xf32, #tpu.memory_space<vmem_shared>>) offsets(%dma_start3A_776 : memref<40xi32, #tpu.memory_space<vmem>>) semaphore(%run_scoped3A_769 : memref<!tpu.dma_semaphore, #tpu.memory_space<semaphore_mem>>) {add = true}
      %dma_wait3A_780 = arith.constant 0 : i32
      %dma_wait3A_781 = arith.constant 0 : i32
      %dma_wait3A_782 = tpu.memref_slice %arg9[%run_scoped3A_407, %dma_wait3A_780, %dma_wait3A_781] : memref<6x40x128xf32, #tpu.memory_space<vmem>> -> memref<1x40x128xf32, #tpu.memory_space<vmem>>
      %dma_wait3A_783 = tpu.memref_squeeze %dma_wait3A_782 : memref<1x40x128xf32, #tpu.memory_space<vmem>> -> memref<40x128xf32, #tpu.memory_space<vmem>>
      %dma_wait3A_784 = arith.constant 0 : i32
      %dma_wait3A_785 = tpu.memref_slice %arg8[%run_scoped3A_408, %dma_wait3A_784] : memref<125x40xi32, #tpu.memory_space<vmem>> -> memref<1x40xi32, #tpu.memory_space<vmem>>
      %dma_wait3A_786 = tpu.memref_squeeze %dma_wait3A_785 : memref<1x40xi32, #tpu.memory_space<vmem>> -> memref<40xi32, #tpu.memory_space<vmem>>
      %dma_wait3A_787 = arith.constant 0 : i32
      %dma_wait3A_788 = arith.constant 0 : i32
      %dma_wait3A_789 = tpu.memref_slice %arg6[%dma_wait3A_787, %dma_wait3A_788] : memref<10000x128xf32, #tpu.memory_space<vmem_shared>> -> memref<10000x128xf32, #tpu.memory_space<vmem_shared>>
      tpu.wait_indirect_dma semaphore(%run_scoped3A_769 : memref<!tpu.dma_semaphore, #tpu.memory_space<semaphore_mem>>) src(%dma_wait3A_783 : memref<40x128xf32, #tpu.memory_space<vmem>>) dst(%dma_wait3A_789 : memref<10000x128xf32, #tpu.memory_space<vmem_shared>>)
      tpu.yield
    }) : () -> ()
    %dma_wait3A_409 = arith.constant 123 : i32
    %dma_wait3A_410 = arith.constant 3 : i32
    %dma_wait3A_411 = arith.constant 0 : i32
    %dma_wait3A_412 = arith.constant 0 : i32
    %dma_wait3A_413 = tpu.memref_slice %arg9[%dma_wait3A_410, %dma_wait3A_411, %dma_wait3A_412] : memref<6x40x128xf32, #tpu.memory_space<vmem>> -> memref<1x40x128xf32, #tpu.memory_space<vmem>>
    %dma_wait3A_414 = tpu.memref_squeeze %dma_wait3A_413 : memref<1x40x128xf32, #tpu.memory_space<vmem>> -> memref<40x128xf32, #tpu.memory_space<vmem>>
    %dma_wait3A_415 = arith.constant 0 : i32
    %dma_wait3A_416 = tpu.memref_slice %arg7[%dma_wait3A_409, %dma_wait3A_415] : memref<250x40xi32, #tpu.memory_space<vmem>> -> memref<1x40xi32, #tpu.memory_space<vmem>>
    %dma_wait3A_417 = tpu.memref_squeeze %dma_wait3A_416 : memref<1x40xi32, #tpu.memory_space<vmem>> -> memref<40xi32, #tpu.memory_space<vmem>>
    %dma_wait3A_418 = arith.constant 0 : i32
    %dma_wait3A_419 = arith.constant 0 : i32
    %dma_wait3A_420 = tpu.memref_slice %arg2[%dma_wait3A_418, %dma_wait3A_419] : memref<10000x128xf32, #tpu.memory_space<hbm>> -> memref<10000x128xf32, #tpu.memory_space<hbm>>
    tpu.wait_indirect_dma semaphore(%arg13 : memref<!tpu.dma_semaphore, #tpu.memory_space<semaphore_mem>>) src(%dma_wait3A_420 : memref<10000x128xf32, #tpu.memory_space<hbm>>) dst(%dma_wait3A_414 : memref<40x128xf32, #tpu.memory_space<vmem>>)
    %dma_start3A_421 = arith.constant 128 : i32
    %dma_start3A_422 = arith.constant 2 : i32
    %dma_start3A_423 = arith.constant 0 : i32
    %dma_start3A_424 = arith.constant 0 : i32
    %dma_start3A_425 = tpu.memref_slice %arg9[%dma_start3A_422, %dma_start3A_423, %dma_start3A_424] : memref<6x40x128xf32, #tpu.memory_space<vmem>> -> memref<1x40x128xf32, #tpu.memory_space<vmem>>
    %dma_start3A_426 = tpu.memref_squeeze %dma_start3A_425 : memref<1x40x128xf32, #tpu.memory_space<vmem>> -> memref<40x128xf32, #tpu.memory_space<vmem>>
    %dma_start3A_427 = arith.constant 0 : i32
    %dma_start3A_428 = tpu.memref_slice %arg7[%dma_start3A_421, %dma_start3A_427] : memref<250x40xi32, #tpu.memory_space<vmem>> -> memref<1x40xi32, #tpu.memory_space<vmem>>
    %dma_start3A_429 = tpu.memref_squeeze %dma_start3A_428 : memref<1x40xi32, #tpu.memory_space<vmem>> -> memref<40xi32, #tpu.memory_space<vmem>>
    %dma_start3A_430 = arith.constant 0 : i32
    %dma_start3A_431 = arith.constant 0 : i32
    %dma_start3A_432 = tpu.memref_slice %arg2[%dma_start3A_430, %dma_start3A_431] : memref<10000x128xf32, #tpu.memory_space<hbm>> -> memref<10000x128xf32, #tpu.memory_space<hbm>>
    tpu.enqueue_indirect_dma source(%dma_start3A_432 : memref<10000x128xf32, #tpu.memory_space<hbm>>) target(%dma_start3A_426 : memref<40x128xf32, #tpu.memory_space<vmem>>) offsets(%dma_start3A_429 : memref<40xi32, #tpu.memory_space<vmem>>) semaphore(%arg12 : memref<!tpu.dma_semaphore, #tpu.memory_space<semaphore_mem>>)
    %run_scoped3A_433 = arith.constant 3 : i32
    %run_scoped3A_434 = arith.constant 123 : i32
    "tpu.region"() ({
      %run_scoped3A_769 = tpu.sem_alloc : memref<!tpu.dma_semaphore, #tpu.memory_space<semaphore_mem>>
      %dma_start3A_770 = arith.constant 0 : i32
      %dma_start3A_771 = arith.constant 0 : i32
      %dma_start3A_772 = tpu.memref_slice %arg9[%run_scoped3A_433, %dma_start3A_770, %dma_start3A_771] : memref<6x40x128xf32, #tpu.memory_space<vmem>> -> memref<1x40x128xf32, #tpu.memory_space<vmem>>
      %dma_start3A_773 = tpu.memref_squeeze %dma_start3A_772 : memref<1x40x128xf32, #tpu.memory_space<vmem>> -> memref<40x128xf32, #tpu.memory_space<vmem>>
      %dma_start3A_774 = arith.constant 0 : i32
      %dma_start3A_775 = tpu.memref_slice %arg8[%run_scoped3A_434, %dma_start3A_774] : memref<125x40xi32, #tpu.memory_space<vmem>> -> memref<1x40xi32, #tpu.memory_space<vmem>>
      %dma_start3A_776 = tpu.memref_squeeze %dma_start3A_775 : memref<1x40xi32, #tpu.memory_space<vmem>> -> memref<40xi32, #tpu.memory_space<vmem>>
      %dma_start3A_777 = arith.constant 0 : i32
      %dma_start3A_778 = arith.constant 0 : i32
      %dma_start3A_779 = tpu.memref_slice %arg6[%dma_start3A_777, %dma_start3A_778] : memref<10000x128xf32, #tpu.memory_space<vmem_shared>> -> memref<10000x128xf32, #tpu.memory_space<vmem_shared>>
      tpu.enqueue_indirect_dma source(%dma_start3A_773 : memref<40x128xf32, #tpu.memory_space<vmem>>) target(%dma_start3A_779 : memref<10000x128xf32, #tpu.memory_space<vmem_shared>>) offsets(%dma_start3A_776 : memref<40xi32, #tpu.memory_space<vmem>>) semaphore(%run_scoped3A_769 : memref<!tpu.dma_semaphore, #tpu.memory_space<semaphore_mem>>) {add = true}
      %dma_wait3A_780 = arith.constant 0 : i32
      %dma_wait3A_781 = arith.constant 0 : i32
      %dma_wait3A_782 = tpu.memref_slice %arg9[%run_scoped3A_433, %dma_wait3A_780, %dma_wait3A_781] : memref<6x40x128xf32, #tpu.memory_space<vmem>> -> memref<1x40x128xf32, #tpu.memory_space<vmem>>
      %dma_wait3A_783 = tpu.memref_squeeze %dma_wait3A_782 : memref<1x40x128xf32, #tpu.memory_space<vmem>> -> memref<40x128xf32, #tpu.memory_space<vmem>>
      %dma_wait3A_784 = arith.constant 0 : i32
      %dma_wait3A_785 = tpu.memref_slice %arg8[%run_scoped3A_434, %dma_wait3A_784] : memref<125x40xi32, #tpu.memory_space<vmem>> -> memref<1x40xi32, #tpu.memory_space<vmem>>
      %dma_wait3A_786 = tpu.memref_squeeze %dma_wait3A_785 : memref<1x40xi32, #tpu.memory_space<vmem>> -> memref<40xi32, #tpu.memory_space<vmem>>
      %dma_wait3A_787 = arith.constant 0 : i32
      %dma_wait3A_788 = arith.constant 0 : i32
      %dma_wait3A_789 = tpu.memref_slice %arg6[%dma_wait3A_787, %dma_wait3A_788] : memref<10000x128xf32, #tpu.memory_space<vmem_shared>> -> memref<10000x128xf32, #tpu.memory_space<vmem_shared>>
      tpu.wait_indirect_dma semaphore(%run_scoped3A_769 : memref<!tpu.dma_semaphore, #tpu.memory_space<semaphore_mem>>) src(%dma_wait3A_783 : memref<40x128xf32, #tpu.memory_space<vmem>>) dst(%dma_wait3A_789 : memref<10000x128xf32, #tpu.memory_space<vmem_shared>>)
      tpu.yield
    }) : () -> ()
    %dma_wait3A_435 = arith.constant 124 : i32
    %dma_wait3A_436 = arith.constant 4 : i32
    %dma_wait3A_437 = arith.constant 0 : i32
    %dma_wait3A_438 = arith.constant 0 : i32
    %dma_wait3A_439 = tpu.memref_slice %arg9[%dma_wait3A_436, %dma_wait3A_437, %dma_wait3A_438] : memref<6x40x128xf32, #tpu.memory_space<vmem>> -> memref<1x40x128xf32, #tpu.memory_space<vmem>>
    %dma_wait3A_440 = tpu.memref_squeeze %dma_wait3A_439 : memref<1x40x128xf32, #tpu.memory_space<vmem>> -> memref<40x128xf32, #tpu.memory_space<vmem>>
    %dma_wait3A_441 = arith.constant 0 : i32
    %dma_wait3A_442 = tpu.memref_slice %arg7[%dma_wait3A_435, %dma_wait3A_441] : memref<250x40xi32, #tpu.memory_space<vmem>> -> memref<1x40xi32, #tpu.memory_space<vmem>>
    %dma_wait3A_443 = tpu.memref_squeeze %dma_wait3A_442 : memref<1x40xi32, #tpu.memory_space<vmem>> -> memref<40xi32, #tpu.memory_space<vmem>>
    %dma_wait3A_444 = arith.constant 0 : i32
    %dma_wait3A_445 = arith.constant 0 : i32
    %dma_wait3A_446 = tpu.memref_slice %arg2[%dma_wait3A_444, %dma_wait3A_445] : memref<10000x128xf32, #tpu.memory_space<hbm>> -> memref<10000x128xf32, #tpu.memory_space<hbm>>
    tpu.wait_indirect_dma semaphore(%arg14 : memref<!tpu.dma_semaphore, #tpu.memory_space<semaphore_mem>>) src(%dma_wait3A_446 : memref<10000x128xf32, #tpu.memory_space<hbm>>) dst(%dma_wait3A_440 : memref<40x128xf32, #tpu.memory_space<vmem>>)
    %dma_start3A_447 = arith.constant 129 : i32
    %dma_start3A_448 = arith.constant 3 : i32
    %dma_start3A_449 = arith.constant 0 : i32
    %dma_start3A_450 = arith.constant 0 : i32
    %dma_start3A_451 = tpu.memref_slice %arg9[%dma_start3A_448, %dma_start3A_449, %dma_start3A_450] : memref<6x40x128xf32, #tpu.memory_space<vmem>> -> memref<1x40x128xf32, #tpu.memory_space<vmem>>
    %dma_start3A_452 = tpu.memref_squeeze %dma_start3A_451 : memref<1x40x128xf32, #tpu.memory_space<vmem>> -> memref<40x128xf32, #tpu.memory_space<vmem>>
    %dma_start3A_453 = arith.constant 0 : i32
    %dma_start3A_454 = tpu.memref_slice %arg7[%dma_start3A_447, %dma_start3A_453] : memref<250x40xi32, #tpu.memory_space<vmem>> -> memref<1x40xi32, #tpu.memory_space<vmem>>
    %dma_start3A_455 = tpu.memref_squeeze %dma_start3A_454 : memref<1x40xi32, #tpu.memory_space<vmem>> -> memref<40xi32, #tpu.memory_space<vmem>>
    %dma_start3A_456 = arith.constant 0 : i32
    %dma_start3A_457 = arith.constant 0 : i32
    %dma_start3A_458 = tpu.memref_slice %arg2[%dma_start3A_456, %dma_start3A_457] : memref<10000x128xf32, #tpu.memory_space<hbm>> -> memref<10000x128xf32, #tpu.memory_space<hbm>>
    tpu.enqueue_indirect_dma source(%dma_start3A_458 : memref<10000x128xf32, #tpu.memory_space<hbm>>) target(%dma_start3A_452 : memref<40x128xf32, #tpu.memory_space<vmem>>) offsets(%dma_start3A_455 : memref<40xi32, #tpu.memory_space<vmem>>) semaphore(%arg13 : memref<!tpu.dma_semaphore, #tpu.memory_space<semaphore_mem>>)
    %run_scoped3A_459 = arith.constant 4 : i32
    %run_scoped3A_460 = arith.constant 124 : i32
    "tpu.region"() ({
      %run_scoped3A_769 = tpu.sem_alloc : memref<!tpu.dma_semaphore, #tpu.memory_space<semaphore_mem>>
      %dma_start3A_770 = arith.constant 0 : i32
      %dma_start3A_771 = arith.constant 0 : i32
      %dma_start3A_772 = tpu.memref_slice %arg9[%run_scoped3A_459, %dma_start3A_770, %dma_start3A_771] : memref<6x40x128xf32, #tpu.memory_space<vmem>> -> memref<1x40x128xf32, #tpu.memory_space<vmem>>
      %dma_start3A_773 = tpu.memref_squeeze %dma_start3A_772 : memref<1x40x128xf32, #tpu.memory_space<vmem>> -> memref<40x128xf32, #tpu.memory_space<vmem>>
      %dma_start3A_774 = arith.constant 0 : i32
      %dma_start3A_775 = tpu.memref_slice %arg8[%run_scoped3A_460, %dma_start3A_774] : memref<125x40xi32, #tpu.memory_space<vmem>> -> memref<1x40xi32, #tpu.memory_space<vmem>>
      %dma_start3A_776 = tpu.memref_squeeze %dma_start3A_775 : memref<1x40xi32, #tpu.memory_space<vmem>> -> memref<40xi32, #tpu.memory_space<vmem>>
      %dma_start3A_777 = arith.constant 0 : i32
      %dma_start3A_778 = arith.constant 0 : i32
      %dma_start3A_779 = tpu.memref_slice %arg6[%dma_start3A_777, %dma_start3A_778] : memref<10000x128xf32, #tpu.memory_space<vmem_shared>> -> memref<10000x128xf32, #tpu.memory_space<vmem_shared>>
      tpu.enqueue_indirect_dma source(%dma_start3A_773 : memref<40x128xf32, #tpu.memory_space<vmem>>) target(%dma_start3A_779 : memref<10000x128xf32, #tpu.memory_space<vmem_shared>>) offsets(%dma_start3A_776 : memref<40xi32, #tpu.memory_space<vmem>>) semaphore(%run_scoped3A_769 : memref<!tpu.dma_semaphore, #tpu.memory_space<semaphore_mem>>) {add = true}
      %dma_wait3A_780 = arith.constant 0 : i32
      %dma_wait3A_781 = arith.constant 0 : i32
      %dma_wait3A_782 = tpu.memref_slice %arg9[%run_scoped3A_459, %dma_wait3A_780, %dma_wait3A_781] : memref<6x40x128xf32, #tpu.memory_space<vmem>> -> memref<1x40x128xf32, #tpu.memory_space<vmem>>
      %dma_wait3A_783 = tpu.memref_squeeze %dma_wait3A_782 : memref<1x40x128xf32, #tpu.memory_space<vmem>> -> memref<40x128xf32, #tpu.memory_space<vmem>>
      %dma_wait3A_784 = arith.constant 0 : i32
      %dma_wait3A_785 = tpu.memref_slice %arg8[%run_scoped3A_460, %dma_wait3A_784] : memref<125x40xi32, #tpu.memory_space<vmem>> -> memref<1x40xi32, #tpu.memory_space<vmem>>
      %dma_wait3A_786 = tpu.memref_squeeze %dma_wait3A_785 : memref<1x40xi32, #tpu.memory_space<vmem>> -> memref<40xi32, #tpu.memory_space<vmem>>
      %dma_wait3A_787 = arith.constant 0 : i32
      %dma_wait3A_788 = arith.constant 0 : i32
      %dma_wait3A_789 = tpu.memref_slice %arg6[%dma_wait3A_787, %dma_wait3A_788] : memref<10000x128xf32, #tpu.memory_space<vmem_shared>> -> memref<10000x128xf32, #tpu.memory_space<vmem_shared>>
      tpu.wait_indirect_dma semaphore(%run_scoped3A_769 : memref<!tpu.dma_semaphore, #tpu.memory_space<semaphore_mem>>) src(%dma_wait3A_783 : memref<40x128xf32, #tpu.memory_space<vmem>>) dst(%dma_wait3A_789 : memref<10000x128xf32, #tpu.memory_space<vmem_shared>>)
      tpu.yield
    }) : () -> ()
    %mul3A_461 = arith.constant 250 : i32
    %mul3A_462 = arith.muli %add3A, %mul3A_461 : i32
    %add3A_463 = arith.constant 125 : i32
    %add3A_464 = arith.addi %mul3A_462, %add3A_463 : i32
    "tpu.region"() ({
      %run_scoped3A_769 = tpu.sem_alloc : memref<!tpu.dma_semaphore, #tpu.memory_space<semaphore_mem>>
      %dma_start3A_770 = arith.constant 0 : i32
      %dma_start3A_771 = tpu.memref_slice %arg4[%add3A_464, %dma_start3A_770] : memref<8000x40xi32, #tpu.memory_space<hbm>> -> memref<125x40xi32, #tpu.memory_space<hbm>>
      %dma_start3A_772 = arith.constant 0 : i32
      %dma_start3A_773 = tpu.memref_slice %arg4[%add3A_464, %dma_start3A_772] : memref<8000x40xi32, #tpu.memory_space<hbm>> -> memref<125x40xi32, #tpu.memory_space<hbm>>
      tpu.enqueue_dma source(%dma_start3A_773 : memref<125x40xi32, #tpu.memory_space<hbm>>) target(%arg8 : memref<125x40xi32, #tpu.memory_space<vmem>>) target_semaphore(%run_scoped3A_769 : memref<!tpu.dma_semaphore, #tpu.memory_space<semaphore_mem>>)
      %dma_wait3A_774 = arith.constant 0 : i32
      %dma_wait3A_775 = tpu.memref_slice %arg4[%add3A_464, %dma_wait3A_774] : memref<8000x40xi32, #tpu.memory_space<hbm>> -> memref<125x40xi32, #tpu.memory_space<hbm>>
      %dma_wait3A_776 = arith.constant 0 : i32
      %dma_wait3A_777 = tpu.memref_slice %arg4[%add3A_464, %dma_wait3A_776] : memref<8000x40xi32, #tpu.memory_space<hbm>> -> memref<125x40xi32, #tpu.memory_space<hbm>>
      tpu.wait_dma2 semaphore(%run_scoped3A_769 : memref<!tpu.dma_semaphore, #tpu.memory_space<semaphore_mem>>) src(%dma_wait3A_777 : memref<125x40xi32, #tpu.memory_space<hbm>>) dst(%arg8 : memref<125x40xi32, #tpu.memory_space<vmem>>)
      tpu.yield
    }) : () -> ()
    %scan3A_465 = arith.constant 5 : i32
    %scan3A_466 = arith.constant 4 : i32
    %scan3A_467 = arith.constant 0 : i32
    %scan3A_468 = arith.constant 1 : i32
    %scan3A_469 = arith.constant 2 : i32
    %scan3A_470 = arith.constant 3 : i32
    %scan3A_471 = arith.constant 0 : i32
    %scan3A_472 = arith.constant 19 : i32
    %scan3A_473 = arith.addi %scan3A_471, %scan3A_472 : i32
    %scan3A_474 = arith.constant 1 : i32
    scf.for %scan3A_769 = %scan3A_471 to %scan3A_473 step %scan3A_474  : i32 {
      %mul3A_770 = arith.constant 1 : i32
      %mul3A_771 = arith.muli %scan3A_769, %mul3A_770 : i32
      %add3A_772 = arith.constant 0 : i32
      %add3A_773 = arith.addi %add3A_772, %mul3A_771 : i32
      %mul3A_774 = arith.constant 6 : i32
      %mul3A_775 = arith.muli %add3A_773, %mul3A_774 : i32
      %add3A_776 = arith.constant 0 : i32
      %add3A_777 = arith.addi %mul3A_775, %add3A_776 : i32
      %add3A_778 = arith.constant 125 : i32
      %add3A_779 = arith.addi %add3A_778, %add3A_777 : i32
      %dma_wait3A_780 = arith.constant 0 : i32
      %dma_wait3A_781 = arith.constant 0 : i32
      %dma_wait3A_782 = tpu.memref_slice %arg9[%scan3A_465, %dma_wait3A_780, %dma_wait3A_781] : memref<6x40x128xf32, #tpu.memory_space<vmem>> -> memref<1x40x128xf32, #tpu.memory_space<vmem>>
      %dma_wait3A_783 = tpu.memref_squeeze %dma_wait3A_782 : memref<1x40x128xf32, #tpu.memory_space<vmem>> -> memref<40x128xf32, #tpu.memory_space<vmem>>
      %dma_wait3A_784 = arith.constant 0 : i32
      %dma_wait3A_785 = tpu.memref_slice %arg7[%add3A_779, %dma_wait3A_784] : memref<250x40xi32, #tpu.memory_space<vmem>> -> memref<1x40xi32, #tpu.memory_space<vmem>>
      %dma_wait3A_786 = tpu.memref_squeeze %dma_wait3A_785 : memref<1x40xi32, #tpu.memory_space<vmem>> -> memref<40xi32, #tpu.memory_space<vmem>>
      %dma_wait3A_787 = arith.constant 0 : i32
      %dma_wait3A_788 = arith.constant 0 : i32
      %dma_wait3A_789 = tpu.memref_slice %arg2[%dma_wait3A_787, %dma_wait3A_788] : memref<10000x128xf32, #tpu.memory_space<hbm>> -> memref<10000x128xf32, #tpu.memory_space<hbm>>
      tpu.wait_indirect_dma semaphore(%arg15 : memref<!tpu.dma_semaphore, #tpu.memory_space<semaphore_mem>>) src(%dma_wait3A_789 : memref<10000x128xf32, #tpu.memory_space<hbm>>) dst(%dma_wait3A_783 : memref<40x128xf32, #tpu.memory_space<vmem>>)
      %add3A_790 = arith.constant 6 : i32
      %add3A_791 = arith.addi %add3A_779, %add3A_790 : i32
      %sub3A_792 = arith.constant 1 : i32
      %sub3A_793 = arith.subi %add3A_791, %sub3A_792 : i32
      %dma_start3A_794 = arith.constant 0 : i32
      %dma_start3A_795 = arith.constant 0 : i32
      %dma_start3A_796 = tpu.memref_slice %arg9[%scan3A_466, %dma_start3A_794, %dma_start3A_795] : memref<6x40x128xf32, #tpu.memory_space<vmem>> -> memref<1x40x128xf32, #tpu.memory_space<vmem>>
      %dma_start3A_797 = tpu.memref_squeeze %dma_start3A_796 : memref<1x40x128xf32, #tpu.memory_space<vmem>> -> memref<40x128xf32, #tpu.memory_space<vmem>>
      %dma_start3A_798 = arith.constant 0 : i32
      %dma_start3A_799 = tpu.memref_slice %arg7[%sub3A_793, %dma_start3A_798] : memref<250x40xi32, #tpu.memory_space<vmem>> -> memref<1x40xi32, #tpu.memory_space<vmem>>
      %dma_start3A_800 = tpu.memref_squeeze %dma_start3A_799 : memref<1x40xi32, #tpu.memory_space<vmem>> -> memref<40xi32, #tpu.memory_space<vmem>>
      %dma_start3A_801 = arith.constant 0 : i32
      %dma_start3A_802 = arith.constant 0 : i32
      %dma_start3A_803 = tpu.memref_slice %arg2[%dma_start3A_801, %dma_start3A_802] : memref<10000x128xf32, #tpu.memory_space<hbm>> -> memref<10000x128xf32, #tpu.memory_space<hbm>>
      tpu.enqueue_indirect_dma source(%dma_start3A_803 : memref<10000x128xf32, #tpu.memory_space<hbm>>) target(%dma_start3A_797 : memref<40x128xf32, #tpu.memory_space<vmem>>) offsets(%dma_start3A_800 : memref<40xi32, #tpu.memory_space<vmem>>) semaphore(%arg14 : memref<!tpu.dma_semaphore, #tpu.memory_space<semaphore_mem>>)
      "tpu.region"() ({
        %run_scoped3A_954 = tpu.sem_alloc : memref<!tpu.dma_semaphore, #tpu.memory_space<semaphore_mem>>
        %dma_start3A_955 = arith.constant 0 : i32
        %dma_start3A_956 = arith.constant 0 : i32
        %dma_start3A_957 = tpu.memref_slice %arg9[%scan3A_465, %dma_start3A_955, %dma_start3A_956] : memref<6x40x128xf32, #tpu.memory_space<vmem>> -> memref<1x40x128xf32, #tpu.memory_space<vmem>>
        %dma_start3A_958 = tpu.memref_squeeze %dma_start3A_957 : memref<1x40x128xf32, #tpu.memory_space<vmem>> -> memref<40x128xf32, #tpu.memory_space<vmem>>
        %dma_start3A_959 = arith.constant 0 : i32
        %dma_start3A_960 = tpu.memref_slice %arg8[%add3A_777, %dma_start3A_959] : memref<125x40xi32, #tpu.memory_space<vmem>> -> memref<1x40xi32, #tpu.memory_space<vmem>>
        %dma_start3A_961 = tpu.memref_squeeze %dma_start3A_960 : memref<1x40xi32, #tpu.memory_space<vmem>> -> memref<40xi32, #tpu.memory_space<vmem>>
        %dma_start3A_962 = arith.constant 0 : i32
        %dma_start3A_963 = arith.constant 0 : i32
        %dma_start3A_964 = tpu.memref_slice %arg6[%dma_start3A_962, %dma_start3A_963] : memref<10000x128xf32, #tpu.memory_space<vmem_shared>> -> memref<10000x128xf32, #tpu.memory_space<vmem_shared>>
        tpu.enqueue_indirect_dma source(%dma_start3A_958 : memref<40x128xf32, #tpu.memory_space<vmem>>) target(%dma_start3A_964 : memref<10000x128xf32, #tpu.memory_space<vmem_shared>>) offsets(%dma_start3A_961 : memref<40xi32, #tpu.memory_space<vmem>>) semaphore(%run_scoped3A_954 : memref<!tpu.dma_semaphore, #tpu.memory_space<semaphore_mem>>) {add = true}
        %dma_wait3A_965 = arith.constant 0 : i32
        %dma_wait3A_966 = arith.constant 0 : i32
        %dma_wait3A_967 = tpu.memref_slice %arg9[%scan3A_465, %dma_wait3A_965, %dma_wait3A_966] : memref<6x40x128xf32, #tpu.memory_space<vmem>> -> memref<1x40x128xf32, #tpu.memory_space<vmem>>
        %dma_wait3A_968 = tpu.memref_squeeze %dma_wait3A_967 : memref<1x40x128xf32, #tpu.memory_space<vmem>> -> memref<40x128xf32, #tpu.memory_space<vmem>>
        %dma_wait3A_969 = arith.constant 0 : i32
        %dma_wait3A_970 = tpu.memref_slice %arg8[%add3A_777, %dma_wait3A_969] : memref<125x40xi32, #tpu.memory_space<vmem>> -> memref<1x40xi32, #tpu.memory_space<vmem>>
        %dma_wait3A_971 = tpu.memref_squeeze %dma_wait3A_970 : memref<1x40xi32, #tpu.memory_space<vmem>> -> memref<40xi32, #tpu.memory_space<vmem>>
        %dma_wait3A_972 = arith.constant 0 : i32
        %dma_wait3A_973 = arith.constant 0 : i32
        %dma_wait3A_974 = tpu.memref_slice %arg6[%dma_wait3A_972, %dma_wait3A_973] : memref<10000x128xf32, #tpu.memory_space<vmem_shared>> -> memref<10000x128xf32, #tpu.memory_space<vmem_shared>>
        tpu.wait_indirect_dma semaphore(%run_scoped3A_954 : memref<!tpu.dma_semaphore, #tpu.memory_space<semaphore_mem>>) src(%dma_wait3A_968 : memref<40x128xf32, #tpu.memory_space<vmem>>) dst(%dma_wait3A_974 : memref<10000x128xf32, #tpu.memory_space<vmem_shared>>)
        tpu.yield
      }) : () -> ()
      %mul3A_804 = arith.constant 6 : i32
      %mul3A_805 = arith.muli %add3A_773, %mul3A_804 : i32
      %add3A_806 = arith.constant 1 : i32
      %add3A_807 = arith.addi %mul3A_805, %add3A_806 : i32
      %add3A_808 = arith.constant 125 : i32
      %add3A_809 = arith.addi %add3A_808, %add3A_807 : i32
      %dma_wait3A_810 = arith.constant 0 : i32
      %dma_wait3A_811 = arith.constant 0 : i32
      %dma_wait3A_812 = tpu.memref_slice %arg9[%scan3A_467, %dma_wait3A_810, %dma_wait3A_811] : memref<6x40x128xf32, #tpu.memory_space<vmem>> -> memref<1x40x128xf32, #tpu.memory_space<vmem>>
      %dma_wait3A_813 = tpu.memref_squeeze %dma_wait3A_812 : memref<1x40x128xf32, #tpu.memory_space<vmem>> -> memref<40x128xf32, #tpu.memory_space<vmem>>
      %dma_wait3A_814 = arith.constant 0 : i32
      %dma_wait3A_815 = tpu.memref_slice %arg7[%add3A_809, %dma_wait3A_814] : memref<250x40xi32, #tpu.memory_space<vmem>> -> memref<1x40xi32, #tpu.memory_space<vmem>>
      %dma_wait3A_816 = tpu.memref_squeeze %dma_wait3A_815 : memref<1x40xi32, #tpu.memory_space<vmem>> -> memref<40xi32, #tpu.memory_space<vmem>>
      %dma_wait3A_817 = arith.constant 0 : i32
      %dma_wait3A_818 = arith.constant 0 : i32
      %dma_wait3A_819 = tpu.memref_slice %arg2[%dma_wait3A_817, %dma_wait3A_818] : memref<10000x128xf32, #tpu.memory_space<hbm>> -> memref<10000x128xf32, #tpu.memory_space<hbm>>
      tpu.wait_indirect_dma semaphore(%arg10 : memref<!tpu.dma_semaphore, #tpu.memory_space<semaphore_mem>>) src(%dma_wait3A_819 : memref<10000x128xf32, #tpu.memory_space<hbm>>) dst(%dma_wait3A_813 : memref<40x128xf32, #tpu.memory_space<vmem>>)
      %add3A_820 = arith.constant 6 : i32
      %add3A_821 = arith.addi %add3A_809, %add3A_820 : i32
      %sub3A_822 = arith.constant 1 : i32
      %sub3A_823 = arith.subi %add3A_821, %sub3A_822 : i32
      %dma_start3A_824 = arith.constant 0 : i32
      %dma_start3A_825 = arith.constant 0 : i32
      %dma_start3A_826 = tpu.memref_slice %arg9[%scan3A_465, %dma_start3A_824, %dma_start3A_825] : memref<6x40x128xf32, #tpu.memory_space<vmem>> -> memref<1x40x128xf32, #tpu.memory_space<vmem>>
      %dma_start3A_827 = tpu.memref_squeeze %dma_start3A_826 : memref<1x40x128xf32, #tpu.memory_space<vmem>> -> memref<40x128xf32, #tpu.memory_space<vmem>>
      %dma_start3A_828 = arith.constant 0 : i32
      %dma_start3A_829 = tpu.memref_slice %arg7[%sub3A_823, %dma_start3A_828] : memref<250x40xi32, #tpu.memory_space<vmem>> -> memref<1x40xi32, #tpu.memory_space<vmem>>
      %dma_start3A_830 = tpu.memref_squeeze %dma_start3A_829 : memref<1x40xi32, #tpu.memory_space<vmem>> -> memref<40xi32, #tpu.memory_space<vmem>>
      %dma_start3A_831 = arith.constant 0 : i32
      %dma_start3A_832 = arith.constant 0 : i32
      %dma_start3A_833 = tpu.memref_slice %arg2[%dma_start3A_831, %dma_start3A_832] : memref<10000x128xf32, #tpu.memory_space<hbm>> -> memref<10000x128xf32, #tpu.memory_space<hbm>>
      tpu.enqueue_indirect_dma source(%dma_start3A_833 : memref<10000x128xf32, #tpu.memory_space<hbm>>) target(%dma_start3A_827 : memref<40x128xf32, #tpu.memory_space<vmem>>) offsets(%dma_start3A_830 : memref<40xi32, #tpu.memory_space<vmem>>) semaphore(%arg15 : memref<!tpu.dma_semaphore, #tpu.memory_space<semaphore_mem>>)
      "tpu.region"() ({
        %run_scoped3A_954 = tpu.sem_alloc : memref<!tpu.dma_semaphore, #tpu.memory_space<semaphore_mem>>
        %dma_start3A_955 = arith.constant 0 : i32
        %dma_start3A_956 = arith.constant 0 : i32
        %dma_start3A_957 = tpu.memref_slice %arg9[%scan3A_467, %dma_start3A_955, %dma_start3A_956] : memref<6x40x128xf32, #tpu.memory_space<vmem>> -> memref<1x40x128xf32, #tpu.memory_space<vmem>>
        %dma_start3A_958 = tpu.memref_squeeze %dma_start3A_957 : memref<1x40x128xf32, #tpu.memory_space<vmem>> -> memref<40x128xf32, #tpu.memory_space<vmem>>
        %dma_start3A_959 = arith.constant 0 : i32
        %dma_start3A_960 = tpu.memref_slice %arg8[%add3A_807, %dma_start3A_959] : memref<125x40xi32, #tpu.memory_space<vmem>> -> memref<1x40xi32, #tpu.memory_space<vmem>>
        %dma_start3A_961 = tpu.memref_squeeze %dma_start3A_960 : memref<1x40xi32, #tpu.memory_space<vmem>> -> memref<40xi32, #tpu.memory_space<vmem>>
        %dma_start3A_962 = arith.constant 0 : i32
        %dma_start3A_963 = arith.constant 0 : i32
        %dma_start3A_964 = tpu.memref_slice %arg6[%dma_start3A_962, %dma_start3A_963] : memref<10000x128xf32, #tpu.memory_space<vmem_shared>> -> memref<10000x128xf32, #tpu.memory_space<vmem_shared>>
        tpu.enqueue_indirect_dma source(%dma_start3A_958 : memref<40x128xf32, #tpu.memory_space<vmem>>) target(%dma_start3A_964 : memref<10000x128xf32, #tpu.memory_space<vmem_shared>>) offsets(%dma_start3A_961 : memref<40xi32, #tpu.memory_space<vmem>>) semaphore(%run_scoped3A_954 : memref<!tpu.dma_semaphore, #tpu.memory_space<semaphore_mem>>) {add = true}
        %dma_wait3A_965 = arith.constant 0 : i32
        %dma_wait3A_966 = arith.constant 0 : i32
        %dma_wait3A_967 = tpu.memref_slice %arg9[%scan3A_467, %dma_wait3A_965, %dma_wait3A_966] : memref<6x40x128xf32, #tpu.memory_space<vmem>> -> memref<1x40x128xf32, #tpu.memory_space<vmem>>
        %dma_wait3A_968 = tpu.memref_squeeze %dma_wait3A_967 : memref<1x40x128xf32, #tpu.memory_space<vmem>> -> memref<40x128xf32, #tpu.memory_space<vmem>>
        %dma_wait3A_969 = arith.constant 0 : i32
        %dma_wait3A_970 = tpu.memref_slice %arg8[%add3A_807, %dma_wait3A_969] : memref<125x40xi32, #tpu.memory_space<vmem>> -> memref<1x40xi32, #tpu.memory_space<vmem>>
        %dma_wait3A_971 = tpu.memref_squeeze %dma_wait3A_970 : memref<1x40xi32, #tpu.memory_space<vmem>> -> memref<40xi32, #tpu.memory_space<vmem>>
        %dma_wait3A_972 = arith.constant 0 : i32
        %dma_wait3A_973 = arith.constant 0 : i32
        %dma_wait3A_974 = tpu.memref_slice %arg6[%dma_wait3A_972, %dma_wait3A_973] : memref<10000x128xf32, #tpu.memory_space<vmem_shared>> -> memref<10000x128xf32, #tpu.memory_space<vmem_shared>>
        tpu.wait_indirect_dma semaphore(%run_scoped3A_954 : memref<!tpu.dma_semaphore, #tpu.memory_space<semaphore_mem>>) src(%dma_wait3A_968 : memref<40x128xf32, #tpu.memory_space<vmem>>) dst(%dma_wait3A_974 : memref<10000x128xf32, #tpu.memory_space<vmem_shared>>)
        tpu.yield
      }) : () -> ()
      %mul3A_834 = arith.constant 6 : i32
      %mul3A_835 = arith.muli %add3A_773, %mul3A_834 : i32
      %add3A_836 = arith.constant 2 : i32
      %add3A_837 = arith.addi %mul3A_835, %add3A_836 : i32
      %add3A_838 = arith.constant 125 : i32
      %add3A_839 = arith.addi %add3A_838, %add3A_837 : i32
      %dma_wait3A_840 = arith.constant 0 : i32
      %dma_wait3A_841 = arith.constant 0 : i32
      %dma_wait3A_842 = tpu.memref_slice %arg9[%scan3A_468, %dma_wait3A_840, %dma_wait3A_841] : memref<6x40x128xf32, #tpu.memory_space<vmem>> -> memref<1x40x128xf32, #tpu.memory_space<vmem>>
      %dma_wait3A_843 = tpu.memref_squeeze %dma_wait3A_842 : memref<1x40x128xf32, #tpu.memory_space<vmem>> -> memref<40x128xf32, #tpu.memory_space<vmem>>
      %dma_wait3A_844 = arith.constant 0 : i32
      %dma_wait3A_845 = tpu.memref_slice %arg7[%add3A_839, %dma_wait3A_844] : memref<250x40xi32, #tpu.memory_space<vmem>> -> memref<1x40xi32, #tpu.memory_space<vmem>>
      %dma_wait3A_846 = tpu.memref_squeeze %dma_wait3A_845 : memref<1x40xi32, #tpu.memory_space<vmem>> -> memref<40xi32, #tpu.memory_space<vmem>>
      %dma_wait3A_847 = arith.constant 0 : i32
      %dma_wait3A_848 = arith.constant 0 : i32
      %dma_wait3A_849 = tpu.memref_slice %arg2[%dma_wait3A_847, %dma_wait3A_848] : memref<10000x128xf32, #tpu.memory_space<hbm>> -> memref<10000x128xf32, #tpu.memory_space<hbm>>
      tpu.wait_indirect_dma semaphore(%arg11 : memref<!tpu.dma_semaphore, #tpu.memory_space<semaphore_mem>>) src(%dma_wait3A_849 : memref<10000x128xf32, #tpu.memory_space<hbm>>) dst(%dma_wait3A_843 : memref<40x128xf32, #tpu.memory_space<vmem>>)
      %add3A_850 = arith.constant 6 : i32
      %add3A_851 = arith.addi %add3A_839, %add3A_850 : i32
      %sub3A_852 = arith.constant 1 : i32
      %sub3A_853 = arith.subi %add3A_851, %sub3A_852 : i32
      %dma_start3A_854 = arith.constant 0 : i32
      %dma_start3A_855 = arith.constant 0 : i32
      %dma_start3A_856 = tpu.memref_slice %arg9[%scan3A_467, %dma_start3A_854, %dma_start3A_855] : memref<6x40x128xf32, #tpu.memory_space<vmem>> -> memref<1x40x128xf32, #tpu.memory_space<vmem>>
      %dma_start3A_857 = tpu.memref_squeeze %dma_start3A_856 : memref<1x40x128xf32, #tpu.memory_space<vmem>> -> memref<40x128xf32, #tpu.memory_space<vmem>>
      %dma_start3A_858 = arith.constant 0 : i32
      %dma_start3A_859 = tpu.memref_slice %arg7[%sub3A_853, %dma_start3A_858] : memref<250x40xi32, #tpu.memory_space<vmem>> -> memref<1x40xi32, #tpu.memory_space<vmem>>
      %dma_start3A_860 = tpu.memref_squeeze %dma_start3A_859 : memref<1x40xi32, #tpu.memory_space<vmem>> -> memref<40xi32, #tpu.memory_space<vmem>>
      %dma_start3A_861 = arith.constant 0 : i32
      %dma_start3A_862 = arith.constant 0 : i32
      %dma_start3A_863 = tpu.memref_slice %arg2[%dma_start3A_861, %dma_start3A_862] : memref<10000x128xf32, #tpu.memory_space<hbm>> -> memref<10000x128xf32, #tpu.memory_space<hbm>>
      tpu.enqueue_indirect_dma source(%dma_start3A_863 : memref<10000x128xf32, #tpu.memory_space<hbm>>) target(%dma_start3A_857 : memref<40x128xf32, #tpu.memory_space<vmem>>) offsets(%dma_start3A_860 : memref<40xi32, #tpu.memory_space<vmem>>) semaphore(%arg10 : memref<!tpu.dma_semaphore, #tpu.memory_space<semaphore_mem>>)
      "tpu.region"() ({
        %run_scoped3A_954 = tpu.sem_alloc : memref<!tpu.dma_semaphore, #tpu.memory_space<semaphore_mem>>
        %dma_start3A_955 = arith.constant 0 : i32
        %dma_start3A_956 = arith.constant 0 : i32
        %dma_start3A_957 = tpu.memref_slice %arg9[%scan3A_468, %dma_start3A_955, %dma_start3A_956] : memref<6x40x128xf32, #tpu.memory_space<vmem>> -> memref<1x40x128xf32, #tpu.memory_space<vmem>>
        %dma_start3A_958 = tpu.memref_squeeze %dma_start3A_957 : memref<1x40x128xf32, #tpu.memory_space<vmem>> -> memref<40x128xf32, #tpu.memory_space<vmem>>
        %dma_start3A_959 = arith.constant 0 : i32
        %dma_start3A_960 = tpu.memref_slice %arg8[%add3A_837, %dma_start3A_959] : memref<125x40xi32, #tpu.memory_space<vmem>> -> memref<1x40xi32, #tpu.memory_space<vmem>>
        %dma_start3A_961 = tpu.memref_squeeze %dma_start3A_960 : memref<1x40xi32, #tpu.memory_space<vmem>> -> memref<40xi32, #tpu.memory_space<vmem>>
        %dma_start3A_962 = arith.constant 0 : i32
        %dma_start3A_963 = arith.constant 0 : i32
        %dma_start3A_964 = tpu.memref_slice %arg6[%dma_start3A_962, %dma_start3A_963] : memref<10000x128xf32, #tpu.memory_space<vmem_shared>> -> memref<10000x128xf32, #tpu.memory_space<vmem_shared>>
        tpu.enqueue_indirect_dma source(%dma_start3A_958 : memref<40x128xf32, #tpu.memory_space<vmem>>) target(%dma_start3A_964 : memref<10000x128xf32, #tpu.memory_space<vmem_shared>>) offsets(%dma_start3A_961 : memref<40xi32, #tpu.memory_space<vmem>>) semaphore(%run_scoped3A_954 : memref<!tpu.dma_semaphore, #tpu.memory_space<semaphore_mem>>) {add = true}
        %dma_wait3A_965 = arith.constant 0 : i32
        %dma_wait3A_966 = arith.constant 0 : i32
        %dma_wait3A_967 = tpu.memref_slice %arg9[%scan3A_468, %dma_wait3A_965, %dma_wait3A_966] : memref<6x40x128xf32, #tpu.memory_space<vmem>> -> memref<1x40x128xf32, #tpu.memory_space<vmem>>
        %dma_wait3A_968 = tpu.memref_squeeze %dma_wait3A_967 : memref<1x40x128xf32, #tpu.memory_space<vmem>> -> memref<40x128xf32, #tpu.memory_space<vmem>>
        %dma_wait3A_969 = arith.constant 0 : i32
        %dma_wait3A_970 = tpu.memref_slice %arg8[%add3A_837, %dma_wait3A_969] : memref<125x40xi32, #tpu.memory_space<vmem>> -> memref<1x40xi32, #tpu.memory_space<vmem>>
        %dma_wait3A_971 = tpu.memref_squeeze %dma_wait3A_970 : memref<1x40xi32, #tpu.memory_space<vmem>> -> memref<40xi32, #tpu.memory_space<vmem>>
        %dma_wait3A_972 = arith.constant 0 : i32
        %dma_wait3A_973 = arith.constant 0 : i32
        %dma_wait3A_974 = tpu.memref_slice %arg6[%dma_wait3A_972, %dma_wait3A_973] : memref<10000x128xf32, #tpu.memory_space<vmem_shared>> -> memref<10000x128xf32, #tpu.memory_space<vmem_shared>>
        tpu.wait_indirect_dma semaphore(%run_scoped3A_954 : memref<!tpu.dma_semaphore, #tpu.memory_space<semaphore_mem>>) src(%dma_wait3A_968 : memref<40x128xf32, #tpu.memory_space<vmem>>) dst(%dma_wait3A_974 : memref<10000x128xf32, #tpu.memory_space<vmem_shared>>)
        tpu.yield
      }) : () -> ()
      %mul3A_864 = arith.constant 6 : i32
      %mul3A_865 = arith.muli %add3A_773, %mul3A_864 : i32
      %add3A_866 = arith.constant 3 : i32
      %add3A_867 = arith.addi %mul3A_865, %add3A_866 : i32
      %add3A_868 = arith.constant 125 : i32
      %add3A_869 = arith.addi %add3A_868, %add3A_867 : i32
      %dma_wait3A_870 = arith.constant 0 : i32
      %dma_wait3A_871 = arith.constant 0 : i32
      %dma_wait3A_872 = tpu.memref_slice %arg9[%scan3A_469, %dma_wait3A_870, %dma_wait3A_871] : memref<6x40x128xf32, #tpu.memory_space<vmem>> -> memref<1x40x128xf32, #tpu.memory_space<vmem>>
      %dma_wait3A_873 = tpu.memref_squeeze %dma_wait3A_872 : memref<1x40x128xf32, #tpu.memory_space<vmem>> -> memref<40x128xf32, #tpu.memory_space<vmem>>
      %dma_wait3A_874 = arith.constant 0 : i32
      %dma_wait3A_875 = tpu.memref_slice %arg7[%add3A_869, %dma_wait3A_874] : memref<250x40xi32, #tpu.memory_space<vmem>> -> memref<1x40xi32, #tpu.memory_space<vmem>>
      %dma_wait3A_876 = tpu.memref_squeeze %dma_wait3A_875 : memref<1x40xi32, #tpu.memory_space<vmem>> -> memref<40xi32, #tpu.memory_space<vmem>>
      %dma_wait3A_877 = arith.constant 0 : i32
      %dma_wait3A_878 = arith.constant 0 : i32
      %dma_wait3A_879 = tpu.memref_slice %arg2[%dma_wait3A_877, %dma_wait3A_878] : memref<10000x128xf32, #tpu.memory_space<hbm>> -> memref<10000x128xf32, #tpu.memory_space<hbm>>
      tpu.wait_indirect_dma semaphore(%arg12 : memref<!tpu.dma_semaphore, #tpu.memory_space<semaphore_mem>>) src(%dma_wait3A_879 : memref<10000x128xf32, #tpu.memory_space<hbm>>) dst(%dma_wait3A_873 : memref<40x128xf32, #tpu.memory_space<vmem>>)
      %add3A_880 = arith.constant 6 : i32
      %add3A_881 = arith.addi %add3A_869, %add3A_880 : i32
      %sub3A_882 = arith.constant 1 : i32
      %sub3A_883 = arith.subi %add3A_881, %sub3A_882 : i32
      %dma_start3A_884 = arith.constant 0 : i32
      %dma_start3A_885 = arith.constant 0 : i32
      %dma_start3A_886 = tpu.memref_slice %arg9[%scan3A_468, %dma_start3A_884, %dma_start3A_885] : memref<6x40x128xf32, #tpu.memory_space<vmem>> -> memref<1x40x128xf32, #tpu.memory_space<vmem>>
      %dma_start3A_887 = tpu.memref_squeeze %dma_start3A_886 : memref<1x40x128xf32, #tpu.memory_space<vmem>> -> memref<40x128xf32, #tpu.memory_space<vmem>>
      %dma_start3A_888 = arith.constant 0 : i32
      %dma_start3A_889 = tpu.memref_slice %arg7[%sub3A_883, %dma_start3A_888] : memref<250x40xi32, #tpu.memory_space<vmem>> -> memref<1x40xi32, #tpu.memory_space<vmem>>
      %dma_start3A_890 = tpu.memref_squeeze %dma_start3A_889 : memref<1x40xi32, #tpu.memory_space<vmem>> -> memref<40xi32, #tpu.memory_space<vmem>>
      %dma_start3A_891 = arith.constant 0 : i32
      %dma_start3A_892 = arith.constant 0 : i32
      %dma_start3A_893 = tpu.memref_slice %arg2[%dma_start3A_891, %dma_start3A_892] : memref<10000x128xf32, #tpu.memory_space<hbm>> -> memref<10000x128xf32, #tpu.memory_space<hbm>>
      tpu.enqueue_indirect_dma source(%dma_start3A_893 : memref<10000x128xf32, #tpu.memory_space<hbm>>) target(%dma_start3A_887 : memref<40x128xf32, #tpu.memory_space<vmem>>) offsets(%dma_start3A_890 : memref<40xi32, #tpu.memory_space<vmem>>) semaphore(%arg11 : memref<!tpu.dma_semaphore, #tpu.memory_space<semaphore_mem>>)
      "tpu.region"() ({
        %run_scoped3A_954 = tpu.sem_alloc : memref<!tpu.dma_semaphore, #tpu.memory_space<semaphore_mem>>
        %dma_start3A_955 = arith.constant 0 : i32
        %dma_start3A_956 = arith.constant 0 : i32
        %dma_start3A_957 = tpu.memref_slice %arg9[%scan3A_469, %dma_start3A_955, %dma_start3A_956] : memref<6x40x128xf32, #tpu.memory_space<vmem>> -> memref<1x40x128xf32, #tpu.memory_space<vmem>>
        %dma_start3A_958 = tpu.memref_squeeze %dma_start3A_957 : memref<1x40x128xf32, #tpu.memory_space<vmem>> -> memref<40x128xf32, #tpu.memory_space<vmem>>
        %dma_start3A_959 = arith.constant 0 : i32
        %dma_start3A_960 = tpu.memref_slice %arg8[%add3A_867, %dma_start3A_959] : memref<125x40xi32, #tpu.memory_space<vmem>> -> memref<1x40xi32, #tpu.memory_space<vmem>>
        %dma_start3A_961 = tpu.memref_squeeze %dma_start3A_960 : memref<1x40xi32, #tpu.memory_space<vmem>> -> memref<40xi32, #tpu.memory_space<vmem>>
        %dma_start3A_962 = arith.constant 0 : i32
        %dma_start3A_963 = arith.constant 0 : i32
        %dma_start3A_964 = tpu.memref_slice %arg6[%dma_start3A_962, %dma_start3A_963] : memref<10000x128xf32, #tpu.memory_space<vmem_shared>> -> memref<10000x128xf32, #tpu.memory_space<vmem_shared>>
        tpu.enqueue_indirect_dma source(%dma_start3A_958 : memref<40x128xf32, #tpu.memory_space<vmem>>) target(%dma_start3A_964 : memref<10000x128xf32, #tpu.memory_space<vmem_shared>>) offsets(%dma_start3A_961 : memref<40xi32, #tpu.memory_space<vmem>>) semaphore(%run_scoped3A_954 : memref<!tpu.dma_semaphore, #tpu.memory_space<semaphore_mem>>) {add = true}
        %dma_wait3A_965 = arith.constant 0 : i32
        %dma_wait3A_966 = arith.constant 0 : i32
        %dma_wait3A_967 = tpu.memref_slice %arg9[%scan3A_469, %dma_wait3A_965, %dma_wait3A_966] : memref<6x40x128xf32, #tpu.memory_space<vmem>> -> memref<1x40x128xf32, #tpu.memory_space<vmem>>
        %dma_wait3A_968 = tpu.memref_squeeze %dma_wait3A_967 : memref<1x40x128xf32, #tpu.memory_space<vmem>> -> memref<40x128xf32, #tpu.memory_space<vmem>>
        %dma_wait3A_969 = arith.constant 0 : i32
        %dma_wait3A_970 = tpu.memref_slice %arg8[%add3A_867, %dma_wait3A_969] : memref<125x40xi32, #tpu.memory_space<vmem>> -> memref<1x40xi32, #tpu.memory_space<vmem>>
        %dma_wait3A_971 = tpu.memref_squeeze %dma_wait3A_970 : memref<1x40xi32, #tpu.memory_space<vmem>> -> memref<40xi32, #tpu.memory_space<vmem>>
        %dma_wait3A_972 = arith.constant 0 : i32
        %dma_wait3A_973 = arith.constant 0 : i32
        %dma_wait3A_974 = tpu.memref_slice %arg6[%dma_wait3A_972, %dma_wait3A_973] : memref<10000x128xf32, #tpu.memory_space<vmem_shared>> -> memref<10000x128xf32, #tpu.memory_space<vmem_shared>>
        tpu.wait_indirect_dma semaphore(%run_scoped3A_954 : memref<!tpu.dma_semaphore, #tpu.memory_space<semaphore_mem>>) src(%dma_wait3A_968 : memref<40x128xf32, #tpu.memory_space<vmem>>) dst(%dma_wait3A_974 : memref<10000x128xf32, #tpu.memory_space<vmem_shared>>)
        tpu.yield
      }) : () -> ()
      %mul3A_894 = arith.constant 6 : i32
      %mul3A_895 = arith.muli %add3A_773, %mul3A_894 : i32
      %add3A_896 = arith.constant 4 : i32
      %add3A_897 = arith.addi %mul3A_895, %add3A_896 : i32
      %add3A_898 = arith.constant 125 : i32
      %add3A_899 = arith.addi %add3A_898, %add3A_897 : i32
      %dma_wait3A_900 = arith.constant 0 : i32
      %dma_wait3A_901 = arith.constant 0 : i32
      %dma_wait3A_902 = tpu.memref_slice %arg9[%scan3A_470, %dma_wait3A_900, %dma_wait3A_901] : memref<6x40x128xf32, #tpu.memory_space<vmem>> -> memref<1x40x128xf32, #tpu.memory_space<vmem>>
      %dma_wait3A_903 = tpu.memref_squeeze %dma_wait3A_902 : memref<1x40x128xf32, #tpu.memory_space<vmem>> -> memref<40x128xf32, #tpu.memory_space<vmem>>
      %dma_wait3A_904 = arith.constant 0 : i32
      %dma_wait3A_905 = tpu.memref_slice %arg7[%add3A_899, %dma_wait3A_904] : memref<250x40xi32, #tpu.memory_space<vmem>> -> memref<1x40xi32, #tpu.memory_space<vmem>>
      %dma_wait3A_906 = tpu.memref_squeeze %dma_wait3A_905 : memref<1x40xi32, #tpu.memory_space<vmem>> -> memref<40xi32, #tpu.memory_space<vmem>>
      %dma_wait3A_907 = arith.constant 0 : i32
      %dma_wait3A_908 = arith.constant 0 : i32
      %dma_wait3A_909 = tpu.memref_slice %arg2[%dma_wait3A_907, %dma_wait3A_908] : memref<10000x128xf32, #tpu.memory_space<hbm>> -> memref<10000x128xf32, #tpu.memory_space<hbm>>
      tpu.wait_indirect_dma semaphore(%arg13 : memref<!tpu.dma_semaphore, #tpu.memory_space<semaphore_mem>>) src(%dma_wait3A_909 : memref<10000x128xf32, #tpu.memory_space<hbm>>) dst(%dma_wait3A_903 : memref<40x128xf32, #tpu.memory_space<vmem>>)
      %add3A_910 = arith.constant 6 : i32
      %add3A_911 = arith.addi %add3A_899, %add3A_910 : i32
      %sub3A_912 = arith.constant 1 : i32
      %sub3A_913 = arith.subi %add3A_911, %sub3A_912 : i32
      %dma_start3A_914 = arith.constant 0 : i32
      %dma_start3A_915 = arith.constant 0 : i32
      %dma_start3A_916 = tpu.memref_slice %arg9[%scan3A_469, %dma_start3A_914, %dma_start3A_915] : memref<6x40x128xf32, #tpu.memory_space<vmem>> -> memref<1x40x128xf32, #tpu.memory_space<vmem>>
      %dma_start3A_917 = tpu.memref_squeeze %dma_start3A_916 : memref<1x40x128xf32, #tpu.memory_space<vmem>> -> memref<40x128xf32, #tpu.memory_space<vmem>>
      %dma_start3A_918 = arith.constant 0 : i32
      %dma_start3A_919 = tpu.memref_slice %arg7[%sub3A_913, %dma_start3A_918] : memref<250x40xi32, #tpu.memory_space<vmem>> -> memref<1x40xi32, #tpu.memory_space<vmem>>
      %dma_start3A_920 = tpu.memref_squeeze %dma_start3A_919 : memref<1x40xi32, #tpu.memory_space<vmem>> -> memref<40xi32, #tpu.memory_space<vmem>>
      %dma_start3A_921 = arith.constant 0 : i32
      %dma_start3A_922 = arith.constant 0 : i32
      %dma_start3A_923 = tpu.memref_slice %arg2[%dma_start3A_921, %dma_start3A_922] : memref<10000x128xf32, #tpu.memory_space<hbm>> -> memref<10000x128xf32, #tpu.memory_space<hbm>>
      tpu.enqueue_indirect_dma source(%dma_start3A_923 : memref<10000x128xf32, #tpu.memory_space<hbm>>) target(%dma_start3A_917 : memref<40x128xf32, #tpu.memory_space<vmem>>) offsets(%dma_start3A_920 : memref<40xi32, #tpu.memory_space<vmem>>) semaphore(%arg12 : memref<!tpu.dma_semaphore, #tpu.memory_space<semaphore_mem>>)
      "tpu.region"() ({
        %run_scoped3A_954 = tpu.sem_alloc : memref<!tpu.dma_semaphore, #tpu.memory_space<semaphore_mem>>
        %dma_start3A_955 = arith.constant 0 : i32
        %dma_start3A_956 = arith.constant 0 : i32
        %dma_start3A_957 = tpu.memref_slice %arg9[%scan3A_470, %dma_start3A_955, %dma_start3A_956] : memref<6x40x128xf32, #tpu.memory_space<vmem>> -> memref<1x40x128xf32, #tpu.memory_space<vmem>>
        %dma_start3A_958 = tpu.memref_squeeze %dma_start3A_957 : memref<1x40x128xf32, #tpu.memory_space<vmem>> -> memref<40x128xf32, #tpu.memory_space<vmem>>
        %dma_start3A_959 = arith.constant 0 : i32
        %dma_start3A_960 = tpu.memref_slice %arg8[%add3A_897, %dma_start3A_959] : memref<125x40xi32, #tpu.memory_space<vmem>> -> memref<1x40xi32, #tpu.memory_space<vmem>>
        %dma_start3A_961 = tpu.memref_squeeze %dma_start3A_960 : memref<1x40xi32, #tpu.memory_space<vmem>> -> memref<40xi32, #tpu.memory_space<vmem>>
        %dma_start3A_962 = arith.constant 0 : i32
        %dma_start3A_963 = arith.constant 0 : i32
        %dma_start3A_964 = tpu.memref_slice %arg6[%dma_start3A_962, %dma_start3A_963] : memref<10000x128xf32, #tpu.memory_space<vmem_shared>> -> memref<10000x128xf32, #tpu.memory_space<vmem_shared>>
        tpu.enqueue_indirect_dma source(%dma_start3A_958 : memref<40x128xf32, #tpu.memory_space<vmem>>) target(%dma_start3A_964 : memref<10000x128xf32, #tpu.memory_space<vmem_shared>>) offsets(%dma_start3A_961 : memref<40xi32, #tpu.memory_space<vmem>>) semaphore(%run_scoped3A_954 : memref<!tpu.dma_semaphore, #tpu.memory_space<semaphore_mem>>) {add = true}
        %dma_wait3A_965 = arith.constant 0 : i32
        %dma_wait3A_966 = arith.constant 0 : i32
        %dma_wait3A_967 = tpu.memref_slice %arg9[%scan3A_470, %dma_wait3A_965, %dma_wait3A_966] : memref<6x40x128xf32, #tpu.memory_space<vmem>> -> memref<1x40x128xf32, #tpu.memory_space<vmem>>
        %dma_wait3A_968 = tpu.memref_squeeze %dma_wait3A_967 : memref<1x40x128xf32, #tpu.memory_space<vmem>> -> memref<40x128xf32, #tpu.memory_space<vmem>>
        %dma_wait3A_969 = arith.constant 0 : i32
        %dma_wait3A_970 = tpu.memref_slice %arg8[%add3A_897, %dma_wait3A_969] : memref<125x40xi32, #tpu.memory_space<vmem>> -> memref<1x40xi32, #tpu.memory_space<vmem>>
        %dma_wait3A_971 = tpu.memref_squeeze %dma_wait3A_970 : memref<1x40xi32, #tpu.memory_space<vmem>> -> memref<40xi32, #tpu.memory_space<vmem>>
        %dma_wait3A_972 = arith.constant 0 : i32
        %dma_wait3A_973 = arith.constant 0 : i32
        %dma_wait3A_974 = tpu.memref_slice %arg6[%dma_wait3A_972, %dma_wait3A_973] : memref<10000x128xf32, #tpu.memory_space<vmem_shared>> -> memref<10000x128xf32, #tpu.memory_space<vmem_shared>>
        tpu.wait_indirect_dma semaphore(%run_scoped3A_954 : memref<!tpu.dma_semaphore, #tpu.memory_space<semaphore_mem>>) src(%dma_wait3A_968 : memref<40x128xf32, #tpu.memory_space<vmem>>) dst(%dma_wait3A_974 : memref<10000x128xf32, #tpu.memory_space<vmem_shared>>)
        tpu.yield
      }) : () -> ()
      %mul3A_924 = arith.constant 6 : i32
      %mul3A_925 = arith.muli %add3A_773, %mul3A_924 : i32
      %add3A_926 = arith.constant 5 : i32
      %add3A_927 = arith.addi %mul3A_925, %add3A_926 : i32
      %add3A_928 = arith.constant 125 : i32
      %add3A_929 = arith.addi %add3A_928, %add3A_927 : i32
      %dma_wait3A_930 = arith.constant 0 : i32
      %dma_wait3A_931 = arith.constant 0 : i32
      %dma_wait3A_932 = tpu.memref_slice %arg9[%scan3A_466, %dma_wait3A_930, %dma_wait3A_931] : memref<6x40x128xf32, #tpu.memory_space<vmem>> -> memref<1x40x128xf32, #tpu.memory_space<vmem>>
      %dma_wait3A_933 = tpu.memref_squeeze %dma_wait3A_932 : memref<1x40x128xf32, #tpu.memory_space<vmem>> -> memref<40x128xf32, #tpu.memory_space<vmem>>
      %dma_wait3A_934 = arith.constant 0 : i32
      %dma_wait3A_935 = tpu.memref_slice %arg7[%add3A_929, %dma_wait3A_934] : memref<250x40xi32, #tpu.memory_space<vmem>> -> memref<1x40xi32, #tpu.memory_space<vmem>>
      %dma_wait3A_936 = tpu.memref_squeeze %dma_wait3A_935 : memref<1x40xi32, #tpu.memory_space<vmem>> -> memref<40xi32, #tpu.memory_space<vmem>>
      %dma_wait3A_937 = arith.constant 0 : i32
      %dma_wait3A_938 = arith.constant 0 : i32
      %dma_wait3A_939 = tpu.memref_slice %arg2[%dma_wait3A_937, %dma_wait3A_938] : memref<10000x128xf32, #tpu.memory_space<hbm>> -> memref<10000x128xf32, #tpu.memory_space<hbm>>
      tpu.wait_indirect_dma semaphore(%arg14 : memref<!tpu.dma_semaphore, #tpu.memory_space<semaphore_mem>>) src(%dma_wait3A_939 : memref<10000x128xf32, #tpu.memory_space<hbm>>) dst(%dma_wait3A_933 : memref<40x128xf32, #tpu.memory_space<vmem>>)
      %add3A_940 = arith.constant 6 : i32
      %add3A_941 = arith.addi %add3A_929, %add3A_940 : i32
      %sub3A_942 = arith.constant 1 : i32
      %sub3A_943 = arith.subi %add3A_941, %sub3A_942 : i32
      %dma_start3A_944 = arith.constant 0 : i32
      %dma_start3A_945 = arith.constant 0 : i32
      %dma_start3A_946 = tpu.memref_slice %arg9[%scan3A_470, %dma_start3A_944, %dma_start3A_945] : memref<6x40x128xf32, #tpu.memory_space<vmem>> -> memref<1x40x128xf32, #tpu.memory_space<vmem>>
      %dma_start3A_947 = tpu.memref_squeeze %dma_start3A_946 : memref<1x40x128xf32, #tpu.memory_space<vmem>> -> memref<40x128xf32, #tpu.memory_space<vmem>>
      %dma_start3A_948 = arith.constant 0 : i32
      %dma_start3A_949 = tpu.memref_slice %arg7[%sub3A_943, %dma_start3A_948] : memref<250x40xi32, #tpu.memory_space<vmem>> -> memref<1x40xi32, #tpu.memory_space<vmem>>
      %dma_start3A_950 = tpu.memref_squeeze %dma_start3A_949 : memref<1x40xi32, #tpu.memory_space<vmem>> -> memref<40xi32, #tpu.memory_space<vmem>>
      %dma_start3A_951 = arith.constant 0 : i32
      %dma_start3A_952 = arith.constant 0 : i32
      %dma_start3A_953 = tpu.memref_slice %arg2[%dma_start3A_951, %dma_start3A_952] : memref<10000x128xf32, #tpu.memory_space<hbm>> -> memref<10000x128xf32, #tpu.memory_space<hbm>>
      tpu.enqueue_indirect_dma source(%dma_start3A_953 : memref<10000x128xf32, #tpu.memory_space<hbm>>) target(%dma_start3A_947 : memref<40x128xf32, #tpu.memory_space<vmem>>) offsets(%dma_start3A_950 : memref<40xi32, #tpu.memory_space<vmem>>) semaphore(%arg13 : memref<!tpu.dma_semaphore, #tpu.memory_space<semaphore_mem>>)
      "tpu.region"() ({
        %run_scoped3A_954 = tpu.sem_alloc : memref<!tpu.dma_semaphore, #tpu.memory_space<semaphore_mem>>
        %dma_start3A_955 = arith.constant 0 : i32
        %dma_start3A_956 = arith.constant 0 : i32
        %dma_start3A_957 = tpu.memref_slice %arg9[%scan3A_466, %dma_start3A_955, %dma_start3A_956] : memref<6x40x128xf32, #tpu.memory_space<vmem>> -> memref<1x40x128xf32, #tpu.memory_space<vmem>>
        %dma_start3A_958 = tpu.memref_squeeze %dma_start3A_957 : memref<1x40x128xf32, #tpu.memory_space<vmem>> -> memref<40x128xf32, #tpu.memory_space<vmem>>
        %dma_start3A_959 = arith.constant 0 : i32
        %dma_start3A_960 = tpu.memref_slice %arg8[%add3A_927, %dma_start3A_959] : memref<125x40xi32, #tpu.memory_space<vmem>> -> memref<1x40xi32, #tpu.memory_space<vmem>>
        %dma_start3A_961 = tpu.memref_squeeze %dma_start3A_960 : memref<1x40xi32, #tpu.memory_space<vmem>> -> memref<40xi32, #tpu.memory_space<vmem>>
        %dma_start3A_962 = arith.constant 0 : i32
        %dma_start3A_963 = arith.constant 0 : i32
        %dma_start3A_964 = tpu.memref_slice %arg6[%dma_start3A_962, %dma_start3A_963] : memref<10000x128xf32, #tpu.memory_space<vmem_shared>> -> memref<10000x128xf32, #tpu.memory_space<vmem_shared>>
        tpu.enqueue_indirect_dma source(%dma_start3A_958 : memref<40x128xf32, #tpu.memory_space<vmem>>) target(%dma_start3A_964 : memref<10000x128xf32, #tpu.memory_space<vmem_shared>>) offsets(%dma_start3A_961 : memref<40xi32, #tpu.memory_space<vmem>>) semaphore(%run_scoped3A_954 : memref<!tpu.dma_semaphore, #tpu.memory_space<semaphore_mem>>) {add = true}
        %dma_wait3A_965 = arith.constant 0 : i32
        %dma_wait3A_966 = arith.constant 0 : i32
        %dma_wait3A_967 = tpu.memref_slice %arg9[%scan3A_466, %dma_wait3A_965, %dma_wait3A_966] : memref<6x40x128xf32, #tpu.memory_space<vmem>> -> memref<1x40x128xf32, #tpu.memory_space<vmem>>
        %dma_wait3A_968 = tpu.memref_squeeze %dma_wait3A_967 : memref<1x40x128xf32, #tpu.memory_space<vmem>> -> memref<40x128xf32, #tpu.memory_space<vmem>>
        %dma_wait3A_969 = arith.constant 0 : i32
        %dma_wait3A_970 = tpu.memref_slice %arg8[%add3A_927, %dma_wait3A_969] : memref<125x40xi32, #tpu.memory_space<vmem>> -> memref<1x40xi32, #tpu.memory_space<vmem>>
        %dma_wait3A_971 = tpu.memref_squeeze %dma_wait3A_970 : memref<1x40xi32, #tpu.memory_space<vmem>> -> memref<40xi32, #tpu.memory_space<vmem>>
        %dma_wait3A_972 = arith.constant 0 : i32
        %dma_wait3A_973 = arith.constant 0 : i32
        %dma_wait3A_974 = tpu.memref_slice %arg6[%dma_wait3A_972, %dma_wait3A_973] : memref<10000x128xf32, #tpu.memory_space<vmem_shared>> -> memref<10000x128xf32, #tpu.memory_space<vmem_shared>>
        tpu.wait_indirect_dma semaphore(%run_scoped3A_954 : memref<!tpu.dma_semaphore, #tpu.memory_space<semaphore_mem>>) src(%dma_wait3A_968 : memref<40x128xf32, #tpu.memory_space<vmem>>) dst(%dma_wait3A_974 : memref<10000x128xf32, #tpu.memory_space<vmem_shared>>)
        tpu.yield
      }) : () -> ()
    }
    %scan3A_475 = arith.constant 19 : i32
    %dma_wait3A_476 = arith.constant 239 : i32
    %dma_wait3A_477 = arith.constant 5 : i32
    %dma_wait3A_478 = arith.constant 0 : i32
    %dma_wait3A_479 = arith.constant 0 : i32
    %dma_wait3A_480 = tpu.memref_slice %arg9[%dma_wait3A_477, %dma_wait3A_478, %dma_wait3A_479] : memref<6x40x128xf32, #tpu.memory_space<vmem>> -> memref<1x40x128xf32, #tpu.memory_space<vmem>>
    %dma_wait3A_481 = tpu.memref_squeeze %dma_wait3A_480 : memref<1x40x128xf32, #tpu.memory_space<vmem>> -> memref<40x128xf32, #tpu.memory_space<vmem>>
    %dma_wait3A_482 = arith.constant 0 : i32
    %dma_wait3A_483 = tpu.memref_slice %arg7[%dma_wait3A_476, %dma_wait3A_482] : memref<250x40xi32, #tpu.memory_space<vmem>> -> memref<1x40xi32, #tpu.memory_space<vmem>>
    %dma_wait3A_484 = tpu.memref_squeeze %dma_wait3A_483 : memref<1x40xi32, #tpu.memory_space<vmem>> -> memref<40xi32, #tpu.memory_space<vmem>>
    %dma_wait3A_485 = arith.constant 0 : i32
    %dma_wait3A_486 = arith.constant 0 : i32
    %dma_wait3A_487 = tpu.memref_slice %arg2[%dma_wait3A_485, %dma_wait3A_486] : memref<10000x128xf32, #tpu.memory_space<hbm>> -> memref<10000x128xf32, #tpu.memory_space<hbm>>
    tpu.wait_indirect_dma semaphore(%arg15 : memref<!tpu.dma_semaphore, #tpu.memory_space<semaphore_mem>>) src(%dma_wait3A_487 : memref<10000x128xf32, #tpu.memory_space<hbm>>) dst(%dma_wait3A_481 : memref<40x128xf32, #tpu.memory_space<vmem>>)
    %dma_start3A_488 = arith.constant 244 : i32
    %dma_start3A_489 = arith.constant 4 : i32
    %dma_start3A_490 = arith.constant 0 : i32
    %dma_start3A_491 = arith.constant 0 : i32
    %dma_start3A_492 = tpu.memref_slice %arg9[%dma_start3A_489, %dma_start3A_490, %dma_start3A_491] : memref<6x40x128xf32, #tpu.memory_space<vmem>> -> memref<1x40x128xf32, #tpu.memory_space<vmem>>
    %dma_start3A_493 = tpu.memref_squeeze %dma_start3A_492 : memref<1x40x128xf32, #tpu.memory_space<vmem>> -> memref<40x128xf32, #tpu.memory_space<vmem>>
    %dma_start3A_494 = arith.constant 0 : i32
    %dma_start3A_495 = tpu.memref_slice %arg7[%dma_start3A_488, %dma_start3A_494] : memref<250x40xi32, #tpu.memory_space<vmem>> -> memref<1x40xi32, #tpu.memory_space<vmem>>
    %dma_start3A_496 = tpu.memref_squeeze %dma_start3A_495 : memref<1x40xi32, #tpu.memory_space<vmem>> -> memref<40xi32, #tpu.memory_space<vmem>>
    %dma_start3A_497 = arith.constant 0 : i32
    %dma_start3A_498 = arith.constant 0 : i32
    %dma_start3A_499 = tpu.memref_slice %arg2[%dma_start3A_497, %dma_start3A_498] : memref<10000x128xf32, #tpu.memory_space<hbm>> -> memref<10000x128xf32, #tpu.memory_space<hbm>>
    tpu.enqueue_indirect_dma source(%dma_start3A_499 : memref<10000x128xf32, #tpu.memory_space<hbm>>) target(%dma_start3A_493 : memref<40x128xf32, #tpu.memory_space<vmem>>) offsets(%dma_start3A_496 : memref<40xi32, #tpu.memory_space<vmem>>) semaphore(%arg14 : memref<!tpu.dma_semaphore, #tpu.memory_space<semaphore_mem>>)
    %run_scoped3A_500 = arith.constant 5 : i32
    %run_scoped3A_501 = arith.constant 114 : i32
    "tpu.region"() ({
      %run_scoped3A_769 = tpu.sem_alloc : memref<!tpu.dma_semaphore, #tpu.memory_space<semaphore_mem>>
      %dma_start3A_770 = arith.constant 0 : i32
      %dma_start3A_771 = arith.constant 0 : i32
      %dma_start3A_772 = tpu.memref_slice %arg9[%run_scoped3A_500, %dma_start3A_770, %dma_start3A_771] : memref<6x40x128xf32, #tpu.memory_space<vmem>> -> memref<1x40x128xf32, #tpu.memory_space<vmem>>
      %dma_start3A_773 = tpu.memref_squeeze %dma_start3A_772 : memref<1x40x128xf32, #tpu.memory_space<vmem>> -> memref<40x128xf32, #tpu.memory_space<vmem>>
      %dma_start3A_774 = arith.constant 0 : i32
      %dma_start3A_775 = tpu.memref_slice %arg8[%run_scoped3A_501, %dma_start3A_774] : memref<125x40xi32, #tpu.memory_space<vmem>> -> memref<1x40xi32, #tpu.memory_space<vmem>>
      %dma_start3A_776 = tpu.memref_squeeze %dma_start3A_775 : memref<1x40xi32, #tpu.memory_space<vmem>> -> memref<40xi32, #tpu.memory_space<vmem>>
      %dma_start3A_777 = arith.constant 0 : i32
      %dma_start3A_778 = arith.constant 0 : i32
      %dma_start3A_779 = tpu.memref_slice %arg6[%dma_start3A_777, %dma_start3A_778] : memref<10000x128xf32, #tpu.memory_space<vmem_shared>> -> memref<10000x128xf32, #tpu.memory_space<vmem_shared>>
      tpu.enqueue_indirect_dma source(%dma_start3A_773 : memref<40x128xf32, #tpu.memory_space<vmem>>) target(%dma_start3A_779 : memref<10000x128xf32, #tpu.memory_space<vmem_shared>>) offsets(%dma_start3A_776 : memref<40xi32, #tpu.memory_space<vmem>>) semaphore(%run_scoped3A_769 : memref<!tpu.dma_semaphore, #tpu.memory_space<semaphore_mem>>) {add = true}
      %dma_wait3A_780 = arith.constant 0 : i32
      %dma_wait3A_781 = arith.constant 0 : i32
      %dma_wait3A_782 = tpu.memref_slice %arg9[%run_scoped3A_500, %dma_wait3A_780, %dma_wait3A_781] : memref<6x40x128xf32, #tpu.memory_space<vmem>> -> memref<1x40x128xf32, #tpu.memory_space<vmem>>
      %dma_wait3A_783 = tpu.memref_squeeze %dma_wait3A_782 : memref<1x40x128xf32, #tpu.memory_space<vmem>> -> memref<40x128xf32, #tpu.memory_space<vmem>>
      %dma_wait3A_784 = arith.constant 0 : i32
      %dma_wait3A_785 = tpu.memref_slice %arg8[%run_scoped3A_501, %dma_wait3A_784] : memref<125x40xi32, #tpu.memory_space<vmem>> -> memref<1x40xi32, #tpu.memory_space<vmem>>
      %dma_wait3A_786 = tpu.memref_squeeze %dma_wait3A_785 : memref<1x40xi32, #tpu.memory_space<vmem>> -> memref<40xi32, #tpu.memory_space<vmem>>
      %dma_wait3A_787 = arith.constant 0 : i32
      %dma_wait3A_788 = arith.constant 0 : i32
      %dma_wait3A_789 = tpu.memref_slice %arg6[%dma_wait3A_787, %dma_wait3A_788] : memref<10000x128xf32, #tpu.memory_space<vmem_shared>> -> memref<10000x128xf32, #tpu.memory_space<vmem_shared>>
      tpu.wait_indirect_dma semaphore(%run_scoped3A_769 : memref<!tpu.dma_semaphore, #tpu.memory_space<semaphore_mem>>) src(%dma_wait3A_783 : memref<40x128xf32, #tpu.memory_space<vmem>>) dst(%dma_wait3A_789 : memref<10000x128xf32, #tpu.memory_space<vmem_shared>>)
      tpu.yield
    }) : () -> ()
    %dma_wait3A_502 = arith.constant 240 : i32
    %dma_wait3A_503 = arith.constant 0 : i32
    %dma_wait3A_504 = arith.constant 0 : i32
    %dma_wait3A_505 = arith.constant 0 : i32
    %dma_wait3A_506 = tpu.memref_slice %arg9[%dma_wait3A_503, %dma_wait3A_504, %dma_wait3A_505] : memref<6x40x128xf32, #tpu.memory_space<vmem>> -> memref<1x40x128xf32, #tpu.memory_space<vmem>>
    %dma_wait3A_507 = tpu.memref_squeeze %dma_wait3A_506 : memref<1x40x128xf32, #tpu.memory_space<vmem>> -> memref<40x128xf32, #tpu.memory_space<vmem>>
    %dma_wait3A_508 = arith.constant 0 : i32
    %dma_wait3A_509 = tpu.memref_slice %arg7[%dma_wait3A_502, %dma_wait3A_508] : memref<250x40xi32, #tpu.memory_space<vmem>> -> memref<1x40xi32, #tpu.memory_space<vmem>>
    %dma_wait3A_510 = tpu.memref_squeeze %dma_wait3A_509 : memref<1x40xi32, #tpu.memory_space<vmem>> -> memref<40xi32, #tpu.memory_space<vmem>>
    %dma_wait3A_511 = arith.constant 0 : i32
    %dma_wait3A_512 = arith.constant 0 : i32
    %dma_wait3A_513 = tpu.memref_slice %arg2[%dma_wait3A_511, %dma_wait3A_512] : memref<10000x128xf32, #tpu.memory_space<hbm>> -> memref<10000x128xf32, #tpu.memory_space<hbm>>
    tpu.wait_indirect_dma semaphore(%arg10 : memref<!tpu.dma_semaphore, #tpu.memory_space<semaphore_mem>>) src(%dma_wait3A_513 : memref<10000x128xf32, #tpu.memory_space<hbm>>) dst(%dma_wait3A_507 : memref<40x128xf32, #tpu.memory_space<vmem>>)
    %dma_start3A_514 = arith.constant 245 : i32
    %dma_start3A_515 = arith.constant 5 : i32
    %dma_start3A_516 = arith.constant 0 : i32
    %dma_start3A_517 = arith.constant 0 : i32
    %dma_start3A_518 = tpu.memref_slice %arg9[%dma_start3A_515, %dma_start3A_516, %dma_start3A_517] : memref<6x40x128xf32, #tpu.memory_space<vmem>> -> memref<1x40x128xf32, #tpu.memory_space<vmem>>
    %dma_start3A_519 = tpu.memref_squeeze %dma_start3A_518 : memref<1x40x128xf32, #tpu.memory_space<vmem>> -> memref<40x128xf32, #tpu.memory_space<vmem>>
    %dma_start3A_520 = arith.constant 0 : i32
    %dma_start3A_521 = tpu.memref_slice %arg7[%dma_start3A_514, %dma_start3A_520] : memref<250x40xi32, #tpu.memory_space<vmem>> -> memref<1x40xi32, #tpu.memory_space<vmem>>
    %dma_start3A_522 = tpu.memref_squeeze %dma_start3A_521 : memref<1x40xi32, #tpu.memory_space<vmem>> -> memref<40xi32, #tpu.memory_space<vmem>>
    %dma_start3A_523 = arith.constant 0 : i32
    %dma_start3A_524 = arith.constant 0 : i32
    %dma_start3A_525 = tpu.memref_slice %arg2[%dma_start3A_523, %dma_start3A_524] : memref<10000x128xf32, #tpu.memory_space<hbm>> -> memref<10000x128xf32, #tpu.memory_space<hbm>>
    tpu.enqueue_indirect_dma source(%dma_start3A_525 : memref<10000x128xf32, #tpu.memory_space<hbm>>) target(%dma_start3A_519 : memref<40x128xf32, #tpu.memory_space<vmem>>) offsets(%dma_start3A_522 : memref<40xi32, #tpu.memory_space<vmem>>) semaphore(%arg15 : memref<!tpu.dma_semaphore, #tpu.memory_space<semaphore_mem>>)
    %run_scoped3A_526 = arith.constant 0 : i32
    %run_scoped3A_527 = arith.constant 115 : i32
    "tpu.region"() ({
      %run_scoped3A_769 = tpu.sem_alloc : memref<!tpu.dma_semaphore, #tpu.memory_space<semaphore_mem>>
      %dma_start3A_770 = arith.constant 0 : i32
      %dma_start3A_771 = arith.constant 0 : i32
      %dma_start3A_772 = tpu.memref_slice %arg9[%run_scoped3A_526, %dma_start3A_770, %dma_start3A_771] : memref<6x40x128xf32, #tpu.memory_space<vmem>> -> memref<1x40x128xf32, #tpu.memory_space<vmem>>
      %dma_start3A_773 = tpu.memref_squeeze %dma_start3A_772 : memref<1x40x128xf32, #tpu.memory_space<vmem>> -> memref<40x128xf32, #tpu.memory_space<vmem>>
      %dma_start3A_774 = arith.constant 0 : i32
      %dma_start3A_775 = tpu.memref_slice %arg8[%run_scoped3A_527, %dma_start3A_774] : memref<125x40xi32, #tpu.memory_space<vmem>> -> memref<1x40xi32, #tpu.memory_space<vmem>>
      %dma_start3A_776 = tpu.memref_squeeze %dma_start3A_775 : memref<1x40xi32, #tpu.memory_space<vmem>> -> memref<40xi32, #tpu.memory_space<vmem>>
      %dma_start3A_777 = arith.constant 0 : i32
      %dma_start3A_778 = arith.constant 0 : i32
      %dma_start3A_779 = tpu.memref_slice %arg6[%dma_start3A_777, %dma_start3A_778] : memref<10000x128xf32, #tpu.memory_space<vmem_shared>> -> memref<10000x128xf32, #tpu.memory_space<vmem_shared>>
      tpu.enqueue_indirect_dma source(%dma_start3A_773 : memref<40x128xf32, #tpu.memory_space<vmem>>) target(%dma_start3A_779 : memref<10000x128xf32, #tpu.memory_space<vmem_shared>>) offsets(%dma_start3A_776 : memref<40xi32, #tpu.memory_space<vmem>>) semaphore(%run_scoped3A_769 : memref<!tpu.dma_semaphore, #tpu.memory_space<semaphore_mem>>) {add = true}
      %dma_wait3A_780 = arith.constant 0 : i32
      %dma_wait3A_781 = arith.constant 0 : i32
      %dma_wait3A_782 = tpu.memref_slice %arg9[%run_scoped3A_526, %dma_wait3A_780, %dma_wait3A_781] : memref<6x40x128xf32, #tpu.memory_space<vmem>> -> memref<1x40x128xf32, #tpu.memory_space<vmem>>
      %dma_wait3A_783 = tpu.memref_squeeze %dma_wait3A_782 : memref<1x40x128xf32, #tpu.memory_space<vmem>> -> memref<40x128xf32, #tpu.memory_space<vmem>>
      %dma_wait3A_784 = arith.constant 0 : i32
      %dma_wait3A_785 = tpu.memref_slice %arg8[%run_scoped3A_527, %dma_wait3A_784] : memref<125x40xi32, #tpu.memory_space<vmem>> -> memref<1x40xi32, #tpu.memory_space<vmem>>
      %dma_wait3A_786 = tpu.memref_squeeze %dma_wait3A_785 : memref<1x40xi32, #tpu.memory_space<vmem>> -> memref<40xi32, #tpu.memory_space<vmem>>
      %dma_wait3A_787 = arith.constant 0 : i32
      %dma_wait3A_788 = arith.constant 0 : i32
      %dma_wait3A_789 = tpu.memref_slice %arg6[%dma_wait3A_787, %dma_wait3A_788] : memref<10000x128xf32, #tpu.memory_space<vmem_shared>> -> memref<10000x128xf32, #tpu.memory_space<vmem_shared>>
      tpu.wait_indirect_dma semaphore(%run_scoped3A_769 : memref<!tpu.dma_semaphore, #tpu.memory_space<semaphore_mem>>) src(%dma_wait3A_783 : memref<40x128xf32, #tpu.memory_space<vmem>>) dst(%dma_wait3A_789 : memref<10000x128xf32, #tpu.memory_space<vmem_shared>>)
      tpu.yield
    }) : () -> ()
    %dma_wait3A_528 = arith.constant 241 : i32
    %dma_wait3A_529 = arith.constant 1 : i32
    %dma_wait3A_530 = arith.constant 0 : i32
    %dma_wait3A_531 = arith.constant 0 : i32
    %dma_wait3A_532 = tpu.memref_slice %arg9[%dma_wait3A_529, %dma_wait3A_530, %dma_wait3A_531] : memref<6x40x128xf32, #tpu.memory_space<vmem>> -> memref<1x40x128xf32, #tpu.memory_space<vmem>>
    %dma_wait3A_533 = tpu.memref_squeeze %dma_wait3A_532 : memref<1x40x128xf32, #tpu.memory_space<vmem>> -> memref<40x128xf32, #tpu.memory_space<vmem>>
    %dma_wait3A_534 = arith.constant 0 : i32
    %dma_wait3A_535 = tpu.memref_slice %arg7[%dma_wait3A_528, %dma_wait3A_534] : memref<250x40xi32, #tpu.memory_space<vmem>> -> memref<1x40xi32, #tpu.memory_space<vmem>>
    %dma_wait3A_536 = tpu.memref_squeeze %dma_wait3A_535 : memref<1x40xi32, #tpu.memory_space<vmem>> -> memref<40xi32, #tpu.memory_space<vmem>>
    %dma_wait3A_537 = arith.constant 0 : i32
    %dma_wait3A_538 = arith.constant 0 : i32
    %dma_wait3A_539 = tpu.memref_slice %arg2[%dma_wait3A_537, %dma_wait3A_538] : memref<10000x128xf32, #tpu.memory_space<hbm>> -> memref<10000x128xf32, #tpu.memory_space<hbm>>
    tpu.wait_indirect_dma semaphore(%arg11 : memref<!tpu.dma_semaphore, #tpu.memory_space<semaphore_mem>>) src(%dma_wait3A_539 : memref<10000x128xf32, #tpu.memory_space<hbm>>) dst(%dma_wait3A_533 : memref<40x128xf32, #tpu.memory_space<vmem>>)
    %dma_start3A_540 = arith.constant 246 : i32
    %dma_start3A_541 = arith.constant 0 : i32
    %dma_start3A_542 = arith.constant 0 : i32
    %dma_start3A_543 = arith.constant 0 : i32
    %dma_start3A_544 = tpu.memref_slice %arg9[%dma_start3A_541, %dma_start3A_542, %dma_start3A_543] : memref<6x40x128xf32, #tpu.memory_space<vmem>> -> memref<1x40x128xf32, #tpu.memory_space<vmem>>
    %dma_start3A_545 = tpu.memref_squeeze %dma_start3A_544 : memref<1x40x128xf32, #tpu.memory_space<vmem>> -> memref<40x128xf32, #tpu.memory_space<vmem>>
    %dma_start3A_546 = arith.constant 0 : i32
    %dma_start3A_547 = tpu.memref_slice %arg7[%dma_start3A_540, %dma_start3A_546] : memref<250x40xi32, #tpu.memory_space<vmem>> -> memref<1x40xi32, #tpu.memory_space<vmem>>
    %dma_start3A_548 = tpu.memref_squeeze %dma_start3A_547 : memref<1x40xi32, #tpu.memory_space<vmem>> -> memref<40xi32, #tpu.memory_space<vmem>>
    %dma_start3A_549 = arith.constant 0 : i32
    %dma_start3A_550 = arith.constant 0 : i32
    %dma_start3A_551 = tpu.memref_slice %arg2[%dma_start3A_549, %dma_start3A_550] : memref<10000x128xf32, #tpu.memory_space<hbm>> -> memref<10000x128xf32, #tpu.memory_space<hbm>>
    tpu.enqueue_indirect_dma source(%dma_start3A_551 : memref<10000x128xf32, #tpu.memory_space<hbm>>) target(%dma_start3A_545 : memref<40x128xf32, #tpu.memory_space<vmem>>) offsets(%dma_start3A_548 : memref<40xi32, #tpu.memory_space<vmem>>) semaphore(%arg10 : memref<!tpu.dma_semaphore, #tpu.memory_space<semaphore_mem>>)
    %run_scoped3A_552 = arith.constant 1 : i32
    %run_scoped3A_553 = arith.constant 116 : i32
    "tpu.region"() ({
      %run_scoped3A_769 = tpu.sem_alloc : memref<!tpu.dma_semaphore, #tpu.memory_space<semaphore_mem>>
      %dma_start3A_770 = arith.constant 0 : i32
      %dma_start3A_771 = arith.constant 0 : i32
      %dma_start3A_772 = tpu.memref_slice %arg9[%run_scoped3A_552, %dma_start3A_770, %dma_start3A_771] : memref<6x40x128xf32, #tpu.memory_space<vmem>> -> memref<1x40x128xf32, #tpu.memory_space<vmem>>
      %dma_start3A_773 = tpu.memref_squeeze %dma_start3A_772 : memref<1x40x128xf32, #tpu.memory_space<vmem>> -> memref<40x128xf32, #tpu.memory_space<vmem>>
      %dma_start3A_774 = arith.constant 0 : i32
      %dma_start3A_775 = tpu.memref_slice %arg8[%run_scoped3A_553, %dma_start3A_774] : memref<125x40xi32, #tpu.memory_space<vmem>> -> memref<1x40xi32, #tpu.memory_space<vmem>>
      %dma_start3A_776 = tpu.memref_squeeze %dma_start3A_775 : memref<1x40xi32, #tpu.memory_space<vmem>> -> memref<40xi32, #tpu.memory_space<vmem>>
      %dma_start3A_777 = arith.constant 0 : i32
      %dma_start3A_778 = arith.constant 0 : i32
      %dma_start3A_779 = tpu.memref_slice %arg6[%dma_start3A_777, %dma_start3A_778] : memref<10000x128xf32, #tpu.memory_space<vmem_shared>> -> memref<10000x128xf32, #tpu.memory_space<vmem_shared>>
      tpu.enqueue_indirect_dma source(%dma_start3A_773 : memref<40x128xf32, #tpu.memory_space<vmem>>) target(%dma_start3A_779 : memref<10000x128xf32, #tpu.memory_space<vmem_shared>>) offsets(%dma_start3A_776 : memref<40xi32, #tpu.memory_space<vmem>>) semaphore(%run_scoped3A_769 : memref<!tpu.dma_semaphore, #tpu.memory_space<semaphore_mem>>) {add = true}
      %dma_wait3A_780 = arith.constant 0 : i32
      %dma_wait3A_781 = arith.constant 0 : i32
      %dma_wait3A_782 = tpu.memref_slice %arg9[%run_scoped3A_552, %dma_wait3A_780, %dma_wait3A_781] : memref<6x40x128xf32, #tpu.memory_space<vmem>> -> memref<1x40x128xf32, #tpu.memory_space<vmem>>
      %dma_wait3A_783 = tpu.memref_squeeze %dma_wait3A_782 : memref<1x40x128xf32, #tpu.memory_space<vmem>> -> memref<40x128xf32, #tpu.memory_space<vmem>>
      %dma_wait3A_784 = arith.constant 0 : i32
      %dma_wait3A_785 = tpu.memref_slice %arg8[%run_scoped3A_553, %dma_wait3A_784] : memref<125x40xi32, #tpu.memory_space<vmem>> -> memref<1x40xi32, #tpu.memory_space<vmem>>
      %dma_wait3A_786 = tpu.memref_squeeze %dma_wait3A_785 : memref<1x40xi32, #tpu.memory_space<vmem>> -> memref<40xi32, #tpu.memory_space<vmem>>
      %dma_wait3A_787 = arith.constant 0 : i32
      %dma_wait3A_788 = arith.constant 0 : i32
      %dma_wait3A_789 = tpu.memref_slice %arg6[%dma_wait3A_787, %dma_wait3A_788] : memref<10000x128xf32, #tpu.memory_space<vmem_shared>> -> memref<10000x128xf32, #tpu.memory_space<vmem_shared>>
      tpu.wait_indirect_dma semaphore(%run_scoped3A_769 : memref<!tpu.dma_semaphore, #tpu.memory_space<semaphore_mem>>) src(%dma_wait3A_783 : memref<40x128xf32, #tpu.memory_space<vmem>>) dst(%dma_wait3A_789 : memref<10000x128xf32, #tpu.memory_space<vmem_shared>>)
      tpu.yield
    }) : () -> ()
    %dma_wait3A_554 = arith.constant 242 : i32
    %dma_wait3A_555 = arith.constant 2 : i32
    %dma_wait3A_556 = arith.constant 0 : i32
    %dma_wait3A_557 = arith.constant 0 : i32
    %dma_wait3A_558 = tpu.memref_slice %arg9[%dma_wait3A_555, %dma_wait3A_556, %dma_wait3A_557] : memref<6x40x128xf32, #tpu.memory_space<vmem>> -> memref<1x40x128xf32, #tpu.memory_space<vmem>>
    %dma_wait3A_559 = tpu.memref_squeeze %dma_wait3A_558 : memref<1x40x128xf32, #tpu.memory_space<vmem>> -> memref<40x128xf32, #tpu.memory_space<vmem>>
    %dma_wait3A_560 = arith.constant 0 : i32
    %dma_wait3A_561 = tpu.memref_slice %arg7[%dma_wait3A_554, %dma_wait3A_560] : memref<250x40xi32, #tpu.memory_space<vmem>> -> memref<1x40xi32, #tpu.memory_space<vmem>>
    %dma_wait3A_562 = tpu.memref_squeeze %dma_wait3A_561 : memref<1x40xi32, #tpu.memory_space<vmem>> -> memref<40xi32, #tpu.memory_space<vmem>>
    %dma_wait3A_563 = arith.constant 0 : i32
    %dma_wait3A_564 = arith.constant 0 : i32
    %dma_wait3A_565 = tpu.memref_slice %arg2[%dma_wait3A_563, %dma_wait3A_564] : memref<10000x128xf32, #tpu.memory_space<hbm>> -> memref<10000x128xf32, #tpu.memory_space<hbm>>
    tpu.wait_indirect_dma semaphore(%arg12 : memref<!tpu.dma_semaphore, #tpu.memory_space<semaphore_mem>>) src(%dma_wait3A_565 : memref<10000x128xf32, #tpu.memory_space<hbm>>) dst(%dma_wait3A_559 : memref<40x128xf32, #tpu.memory_space<vmem>>)
    %dma_start3A_566 = arith.constant 247 : i32
    %dma_start3A_567 = arith.constant 1 : i32
    %dma_start3A_568 = arith.constant 0 : i32
    %dma_start3A_569 = arith.constant 0 : i32
    %dma_start3A_570 = tpu.memref_slice %arg9[%dma_start3A_567, %dma_start3A_568, %dma_start3A_569] : memref<6x40x128xf32, #tpu.memory_space<vmem>> -> memref<1x40x128xf32, #tpu.memory_space<vmem>>
    %dma_start3A_571 = tpu.memref_squeeze %dma_start3A_570 : memref<1x40x128xf32, #tpu.memory_space<vmem>> -> memref<40x128xf32, #tpu.memory_space<vmem>>
    %dma_start3A_572 = arith.constant 0 : i32
    %dma_start3A_573 = tpu.memref_slice %arg7[%dma_start3A_566, %dma_start3A_572] : memref<250x40xi32, #tpu.memory_space<vmem>> -> memref<1x40xi32, #tpu.memory_space<vmem>>
    %dma_start3A_574 = tpu.memref_squeeze %dma_start3A_573 : memref<1x40xi32, #tpu.memory_space<vmem>> -> memref<40xi32, #tpu.memory_space<vmem>>
    %dma_start3A_575 = arith.constant 0 : i32
    %dma_start3A_576 = arith.constant 0 : i32
    %dma_start3A_577 = tpu.memref_slice %arg2[%dma_start3A_575, %dma_start3A_576] : memref<10000x128xf32, #tpu.memory_space<hbm>> -> memref<10000x128xf32, #tpu.memory_space<hbm>>
    tpu.enqueue_indirect_dma source(%dma_start3A_577 : memref<10000x128xf32, #tpu.memory_space<hbm>>) target(%dma_start3A_571 : memref<40x128xf32, #tpu.memory_space<vmem>>) offsets(%dma_start3A_574 : memref<40xi32, #tpu.memory_space<vmem>>) semaphore(%arg11 : memref<!tpu.dma_semaphore, #tpu.memory_space<semaphore_mem>>)
    %run_scoped3A_578 = arith.constant 2 : i32
    %run_scoped3A_579 = arith.constant 117 : i32
    "tpu.region"() ({
      %run_scoped3A_769 = tpu.sem_alloc : memref<!tpu.dma_semaphore, #tpu.memory_space<semaphore_mem>>
      %dma_start3A_770 = arith.constant 0 : i32
      %dma_start3A_771 = arith.constant 0 : i32
      %dma_start3A_772 = tpu.memref_slice %arg9[%run_scoped3A_578, %dma_start3A_770, %dma_start3A_771] : memref<6x40x128xf32, #tpu.memory_space<vmem>> -> memref<1x40x128xf32, #tpu.memory_space<vmem>>
      %dma_start3A_773 = tpu.memref_squeeze %dma_start3A_772 : memref<1x40x128xf32, #tpu.memory_space<vmem>> -> memref<40x128xf32, #tpu.memory_space<vmem>>
      %dma_start3A_774 = arith.constant 0 : i32
      %dma_start3A_775 = tpu.memref_slice %arg8[%run_scoped3A_579, %dma_start3A_774] : memref<125x40xi32, #tpu.memory_space<vmem>> -> memref<1x40xi32, #tpu.memory_space<vmem>>
      %dma_start3A_776 = tpu.memref_squeeze %dma_start3A_775 : memref<1x40xi32, #tpu.memory_space<vmem>> -> memref<40xi32, #tpu.memory_space<vmem>>
      %dma_start3A_777 = arith.constant 0 : i32
      %dma_start3A_778 = arith.constant 0 : i32
      %dma_start3A_779 = tpu.memref_slice %arg6[%dma_start3A_777, %dma_start3A_778] : memref<10000x128xf32, #tpu.memory_space<vmem_shared>> -> memref<10000x128xf32, #tpu.memory_space<vmem_shared>>
      tpu.enqueue_indirect_dma source(%dma_start3A_773 : memref<40x128xf32, #tpu.memory_space<vmem>>) target(%dma_start3A_779 : memref<10000x128xf32, #tpu.memory_space<vmem_shared>>) offsets(%dma_start3A_776 : memref<40xi32, #tpu.memory_space<vmem>>) semaphore(%run_scoped3A_769 : memref<!tpu.dma_semaphore, #tpu.memory_space<semaphore_mem>>) {add = true}
      %dma_wait3A_780 = arith.constant 0 : i32
      %dma_wait3A_781 = arith.constant 0 : i32
      %dma_wait3A_782 = tpu.memref_slice %arg9[%run_scoped3A_578, %dma_wait3A_780, %dma_wait3A_781] : memref<6x40x128xf32, #tpu.memory_space<vmem>> -> memref<1x40x128xf32, #tpu.memory_space<vmem>>
      %dma_wait3A_783 = tpu.memref_squeeze %dma_wait3A_782 : memref<1x40x128xf32, #tpu.memory_space<vmem>> -> memref<40x128xf32, #tpu.memory_space<vmem>>
      %dma_wait3A_784 = arith.constant 0 : i32
      %dma_wait3A_785 = tpu.memref_slice %arg8[%run_scoped3A_579, %dma_wait3A_784] : memref<125x40xi32, #tpu.memory_space<vmem>> -> memref<1x40xi32, #tpu.memory_space<vmem>>
      %dma_wait3A_786 = tpu.memref_squeeze %dma_wait3A_785 : memref<1x40xi32, #tpu.memory_space<vmem>> -> memref<40xi32, #tpu.memory_space<vmem>>
      %dma_wait3A_787 = arith.constant 0 : i32
      %dma_wait3A_788 = arith.constant 0 : i32
      %dma_wait3A_789 = tpu.memref_slice %arg6[%dma_wait3A_787, %dma_wait3A_788] : memref<10000x128xf32, #tpu.memory_space<vmem_shared>> -> memref<10000x128xf32, #tpu.memory_space<vmem_shared>>
      tpu.wait_indirect_dma semaphore(%run_scoped3A_769 : memref<!tpu.dma_semaphore, #tpu.memory_space<semaphore_mem>>) src(%dma_wait3A_783 : memref<40x128xf32, #tpu.memory_space<vmem>>) dst(%dma_wait3A_789 : memref<10000x128xf32, #tpu.memory_space<vmem_shared>>)
      tpu.yield
    }) : () -> ()
    %dma_wait3A_580 = arith.constant 243 : i32
    %dma_wait3A_581 = arith.constant 3 : i32
    %dma_wait3A_582 = arith.constant 0 : i32
    %dma_wait3A_583 = arith.constant 0 : i32
    %dma_wait3A_584 = tpu.memref_slice %arg9[%dma_wait3A_581, %dma_wait3A_582, %dma_wait3A_583] : memref<6x40x128xf32, #tpu.memory_space<vmem>> -> memref<1x40x128xf32, #tpu.memory_space<vmem>>
    %dma_wait3A_585 = tpu.memref_squeeze %dma_wait3A_584 : memref<1x40x128xf32, #tpu.memory_space<vmem>> -> memref<40x128xf32, #tpu.memory_space<vmem>>
    %dma_wait3A_586 = arith.constant 0 : i32
    %dma_wait3A_587 = tpu.memref_slice %arg7[%dma_wait3A_580, %dma_wait3A_586] : memref<250x40xi32, #tpu.memory_space<vmem>> -> memref<1x40xi32, #tpu.memory_space<vmem>>
    %dma_wait3A_588 = tpu.memref_squeeze %dma_wait3A_587 : memref<1x40xi32, #tpu.memory_space<vmem>> -> memref<40xi32, #tpu.memory_space<vmem>>
    %dma_wait3A_589 = arith.constant 0 : i32
    %dma_wait3A_590 = arith.constant 0 : i32
    %dma_wait3A_591 = tpu.memref_slice %arg2[%dma_wait3A_589, %dma_wait3A_590] : memref<10000x128xf32, #tpu.memory_space<hbm>> -> memref<10000x128xf32, #tpu.memory_space<hbm>>
    tpu.wait_indirect_dma semaphore(%arg13 : memref<!tpu.dma_semaphore, #tpu.memory_space<semaphore_mem>>) src(%dma_wait3A_591 : memref<10000x128xf32, #tpu.memory_space<hbm>>) dst(%dma_wait3A_585 : memref<40x128xf32, #tpu.memory_space<vmem>>)
    %dma_start3A_592 = arith.constant 248 : i32
    %dma_start3A_593 = arith.constant 2 : i32
    %dma_start3A_594 = arith.constant 0 : i32
    %dma_start3A_595 = arith.constant 0 : i32
    %dma_start3A_596 = tpu.memref_slice %arg9[%dma_start3A_593, %dma_start3A_594, %dma_start3A_595] : memref<6x40x128xf32, #tpu.memory_space<vmem>> -> memref<1x40x128xf32, #tpu.memory_space<vmem>>
    %dma_start3A_597 = tpu.memref_squeeze %dma_start3A_596 : memref<1x40x128xf32, #tpu.memory_space<vmem>> -> memref<40x128xf32, #tpu.memory_space<vmem>>
    %dma_start3A_598 = arith.constant 0 : i32
    %dma_start3A_599 = tpu.memref_slice %arg7[%dma_start3A_592, %dma_start3A_598] : memref<250x40xi32, #tpu.memory_space<vmem>> -> memref<1x40xi32, #tpu.memory_space<vmem>>
    %dma_start3A_600 = tpu.memref_squeeze %dma_start3A_599 : memref<1x40xi32, #tpu.memory_space<vmem>> -> memref<40xi32, #tpu.memory_space<vmem>>
    %dma_start3A_601 = arith.constant 0 : i32
    %dma_start3A_602 = arith.constant 0 : i32
    %dma_start3A_603 = tpu.memref_slice %arg2[%dma_start3A_601, %dma_start3A_602] : memref<10000x128xf32, #tpu.memory_space<hbm>> -> memref<10000x128xf32, #tpu.memory_space<hbm>>
    tpu.enqueue_indirect_dma source(%dma_start3A_603 : memref<10000x128xf32, #tpu.memory_space<hbm>>) target(%dma_start3A_597 : memref<40x128xf32, #tpu.memory_space<vmem>>) offsets(%dma_start3A_600 : memref<40xi32, #tpu.memory_space<vmem>>) semaphore(%arg12 : memref<!tpu.dma_semaphore, #tpu.memory_space<semaphore_mem>>)
    %run_scoped3A_604 = arith.constant 3 : i32
    %run_scoped3A_605 = arith.constant 118 : i32
    "tpu.region"() ({
      %run_scoped3A_769 = tpu.sem_alloc : memref<!tpu.dma_semaphore, #tpu.memory_space<semaphore_mem>>
      %dma_start3A_770 = arith.constant 0 : i32
      %dma_start3A_771 = arith.constant 0 : i32
      %dma_start3A_772 = tpu.memref_slice %arg9[%run_scoped3A_604, %dma_start3A_770, %dma_start3A_771] : memref<6x40x128xf32, #tpu.memory_space<vmem>> -> memref<1x40x128xf32, #tpu.memory_space<vmem>>
      %dma_start3A_773 = tpu.memref_squeeze %dma_start3A_772 : memref<1x40x128xf32, #tpu.memory_space<vmem>> -> memref<40x128xf32, #tpu.memory_space<vmem>>
      %dma_start3A_774 = arith.constant 0 : i32
      %dma_start3A_775 = tpu.memref_slice %arg8[%run_scoped3A_605, %dma_start3A_774] : memref<125x40xi32, #tpu.memory_space<vmem>> -> memref<1x40xi32, #tpu.memory_space<vmem>>
      %dma_start3A_776 = tpu.memref_squeeze %dma_start3A_775 : memref<1x40xi32, #tpu.memory_space<vmem>> -> memref<40xi32, #tpu.memory_space<vmem>>
      %dma_start3A_777 = arith.constant 0 : i32
      %dma_start3A_778 = arith.constant 0 : i32
      %dma_start3A_779 = tpu.memref_slice %arg6[%dma_start3A_777, %dma_start3A_778] : memref<10000x128xf32, #tpu.memory_space<vmem_shared>> -> memref<10000x128xf32, #tpu.memory_space<vmem_shared>>
      tpu.enqueue_indirect_dma source(%dma_start3A_773 : memref<40x128xf32, #tpu.memory_space<vmem>>) target(%dma_start3A_779 : memref<10000x128xf32, #tpu.memory_space<vmem_shared>>) offsets(%dma_start3A_776 : memref<40xi32, #tpu.memory_space<vmem>>) semaphore(%run_scoped3A_769 : memref<!tpu.dma_semaphore, #tpu.memory_space<semaphore_mem>>) {add = true}
      %dma_wait3A_780 = arith.constant 0 : i32
      %dma_wait3A_781 = arith.constant 0 : i32
      %dma_wait3A_782 = tpu.memref_slice %arg9[%run_scoped3A_604, %dma_wait3A_780, %dma_wait3A_781] : memref<6x40x128xf32, #tpu.memory_space<vmem>> -> memref<1x40x128xf32, #tpu.memory_space<vmem>>
      %dma_wait3A_783 = tpu.memref_squeeze %dma_wait3A_782 : memref<1x40x128xf32, #tpu.memory_space<vmem>> -> memref<40x128xf32, #tpu.memory_space<vmem>>
      %dma_wait3A_784 = arith.constant 0 : i32
      %dma_wait3A_785 = tpu.memref_slice %arg8[%run_scoped3A_605, %dma_wait3A_784] : memref<125x40xi32, #tpu.memory_space<vmem>> -> memref<1x40xi32, #tpu.memory_space<vmem>>
      %dma_wait3A_786 = tpu.memref_squeeze %dma_wait3A_785 : memref<1x40xi32, #tpu.memory_space<vmem>> -> memref<40xi32, #tpu.memory_space<vmem>>
      %dma_wait3A_787 = arith.constant 0 : i32
      %dma_wait3A_788 = arith.constant 0 : i32
      %dma_wait3A_789 = tpu.memref_slice %arg6[%dma_wait3A_787, %dma_wait3A_788] : memref<10000x128xf32, #tpu.memory_space<vmem_shared>> -> memref<10000x128xf32, #tpu.memory_space<vmem_shared>>
      tpu.wait_indirect_dma semaphore(%run_scoped3A_769 : memref<!tpu.dma_semaphore, #tpu.memory_space<semaphore_mem>>) src(%dma_wait3A_783 : memref<40x128xf32, #tpu.memory_space<vmem>>) dst(%dma_wait3A_789 : memref<10000x128xf32, #tpu.memory_space<vmem_shared>>)
      tpu.yield
    }) : () -> ()
    %dma_wait3A_606 = arith.constant 244 : i32
    %dma_wait3A_607 = arith.constant 4 : i32
    %dma_wait3A_608 = arith.constant 0 : i32
    %dma_wait3A_609 = arith.constant 0 : i32
    %dma_wait3A_610 = tpu.memref_slice %arg9[%dma_wait3A_607, %dma_wait3A_608, %dma_wait3A_609] : memref<6x40x128xf32, #tpu.memory_space<vmem>> -> memref<1x40x128xf32, #tpu.memory_space<vmem>>
    %dma_wait3A_611 = tpu.memref_squeeze %dma_wait3A_610 : memref<1x40x128xf32, #tpu.memory_space<vmem>> -> memref<40x128xf32, #tpu.memory_space<vmem>>
    %dma_wait3A_612 = arith.constant 0 : i32
    %dma_wait3A_613 = tpu.memref_slice %arg7[%dma_wait3A_606, %dma_wait3A_612] : memref<250x40xi32, #tpu.memory_space<vmem>> -> memref<1x40xi32, #tpu.memory_space<vmem>>
    %dma_wait3A_614 = tpu.memref_squeeze %dma_wait3A_613 : memref<1x40xi32, #tpu.memory_space<vmem>> -> memref<40xi32, #tpu.memory_space<vmem>>
    %dma_wait3A_615 = arith.constant 0 : i32
    %dma_wait3A_616 = arith.constant 0 : i32
    %dma_wait3A_617 = tpu.memref_slice %arg2[%dma_wait3A_615, %dma_wait3A_616] : memref<10000x128xf32, #tpu.memory_space<hbm>> -> memref<10000x128xf32, #tpu.memory_space<hbm>>
    tpu.wait_indirect_dma semaphore(%arg14 : memref<!tpu.dma_semaphore, #tpu.memory_space<semaphore_mem>>) src(%dma_wait3A_617 : memref<10000x128xf32, #tpu.memory_space<hbm>>) dst(%dma_wait3A_611 : memref<40x128xf32, #tpu.memory_space<vmem>>)
    %dma_start3A_618 = arith.constant 249 : i32
    %dma_start3A_619 = arith.constant 3 : i32
    %dma_start3A_620 = arith.constant 0 : i32
    %dma_start3A_621 = arith.constant 0 : i32
    %dma_start3A_622 = tpu.memref_slice %arg9[%dma_start3A_619, %dma_start3A_620, %dma_start3A_621] : memref<6x40x128xf32, #tpu.memory_space<vmem>> -> memref<1x40x128xf32, #tpu.memory_space<vmem>>
    %dma_start3A_623 = tpu.memref_squeeze %dma_start3A_622 : memref<1x40x128xf32, #tpu.memory_space<vmem>> -> memref<40x128xf32, #tpu.memory_space<vmem>>
    %dma_start3A_624 = arith.constant 0 : i32
    %dma_start3A_625 = tpu.memref_slice %arg7[%dma_start3A_618, %dma_start3A_624] : memref<250x40xi32, #tpu.memory_space<vmem>> -> memref<1x40xi32, #tpu.memory_space<vmem>>
    %dma_start3A_626 = tpu.memref_squeeze %dma_start3A_625 : memref<1x40xi32, #tpu.memory_space<vmem>> -> memref<40xi32, #tpu.memory_space<vmem>>
    %dma_start3A_627 = arith.constant 0 : i32
    %dma_start3A_628 = arith.constant 0 : i32
    %dma_start3A_629 = tpu.memref_slice %arg2[%dma_start3A_627, %dma_start3A_628] : memref<10000x128xf32, #tpu.memory_space<hbm>> -> memref<10000x128xf32, #tpu.memory_space<hbm>>
    tpu.enqueue_indirect_dma source(%dma_start3A_629 : memref<10000x128xf32, #tpu.memory_space<hbm>>) target(%dma_start3A_623 : memref<40x128xf32, #tpu.memory_space<vmem>>) offsets(%dma_start3A_626 : memref<40xi32, #tpu.memory_space<vmem>>) semaphore(%arg13 : memref<!tpu.dma_semaphore, #tpu.memory_space<semaphore_mem>>)
    %run_scoped3A_630 = arith.constant 4 : i32
    %run_scoped3A_631 = arith.constant 119 : i32
    "tpu.region"() ({
      %run_scoped3A_769 = tpu.sem_alloc : memref<!tpu.dma_semaphore, #tpu.memory_space<semaphore_mem>>
      %dma_start3A_770 = arith.constant 0 : i32
      %dma_start3A_771 = arith.constant 0 : i32
      %dma_start3A_772 = tpu.memref_slice %arg9[%run_scoped3A_630, %dma_start3A_770, %dma_start3A_771] : memref<6x40x128xf32, #tpu.memory_space<vmem>> -> memref<1x40x128xf32, #tpu.memory_space<vmem>>
      %dma_start3A_773 = tpu.memref_squeeze %dma_start3A_772 : memref<1x40x128xf32, #tpu.memory_space<vmem>> -> memref<40x128xf32, #tpu.memory_space<vmem>>
      %dma_start3A_774 = arith.constant 0 : i32
      %dma_start3A_775 = tpu.memref_slice %arg8[%run_scoped3A_631, %dma_start3A_774] : memref<125x40xi32, #tpu.memory_space<vmem>> -> memref<1x40xi32, #tpu.memory_space<vmem>>
      %dma_start3A_776 = tpu.memref_squeeze %dma_start3A_775 : memref<1x40xi32, #tpu.memory_space<vmem>> -> memref<40xi32, #tpu.memory_space<vmem>>
      %dma_start3A_777 = arith.constant 0 : i32
      %dma_start3A_778 = arith.constant 0 : i32
      %dma_start3A_779 = tpu.memref_slice %arg6[%dma_start3A_777, %dma_start3A_778] : memref<10000x128xf32, #tpu.memory_space<vmem_shared>> -> memref<10000x128xf32, #tpu.memory_space<vmem_shared>>
      tpu.enqueue_indirect_dma source(%dma_start3A_773 : memref<40x128xf32, #tpu.memory_space<vmem>>) target(%dma_start3A_779 : memref<10000x128xf32, #tpu.memory_space<vmem_shared>>) offsets(%dma_start3A_776 : memref<40xi32, #tpu.memory_space<vmem>>) semaphore(%run_scoped3A_769 : memref<!tpu.dma_semaphore, #tpu.memory_space<semaphore_mem>>) {add = true}
      %dma_wait3A_780 = arith.constant 0 : i32
      %dma_wait3A_781 = arith.constant 0 : i32
      %dma_wait3A_782 = tpu.memref_slice %arg9[%run_scoped3A_630, %dma_wait3A_780, %dma_wait3A_781] : memref<6x40x128xf32, #tpu.memory_space<vmem>> -> memref<1x40x128xf32, #tpu.memory_space<vmem>>
      %dma_wait3A_783 = tpu.memref_squeeze %dma_wait3A_782 : memref<1x40x128xf32, #tpu.memory_space<vmem>> -> memref<40x128xf32, #tpu.memory_space<vmem>>
      %dma_wait3A_784 = arith.constant 0 : i32
      %dma_wait3A_785 = tpu.memref_slice %arg8[%run_scoped3A_631, %dma_wait3A_784] : memref<125x40xi32, #tpu.memory_space<vmem>> -> memref<1x40xi32, #tpu.memory_space<vmem>>
      %dma_wait3A_786 = tpu.memref_squeeze %dma_wait3A_785 : memref<1x40xi32, #tpu.memory_space<vmem>> -> memref<40xi32, #tpu.memory_space<vmem>>
      %dma_wait3A_787 = arith.constant 0 : i32
      %dma_wait3A_788 = arith.constant 0 : i32
      %dma_wait3A_789 = tpu.memref_slice %arg6[%dma_wait3A_787, %dma_wait3A_788] : memref<10000x128xf32, #tpu.memory_space<vmem_shared>> -> memref<10000x128xf32, #tpu.memory_space<vmem_shared>>
      tpu.wait_indirect_dma semaphore(%run_scoped3A_769 : memref<!tpu.dma_semaphore, #tpu.memory_space<semaphore_mem>>) src(%dma_wait3A_783 : memref<40x128xf32, #tpu.memory_space<vmem>>) dst(%dma_wait3A_789 : memref<10000x128xf32, #tpu.memory_space<vmem_shared>>)
      tpu.yield
    }) : () -> ()
    %dma_wait3A_632 = arith.constant 245 : i32
    %dma_wait3A_633 = arith.constant 5 : i32
    %dma_wait3A_634 = arith.constant 0 : i32
    %dma_wait3A_635 = arith.constant 0 : i32
    %dma_wait3A_636 = tpu.memref_slice %arg9[%dma_wait3A_633, %dma_wait3A_634, %dma_wait3A_635] : memref<6x40x128xf32, #tpu.memory_space<vmem>> -> memref<1x40x128xf32, #tpu.memory_space<vmem>>
    %dma_wait3A_637 = tpu.memref_squeeze %dma_wait3A_636 : memref<1x40x128xf32, #tpu.memory_space<vmem>> -> memref<40x128xf32, #tpu.memory_space<vmem>>
    %dma_wait3A_638 = arith.constant 0 : i32
    %dma_wait3A_639 = tpu.memref_slice %arg7[%dma_wait3A_632, %dma_wait3A_638] : memref<250x40xi32, #tpu.memory_space<vmem>> -> memref<1x40xi32, #tpu.memory_space<vmem>>
    %dma_wait3A_640 = tpu.memref_squeeze %dma_wait3A_639 : memref<1x40xi32, #tpu.memory_space<vmem>> -> memref<40xi32, #tpu.memory_space<vmem>>
    %dma_wait3A_641 = arith.constant 0 : i32
    %dma_wait3A_642 = arith.constant 0 : i32
    %dma_wait3A_643 = tpu.memref_slice %arg2[%dma_wait3A_641, %dma_wait3A_642] : memref<10000x128xf32, #tpu.memory_space<hbm>> -> memref<10000x128xf32, #tpu.memory_space<hbm>>
    tpu.wait_indirect_dma semaphore(%arg15 : memref<!tpu.dma_semaphore, #tpu.memory_space<semaphore_mem>>) src(%dma_wait3A_643 : memref<10000x128xf32, #tpu.memory_space<hbm>>) dst(%dma_wait3A_637 : memref<40x128xf32, #tpu.memory_space<vmem>>)
    %run_scoped3A_644 = arith.constant 5 : i32
    %run_scoped3A_645 = arith.constant 120 : i32
    "tpu.region"() ({
      %run_scoped3A_769 = tpu.sem_alloc : memref<!tpu.dma_semaphore, #tpu.memory_space<semaphore_mem>>
      %dma_start3A_770 = arith.constant 0 : i32
      %dma_start3A_771 = arith.constant 0 : i32
      %dma_start3A_772 = tpu.memref_slice %arg9[%run_scoped3A_644, %dma_start3A_770, %dma_start3A_771] : memref<6x40x128xf32, #tpu.memory_space<vmem>> -> memref<1x40x128xf32, #tpu.memory_space<vmem>>
      %dma_start3A_773 = tpu.memref_squeeze %dma_start3A_772 : memref<1x40x128xf32, #tpu.memory_space<vmem>> -> memref<40x128xf32, #tpu.memory_space<vmem>>
      %dma_start3A_774 = arith.constant 0 : i32
      %dma_start3A_775 = tpu.memref_slice %arg8[%run_scoped3A_645, %dma_start3A_774] : memref<125x40xi32, #tpu.memory_space<vmem>> -> memref<1x40xi32, #tpu.memory_space<vmem>>
      %dma_start3A_776 = tpu.memref_squeeze %dma_start3A_775 : memref<1x40xi32, #tpu.memory_space<vmem>> -> memref<40xi32, #tpu.memory_space<vmem>>
      %dma_start3A_777 = arith.constant 0 : i32
      %dma_start3A_778 = arith.constant 0 : i32
      %dma_start3A_779 = tpu.memref_slice %arg6[%dma_start3A_777, %dma_start3A_778] : memref<10000x128xf32, #tpu.memory_space<vmem_shared>> -> memref<10000x128xf32, #tpu.memory_space<vmem_shared>>
      tpu.enqueue_indirect_dma source(%dma_start3A_773 : memref<40x128xf32, #tpu.memory_space<vmem>>) target(%dma_start3A_779 : memref<10000x128xf32, #tpu.memory_space<vmem_shared>>) offsets(%dma_start3A_776 : memref<40xi32, #tpu.memory_space<vmem>>) semaphore(%run_scoped3A_769 : memref<!tpu.dma_semaphore, #tpu.memory_space<semaphore_mem>>) {add = true}
      %dma_wait3A_780 = arith.constant 0 : i32
      %dma_wait3A_781 = arith.constant 0 : i32
      %dma_wait3A_782 = tpu.memref_slice %arg9[%run_scoped3A_644, %dma_wait3A_780, %dma_wait3A_781] : memref<6x40x128xf32, #tpu.memory_space<vmem>> -> memref<1x40x128xf32, #tpu.memory_space<vmem>>
      %dma_wait3A_783 = tpu.memref_squeeze %dma_wait3A_782 : memref<1x40x128xf32, #tpu.memory_space<vmem>> -> memref<40x128xf32, #tpu.memory_space<vmem>>
      %dma_wait3A_784 = arith.constant 0 : i32
      %dma_wait3A_785 = tpu.memref_slice %arg8[%run_scoped3A_645, %dma_wait3A_784] : memref<125x40xi32, #tpu.memory_space<vmem>> -> memref<1x40xi32, #tpu.memory_space<vmem>>
      %dma_wait3A_786 = tpu.memref_squeeze %dma_wait3A_785 : memref<1x40xi32, #tpu.memory_space<vmem>> -> memref<40xi32, #tpu.memory_space<vmem>>
      %dma_wait3A_787 = arith.constant 0 : i32
      %dma_wait3A_788 = arith.constant 0 : i32
      %dma_wait3A_789 = tpu.memref_slice %arg6[%dma_wait3A_787, %dma_wait3A_788] : memref<10000x128xf32, #tpu.memory_space<vmem_shared>> -> memref<10000x128xf32, #tpu.memory_space<vmem_shared>>
      tpu.wait_indirect_dma semaphore(%run_scoped3A_769 : memref<!tpu.dma_semaphore, #tpu.memory_space<semaphore_mem>>) src(%dma_wait3A_783 : memref<40x128xf32, #tpu.memory_space<vmem>>) dst(%dma_wait3A_789 : memref<10000x128xf32, #tpu.memory_space<vmem_shared>>)
      tpu.yield
    }) : () -> ()
    %dma_wait3A_646 = arith.constant 246 : i32
    %dma_wait3A_647 = arith.constant 0 : i32
    %dma_wait3A_648 = arith.constant 0 : i32
    %dma_wait3A_649 = arith.constant 0 : i32
    %dma_wait3A_650 = tpu.memref_slice %arg9[%dma_wait3A_647, %dma_wait3A_648, %dma_wait3A_649] : memref<6x40x128xf32, #tpu.memory_space<vmem>> -> memref<1x40x128xf32, #tpu.memory_space<vmem>>
    %dma_wait3A_651 = tpu.memref_squeeze %dma_wait3A_650 : memref<1x40x128xf32, #tpu.memory_space<vmem>> -> memref<40x128xf32, #tpu.memory_space<vmem>>
    %dma_wait3A_652 = arith.constant 0 : i32
    %dma_wait3A_653 = tpu.memref_slice %arg7[%dma_wait3A_646, %dma_wait3A_652] : memref<250x40xi32, #tpu.memory_space<vmem>> -> memref<1x40xi32, #tpu.memory_space<vmem>>
    %dma_wait3A_654 = tpu.memref_squeeze %dma_wait3A_653 : memref<1x40xi32, #tpu.memory_space<vmem>> -> memref<40xi32, #tpu.memory_space<vmem>>
    %dma_wait3A_655 = arith.constant 0 : i32
    %dma_wait3A_656 = arith.constant 0 : i32
    %dma_wait3A_657 = tpu.memref_slice %arg2[%dma_wait3A_655, %dma_wait3A_656] : memref<10000x128xf32, #tpu.memory_space<hbm>> -> memref<10000x128xf32, #tpu.memory_space<hbm>>
    tpu.wait_indirect_dma semaphore(%arg10 : memref<!tpu.dma_semaphore, #tpu.memory_space<semaphore_mem>>) src(%dma_wait3A_657 : memref<10000x128xf32, #tpu.memory_space<hbm>>) dst(%dma_wait3A_651 : memref<40x128xf32, #tpu.memory_space<vmem>>)
    %run_scoped3A_658 = arith.constant 0 : i32
    %run_scoped3A_659 = arith.constant 121 : i32
    "tpu.region"() ({
      %run_scoped3A_769 = tpu.sem_alloc : memref<!tpu.dma_semaphore, #tpu.memory_space<semaphore_mem>>
      %dma_start3A_770 = arith.constant 0 : i32
      %dma_start3A_771 = arith.constant 0 : i32
      %dma_start3A_772 = tpu.memref_slice %arg9[%run_scoped3A_658, %dma_start3A_770, %dma_start3A_771] : memref<6x40x128xf32, #tpu.memory_space<vmem>> -> memref<1x40x128xf32, #tpu.memory_space<vmem>>
      %dma_start3A_773 = tpu.memref_squeeze %dma_start3A_772 : memref<1x40x128xf32, #tpu.memory_space<vmem>> -> memref<40x128xf32, #tpu.memory_space<vmem>>
      %dma_start3A_774 = arith.constant 0 : i32
      %dma_start3A_775 = tpu.memref_slice %arg8[%run_scoped3A_659, %dma_start3A_774] : memref<125x40xi32, #tpu.memory_space<vmem>> -> memref<1x40xi32, #tpu.memory_space<vmem>>
      %dma_start3A_776 = tpu.memref_squeeze %dma_start3A_775 : memref<1x40xi32, #tpu.memory_space<vmem>> -> memref<40xi32, #tpu.memory_space<vmem>>
      %dma_start3A_777 = arith.constant 0 : i32
      %dma_start3A_778 = arith.constant 0 : i32
      %dma_start3A_779 = tpu.memref_slice %arg6[%dma_start3A_777, %dma_start3A_778] : memref<10000x128xf32, #tpu.memory_space<vmem_shared>> -> memref<10000x128xf32, #tpu.memory_space<vmem_shared>>
      tpu.enqueue_indirect_dma source(%dma_start3A_773 : memref<40x128xf32, #tpu.memory_space<vmem>>) target(%dma_start3A_779 : memref<10000x128xf32, #tpu.memory_space<vmem_shared>>) offsets(%dma_start3A_776 : memref<40xi32, #tpu.memory_space<vmem>>) semaphore(%run_scoped3A_769 : memref<!tpu.dma_semaphore, #tpu.memory_space<semaphore_mem>>) {add = true}
      %dma_wait3A_780 = arith.constant 0 : i32
      %dma_wait3A_781 = arith.constant 0 : i32
      %dma_wait3A_782 = tpu.memref_slice %arg9[%run_scoped3A_658, %dma_wait3A_780, %dma_wait3A_781] : memref<6x40x128xf32, #tpu.memory_space<vmem>> -> memref<1x40x128xf32, #tpu.memory_space<vmem>>
      %dma_wait3A_783 = tpu.memref_squeeze %dma_wait3A_782 : memref<1x40x128xf32, #tpu.memory_space<vmem>> -> memref<40x128xf32, #tpu.memory_space<vmem>>
      %dma_wait3A_784 = arith.constant 0 : i32
      %dma_wait3A_785 = tpu.memref_slice %arg8[%run_scoped3A_659, %dma_wait3A_784] : memref<125x40xi32, #tpu.memory_space<vmem>> -> memref<1x40xi32, #tpu.memory_space<vmem>>
      %dma_wait3A_786 = tpu.memref_squeeze %dma_wait3A_785 : memref<1x40xi32, #tpu.memory_space<vmem>> -> memref<40xi32, #tpu.memory_space<vmem>>
      %dma_wait3A_787 = arith.constant 0 : i32
      %dma_wait3A_788 = arith.constant 0 : i32
      %dma_wait3A_789 = tpu.memref_slice %arg6[%dma_wait3A_787, %dma_wait3A_788] : memref<10000x128xf32, #tpu.memory_space<vmem_shared>> -> memref<10000x128xf32, #tpu.memory_space<vmem_shared>>
      tpu.wait_indirect_dma semaphore(%run_scoped3A_769 : memref<!tpu.dma_semaphore, #tpu.memory_space<semaphore_mem>>) src(%dma_wait3A_783 : memref<40x128xf32, #tpu.memory_space<vmem>>) dst(%dma_wait3A_789 : memref<10000x128xf32, #tpu.memory_space<vmem_shared>>)
      tpu.yield
    }) : () -> ()
    %dma_wait3A_660 = arith.constant 247 : i32
    %dma_wait3A_661 = arith.constant 1 : i32
    %dma_wait3A_662 = arith.constant 0 : i32
    %dma_wait3A_663 = arith.constant 0 : i32
    %dma_wait3A_664 = tpu.memref_slice %arg9[%dma_wait3A_661, %dma_wait3A_662, %dma_wait3A_663] : memref<6x40x128xf32, #tpu.memory_space<vmem>> -> memref<1x40x128xf32, #tpu.memory_space<vmem>>
    %dma_wait3A_665 = tpu.memref_squeeze %dma_wait3A_664 : memref<1x40x128xf32, #tpu.memory_space<vmem>> -> memref<40x128xf32, #tpu.memory_space<vmem>>
    %dma_wait3A_666 = arith.constant 0 : i32
    %dma_wait3A_667 = tpu.memref_slice %arg7[%dma_wait3A_660, %dma_wait3A_666] : memref<250x40xi32, #tpu.memory_space<vmem>> -> memref<1x40xi32, #tpu.memory_space<vmem>>
    %dma_wait3A_668 = tpu.memref_squeeze %dma_wait3A_667 : memref<1x40xi32, #tpu.memory_space<vmem>> -> memref<40xi32, #tpu.memory_space<vmem>>
    %dma_wait3A_669 = arith.constant 0 : i32
    %dma_wait3A_670 = arith.constant 0 : i32
    %dma_wait3A_671 = tpu.memref_slice %arg2[%dma_wait3A_669, %dma_wait3A_670] : memref<10000x128xf32, #tpu.memory_space<hbm>> -> memref<10000x128xf32, #tpu.memory_space<hbm>>
    tpu.wait_indirect_dma semaphore(%arg11 : memref<!tpu.dma_semaphore, #tpu.memory_space<semaphore_mem>>) src(%dma_wait3A_671 : memref<10000x128xf32, #tpu.memory_space<hbm>>) dst(%dma_wait3A_665 : memref<40x128xf32, #tpu.memory_space<vmem>>)
    %run_scoped3A_672 = arith.constant 1 : i32
    %run_scoped3A_673 = arith.constant 122 : i32
    "tpu.region"() ({
      %run_scoped3A_769 = tpu.sem_alloc : memref<!tpu.dma_semaphore, #tpu.memory_space<semaphore_mem>>
      %dma_start3A_770 = arith.constant 0 : i32
      %dma_start3A_771 = arith.constant 0 : i32
      %dma_start3A_772 = tpu.memref_slice %arg9[%run_scoped3A_672, %dma_start3A_770, %dma_start3A_771] : memref<6x40x128xf32, #tpu.memory_space<vmem>> -> memref<1x40x128xf32, #tpu.memory_space<vmem>>
      %dma_start3A_773 = tpu.memref_squeeze %dma_start3A_772 : memref<1x40x128xf32, #tpu.memory_space<vmem>> -> memref<40x128xf32, #tpu.memory_space<vmem>>
      %dma_start3A_774 = arith.constant 0 : i32
      %dma_start3A_775 = tpu.memref_slice %arg8[%run_scoped3A_673, %dma_start3A_774] : memref<125x40xi32, #tpu.memory_space<vmem>> -> memref<1x40xi32, #tpu.memory_space<vmem>>
      %dma_start3A_776 = tpu.memref_squeeze %dma_start3A_775 : memref<1x40xi32, #tpu.memory_space<vmem>> -> memref<40xi32, #tpu.memory_space<vmem>>
      %dma_start3A_777 = arith.constant 0 : i32
      %dma_start3A_778 = arith.constant 0 : i32
      %dma_start3A_779 = tpu.memref_slice %arg6[%dma_start3A_777, %dma_start3A_778] : memref<10000x128xf32, #tpu.memory_space<vmem_shared>> -> memref<10000x128xf32, #tpu.memory_space<vmem_shared>>
      tpu.enqueue_indirect_dma source(%dma_start3A_773 : memref<40x128xf32, #tpu.memory_space<vmem>>) target(%dma_start3A_779 : memref<10000x128xf32, #tpu.memory_space<vmem_shared>>) offsets(%dma_start3A_776 : memref<40xi32, #tpu.memory_space<vmem>>) semaphore(%run_scoped3A_769 : memref<!tpu.dma_semaphore, #tpu.memory_space<semaphore_mem>>) {add = true}
      %dma_wait3A_780 = arith.constant 0 : i32
      %dma_wait3A_781 = arith.constant 0 : i32
      %dma_wait3A_782 = tpu.memref_slice %arg9[%run_scoped3A_672, %dma_wait3A_780, %dma_wait3A_781] : memref<6x40x128xf32, #tpu.memory_space<vmem>> -> memref<1x40x128xf32, #tpu.memory_space<vmem>>
      %dma_wait3A_783 = tpu.memref_squeeze %dma_wait3A_782 : memref<1x40x128xf32, #tpu.memory_space<vmem>> -> memref<40x128xf32, #tpu.memory_space<vmem>>
      %dma_wait3A_784 = arith.constant 0 : i32
      %dma_wait3A_785 = tpu.memref_slice %arg8[%run_scoped3A_673, %dma_wait3A_784] : memref<125x40xi32, #tpu.memory_space<vmem>> -> memref<1x40xi32, #tpu.memory_space<vmem>>
      %dma_wait3A_786 = tpu.memref_squeeze %dma_wait3A_785 : memref<1x40xi32, #tpu.memory_space<vmem>> -> memref<40xi32, #tpu.memory_space<vmem>>
      %dma_wait3A_787 = arith.constant 0 : i32
      %dma_wait3A_788 = arith.constant 0 : i32
      %dma_wait3A_789 = tpu.memref_slice %arg6[%dma_wait3A_787, %dma_wait3A_788] : memref<10000x128xf32, #tpu.memory_space<vmem_shared>> -> memref<10000x128xf32, #tpu.memory_space<vmem_shared>>
      tpu.wait_indirect_dma semaphore(%run_scoped3A_769 : memref<!tpu.dma_semaphore, #tpu.memory_space<semaphore_mem>>) src(%dma_wait3A_783 : memref<40x128xf32, #tpu.memory_space<vmem>>) dst(%dma_wait3A_789 : memref<10000x128xf32, #tpu.memory_space<vmem_shared>>)
      tpu.yield
    }) : () -> ()
    %dma_wait3A_674 = arith.constant 248 : i32
    %dma_wait3A_675 = arith.constant 2 : i32
    %dma_wait3A_676 = arith.constant 0 : i32
    %dma_wait3A_677 = arith.constant 0 : i32
    %dma_wait3A_678 = tpu.memref_slice %arg9[%dma_wait3A_675, %dma_wait3A_676, %dma_wait3A_677] : memref<6x40x128xf32, #tpu.memory_space<vmem>> -> memref<1x40x128xf32, #tpu.memory_space<vmem>>
    %dma_wait3A_679 = tpu.memref_squeeze %dma_wait3A_678 : memref<1x40x128xf32, #tpu.memory_space<vmem>> -> memref<40x128xf32, #tpu.memory_space<vmem>>
    %dma_wait3A_680 = arith.constant 0 : i32
    %dma_wait3A_681 = tpu.memref_slice %arg7[%dma_wait3A_674, %dma_wait3A_680] : memref<250x40xi32, #tpu.memory_space<vmem>> -> memref<1x40xi32, #tpu.memory_space<vmem>>
    %dma_wait3A_682 = tpu.memref_squeeze %dma_wait3A_681 : memref<1x40xi32, #tpu.memory_space<vmem>> -> memref<40xi32, #tpu.memory_space<vmem>>
    %dma_wait3A_683 = arith.constant 0 : i32
    %dma_wait3A_684 = arith.constant 0 : i32
    %dma_wait3A_685 = tpu.memref_slice %arg2[%dma_wait3A_683, %dma_wait3A_684] : memref<10000x128xf32, #tpu.memory_space<hbm>> -> memref<10000x128xf32, #tpu.memory_space<hbm>>
    tpu.wait_indirect_dma semaphore(%arg12 : memref<!tpu.dma_semaphore, #tpu.memory_space<semaphore_mem>>) src(%dma_wait3A_685 : memref<10000x128xf32, #tpu.memory_space<hbm>>) dst(%dma_wait3A_679 : memref<40x128xf32, #tpu.memory_space<vmem>>)
    %run_scoped3A_686 = arith.constant 2 : i32
    %run_scoped3A_687 = arith.constant 123 : i32
    "tpu.region"() ({
      %run_scoped3A_769 = tpu.sem_alloc : memref<!tpu.dma_semaphore, #tpu.memory_space<semaphore_mem>>
      %dma_start3A_770 = arith.constant 0 : i32
      %dma_start3A_771 = arith.constant 0 : i32
      %dma_start3A_772 = tpu.memref_slice %arg9[%run_scoped3A_686, %dma_start3A_770, %dma_start3A_771] : memref<6x40x128xf32, #tpu.memory_space<vmem>> -> memref<1x40x128xf32, #tpu.memory_space<vmem>>
      %dma_start3A_773 = tpu.memref_squeeze %dma_start3A_772 : memref<1x40x128xf32, #tpu.memory_space<vmem>> -> memref<40x128xf32, #tpu.memory_space<vmem>>
      %dma_start3A_774 = arith.constant 0 : i32
      %dma_start3A_775 = tpu.memref_slice %arg8[%run_scoped3A_687, %dma_start3A_774] : memref<125x40xi32, #tpu.memory_space<vmem>> -> memref<1x40xi32, #tpu.memory_space<vmem>>
      %dma_start3A_776 = tpu.memref_squeeze %dma_start3A_775 : memref<1x40xi32, #tpu.memory_space<vmem>> -> memref<40xi32, #tpu.memory_space<vmem>>
      %dma_start3A_777 = arith.constant 0 : i32
      %dma_start3A_778 = arith.constant 0 : i32
      %dma_start3A_779 = tpu.memref_slice %arg6[%dma_start3A_777, %dma_start3A_778] : memref<10000x128xf32, #tpu.memory_space<vmem_shared>> -> memref<10000x128xf32, #tpu.memory_space<vmem_shared>>
      tpu.enqueue_indirect_dma source(%dma_start3A_773 : memref<40x128xf32, #tpu.memory_space<vmem>>) target(%dma_start3A_779 : memref<10000x128xf32, #tpu.memory_space<vmem_shared>>) offsets(%dma_start3A_776 : memref<40xi32, #tpu.memory_space<vmem>>) semaphore(%run_scoped3A_769 : memref<!tpu.dma_semaphore, #tpu.memory_space<semaphore_mem>>) {add = true}
      %dma_wait3A_780 = arith.constant 0 : i32
      %dma_wait3A_781 = arith.constant 0 : i32
      %dma_wait3A_782 = tpu.memref_slice %arg9[%run_scoped3A_686, %dma_wait3A_780, %dma_wait3A_781] : memref<6x40x128xf32, #tpu.memory_space<vmem>> -> memref<1x40x128xf32, #tpu.memory_space<vmem>>
      %dma_wait3A_783 = tpu.memref_squeeze %dma_wait3A_782 : memref<1x40x128xf32, #tpu.memory_space<vmem>> -> memref<40x128xf32, #tpu.memory_space<vmem>>
      %dma_wait3A_784 = arith.constant 0 : i32
      %dma_wait3A_785 = tpu.memref_slice %arg8[%run_scoped3A_687, %dma_wait3A_784] : memref<125x40xi32, #tpu.memory_space<vmem>> -> memref<1x40xi32, #tpu.memory_space<vmem>>
      %dma_wait3A_786 = tpu.memref_squeeze %dma_wait3A_785 : memref<1x40xi32, #tpu.memory_space<vmem>> -> memref<40xi32, #tpu.memory_space<vmem>>
      %dma_wait3A_787 = arith.constant 0 : i32
      %dma_wait3A_788 = arith.constant 0 : i32
      %dma_wait3A_789 = tpu.memref_slice %arg6[%dma_wait3A_787, %dma_wait3A_788] : memref<10000x128xf32, #tpu.memory_space<vmem_shared>> -> memref<10000x128xf32, #tpu.memory_space<vmem_shared>>
      tpu.wait_indirect_dma semaphore(%run_scoped3A_769 : memref<!tpu.dma_semaphore, #tpu.memory_space<semaphore_mem>>) src(%dma_wait3A_783 : memref<40x128xf32, #tpu.memory_space<vmem>>) dst(%dma_wait3A_789 : memref<10000x128xf32, #tpu.memory_space<vmem_shared>>)
      tpu.yield
    }) : () -> ()
    %dma_wait3A_688 = arith.constant 249 : i32
    %dma_wait3A_689 = arith.constant 3 : i32
    %dma_wait3A_690 = arith.constant 0 : i32
    %dma_wait3A_691 = arith.constant 0 : i32
    %dma_wait3A_692 = tpu.memref_slice %arg9[%dma_wait3A_689, %dma_wait3A_690, %dma_wait3A_691] : memref<6x40x128xf32, #tpu.memory_space<vmem>> -> memref<1x40x128xf32, #tpu.memory_space<vmem>>
    %dma_wait3A_693 = tpu.memref_squeeze %dma_wait3A_692 : memref<1x40x128xf32, #tpu.memory_space<vmem>> -> memref<40x128xf32, #tpu.memory_space<vmem>>
    %dma_wait3A_694 = arith.constant 0 : i32
    %dma_wait3A_695 = tpu.memref_slice %arg7[%dma_wait3A_688, %dma_wait3A_694] : memref<250x40xi32, #tpu.memory_space<vmem>> -> memref<1x40xi32, #tpu.memory_space<vmem>>
    %dma_wait3A_696 = tpu.memref_squeeze %dma_wait3A_695 : memref<1x40xi32, #tpu.memory_space<vmem>> -> memref<40xi32, #tpu.memory_space<vmem>>
    %dma_wait3A_697 = arith.constant 0 : i32
    %dma_wait3A_698 = arith.constant 0 : i32
    %dma_wait3A_699 = tpu.memref_slice %arg2[%dma_wait3A_697, %dma_wait3A_698] : memref<10000x128xf32, #tpu.memory_space<hbm>> -> memref<10000x128xf32, #tpu.memory_space<hbm>>
    tpu.wait_indirect_dma semaphore(%arg13 : memref<!tpu.dma_semaphore, #tpu.memory_space<semaphore_mem>>) src(%dma_wait3A_699 : memref<10000x128xf32, #tpu.memory_space<hbm>>) dst(%dma_wait3A_693 : memref<40x128xf32, #tpu.memory_space<vmem>>)
    %run_scoped3A_700 = arith.constant 3 : i32
    %run_scoped3A_701 = arith.constant 124 : i32
    "tpu.region"() ({
      %run_scoped3A_769 = tpu.sem_alloc : memref<!tpu.dma_semaphore, #tpu.memory_space<semaphore_mem>>
      %dma_start3A_770 = arith.constant 0 : i32
      %dma_start3A_771 = arith.constant 0 : i32
      %dma_start3A_772 = tpu.memref_slice %arg9[%run_scoped3A_700, %dma_start3A_770, %dma_start3A_771] : memref<6x40x128xf32, #tpu.memory_space<vmem>> -> memref<1x40x128xf32, #tpu.memory_space<vmem>>
      %dma_start3A_773 = tpu.memref_squeeze %dma_start3A_772 : memref<1x40x128xf32, #tpu.memory_space<vmem>> -> memref<40x128xf32, #tpu.memory_space<vmem>>
      %dma_start3A_774 = arith.constant 0 : i32
      %dma_start3A_775 = tpu.memref_slice %arg8[%run_scoped3A_701, %dma_start3A_774] : memref<125x40xi32, #tpu.memory_space<vmem>> -> memref<1x40xi32, #tpu.memory_space<vmem>>
      %dma_start3A_776 = tpu.memref_squeeze %dma_start3A_775 : memref<1x40xi32, #tpu.memory_space<vmem>> -> memref<40xi32, #tpu.memory_space<vmem>>
      %dma_start3A_777 = arith.constant 0 : i32
      %dma_start3A_778 = arith.constant 0 : i32
      %dma_start3A_779 = tpu.memref_slice %arg6[%dma_start3A_777, %dma_start3A_778] : memref<10000x128xf32, #tpu.memory_space<vmem_shared>> -> memref<10000x128xf32, #tpu.memory_space<vmem_shared>>
      tpu.enqueue_indirect_dma source(%dma_start3A_773 : memref<40x128xf32, #tpu.memory_space<vmem>>) target(%dma_start3A_779 : memref<10000x128xf32, #tpu.memory_space<vmem_shared>>) offsets(%dma_start3A_776 : memref<40xi32, #tpu.memory_space<vmem>>) semaphore(%run_scoped3A_769 : memref<!tpu.dma_semaphore, #tpu.memory_space<semaphore_mem>>) {add = true}
      %dma_wait3A_780 = arith.constant 0 : i32
      %dma_wait3A_781 = arith.constant 0 : i32
      %dma_wait3A_782 = tpu.memref_slice %arg9[%run_scoped3A_700, %dma_wait3A_780, %dma_wait3A_781] : memref<6x40x128xf32, #tpu.memory_space<vmem>> -> memref<1x40x128xf32, #tpu.memory_space<vmem>>
      %dma_wait3A_783 = tpu.memref_squeeze %dma_wait3A_782 : memref<1x40x128xf32, #tpu.memory_space<vmem>> -> memref<40x128xf32, #tpu.memory_space<vmem>>
      %dma_wait3A_784 = arith.constant 0 : i32
      %dma_wait3A_785 = tpu.memref_slice %arg8[%run_scoped3A_701, %dma_wait3A_784] : memref<125x40xi32, #tpu.memory_space<vmem>> -> memref<1x40xi32, #tpu.memory_space<vmem>>
      %dma_wait3A_786 = tpu.memref_squeeze %dma_wait3A_785 : memref<1x40xi32, #tpu.memory_space<vmem>> -> memref<40xi32, #tpu.memory_space<vmem>>
      %dma_wait3A_787 = arith.constant 0 : i32
      %dma_wait3A_788 = arith.constant 0 : i32
      %dma_wait3A_789 = tpu.memref_slice %arg6[%dma_wait3A_787, %dma_wait3A_788] : memref<10000x128xf32, #tpu.memory_space<vmem_shared>> -> memref<10000x128xf32, #tpu.memory_space<vmem_shared>>
      tpu.wait_indirect_dma semaphore(%run_scoped3A_769 : memref<!tpu.dma_semaphore, #tpu.memory_space<semaphore_mem>>) src(%dma_wait3A_783 : memref<40x128xf32, #tpu.memory_space<vmem>>) dst(%dma_wait3A_789 : memref<10000x128xf32, #tpu.memory_space<vmem_shared>>)
      tpu.yield
    }) : () -> ()
    %barrier3A_702 = arith.constant 0 : index
    tpu.barrier barrier_id(%barrier3A_702)
    %mul3A_703 = arith.constant 625 : i32
    %mul3A_704 = arith.muli %arg1, %mul3A_703 : i32
    %add3A_705 = arith.constant 0 : i32
    %add3A_706 = arith.addi %mul3A_704, %add3A_705 : i32
    "tpu.region"() ({
      %run_scoped3A_769 = tpu.sem_alloc : memref<!tpu.dma_semaphore, #tpu.memory_space<semaphore_mem>>
      %dma_start3A_770 = arith.constant 0 : i32
      %dma_start3A_771 = tpu.memref_slice %arg5[%arg0, %add3A_706, %dma_start3A_770] : memref<2x10000x128xf32, #tpu.memory_space<hbm>> -> memref<1x40x128xf32, #tpu.memory_space<hbm>>
      %dma_start3A_772 = tpu.memref_squeeze %dma_start3A_771 : memref<1x40x128xf32, #tpu.memory_space<hbm>> -> memref<40x128xf32, #tpu.memory_space<hbm>>
      %dma_start3A_773 = arith.constant 0 : i32
      %dma_start3A_774 = tpu.memref_slice %arg6[%add3A_706, %dma_start3A_773] : memref<10000x128xf32, #tpu.memory_space<vmem_shared>> -> memref<40x128xf32, #tpu.memory_space<vmem_shared>>
      tpu.enqueue_dma source(%dma_start3A_774 : memref<40x128xf32, #tpu.memory_space<vmem_shared>>) target(%dma_start3A_772 : memref<40x128xf32, #tpu.memory_space<hbm>>) target_semaphore(%run_scoped3A_769 : memref<!tpu.dma_semaphore, #tpu.memory_space<semaphore_mem>>)
      %dma_wait3A_775 = arith.constant 0 : i32
      %dma_wait3A_776 = tpu.memref_slice %arg5[%arg0, %add3A_706, %dma_wait3A_775] : memref<2x10000x128xf32, #tpu.memory_space<hbm>> -> memref<1x40x128xf32, #tpu.memory_space<hbm>>
      %dma_wait3A_777 = tpu.memref_squeeze %dma_wait3A_776 : memref<1x40x128xf32, #tpu.memory_space<hbm>> -> memref<40x128xf32, #tpu.memory_space<hbm>>
      %dma_wait3A_778 = arith.constant 0 : i32
      %dma_wait3A_779 = tpu.memref_slice %arg6[%add3A_706, %dma_wait3A_778] : memref<10000x128xf32, #tpu.memory_space<vmem_shared>> -> memref<40x128xf32, #tpu.memory_space<vmem_shared>>
      tpu.wait_dma2 semaphore(%run_scoped3A_769 : memref<!tpu.dma_semaphore, #tpu.memory_space<semaphore_mem>>) src(%dma_wait3A_779 : memref<40x128xf32, #tpu.memory_space<vmem_shared>>) dst(%dma_wait3A_777 : memref<40x128xf32, #tpu.memory_space<hbm>>)
      tpu.yield
    }) : () -> ()
    %mul3A_707 = arith.constant 625 : i32
    %mul3A_708 = arith.muli %arg1, %mul3A_707 : i32
    %add3A_709 = arith.constant 40 : i32
    %add3A_710 = arith.addi %mul3A_708, %add3A_709 : i32
    "tpu.region"() ({
      %run_scoped3A_769 = tpu.sem_alloc : memref<!tpu.dma_semaphore, #tpu.memory_space<semaphore_mem>>
      %dma_start3A_770 = arith.constant 0 : i32
      %dma_start3A_771 = tpu.memref_slice %arg5[%arg0, %add3A_710, %dma_start3A_770] : memref<2x10000x128xf32, #tpu.memory_space<hbm>> -> memref<1x40x128xf32, #tpu.memory_space<hbm>>
      %dma_start3A_772 = tpu.memref_squeeze %dma_start3A_771 : memref<1x40x128xf32, #tpu.memory_space<hbm>> -> memref<40x128xf32, #tpu.memory_space<hbm>>
      %dma_start3A_773 = arith.constant 0 : i32
      %dma_start3A_774 = tpu.memref_slice %arg6[%add3A_710, %dma_start3A_773] : memref<10000x128xf32, #tpu.memory_space<vmem_shared>> -> memref<40x128xf32, #tpu.memory_space<vmem_shared>>
      tpu.enqueue_dma source(%dma_start3A_774 : memref<40x128xf32, #tpu.memory_space<vmem_shared>>) target(%dma_start3A_772 : memref<40x128xf32, #tpu.memory_space<hbm>>) target_semaphore(%run_scoped3A_769 : memref<!tpu.dma_semaphore, #tpu.memory_space<semaphore_mem>>)
      %dma_wait3A_775 = arith.constant 0 : i32
      %dma_wait3A_776 = tpu.memref_slice %arg5[%arg0, %add3A_710, %dma_wait3A_775] : memref<2x10000x128xf32, #tpu.memory_space<hbm>> -> memref<1x40x128xf32, #tpu.memory_space<hbm>>
      %dma_wait3A_777 = tpu.memref_squeeze %dma_wait3A_776 : memref<1x40x128xf32, #tpu.memory_space<hbm>> -> memref<40x128xf32, #tpu.memory_space<hbm>>
      %dma_wait3A_778 = arith.constant 0 : i32
      %dma_wait3A_779 = tpu.memref_slice %arg6[%add3A_710, %dma_wait3A_778] : memref<10000x128xf32, #tpu.memory_space<vmem_shared>> -> memref<40x128xf32, #tpu.memory_space<vmem_shared>>
      tpu.wait_dma2 semaphore(%run_scoped3A_769 : memref<!tpu.dma_semaphore, #tpu.memory_space<semaphore_mem>>) src(%dma_wait3A_779 : memref<40x128xf32, #tpu.memory_space<vmem_shared>>) dst(%dma_wait3A_777 : memref<40x128xf32, #tpu.memory_space<hbm>>)
      tpu.yield
    }) : () -> ()
    %mul3A_711 = arith.constant 625 : i32
    %mul3A_712 = arith.muli %arg1, %mul3A_711 : i32
    %add3A_713 = arith.constant 80 : i32
    %add3A_714 = arith.addi %mul3A_712, %add3A_713 : i32
    "tpu.region"() ({
      %run_scoped3A_769 = tpu.sem_alloc : memref<!tpu.dma_semaphore, #tpu.memory_space<semaphore_mem>>
      %dma_start3A_770 = arith.constant 0 : i32
      %dma_start3A_771 = tpu.memref_slice %arg5[%arg0, %add3A_714, %dma_start3A_770] : memref<2x10000x128xf32, #tpu.memory_space<hbm>> -> memref<1x40x128xf32, #tpu.memory_space<hbm>>
      %dma_start3A_772 = tpu.memref_squeeze %dma_start3A_771 : memref<1x40x128xf32, #tpu.memory_space<hbm>> -> memref<40x128xf32, #tpu.memory_space<hbm>>
      %dma_start3A_773 = arith.constant 0 : i32
      %dma_start3A_774 = tpu.memref_slice %arg6[%add3A_714, %dma_start3A_773] : memref<10000x128xf32, #tpu.memory_space<vmem_shared>> -> memref<40x128xf32, #tpu.memory_space<vmem_shared>>
      tpu.enqueue_dma source(%dma_start3A_774 : memref<40x128xf32, #tpu.memory_space<vmem_shared>>) target(%dma_start3A_772 : memref<40x128xf32, #tpu.memory_space<hbm>>) target_semaphore(%run_scoped3A_769 : memref<!tpu.dma_semaphore, #tpu.memory_space<semaphore_mem>>)
      %dma_wait3A_775 = arith.constant 0 : i32
      %dma_wait3A_776 = tpu.memref_slice %arg5[%arg0, %add3A_714, %dma_wait3A_775] : memref<2x10000x128xf32, #tpu.memory_space<hbm>> -> memref<1x40x128xf32, #tpu.memory_space<hbm>>
      %dma_wait3A_777 = tpu.memref_squeeze %dma_wait3A_776 : memref<1x40x128xf32, #tpu.memory_space<hbm>> -> memref<40x128xf32, #tpu.memory_space<hbm>>
      %dma_wait3A_778 = arith.constant 0 : i32
      %dma_wait3A_779 = tpu.memref_slice %arg6[%add3A_714, %dma_wait3A_778] : memref<10000x128xf32, #tpu.memory_space<vmem_shared>> -> memref<40x128xf32, #tpu.memory_space<vmem_shared>>
      tpu.wait_dma2 semaphore(%run_scoped3A_769 : memref<!tpu.dma_semaphore, #tpu.memory_space<semaphore_mem>>) src(%dma_wait3A_779 : memref<40x128xf32, #tpu.memory_space<vmem_shared>>) dst(%dma_wait3A_777 : memref<40x128xf32, #tpu.memory_space<hbm>>)
      tpu.yield
    }) : () -> ()
    %mul3A_715 = arith.constant 625 : i32
    %mul3A_716 = arith.muli %arg1, %mul3A_715 : i32
    %add3A_717 = arith.constant 120 : i32
    %add3A_718 = arith.addi %mul3A_716, %add3A_717 : i32
    "tpu.region"() ({
      %run_scoped3A_769 = tpu.sem_alloc : memref<!tpu.dma_semaphore, #tpu.memory_space<semaphore_mem>>
      %dma_start3A_770 = arith.constant 0 : i32
      %dma_start3A_771 = tpu.memref_slice %arg5[%arg0, %add3A_718, %dma_start3A_770] : memref<2x10000x128xf32, #tpu.memory_space<hbm>> -> memref<1x40x128xf32, #tpu.memory_space<hbm>>
      %dma_start3A_772 = tpu.memref_squeeze %dma_start3A_771 : memref<1x40x128xf32, #tpu.memory_space<hbm>> -> memref<40x128xf32, #tpu.memory_space<hbm>>
      %dma_start3A_773 = arith.constant 0 : i32
      %dma_start3A_774 = tpu.memref_slice %arg6[%add3A_718, %dma_start3A_773] : memref<10000x128xf32, #tpu.memory_space<vmem_shared>> -> memref<40x128xf32, #tpu.memory_space<vmem_shared>>
      tpu.enqueue_dma source(%dma_start3A_774 : memref<40x128xf32, #tpu.memory_space<vmem_shared>>) target(%dma_start3A_772 : memref<40x128xf32, #tpu.memory_space<hbm>>) target_semaphore(%run_scoped3A_769 : memref<!tpu.dma_semaphore, #tpu.memory_space<semaphore_mem>>)
      %dma_wait3A_775 = arith.constant 0 : i32
      %dma_wait3A_776 = tpu.memref_slice %arg5[%arg0, %add3A_718, %dma_wait3A_775] : memref<2x10000x128xf32, #tpu.memory_space<hbm>> -> memref<1x40x128xf32, #tpu.memory_space<hbm>>
      %dma_wait3A_777 = tpu.memref_squeeze %dma_wait3A_776 : memref<1x40x128xf32, #tpu.memory_space<hbm>> -> memref<40x128xf32, #tpu.memory_space<hbm>>
      %dma_wait3A_778 = arith.constant 0 : i32
      %dma_wait3A_779 = tpu.memref_slice %arg6[%add3A_718, %dma_wait3A_778] : memref<10000x128xf32, #tpu.memory_space<vmem_shared>> -> memref<40x128xf32, #tpu.memory_space<vmem_shared>>
      tpu.wait_dma2 semaphore(%run_scoped3A_769 : memref<!tpu.dma_semaphore, #tpu.memory_space<semaphore_mem>>) src(%dma_wait3A_779 : memref<40x128xf32, #tpu.memory_space<vmem_shared>>) dst(%dma_wait3A_777 : memref<40x128xf32, #tpu.memory_space<hbm>>)
      tpu.yield
    }) : () -> ()
    %mul3A_719 = arith.constant 625 : i32
    %mul3A_720 = arith.muli %arg1, %mul3A_719 : i32
    %add3A_721 = arith.constant 160 : i32
    %add3A_722 = arith.addi %mul3A_720, %add3A_721 : i32
    "tpu.region"() ({
      %run_scoped3A_769 = tpu.sem_alloc : memref<!tpu.dma_semaphore, #tpu.memory_space<semaphore_mem>>
      %dma_start3A_770 = arith.constant 0 : i32
      %dma_start3A_771 = tpu.memref_slice %arg5[%arg0, %add3A_722, %dma_start3A_770] : memref<2x10000x128xf32, #tpu.memory_space<hbm>> -> memref<1x40x128xf32, #tpu.memory_space<hbm>>
      %dma_start3A_772 = tpu.memref_squeeze %dma_start3A_771 : memref<1x40x128xf32, #tpu.memory_space<hbm>> -> memref<40x128xf32, #tpu.memory_space<hbm>>
      %dma_start3A_773 = arith.constant 0 : i32
      %dma_start3A_774 = tpu.memref_slice %arg6[%add3A_722, %dma_start3A_773] : memref<10000x128xf32, #tpu.memory_space<vmem_shared>> -> memref<40x128xf32, #tpu.memory_space<vmem_shared>>
      tpu.enqueue_dma source(%dma_start3A_774 : memref<40x128xf32, #tpu.memory_space<vmem_shared>>) target(%dma_start3A_772 : memref<40x128xf32, #tpu.memory_space<hbm>>) target_semaphore(%run_scoped3A_769 : memref<!tpu.dma_semaphore, #tpu.memory_space<semaphore_mem>>)
      %dma_wait3A_775 = arith.constant 0 : i32
      %dma_wait3A_776 = tpu.memref_slice %arg5[%arg0, %add3A_722, %dma_wait3A_775] : memref<2x10000x128xf32, #tpu.memory_space<hbm>> -> memref<1x40x128xf32, #tpu.memory_space<hbm>>
      %dma_wait3A_777 = tpu.memref_squeeze %dma_wait3A_776 : memref<1x40x128xf32, #tpu.memory_space<hbm>> -> memref<40x128xf32, #tpu.memory_space<hbm>>
      %dma_wait3A_778 = arith.constant 0 : i32
      %dma_wait3A_779 = tpu.memref_slice %arg6[%add3A_722, %dma_wait3A_778] : memref<10000x128xf32, #tpu.memory_space<vmem_shared>> -> memref<40x128xf32, #tpu.memory_space<vmem_shared>>
      tpu.wait_dma2 semaphore(%run_scoped3A_769 : memref<!tpu.dma_semaphore, #tpu.memory_space<semaphore_mem>>) src(%dma_wait3A_779 : memref<40x128xf32, #tpu.memory_space<vmem_shared>>) dst(%dma_wait3A_777 : memref<40x128xf32, #tpu.memory_space<hbm>>)
      tpu.yield
    }) : () -> ()
    %mul3A_723 = arith.constant 625 : i32
    %mul3A_724 = arith.muli %arg1, %mul3A_723 : i32
    %add3A_725 = arith.constant 200 : i32
    %add3A_726 = arith.addi %mul3A_724, %add3A_725 : i32
    "tpu.region"() ({
      %run_scoped3A_769 = tpu.sem_alloc : memref<!tpu.dma_semaphore, #tpu.memory_space<semaphore_mem>>
      %dma_start3A_770 = arith.constant 0 : i32
      %dma_start3A_771 = tpu.memref_slice %arg5[%arg0, %add3A_726, %dma_start3A_770] : memref<2x10000x128xf32, #tpu.memory_space<hbm>> -> memref<1x40x128xf32, #tpu.memory_space<hbm>>
      %dma_start3A_772 = tpu.memref_squeeze %dma_start3A_771 : memref<1x40x128xf32, #tpu.memory_space<hbm>> -> memref<40x128xf32, #tpu.memory_space<hbm>>
      %dma_start3A_773 = arith.constant 0 : i32
      %dma_start3A_774 = tpu.memref_slice %arg6[%add3A_726, %dma_start3A_773] : memref<10000x128xf32, #tpu.memory_space<vmem_shared>> -> memref<40x128xf32, #tpu.memory_space<vmem_shared>>
      tpu.enqueue_dma source(%dma_start3A_774 : memref<40x128xf32, #tpu.memory_space<vmem_shared>>) target(%dma_start3A_772 : memref<40x128xf32, #tpu.memory_space<hbm>>) target_semaphore(%run_scoped3A_769 : memref<!tpu.dma_semaphore, #tpu.memory_space<semaphore_mem>>)
      %dma_wait3A_775 = arith.constant 0 : i32
      %dma_wait3A_776 = tpu.memref_slice %arg5[%arg0, %add3A_726, %dma_wait3A_775] : memref<2x10000x128xf32, #tpu.memory_space<hbm>> -> memref<1x40x128xf32, #tpu.memory_space<hbm>>
      %dma_wait3A_777 = tpu.memref_squeeze %dma_wait3A_776 : memref<1x40x128xf32, #tpu.memory_space<hbm>> -> memref<40x128xf32, #tpu.memory_space<hbm>>
      %dma_wait3A_778 = arith.constant 0 : i32
      %dma_wait3A_779 = tpu.memref_slice %arg6[%add3A_726, %dma_wait3A_778] : memref<10000x128xf32, #tpu.memory_space<vmem_shared>> -> memref<40x128xf32, #tpu.memory_space<vmem_shared>>
      tpu.wait_dma2 semaphore(%run_scoped3A_769 : memref<!tpu.dma_semaphore, #tpu.memory_space<semaphore_mem>>) src(%dma_wait3A_779 : memref<40x128xf32, #tpu.memory_space<vmem_shared>>) dst(%dma_wait3A_777 : memref<40x128xf32, #tpu.memory_space<hbm>>)
      tpu.yield
    }) : () -> ()
    %mul3A_727 = arith.constant 625 : i32
    %mul3A_728 = arith.muli %arg1, %mul3A_727 : i32
    %add3A_729 = arith.constant 240 : i32
    %add3A_730 = arith.addi %mul3A_728, %add3A_729 : i32
    "tpu.region"() ({
      %run_scoped3A_769 = tpu.sem_alloc : memref<!tpu.dma_semaphore, #tpu.memory_space<semaphore_mem>>
      %dma_start3A_770 = arith.constant 0 : i32
      %dma_start3A_771 = tpu.memref_slice %arg5[%arg0, %add3A_730, %dma_start3A_770] : memref<2x10000x128xf32, #tpu.memory_space<hbm>> -> memref<1x40x128xf32, #tpu.memory_space<hbm>>
      %dma_start3A_772 = tpu.memref_squeeze %dma_start3A_771 : memref<1x40x128xf32, #tpu.memory_space<hbm>> -> memref<40x128xf32, #tpu.memory_space<hbm>>
      %dma_start3A_773 = arith.constant 0 : i32
      %dma_start3A_774 = tpu.memref_slice %arg6[%add3A_730, %dma_start3A_773] : memref<10000x128xf32, #tpu.memory_space<vmem_shared>> -> memref<40x128xf32, #tpu.memory_space<vmem_shared>>
      tpu.enqueue_dma source(%dma_start3A_774 : memref<40x128xf32, #tpu.memory_space<vmem_shared>>) target(%dma_start3A_772 : memref<40x128xf32, #tpu.memory_space<hbm>>) target_semaphore(%run_scoped3A_769 : memref<!tpu.dma_semaphore, #tpu.memory_space<semaphore_mem>>)
      %dma_wait3A_775 = arith.constant 0 : i32
      %dma_wait3A_776 = tpu.memref_slice %arg5[%arg0, %add3A_730, %dma_wait3A_775] : memref<2x10000x128xf32, #tpu.memory_space<hbm>> -> memref<1x40x128xf32, #tpu.memory_space<hbm>>
      %dma_wait3A_777 = tpu.memref_squeeze %dma_wait3A_776 : memref<1x40x128xf32, #tpu.memory_space<hbm>> -> memref<40x128xf32, #tpu.memory_space<hbm>>
      %dma_wait3A_778 = arith.constant 0 : i32
      %dma_wait3A_779 = tpu.memref_slice %arg6[%add3A_730, %dma_wait3A_778] : memref<10000x128xf32, #tpu.memory_space<vmem_shared>> -> memref<40x128xf32, #tpu.memory_space<vmem_shared>>
      tpu.wait_dma2 semaphore(%run_scoped3A_769 : memref<!tpu.dma_semaphore, #tpu.memory_space<semaphore_mem>>) src(%dma_wait3A_779 : memref<40x128xf32, #tpu.memory_space<vmem_shared>>) dst(%dma_wait3A_777 : memref<40x128xf32, #tpu.memory_space<hbm>>)
      tpu.yield
    }) : () -> ()
    %mul3A_731 = arith.constant 625 : i32
    %mul3A_732 = arith.muli %arg1, %mul3A_731 : i32
    %add3A_733 = arith.constant 280 : i32
    %add3A_734 = arith.addi %mul3A_732, %add3A_733 : i32
    "tpu.region"() ({
      %run_scoped3A_769 = tpu.sem_alloc : memref<!tpu.dma_semaphore, #tpu.memory_space<semaphore_mem>>
      %dma_start3A_770 = arith.constant 0 : i32
      %dma_start3A_771 = tpu.memref_slice %arg5[%arg0, %add3A_734, %dma_start3A_770] : memref<2x10000x128xf32, #tpu.memory_space<hbm>> -> memref<1x40x128xf32, #tpu.memory_space<hbm>>
      %dma_start3A_772 = tpu.memref_squeeze %dma_start3A_771 : memref<1x40x128xf32, #tpu.memory_space<hbm>> -> memref<40x128xf32, #tpu.memory_space<hbm>>
      %dma_start3A_773 = arith.constant 0 : i32
      %dma_start3A_774 = tpu.memref_slice %arg6[%add3A_734, %dma_start3A_773] : memref<10000x128xf32, #tpu.memory_space<vmem_shared>> -> memref<40x128xf32, #tpu.memory_space<vmem_shared>>
      tpu.enqueue_dma source(%dma_start3A_774 : memref<40x128xf32, #tpu.memory_space<vmem_shared>>) target(%dma_start3A_772 : memref<40x128xf32, #tpu.memory_space<hbm>>) target_semaphore(%run_scoped3A_769 : memref<!tpu.dma_semaphore, #tpu.memory_space<semaphore_mem>>)
      %dma_wait3A_775 = arith.constant 0 : i32
      %dma_wait3A_776 = tpu.memref_slice %arg5[%arg0, %add3A_734, %dma_wait3A_775] : memref<2x10000x128xf32, #tpu.memory_space<hbm>> -> memref<1x40x128xf32, #tpu.memory_space<hbm>>
      %dma_wait3A_777 = tpu.memref_squeeze %dma_wait3A_776 : memref<1x40x128xf32, #tpu.memory_space<hbm>> -> memref<40x128xf32, #tpu.memory_space<hbm>>
      %dma_wait3A_778 = arith.constant 0 : i32
      %dma_wait3A_779 = tpu.memref_slice %arg6[%add3A_734, %dma_wait3A_778] : memref<10000x128xf32, #tpu.memory_space<vmem_shared>> -> memref<40x128xf32, #tpu.memory_space<vmem_shared>>
      tpu.wait_dma2 semaphore(%run_scoped3A_769 : memref<!tpu.dma_semaphore, #tpu.memory_space<semaphore_mem>>) src(%dma_wait3A_779 : memref<40x128xf32, #tpu.memory_space<vmem_shared>>) dst(%dma_wait3A_777 : memref<40x128xf32, #tpu.memory_space<hbm>>)
      tpu.yield
    }) : () -> ()
    %mul3A_735 = arith.constant 625 : i32
    %mul3A_736 = arith.muli %arg1, %mul3A_735 : i32
    %add3A_737 = arith.constant 320 : i32
    %add3A_738 = arith.addi %mul3A_736, %add3A_737 : i32
    "tpu.region"() ({
      %run_scoped3A_769 = tpu.sem_alloc : memref<!tpu.dma_semaphore, #tpu.memory_space<semaphore_mem>>
      %dma_start3A_770 = arith.constant 0 : i32
      %dma_start3A_771 = tpu.memref_slice %arg5[%arg0, %add3A_738, %dma_start3A_770] : memref<2x10000x128xf32, #tpu.memory_space<hbm>> -> memref<1x40x128xf32, #tpu.memory_space<hbm>>
      %dma_start3A_772 = tpu.memref_squeeze %dma_start3A_771 : memref<1x40x128xf32, #tpu.memory_space<hbm>> -> memref<40x128xf32, #tpu.memory_space<hbm>>
      %dma_start3A_773 = arith.constant 0 : i32
      %dma_start3A_774 = tpu.memref_slice %arg6[%add3A_738, %dma_start3A_773] : memref<10000x128xf32, #tpu.memory_space<vmem_shared>> -> memref<40x128xf32, #tpu.memory_space<vmem_shared>>
      tpu.enqueue_dma source(%dma_start3A_774 : memref<40x128xf32, #tpu.memory_space<vmem_shared>>) target(%dma_start3A_772 : memref<40x128xf32, #tpu.memory_space<hbm>>) target_semaphore(%run_scoped3A_769 : memref<!tpu.dma_semaphore, #tpu.memory_space<semaphore_mem>>)
      %dma_wait3A_775 = arith.constant 0 : i32
      %dma_wait3A_776 = tpu.memref_slice %arg5[%arg0, %add3A_738, %dma_wait3A_775] : memref<2x10000x128xf32, #tpu.memory_space<hbm>> -> memref<1x40x128xf32, #tpu.memory_space<hbm>>
      %dma_wait3A_777 = tpu.memref_squeeze %dma_wait3A_776 : memref<1x40x128xf32, #tpu.memory_space<hbm>> -> memref<40x128xf32, #tpu.memory_space<hbm>>
      %dma_wait3A_778 = arith.constant 0 : i32
      %dma_wait3A_779 = tpu.memref_slice %arg6[%add3A_738, %dma_wait3A_778] : memref<10000x128xf32, #tpu.memory_space<vmem_shared>> -> memref<40x128xf32, #tpu.memory_space<vmem_shared>>
      tpu.wait_dma2 semaphore(%run_scoped3A_769 : memref<!tpu.dma_semaphore, #tpu.memory_space<semaphore_mem>>) src(%dma_wait3A_779 : memref<40x128xf32, #tpu.memory_space<vmem_shared>>) dst(%dma_wait3A_777 : memref<40x128xf32, #tpu.memory_space<hbm>>)
      tpu.yield
    }) : () -> ()
    %mul3A_739 = arith.constant 625 : i32
    %mul3A_740 = arith.muli %arg1, %mul3A_739 : i32
    %add3A_741 = arith.constant 360 : i32
    %add3A_742 = arith.addi %mul3A_740, %add3A_741 : i32
    "tpu.region"() ({
      %run_scoped3A_769 = tpu.sem_alloc : memref<!tpu.dma_semaphore, #tpu.memory_space<semaphore_mem>>
      %dma_start3A_770 = arith.constant 0 : i32
      %dma_start3A_771 = tpu.memref_slice %arg5[%arg0, %add3A_742, %dma_start3A_770] : memref<2x10000x128xf32, #tpu.memory_space<hbm>> -> memref<1x40x128xf32, #tpu.memory_space<hbm>>
      %dma_start3A_772 = tpu.memref_squeeze %dma_start3A_771 : memref<1x40x128xf32, #tpu.memory_space<hbm>> -> memref<40x128xf32, #tpu.memory_space<hbm>>
      %dma_start3A_773 = arith.constant 0 : i32
      %dma_start3A_774 = tpu.memref_slice %arg6[%add3A_742, %dma_start3A_773] : memref<10000x128xf32, #tpu.memory_space<vmem_shared>> -> memref<40x128xf32, #tpu.memory_space<vmem_shared>>
      tpu.enqueue_dma source(%dma_start3A_774 : memref<40x128xf32, #tpu.memory_space<vmem_shared>>) target(%dma_start3A_772 : memref<40x128xf32, #tpu.memory_space<hbm>>) target_semaphore(%run_scoped3A_769 : memref<!tpu.dma_semaphore, #tpu.memory_space<semaphore_mem>>)
      %dma_wait3A_775 = arith.constant 0 : i32
      %dma_wait3A_776 = tpu.memref_slice %arg5[%arg0, %add3A_742, %dma_wait3A_775] : memref<2x10000x128xf32, #tpu.memory_space<hbm>> -> memref<1x40x128xf32, #tpu.memory_space<hbm>>
      %dma_wait3A_777 = tpu.memref_squeeze %dma_wait3A_776 : memref<1x40x128xf32, #tpu.memory_space<hbm>> -> memref<40x128xf32, #tpu.memory_space<hbm>>
      %dma_wait3A_778 = arith.constant 0 : i32
      %dma_wait3A_779 = tpu.memref_slice %arg6[%add3A_742, %dma_wait3A_778] : memref<10000x128xf32, #tpu.memory_space<vmem_shared>> -> memref<40x128xf32, #tpu.memory_space<vmem_shared>>
      tpu.wait_dma2 semaphore(%run_scoped3A_769 : memref<!tpu.dma_semaphore, #tpu.memory_space<semaphore_mem>>) src(%dma_wait3A_779 : memref<40x128xf32, #tpu.memory_space<vmem_shared>>) dst(%dma_wait3A_777 : memref<40x128xf32, #tpu.memory_space<hbm>>)
      tpu.yield
    }) : () -> ()
    %mul3A_743 = arith.constant 625 : i32
    %mul3A_744 = arith.muli %arg1, %mul3A_743 : i32
    %add3A_745 = arith.constant 400 : i32
    %add3A_746 = arith.addi %mul3A_744, %add3A_745 : i32
    "tpu.region"() ({
      %run_scoped3A_769 = tpu.sem_alloc : memref<!tpu.dma_semaphore, #tpu.memory_space<semaphore_mem>>
      %dma_start3A_770 = arith.constant 0 : i32
      %dma_start3A_771 = tpu.memref_slice %arg5[%arg0, %add3A_746, %dma_start3A_770] : memref<2x10000x128xf32, #tpu.memory_space<hbm>> -> memref<1x40x128xf32, #tpu.memory_space<hbm>>
      %dma_start3A_772 = tpu.memref_squeeze %dma_start3A_771 : memref<1x40x128xf32, #tpu.memory_space<hbm>> -> memref<40x128xf32, #tpu.memory_space<hbm>>
      %dma_start3A_773 = arith.constant 0 : i32
      %dma_start3A_774 = tpu.memref_slice %arg6[%add3A_746, %dma_start3A_773] : memref<10000x128xf32, #tpu.memory_space<vmem_shared>> -> memref<40x128xf32, #tpu.memory_space<vmem_shared>>
      tpu.enqueue_dma source(%dma_start3A_774 : memref<40x128xf32, #tpu.memory_space<vmem_shared>>) target(%dma_start3A_772 : memref<40x128xf32, #tpu.memory_space<hbm>>) target_semaphore(%run_scoped3A_769 : memref<!tpu.dma_semaphore, #tpu.memory_space<semaphore_mem>>)
      %dma_wait3A_775 = arith.constant 0 : i32
      %dma_wait3A_776 = tpu.memref_slice %arg5[%arg0, %add3A_746, %dma_wait3A_775] : memref<2x10000x128xf32, #tpu.memory_space<hbm>> -> memref<1x40x128xf32, #tpu.memory_space<hbm>>
      %dma_wait3A_777 = tpu.memref_squeeze %dma_wait3A_776 : memref<1x40x128xf32, #tpu.memory_space<hbm>> -> memref<40x128xf32, #tpu.memory_space<hbm>>
      %dma_wait3A_778 = arith.constant 0 : i32
      %dma_wait3A_779 = tpu.memref_slice %arg6[%add3A_746, %dma_wait3A_778] : memref<10000x128xf32, #tpu.memory_space<vmem_shared>> -> memref<40x128xf32, #tpu.memory_space<vmem_shared>>
      tpu.wait_dma2 semaphore(%run_scoped3A_769 : memref<!tpu.dma_semaphore, #tpu.memory_space<semaphore_mem>>) src(%dma_wait3A_779 : memref<40x128xf32, #tpu.memory_space<vmem_shared>>) dst(%dma_wait3A_777 : memref<40x128xf32, #tpu.memory_space<hbm>>)
      tpu.yield
    }) : () -> ()
    %mul3A_747 = arith.constant 625 : i32
    %mul3A_748 = arith.muli %arg1, %mul3A_747 : i32
    %add3A_749 = arith.constant 440 : i32
    %add3A_750 = arith.addi %mul3A_748, %add3A_749 : i32
    "tpu.region"() ({
      %run_scoped3A_769 = tpu.sem_alloc : memref<!tpu.dma_semaphore, #tpu.memory_space<semaphore_mem>>
      %dma_start3A_770 = arith.constant 0 : i32
      %dma_start3A_771 = tpu.memref_slice %arg5[%arg0, %add3A_750, %dma_start3A_770] : memref<2x10000x128xf32, #tpu.memory_space<hbm>> -> memref<1x40x128xf32, #tpu.memory_space<hbm>>
      %dma_start3A_772 = tpu.memref_squeeze %dma_start3A_771 : memref<1x40x128xf32, #tpu.memory_space<hbm>> -> memref<40x128xf32, #tpu.memory_space<hbm>>
      %dma_start3A_773 = arith.constant 0 : i32
      %dma_start3A_774 = tpu.memref_slice %arg6[%add3A_750, %dma_start3A_773] : memref<10000x128xf32, #tpu.memory_space<vmem_shared>> -> memref<40x128xf32, #tpu.memory_space<vmem_shared>>
      tpu.enqueue_dma source(%dma_start3A_774 : memref<40x128xf32, #tpu.memory_space<vmem_shared>>) target(%dma_start3A_772 : memref<40x128xf32, #tpu.memory_space<hbm>>) target_semaphore(%run_scoped3A_769 : memref<!tpu.dma_semaphore, #tpu.memory_space<semaphore_mem>>)
      %dma_wait3A_775 = arith.constant 0 : i32
      %dma_wait3A_776 = tpu.memref_slice %arg5[%arg0, %add3A_750, %dma_wait3A_775] : memref<2x10000x128xf32, #tpu.memory_space<hbm>> -> memref<1x40x128xf32, #tpu.memory_space<hbm>>
      %dma_wait3A_777 = tpu.memref_squeeze %dma_wait3A_776 : memref<1x40x128xf32, #tpu.memory_space<hbm>> -> memref<40x128xf32, #tpu.memory_space<hbm>>
      %dma_wait3A_778 = arith.constant 0 : i32
      %dma_wait3A_779 = tpu.memref_slice %arg6[%add3A_750, %dma_wait3A_778] : memref<10000x128xf32, #tpu.memory_space<vmem_shared>> -> memref<40x128xf32, #tpu.memory_space<vmem_shared>>
      tpu.wait_dma2 semaphore(%run_scoped3A_769 : memref<!tpu.dma_semaphore, #tpu.memory_space<semaphore_mem>>) src(%dma_wait3A_779 : memref<40x128xf32, #tpu.memory_space<vmem_shared>>) dst(%dma_wait3A_777 : memref<40x128xf32, #tpu.memory_space<hbm>>)
      tpu.yield
    }) : () -> ()
    %mul3A_751 = arith.constant 625 : i32
    %mul3A_752 = arith.muli %arg1, %mul3A_751 : i32
    %add3A_753 = arith.constant 480 : i32
    %add3A_754 = arith.addi %mul3A_752, %add3A_753 : i32
    "tpu.region"() ({
      %run_scoped3A_769 = tpu.sem_alloc : memref<!tpu.dma_semaphore, #tpu.memory_space<semaphore_mem>>
      %dma_start3A_770 = arith.constant 0 : i32
      %dma_start3A_771 = tpu.memref_slice %arg5[%arg0, %add3A_754, %dma_start3A_770] : memref<2x10000x128xf32, #tpu.memory_space<hbm>> -> memref<1x40x128xf32, #tpu.memory_space<hbm>>
      %dma_start3A_772 = tpu.memref_squeeze %dma_start3A_771 : memref<1x40x128xf32, #tpu.memory_space<hbm>> -> memref<40x128xf32, #tpu.memory_space<hbm>>
      %dma_start3A_773 = arith.constant 0 : i32
      %dma_start3A_774 = tpu.memref_slice %arg6[%add3A_754, %dma_start3A_773] : memref<10000x128xf32, #tpu.memory_space<vmem_shared>> -> memref<40x128xf32, #tpu.memory_space<vmem_shared>>
      tpu.enqueue_dma source(%dma_start3A_774 : memref<40x128xf32, #tpu.memory_space<vmem_shared>>) target(%dma_start3A_772 : memref<40x128xf32, #tpu.memory_space<hbm>>) target_semaphore(%run_scoped3A_769 : memref<!tpu.dma_semaphore, #tpu.memory_space<semaphore_mem>>)
      %dma_wait3A_775 = arith.constant 0 : i32
      %dma_wait3A_776 = tpu.memref_slice %arg5[%arg0, %add3A_754, %dma_wait3A_775] : memref<2x10000x128xf32, #tpu.memory_space<hbm>> -> memref<1x40x128xf32, #tpu.memory_space<hbm>>
      %dma_wait3A_777 = tpu.memref_squeeze %dma_wait3A_776 : memref<1x40x128xf32, #tpu.memory_space<hbm>> -> memref<40x128xf32, #tpu.memory_space<hbm>>
      %dma_wait3A_778 = arith.constant 0 : i32
      %dma_wait3A_779 = tpu.memref_slice %arg6[%add3A_754, %dma_wait3A_778] : memref<10000x128xf32, #tpu.memory_space<vmem_shared>> -> memref<40x128xf32, #tpu.memory_space<vmem_shared>>
      tpu.wait_dma2 semaphore(%run_scoped3A_769 : memref<!tpu.dma_semaphore, #tpu.memory_space<semaphore_mem>>) src(%dma_wait3A_779 : memref<40x128xf32, #tpu.memory_space<vmem_shared>>) dst(%dma_wait3A_777 : memref<40x128xf32, #tpu.memory_space<hbm>>)
      tpu.yield
    }) : () -> ()
    %mul3A_755 = arith.constant 625 : i32
    %mul3A_756 = arith.muli %arg1, %mul3A_755 : i32
    %add3A_757 = arith.constant 520 : i32
    %add3A_758 = arith.addi %mul3A_756, %add3A_757 : i32
    "tpu.region"() ({
      %run_scoped3A_769 = tpu.sem_alloc : memref<!tpu.dma_semaphore, #tpu.memory_space<semaphore_mem>>
      %dma_start3A_770 = arith.constant 0 : i32
      %dma_start3A_771 = tpu.memref_slice %arg5[%arg0, %add3A_758, %dma_start3A_770] : memref<2x10000x128xf32, #tpu.memory_space<hbm>> -> memref<1x40x128xf32, #tpu.memory_space<hbm>>
      %dma_start3A_772 = tpu.memref_squeeze %dma_start3A_771 : memref<1x40x128xf32, #tpu.memory_space<hbm>> -> memref<40x128xf32, #tpu.memory_space<hbm>>
      %dma_start3A_773 = arith.constant 0 : i32
      %dma_start3A_774 = tpu.memref_slice %arg6[%add3A_758, %dma_start3A_773] : memref<10000x128xf32, #tpu.memory_space<vmem_shared>> -> memref<40x128xf32, #tpu.memory_space<vmem_shared>>
      tpu.enqueue_dma source(%dma_start3A_774 : memref<40x128xf32, #tpu.memory_space<vmem_shared>>) target(%dma_start3A_772 : memref<40x128xf32, #tpu.memory_space<hbm>>) target_semaphore(%run_scoped3A_769 : memref<!tpu.dma_semaphore, #tpu.memory_space<semaphore_mem>>)
      %dma_wait3A_775 = arith.constant 0 : i32
      %dma_wait3A_776 = tpu.memref_slice %arg5[%arg0, %add3A_758, %dma_wait3A_775] : memref<2x10000x128xf32, #tpu.memory_space<hbm>> -> memref<1x40x128xf32, #tpu.memory_space<hbm>>
      %dma_wait3A_777 = tpu.memref_squeeze %dma_wait3A_776 : memref<1x40x128xf32, #tpu.memory_space<hbm>> -> memref<40x128xf32, #tpu.memory_space<hbm>>
      %dma_wait3A_778 = arith.constant 0 : i32
      %dma_wait3A_779 = tpu.memref_slice %arg6[%add3A_758, %dma_wait3A_778] : memref<10000x128xf32, #tpu.memory_space<vmem_shared>> -> memref<40x128xf32, #tpu.memory_space<vmem_shared>>
      tpu.wait_dma2 semaphore(%run_scoped3A_769 : memref<!tpu.dma_semaphore, #tpu.memory_space<semaphore_mem>>) src(%dma_wait3A_779 : memref<40x128xf32, #tpu.memory_space<vmem_shared>>) dst(%dma_wait3A_777 : memref<40x128xf32, #tpu.memory_space<hbm>>)
      tpu.yield
    }) : () -> ()
    %mul3A_759 = arith.constant 625 : i32
    %mul3A_760 = arith.muli %arg1, %mul3A_759 : i32
    %add3A_761 = arith.constant 560 : i32
    %add3A_762 = arith.addi %mul3A_760, %add3A_761 : i32
    "tpu.region"() ({
      %run_scoped3A_769 = tpu.sem_alloc : memref<!tpu.dma_semaphore, #tpu.memory_space<semaphore_mem>>
      %dma_start3A_770 = arith.constant 0 : i32
      %dma_start3A_771 = tpu.memref_slice %arg5[%arg0, %add3A_762, %dma_start3A_770] : memref<2x10000x128xf32, #tpu.memory_space<hbm>> -> memref<1x40x128xf32, #tpu.memory_space<hbm>>
      %dma_start3A_772 = tpu.memref_squeeze %dma_start3A_771 : memref<1x40x128xf32, #tpu.memory_space<hbm>> -> memref<40x128xf32, #tpu.memory_space<hbm>>
      %dma_start3A_773 = arith.constant 0 : i32
      %dma_start3A_774 = tpu.memref_slice %arg6[%add3A_762, %dma_start3A_773] : memref<10000x128xf32, #tpu.memory_space<vmem_shared>> -> memref<40x128xf32, #tpu.memory_space<vmem_shared>>
      tpu.enqueue_dma source(%dma_start3A_774 : memref<40x128xf32, #tpu.memory_space<vmem_shared>>) target(%dma_start3A_772 : memref<40x128xf32, #tpu.memory_space<hbm>>) target_semaphore(%run_scoped3A_769 : memref<!tpu.dma_semaphore, #tpu.memory_space<semaphore_mem>>)
      %dma_wait3A_775 = arith.constant 0 : i32
      %dma_wait3A_776 = tpu.memref_slice %arg5[%arg0, %add3A_762, %dma_wait3A_775] : memref<2x10000x128xf32, #tpu.memory_space<hbm>> -> memref<1x40x128xf32, #tpu.memory_space<hbm>>
      %dma_wait3A_777 = tpu.memref_squeeze %dma_wait3A_776 : memref<1x40x128xf32, #tpu.memory_space<hbm>> -> memref<40x128xf32, #tpu.memory_space<hbm>>
      %dma_wait3A_778 = arith.constant 0 : i32
      %dma_wait3A_779 = tpu.memref_slice %arg6[%add3A_762, %dma_wait3A_778] : memref<10000x128xf32, #tpu.memory_space<vmem_shared>> -> memref<40x128xf32, #tpu.memory_space<vmem_shared>>
      tpu.wait_dma2 semaphore(%run_scoped3A_769 : memref<!tpu.dma_semaphore, #tpu.memory_space<semaphore_mem>>) src(%dma_wait3A_779 : memref<40x128xf32, #tpu.memory_space<vmem_shared>>) dst(%dma_wait3A_777 : memref<40x128xf32, #tpu.memory_space<hbm>>)
      tpu.yield
    }) : () -> ()
    %mul3A_763 = arith.constant 625 : i32
    %mul3A_764 = arith.muli %arg1, %mul3A_763 : i32
    %add3A_765 = arith.constant 625 : i32
    %add3A_766 = arith.addi %mul3A_764, %add3A_765 : i32
    %sub3A_767 = arith.constant 25 : i32
    %sub3A_768 = arith.subi %add3A_766, %sub3A_767 : i32
    "tpu.region"() ({
      %run_scoped3A_769 = tpu.sem_alloc : memref<!tpu.dma_semaphore, #tpu.memory_space<semaphore_mem>>
      %dma_start3A_770 = arith.constant 0 : i32
      %dma_start3A_771 = tpu.memref_slice %arg5[%arg0, %sub3A_768, %dma_start3A_770] : memref<2x10000x128xf32, #tpu.memory_space<hbm>> -> memref<1x25x128xf32, #tpu.memory_space<hbm>>
      %dma_start3A_772 = tpu.memref_squeeze %dma_start3A_771 : memref<1x25x128xf32, #tpu.memory_space<hbm>> -> memref<25x128xf32, #tpu.memory_space<hbm>>
      %dma_start3A_773 = arith.constant 0 : i32
      %dma_start3A_774 = tpu.memref_slice %arg6[%sub3A_768, %dma_start3A_773] : memref<10000x128xf32, #tpu.memory_space<vmem_shared>> -> memref<25x128xf32, #tpu.memory_space<vmem_shared>>
      tpu.enqueue_dma source(%dma_start3A_774 : memref<25x128xf32, #tpu.memory_space<vmem_shared>>) target(%dma_start3A_772 : memref<25x128xf32, #tpu.memory_space<hbm>>) target_semaphore(%run_scoped3A_769 : memref<!tpu.dma_semaphore, #tpu.memory_space<semaphore_mem>>)
      %dma_wait3A_775 = arith.constant 0 : i32
      %dma_wait3A_776 = tpu.memref_slice %arg5[%arg0, %sub3A_768, %dma_wait3A_775] : memref<2x10000x128xf32, #tpu.memory_space<hbm>> -> memref<1x25x128xf32, #tpu.memory_space<hbm>>
      %dma_wait3A_777 = tpu.memref_squeeze %dma_wait3A_776 : memref<1x25x128xf32, #tpu.memory_space<hbm>> -> memref<25x128xf32, #tpu.memory_space<hbm>>
      %dma_wait3A_778 = arith.constant 0 : i32
      %dma_wait3A_779 = tpu.memref_slice %arg6[%sub3A_768, %dma_wait3A_778] : memref<10000x128xf32, #tpu.memory_space<vmem_shared>> -> memref<25x128xf32, #tpu.memory_space<vmem_shared>>
      tpu.wait_dma2 semaphore(%run_scoped3A_769 : memref<!tpu.dma_semaphore, #tpu.memory_space<semaphore_mem>>) src(%dma_wait3A_779 : memref<25x128xf32, #tpu.memory_space<vmem_shared>>) dst(%dma_wait3A_777 : memref<25x128xf32, #tpu.memory_space<hbm>>)
      tpu.yield
    }) : () -> ()
    return
  }
}

#map = affine_map<(d0, d1) -> (0, 0)>
module attributes {stable_mosaic.version = 14 : i64} {
  func.func @_deg_kernel(%arg0: i32, %arg1: i32, %arg2: memref<2560x125xi32, #tpu.memory_space<hbm>>, %arg3: memref<2x10240xf32, #tpu.memory_space<hbm>>, %arg4: memref<10240xf32, #tpu.memory_space<vmem_shared>>, %arg5: memref<80x125xi32, #tpu.memory_space<vmem>>, %arg6: memref<128xf32, #tpu.memory_space<vmem>>, %arg7: memref<640xf32, #tpu.memory_space<vmem>>) attributes {dimension_semantics = [#tpu.dimension_semantics<core_parallel>, #tpu.dimension_semantics<subcore_parallel>], iteration_bounds = array<i64: 2, 16>, scalar_prefetch = 0 : i64, scratch_operands = 4 : i64, tpu.core_type = #tpu.core_type<sc_vector_subcore>, window_params = [{transform_indices = #map}, {transform_indices = #map}]} {
    %mul3A = arith.constant 16 : i32
    %mul3A_0 = arith.muli %arg0, %mul3A : i32
    %add3A = arith.addi %mul3A_0, %arg1 : i32
    %broadcast_in_dim3A = arith.constant 0.000000e+00 : f32
    %broadcast_in_dim3A_1 = vector.broadcast %broadcast_in_dim3A : f32 to vector<16xf32>
    %broadcast_in_dim3A_2 = arith.constant 1.000000e+00 : f32
    %broadcast_in_dim3A_3 = vector.broadcast %broadcast_in_dim3A_2 : f32 to vector<16xf32>
    %scan3A = arith.constant 0 : i32
    %scan3A_4 = arith.constant 40 : i32
    %scan3A_5 = arith.addi %scan3A, %scan3A_4 : i32
    %scan3A_6 = arith.constant 1 : i32
    scf.for %scan3A_27 = %scan3A to %scan3A_5 step %scan3A_6  : i32 {
      %mul3A_28 = arith.constant 1 : i32
      %mul3A_29 = arith.muli %scan3A_27, %mul3A_28 : i32
      %add3A_30 = arith.constant 0 : i32
      %add3A_31 = arith.addi %add3A_30, %mul3A_29 : i32
      %mul3A_32 = arith.constant 16 : i32
      %mul3A_33 = arith.muli %add3A_31, %mul3A_32 : i32
      %swap3A = arith.index_cast %mul3A_33 : i32 to index
      %swap3A_34 = tpu.vector_load %arg7[%swap3A] {strides = array<i32>} : memref<640xf32, #tpu.memory_space<vmem>>, vector<16xf32>,
      %swap3A_35 = vector.shape_cast %swap3A_34 : vector<16xf32> to vector<16xf32>
      %swap3A_36 = vector.shape_cast %broadcast_in_dim3A_1 : vector<16xf32> to vector<16xf32>
      tpu.vector_store %arg7[%swap3A], %swap3A_36 {strides = array<i32>} : memref<640xf32, #tpu.memory_space<vmem>>, vector<16xf32>,
    }
    %scan3A_7 = arith.constant 40 : i32
    %scan3A_8 = arith.constant 0 : i32
    %scan3A_9 = arith.constant 8 : i32
    %scan3A_10 = arith.addi %scan3A_8, %scan3A_9 : i32
    %scan3A_11 = arith.constant 1 : i32
    scf.for %scan3A_27 = %scan3A_8 to %scan3A_10 step %scan3A_11  : i32 {
      %mul3A_28 = arith.constant 1 : i32
      %mul3A_29 = arith.muli %scan3A_27, %mul3A_28 : i32
      %add3A_30 = arith.constant 0 : i32
      %add3A_31 = arith.addi %add3A_30, %mul3A_29 : i32
      %mul3A_32 = arith.constant 16 : i32
      %mul3A_33 = arith.muli %add3A_31, %mul3A_32 : i32
      %swap3A = arith.index_cast %mul3A_33 : i32 to index
      %swap3A_34 = tpu.vector_load %arg6[%swap3A] {strides = array<i32>} : memref<128xf32, #tpu.memory_space<vmem>>, vector<16xf32>,
      %swap3A_35 = vector.shape_cast %swap3A_34 : vector<16xf32> to vector<16xf32>
      %swap3A_36 = vector.shape_cast %broadcast_in_dim3A_3 : vector<16xf32> to vector<16xf32>
      tpu.vector_store %arg6[%swap3A], %swap3A_36 {strides = array<i32>} : memref<128xf32, #tpu.memory_space<vmem>>, vector<16xf32>,
    }
    %scan3A_12 = arith.constant 8 : i32
    %mul3A_13 = arith.constant 640 : i32
    %mul3A_14 = arith.muli %arg1, %mul3A_13 : i32
    "tpu.region"() ({
      %run_scoped3A = tpu.sem_alloc : memref<!tpu.dma_semaphore, #tpu.memory_space<semaphore_mem>>
      %dma_start3A = tpu.memref_slice %arg4[%mul3A_14] : memref<10240xf32, #tpu.memory_space<vmem_shared>> -> memref<640xf32, #tpu.memory_space<vmem_shared>>
      %dma_start3A_27 = tpu.memref_slice %arg4[%mul3A_14] : memref<10240xf32, #tpu.memory_space<vmem_shared>> -> memref<640xf32, #tpu.memory_space<vmem_shared>>
      tpu.enqueue_dma source(%arg7 : memref<640xf32, #tpu.memory_space<vmem>>) target(%dma_start3A_27 : memref<640xf32, #tpu.memory_space<vmem_shared>>) target_semaphore(%run_scoped3A : memref<!tpu.dma_semaphore, #tpu.memory_space<semaphore_mem>>)
      %dma_wait3A = tpu.memref_slice %arg4[%mul3A_14] : memref<10240xf32, #tpu.memory_space<vmem_shared>> -> memref<640xf32, #tpu.memory_space<vmem_shared>>
      %dma_wait3A_28 = tpu.memref_slice %arg4[%mul3A_14] : memref<10240xf32, #tpu.memory_space<vmem_shared>> -> memref<640xf32, #tpu.memory_space<vmem_shared>>
      tpu.wait_dma2 semaphore(%run_scoped3A : memref<!tpu.dma_semaphore, #tpu.memory_space<semaphore_mem>>) src(%arg7 : memref<640xf32, #tpu.memory_space<vmem>>) dst(%dma_wait3A_28 : memref<640xf32, #tpu.memory_space<vmem_shared>>)
      tpu.yield
    }) : () -> ()
    %mul3A_15 = arith.constant 80 : i32
    %mul3A_16 = arith.muli %add3A, %mul3A_15 : i32
    "tpu.region"() ({
      %run_scoped3A = tpu.sem_alloc : memref<!tpu.dma_semaphore, #tpu.memory_space<semaphore_mem>>
      %dma_start3A = arith.constant 0 : i32
      %dma_start3A_27 = tpu.memref_slice %arg2[%mul3A_16, %dma_start3A] : memref<2560x125xi32, #tpu.memory_space<hbm>> -> memref<80x125xi32, #tpu.memory_space<hbm>>
      %dma_start3A_28 = arith.constant 0 : i32
      %dma_start3A_29 = tpu.memref_slice %arg2[%mul3A_16, %dma_start3A_28] : memref<2560x125xi32, #tpu.memory_space<hbm>> -> memref<80x125xi32, #tpu.memory_space<hbm>>
      tpu.enqueue_dma source(%dma_start3A_29 : memref<80x125xi32, #tpu.memory_space<hbm>>) target(%arg5 : memref<80x125xi32, #tpu.memory_space<vmem>>) target_semaphore(%run_scoped3A : memref<!tpu.dma_semaphore, #tpu.memory_space<semaphore_mem>>)
      %dma_wait3A = arith.constant 0 : i32
      %dma_wait3A_30 = tpu.memref_slice %arg2[%mul3A_16, %dma_wait3A] : memref<2560x125xi32, #tpu.memory_space<hbm>> -> memref<80x125xi32, #tpu.memory_space<hbm>>
      %dma_wait3A_31 = arith.constant 0 : i32
      %dma_wait3A_32 = tpu.memref_slice %arg2[%mul3A_16, %dma_wait3A_31] : memref<2560x125xi32, #tpu.memory_space<hbm>> -> memref<80x125xi32, #tpu.memory_space<hbm>>
      tpu.wait_dma2 semaphore(%run_scoped3A : memref<!tpu.dma_semaphore, #tpu.memory_space<semaphore_mem>>) src(%dma_wait3A_32 : memref<80x125xi32, #tpu.memory_space<hbm>>) dst(%arg5 : memref<80x125xi32, #tpu.memory_space<vmem>>)
      tpu.yield
    }) : () -> ()
    %barrier3A = arith.constant 0 : index
    tpu.barrier barrier_id(%barrier3A)
    %scan3A_17 = arith.constant 0 : i32
    %scan3A_18 = arith.constant 16 : i32
    %scan3A_19 = arith.addi %scan3A_17, %scan3A_18 : i32
    %scan3A_20 = arith.constant 1 : i32
    scf.for %scan3A_27 = %scan3A_17 to %scan3A_19 step %scan3A_20  : i32 {
      %mul3A_28 = arith.constant 1 : i32
      %mul3A_29 = arith.muli %scan3A_27, %mul3A_28 : i32
      %add3A_30 = arith.constant 0 : i32
      %add3A_31 = arith.addi %add3A_30, %mul3A_29 : i32
      %mul3A_32 = arith.constant 5 : i32
      %mul3A_33 = arith.muli %add3A_31, %mul3A_32 : i32
      %add3A_34 = arith.constant 0 : i32
      %add3A_35 = arith.addi %mul3A_33, %add3A_34 : i32
      "tpu.region"() ({
        %run_scoped3A = tpu.sem_alloc : memref<!tpu.dma_semaphore, #tpu.memory_space<semaphore_mem>>
        %dma_start3A = arith.constant 0 : i32
        %dma_start3A_52 = tpu.memref_slice %arg6[%dma_start3A] : memref<128xf32, #tpu.memory_space<vmem>> -> memref<125xf32, #tpu.memory_space<vmem>>
        %dma_start3A_53 = arith.constant 0 : i32
        %dma_start3A_54 = tpu.memref_slice %arg5[%add3A_35, %dma_start3A_53] : memref<80x125xi32, #tpu.memory_space<vmem>> -> memref<1x125xi32, #tpu.memory_space<vmem>>
        %dma_start3A_55 = tpu.memref_squeeze %dma_start3A_54 : memref<1x125xi32, #tpu.memory_space<vmem>> -> memref<125xi32, #tpu.memory_space<vmem>>
        %dma_start3A_56 = arith.constant 0 : i32
        %dma_start3A_57 = tpu.memref_slice %arg4[%dma_start3A_56] : memref<10240xf32, #tpu.memory_space<vmem_shared>> -> memref<10240xf32, #tpu.memory_space<vmem_shared>>
        tpu.enqueue_indirect_dma source(%dma_start3A_52 : memref<125xf32, #tpu.memory_space<vmem>>) target(%dma_start3A_57 : memref<10240xf32, #tpu.memory_space<vmem_shared>>) offsets(%dma_start3A_55 : memref<125xi32, #tpu.memory_space<vmem>>) semaphore(%run_scoped3A : memref<!tpu.dma_semaphore, #tpu.memory_space<semaphore_mem>>) {add = true}
        %dma_wait3A = arith.constant 0 : i32
        %dma_wait3A_58 = tpu.memref_slice %arg6[%dma_wait3A] : memref<128xf32, #tpu.memory_space<vmem>> -> memref<125xf32, #tpu.memory_space<vmem>>
        %dma_wait3A_59 = arith.constant 0 : i32
        %dma_wait3A_60 = tpu.memref_slice %arg5[%add3A_35, %dma_wait3A_59] : memref<80x125xi32, #tpu.memory_space<vmem>> -> memref<1x125xi32, #tpu.memory_space<vmem>>
        %dma_wait3A_61 = tpu.memref_squeeze %dma_wait3A_60 : memref<1x125xi32, #tpu.memory_space<vmem>> -> memref<125xi32, #tpu.memory_space<vmem>>
        %dma_wait3A_62 = arith.constant 0 : i32
        %dma_wait3A_63 = tpu.memref_slice %arg4[%dma_wait3A_62] : memref<10240xf32, #tpu.memory_space<vmem_shared>> -> memref<10240xf32, #tpu.memory_space<vmem_shared>>
        tpu.wait_indirect_dma semaphore(%run_scoped3A : memref<!tpu.dma_semaphore, #tpu.memory_space<semaphore_mem>>) src(%dma_wait3A_58 : memref<125xf32, #tpu.memory_space<vmem>>) dst(%dma_wait3A_63 : memref<10240xf32, #tpu.memory_space<vmem_shared>>)
        tpu.yield
      }) : () -> ()
      %mul3A_36 = arith.constant 5 : i32
      %mul3A_37 = arith.muli %add3A_31, %mul3A_36 : i32
      %add3A_38 = arith.constant 1 : i32
      %add3A_39 = arith.addi %mul3A_37, %add3A_38 : i32
      "tpu.region"() ({
        %run_scoped3A = tpu.sem_alloc : memref<!tpu.dma_semaphore, #tpu.memory_space<semaphore_mem>>
        %dma_start3A = arith.constant 0 : i32
        %dma_start3A_52 = tpu.memref_slice %arg6[%dma_start3A] : memref<128xf32, #tpu.memory_space<vmem>> -> memref<125xf32, #tpu.memory_space<vmem>>
        %dma_start3A_53 = arith.constant 0 : i32
        %dma_start3A_54 = tpu.memref_slice %arg5[%add3A_39, %dma_start3A_53] : memref<80x125xi32, #tpu.memory_space<vmem>> -> memref<1x125xi32, #tpu.memory_space<vmem>>
        %dma_start3A_55 = tpu.memref_squeeze %dma_start3A_54 : memref<1x125xi32, #tpu.memory_space<vmem>> -> memref<125xi32, #tpu.memory_space<vmem>>
        %dma_start3A_56 = arith.constant 0 : i32
        %dma_start3A_57 = tpu.memref_slice %arg4[%dma_start3A_56] : memref<10240xf32, #tpu.memory_space<vmem_shared>> -> memref<10240xf32, #tpu.memory_space<vmem_shared>>
        tpu.enqueue_indirect_dma source(%dma_start3A_52 : memref<125xf32, #tpu.memory_space<vmem>>) target(%dma_start3A_57 : memref<10240xf32, #tpu.memory_space<vmem_shared>>) offsets(%dma_start3A_55 : memref<125xi32, #tpu.memory_space<vmem>>) semaphore(%run_scoped3A : memref<!tpu.dma_semaphore, #tpu.memory_space<semaphore_mem>>) {add = true}
        %dma_wait3A = arith.constant 0 : i32
        %dma_wait3A_58 = tpu.memref_slice %arg6[%dma_wait3A] : memref<128xf32, #tpu.memory_space<vmem>> -> memref<125xf32, #tpu.memory_space<vmem>>
        %dma_wait3A_59 = arith.constant 0 : i32
        %dma_wait3A_60 = tpu.memref_slice %arg5[%add3A_39, %dma_wait3A_59] : memref<80x125xi32, #tpu.memory_space<vmem>> -> memref<1x125xi32, #tpu.memory_space<vmem>>
        %dma_wait3A_61 = tpu.memref_squeeze %dma_wait3A_60 : memref<1x125xi32, #tpu.memory_space<vmem>> -> memref<125xi32, #tpu.memory_space<vmem>>
        %dma_wait3A_62 = arith.constant 0 : i32
        %dma_wait3A_63 = tpu.memref_slice %arg4[%dma_wait3A_62] : memref<10240xf32, #tpu.memory_space<vmem_shared>> -> memref<10240xf32, #tpu.memory_space<vmem_shared>>
        tpu.wait_indirect_dma semaphore(%run_scoped3A : memref<!tpu.dma_semaphore, #tpu.memory_space<semaphore_mem>>) src(%dma_wait3A_58 : memref<125xf32, #tpu.memory_space<vmem>>) dst(%dma_wait3A_63 : memref<10240xf32, #tpu.memory_space<vmem_shared>>)
        tpu.yield
      }) : () -> ()
      %mul3A_40 = arith.constant 5 : i32
      %mul3A_41 = arith.muli %add3A_31, %mul3A_40 : i32
      %add3A_42 = arith.constant 2 : i32
      %add3A_43 = arith.addi %mul3A_41, %add3A_42 : i32
      "tpu.region"() ({
        %run_scoped3A = tpu.sem_alloc : memref<!tpu.dma_semaphore, #tpu.memory_space<semaphore_mem>>
        %dma_start3A = arith.constant 0 : i32
        %dma_start3A_52 = tpu.memref_slice %arg6[%dma_start3A] : memref<128xf32, #tpu.memory_space<vmem>> -> memref<125xf32, #tpu.memory_space<vmem>>
        %dma_start3A_53 = arith.constant 0 : i32
        %dma_start3A_54 = tpu.memref_slice %arg5[%add3A_43, %dma_start3A_53] : memref<80x125xi32, #tpu.memory_space<vmem>> -> memref<1x125xi32, #tpu.memory_space<vmem>>
        %dma_start3A_55 = tpu.memref_squeeze %dma_start3A_54 : memref<1x125xi32, #tpu.memory_space<vmem>> -> memref<125xi32, #tpu.memory_space<vmem>>
        %dma_start3A_56 = arith.constant 0 : i32
        %dma_start3A_57 = tpu.memref_slice %arg4[%dma_start3A_56] : memref<10240xf32, #tpu.memory_space<vmem_shared>> -> memref<10240xf32, #tpu.memory_space<vmem_shared>>
        tpu.enqueue_indirect_dma source(%dma_start3A_52 : memref<125xf32, #tpu.memory_space<vmem>>) target(%dma_start3A_57 : memref<10240xf32, #tpu.memory_space<vmem_shared>>) offsets(%dma_start3A_55 : memref<125xi32, #tpu.memory_space<vmem>>) semaphore(%run_scoped3A : memref<!tpu.dma_semaphore, #tpu.memory_space<semaphore_mem>>) {add = true}
        %dma_wait3A = arith.constant 0 : i32
        %dma_wait3A_58 = tpu.memref_slice %arg6[%dma_wait3A] : memref<128xf32, #tpu.memory_space<vmem>> -> memref<125xf32, #tpu.memory_space<vmem>>
        %dma_wait3A_59 = arith.constant 0 : i32
        %dma_wait3A_60 = tpu.memref_slice %arg5[%add3A_43, %dma_wait3A_59] : memref<80x125xi32, #tpu.memory_space<vmem>> -> memref<1x125xi32, #tpu.memory_space<vmem>>
        %dma_wait3A_61 = tpu.memref_squeeze %dma_wait3A_60 : memref<1x125xi32, #tpu.memory_space<vmem>> -> memref<125xi32, #tpu.memory_space<vmem>>
        %dma_wait3A_62 = arith.constant 0 : i32
        %dma_wait3A_63 = tpu.memref_slice %arg4[%dma_wait3A_62] : memref<10240xf32, #tpu.memory_space<vmem_shared>> -> memref<10240xf32, #tpu.memory_space<vmem_shared>>
        tpu.wait_indirect_dma semaphore(%run_scoped3A : memref<!tpu.dma_semaphore, #tpu.memory_space<semaphore_mem>>) src(%dma_wait3A_58 : memref<125xf32, #tpu.memory_space<vmem>>) dst(%dma_wait3A_63 : memref<10240xf32, #tpu.memory_space<vmem_shared>>)
        tpu.yield
      }) : () -> ()
      %mul3A_44 = arith.constant 5 : i32
      %mul3A_45 = arith.muli %add3A_31, %mul3A_44 : i32
      %add3A_46 = arith.constant 3 : i32
      %add3A_47 = arith.addi %mul3A_45, %add3A_46 : i32
      "tpu.region"() ({
        %run_scoped3A = tpu.sem_alloc : memref<!tpu.dma_semaphore, #tpu.memory_space<semaphore_mem>>
        %dma_start3A = arith.constant 0 : i32
        %dma_start3A_52 = tpu.memref_slice %arg6[%dma_start3A] : memref<128xf32, #tpu.memory_space<vmem>> -> memref<125xf32, #tpu.memory_space<vmem>>
        %dma_start3A_53 = arith.constant 0 : i32
        %dma_start3A_54 = tpu.memref_slice %arg5[%add3A_47, %dma_start3A_53] : memref<80x125xi32, #tpu.memory_space<vmem>> -> memref<1x125xi32, #tpu.memory_space<vmem>>
        %dma_start3A_55 = tpu.memref_squeeze %dma_start3A_54 : memref<1x125xi32, #tpu.memory_space<vmem>> -> memref<125xi32, #tpu.memory_space<vmem>>
        %dma_start3A_56 = arith.constant 0 : i32
        %dma_start3A_57 = tpu.memref_slice %arg4[%dma_start3A_56] : memref<10240xf32, #tpu.memory_space<vmem_shared>> -> memref<10240xf32, #tpu.memory_space<vmem_shared>>
        tpu.enqueue_indirect_dma source(%dma_start3A_52 : memref<125xf32, #tpu.memory_space<vmem>>) target(%dma_start3A_57 : memref<10240xf32, #tpu.memory_space<vmem_shared>>) offsets(%dma_start3A_55 : memref<125xi32, #tpu.memory_space<vmem>>) semaphore(%run_scoped3A : memref<!tpu.dma_semaphore, #tpu.memory_space<semaphore_mem>>) {add = true}
        %dma_wait3A = arith.constant 0 : i32
        %dma_wait3A_58 = tpu.memref_slice %arg6[%dma_wait3A] : memref<128xf32, #tpu.memory_space<vmem>> -> memref<125xf32, #tpu.memory_space<vmem>>
        %dma_wait3A_59 = arith.constant 0 : i32
        %dma_wait3A_60 = tpu.memref_slice %arg5[%add3A_47, %dma_wait3A_59] : memref<80x125xi32, #tpu.memory_space<vmem>> -> memref<1x125xi32, #tpu.memory_space<vmem>>
        %dma_wait3A_61 = tpu.memref_squeeze %dma_wait3A_60 : memref<1x125xi32, #tpu.memory_space<vmem>> -> memref<125xi32, #tpu.memory_space<vmem>>
        %dma_wait3A_62 = arith.constant 0 : i32
        %dma_wait3A_63 = tpu.memref_slice %arg4[%dma_wait3A_62] : memref<10240xf32, #tpu.memory_space<vmem_shared>> -> memref<10240xf32, #tpu.memory_space<vmem_shared>>
        tpu.wait_indirect_dma semaphore(%run_scoped3A : memref<!tpu.dma_semaphore, #tpu.memory_space<semaphore_mem>>) src(%dma_wait3A_58 : memref<125xf32, #tpu.memory_space<vmem>>) dst(%dma_wait3A_63 : memref<10240xf32, #tpu.memory_space<vmem_shared>>)
        tpu.yield
      }) : () -> ()
      %mul3A_48 = arith.constant 5 : i32
      %mul3A_49 = arith.muli %add3A_31, %mul3A_48 : i32
      %add3A_50 = arith.constant 4 : i32
      %add3A_51 = arith.addi %mul3A_49, %add3A_50 : i32
      "tpu.region"() ({
        %run_scoped3A = tpu.sem_alloc : memref<!tpu.dma_semaphore, #tpu.memory_space<semaphore_mem>>
        %dma_start3A = arith.constant 0 : i32
        %dma_start3A_52 = tpu.memref_slice %arg6[%dma_start3A] : memref<128xf32, #tpu.memory_space<vmem>> -> memref<125xf32, #tpu.memory_space<vmem>>
        %dma_start3A_53 = arith.constant 0 : i32
        %dma_start3A_54 = tpu.memref_slice %arg5[%add3A_51, %dma_start3A_53] : memref<80x125xi32, #tpu.memory_space<vmem>> -> memref<1x125xi32, #tpu.memory_space<vmem>>
        %dma_start3A_55 = tpu.memref_squeeze %dma_start3A_54 : memref<1x125xi32, #tpu.memory_space<vmem>> -> memref<125xi32, #tpu.memory_space<vmem>>
        %dma_start3A_56 = arith.constant 0 : i32
        %dma_start3A_57 = tpu.memref_slice %arg4[%dma_start3A_56] : memref<10240xf32, #tpu.memory_space<vmem_shared>> -> memref<10240xf32, #tpu.memory_space<vmem_shared>>
        tpu.enqueue_indirect_dma source(%dma_start3A_52 : memref<125xf32, #tpu.memory_space<vmem>>) target(%dma_start3A_57 : memref<10240xf32, #tpu.memory_space<vmem_shared>>) offsets(%dma_start3A_55 : memref<125xi32, #tpu.memory_space<vmem>>) semaphore(%run_scoped3A : memref<!tpu.dma_semaphore, #tpu.memory_space<semaphore_mem>>) {add = true}
        %dma_wait3A = arith.constant 0 : i32
        %dma_wait3A_58 = tpu.memref_slice %arg6[%dma_wait3A] : memref<128xf32, #tpu.memory_space<vmem>> -> memref<125xf32, #tpu.memory_space<vmem>>
        %dma_wait3A_59 = arith.constant 0 : i32
        %dma_wait3A_60 = tpu.memref_slice %arg5[%add3A_51, %dma_wait3A_59] : memref<80x125xi32, #tpu.memory_space<vmem>> -> memref<1x125xi32, #tpu.memory_space<vmem>>
        %dma_wait3A_61 = tpu.memref_squeeze %dma_wait3A_60 : memref<1x125xi32, #tpu.memory_space<vmem>> -> memref<125xi32, #tpu.memory_space<vmem>>
        %dma_wait3A_62 = arith.constant 0 : i32
        %dma_wait3A_63 = tpu.memref_slice %arg4[%dma_wait3A_62] : memref<10240xf32, #tpu.memory_space<vmem_shared>> -> memref<10240xf32, #tpu.memory_space<vmem_shared>>
        tpu.wait_indirect_dma semaphore(%run_scoped3A : memref<!tpu.dma_semaphore, #tpu.memory_space<semaphore_mem>>) src(%dma_wait3A_58 : memref<125xf32, #tpu.memory_space<vmem>>) dst(%dma_wait3A_63 : memref<10240xf32, #tpu.memory_space<vmem_shared>>)
        tpu.yield
      }) : () -> ()
    }
    %scan3A_21 = arith.constant 16 : i32
    %barrier3A_22 = arith.constant 0 : index
    tpu.barrier barrier_id(%barrier3A_22)
    %mul3A_23 = arith.constant 640 : i32
    %mul3A_24 = arith.muli %arg1, %mul3A_23 : i32
    %mul3A_25 = arith.constant 640 : i32
    %mul3A_26 = arith.muli %arg1, %mul3A_25 : i32
    "tpu.region"() ({
      %run_scoped3A = tpu.sem_alloc : memref<!tpu.dma_semaphore, #tpu.memory_space<semaphore_mem>>
      %dma_start3A = tpu.memref_slice %arg3[%arg0, %mul3A_26] : memref<2x10240xf32, #tpu.memory_space<hbm>> -> memref<1x640xf32, #tpu.memory_space<hbm>>
      %dma_start3A_27 = tpu.memref_squeeze %dma_start3A : memref<1x640xf32, #tpu.memory_space<hbm>> -> memref<640xf32, #tpu.memory_space<hbm>>
      %dma_start3A_28 = tpu.memref_slice %arg4[%mul3A_24] : memref<10240xf32, #tpu.memory_space<vmem_shared>> -> memref<640xf32, #tpu.memory_space<vmem_shared>>
      tpu.enqueue_dma source(%dma_start3A_28 : memref<640xf32, #tpu.memory_space<vmem_shared>>) target(%dma_start3A_27 : memref<640xf32, #tpu.memory_space<hbm>>) target_semaphore(%run_scoped3A : memref<!tpu.dma_semaphore, #tpu.memory_space<semaphore_mem>>)
      %dma_wait3A = tpu.memref_slice %arg3[%arg0, %mul3A_26] : memref<2x10240xf32, #tpu.memory_space<hbm>> -> memref<1x640xf32, #tpu.memory_space<hbm>>
      %dma_wait3A_29 = tpu.memref_squeeze %dma_wait3A : memref<1x640xf32, #tpu.memory_space<hbm>> -> memref<640xf32, #tpu.memory_space<hbm>>
      %dma_wait3A_30 = tpu.memref_slice %arg4[%mul3A_24] : memref<10240xf32, #tpu.memory_space<vmem_shared>> -> memref<640xf32, #tpu.memory_space<vmem_shared>>
      tpu.wait_dma2 semaphore(%run_scoped3A : memref<!tpu.dma_semaphore, #tpu.memory_space<semaphore_mem>>) src(%dma_wait3A_30 : memref<640xf32, #tpu.memory_space<vmem_shared>>) dst(%dma_wait3A_29 : memref<640xf32, #tpu.memory_space<hbm>>)
      tpu.yield
    }) : () -> ()
    return
  }
}

module attributes {stable_mosaic.version = 14 : i64} {
  func.func @_mm_body(%arg0: i32, %arg1: memref<1024x128xf32, #tpu.memory_space<vmem>>, %arg2: memref<128x128xf32, #tpu.memory_space<vmem>>, %arg3: memref<2x1024xf32, #tpu.memory_space<vmem>>, %arg4: memref<1024x128xf32, #tpu.memory_space<vmem>>) attributes {dimension_semantics = [#tpu.dimension_semantics<arbitrary>], iteration_bounds = array<i64: 10>, scalar_prefetch = 0 : i64, scratch_operands = 0 : i64, tpu.core_type = #tpu.core_type<tc>, window_params = [{transform_indices = @transform_0, window_bounds = array<i64: 1024, 128>}, {pipeline_mode = #tpu.pipeline_mode<synchronous>, transform_indices = @transform_1, window_bounds = array<i64: 128, 128>}, {transform_indices = @transform_2, window_bounds = array<i64: 2, 1024>}, {transform_indices = @transform_3, window_bounds = array<i64: 1024, 128>}]} {
    %get3A = arith.constant 0 : index
    %get3A_0 = arith.constant 0 : index
    %get3A_1 = vector.load %arg3[%get3A, %get3A_0] : memref<2x1024xf32, #tpu.memory_space<vmem>>, vector<1x1024xf32>
    %get3A_2 = vector.shape_cast %get3A_1 : vector<1x1024xf32> to vector<1024xf32>
    %get3A_3 = arith.constant 1 : index
    %get3A_4 = arith.constant 0 : index
    %get3A_5 = vector.load %arg3[%get3A_3, %get3A_4] : memref<2x1024xf32, #tpu.memory_space<vmem>>, vector<1x1024xf32>
    %get3A_6 = vector.shape_cast %get3A_5 : vector<1x1024xf32> to vector<1024xf32>
    %add3A = arith.addf %get3A_2, %get3A_6 : vector<1024xf32>
    %add3A_7 = arith.constant 1.000000e+00 : f32
    %add3A_8 = vector.broadcast %add3A_7 : f32 to vector<1024xf32>
    %add3A_9 = arith.addf %add3A, %add3A_8 : vector<1024xf32>
    %rsqrt3A = math.rsqrt %add3A_9 : vector<1024xf32>
    %get3A_10 = arith.constant 0 : index
    %get3A_11 = arith.constant 0 : index
    %get3A_12 = vector.load %arg1[%get3A_10, %get3A_11] : memref<1024x128xf32, #tpu.memory_space<vmem>>, vector<1024x128xf32>
    %get3A_13 = arith.constant 0 : index
    %get3A_14 = arith.constant 0 : index
    %get3A_15 = vector.load %arg2[%get3A_13, %get3A_14] : memref<128x128xf32, #tpu.memory_space<vmem>>, vector<128x128xf32>
    %dot_general3A = arith.constant dense<0.000000e+00> : vector<1024x128xf32>
    %dot_general3A_16 = tpu.matmul %get3A_12, %get3A_15, %dot_general3A {dimension_numbers = #tpu.dot_dimension_numbers<[1], [0], [0], [1], [0, 0, 1, 1], [], []>, transpose_lhs_hint = false} : vector<1024x128xf32>, vector<128x128xf32>, vector<1024x128xf32> -> vector<1024x128xf32>
    %broadcast_in_dim3A = vector.shape_cast %rsqrt3A : vector<1024xf32> to vector<1024x1xf32>
    %mul3A = vector.broadcast %broadcast_in_dim3A : vector<1024x1xf32> to vector<1024x128xf32>
    %mul3A_17 = arith.mulf %dot_general3A_16, %mul3A : vector<1024x128xf32>
    %swap3A = arith.constant 0 : index
    %swap3A_18 = arith.constant 0 : index
    %swap3A_19 = vector.load %arg4[%swap3A, %swap3A_18] : memref<1024x128xf32, #tpu.memory_space<vmem>>, vector<1024x128xf32>
    tpu.vector_store %arg4[%swap3A, %swap3A_18], %mul3A_17 {strides = array<i32>} : memref<1024x128xf32, #tpu.memory_space<vmem>>, vector<1024x128xf32>,
    return
  }
  func.func @transform_0(%arg0: i32) -> (i32, i32) {
    %c0_i32 = arith.constant 0 : i32
    %c0_i32_0 = arith.constant 0 : i32
    return %arg0, %c0_i32 : i32, i32
  }
  func.func @transform_1(%arg0: i32) -> (i32, i32) {
    %c0_i32 = arith.constant 0 : i32
    %c0_i32_0 = arith.constant 0 : i32
    %c0_i32_1 = arith.constant 0 : i32
    return %c0_i32, %c0_i32_0 : i32, i32
  }
  func.func @transform_2(%arg0: i32) -> (i32, i32) {
    %c0_i32 = arith.constant 0 : i32
    %c0_i32_0 = arith.constant 0 : i32
    return %c0_i32, %arg0 : i32, i32
  }
  func.func @transform_3(%arg0: i32) -> (i32, i32) {
    %c0_i32 = arith.constant 0 : i32
    %c0_i32_0 = arith.constant 0 : i32
    return %arg0, %c0_i32 : i32, i32
  }
}

module attributes {stable_mosaic.version = 14 : i64} {
  func.func @_fin_body(%arg0: i32, %arg1: memref<2x1024x128xf32, #tpu.memory_space<vmem>>, %arg2: memref<1024x128xf32, #tpu.memory_space<vmem>>, %arg3: memref<2x1024xf32, #tpu.memory_space<vmem>>, %arg4: memref<1x128xf32, #tpu.memory_space<vmem>>, %arg5: memref<1024x128xf32, #tpu.memory_space<vmem>>) attributes {dimension_semantics = [#tpu.dimension_semantics<arbitrary>], iteration_bounds = array<i64: 10>, scalar_prefetch = 0 : i64, scratch_operands = 0 : i64, tpu.core_type = #tpu.core_type<tc>, window_params = [{transform_indices = @transform_0, window_bounds = array<i64: 2, 1024, 128>}, {transform_indices = @transform_1, window_bounds = array<i64: 1024, 128>}, {transform_indices = @transform_2, window_bounds = array<i64: 2, 1024>}, {pipeline_mode = #tpu.pipeline_mode<synchronous>, transform_indices = @transform_3, window_bounds = array<i64: 1, 128>}, {transform_indices = @transform_4, window_bounds = array<i64: 1024, 128>}]} {
    %get3A = arith.constant 0 : index
    %get3A_0 = arith.constant 0 : index
    %get3A_1 = vector.load %arg3[%get3A, %get3A_0] : memref<2x1024xf32, #tpu.memory_space<vmem>>, vector<1x1024xf32>
    %get3A_2 = vector.shape_cast %get3A_1 : vector<1x1024xf32> to vector<1024xf32>
    %get3A_3 = arith.constant 1 : index
    %get3A_4 = arith.constant 0 : index
    %get3A_5 = vector.load %arg3[%get3A_3, %get3A_4] : memref<2x1024xf32, #tpu.memory_space<vmem>>, vector<1x1024xf32>
    %get3A_6 = vector.shape_cast %get3A_5 : vector<1x1024xf32> to vector<1024xf32>
    %add3A = arith.addf %get3A_2, %get3A_6 : vector<1024xf32>
    %add3A_7 = arith.constant 1.000000e+00 : f32
    %add3A_8 = vector.broadcast %add3A_7 : f32 to vector<1024xf32>
    %add3A_9 = arith.addf %add3A, %add3A_8 : vector<1024xf32>
    %rsqrt3A = math.rsqrt %add3A_9 : vector<1024xf32>
    %get3A_10 = arith.constant 0 : index
    %get3A_11 = arith.constant 0 : index
    %get3A_12 = arith.constant 0 : index
    %get3A_13 = vector.load %arg1[%get3A_10, %get3A_11, %get3A_12] : memref<2x1024x128xf32, #tpu.memory_space<vmem>>, vector<1x1024x128xf32>
    %get3A_14 = vector.shape_cast %get3A_13 : vector<1x1024x128xf32> to vector<1024x128xf32>
    %get3A_15 = arith.constant 1 : index
    %get3A_16 = arith.constant 0 : index
    %get3A_17 = arith.constant 0 : index
    %get3A_18 = vector.load %arg1[%get3A_15, %get3A_16, %get3A_17] : memref<2x1024x128xf32, #tpu.memory_space<vmem>>, vector<1x1024x128xf32>
    %get3A_19 = vector.shape_cast %get3A_18 : vector<1x1024x128xf32> to vector<1024x128xf32>
    %add3A_20 = arith.addf %get3A_14, %get3A_19 : vector<1024x128xf32>
    %get3A_21 = arith.constant 0 : index
    %get3A_22 = arith.constant 0 : index
    %get3A_23 = vector.load %arg2[%get3A_21, %get3A_22] : memref<1024x128xf32, #tpu.memory_space<vmem>>, vector<1024x128xf32>
    %add3A_24 = arith.addf %add3A_20, %get3A_23 : vector<1024x128xf32>
    %broadcast_in_dim3A = vector.shape_cast %rsqrt3A : vector<1024xf32> to vector<1024x1xf32>
    %mul3A = vector.broadcast %broadcast_in_dim3A : vector<1024x1xf32> to vector<1024x128xf32>
    %mul3A_25 = arith.mulf %add3A_24, %mul3A : vector<1024x128xf32>
    %get3A_26 = arith.constant 0 : index
    %get3A_27 = arith.constant 0 : index
    %get3A_28 = vector.load %arg4[%get3A_26, %get3A_27] : memref<1x128xf32, #tpu.memory_space<vmem>>, vector<1x128xf32>
    %add3A_29 = vector.broadcast %get3A_28 : vector<1x128xf32> to vector<1024x128xf32>
    %add3A_30 = arith.addf %mul3A_25, %add3A_29 : vector<1024x128xf32>
    %max3A = arith.constant 0.000000e+00 : f32
    %max3A_31 = vector.broadcast %max3A : f32 to vector<1024x128xf32>
    %max3A_32 = arith.maximumf %add3A_30, %max3A_31 : vector<1024x128xf32>
    %swap3A = arith.constant 0 : index
    %swap3A_33 = arith.constant 0 : index
    %swap3A_34 = vector.load %arg5[%swap3A, %swap3A_33] : memref<1024x128xf32, #tpu.memory_space<vmem>>, vector<1024x128xf32>
    tpu.vector_store %arg5[%swap3A, %swap3A_33], %max3A_32 {strides = array<i32>} : memref<1024x128xf32, #tpu.memory_space<vmem>>, vector<1024x128xf32>,
    return
  }
  func.func @transform_0(%arg0: i32) -> (i32, i32, i32) {
    %c0_i32 = arith.constant 0 : i32
    %c0_i32_0 = arith.constant 0 : i32
    %c0_i32_1 = arith.constant 0 : i32
    return %c0_i32, %arg0, %c0_i32_0 : i32, i32, i32
  }
  func.func @transform_1(%arg0: i32) -> (i32, i32) {
    %c0_i32 = arith.constant 0 : i32
    %c0_i32_0 = arith.constant 0 : i32
    return %arg0, %c0_i32 : i32, i32
  }
  func.func @transform_2(%arg0: i32) -> (i32, i32) {
    %c0_i32 = arith.constant 0 : i32
    %c0_i32_0 = arith.constant 0 : i32
    return %c0_i32, %arg0 : i32, i32
  }
  func.func @transform_3(%arg0: i32) -> (i32, i32) {
    %c0_i32 = arith.constant 0 : i32
    %c0_i32_0 = arith.constant 0 : i32
    %c0_i32_1 = arith.constant 0 : i32
    return %c0_i32, %c0_i32_0 : i32, i32
  }
  func.func @transform_4(%arg0: i32) -> (i32, i32) {
    %c0_i32 = arith.constant 0 : i32
    %c0_i32_0 = arith.constant 0 : i32
    return %arg0, %c0_i32 : i32, i32
  }
}

</mosaic_0001>

<sc_bundles>
// kernel: kernel.6.cloned.1.call-start
scs
__scs_entry_jumppad:
0x0: {  	(pc) =	sbr.rel $0x88, $3  }
0x1: {  	(tag) =	ssettag $0x0;
	lr =	simm.s32 $0x1  }
0x2: {  	[smem:$0x3F9D] =	sst lr;
	_ =	strace $0xD0000000  }
0x3: {  	_ = 	snop  }
0x4: {  	_ = 	snop  }
0x5: {  	_ = 	snop  }
0x6: {  	_ = 	snop  }
0x7: {  	_ = 	snop  }
__scs_overlays_trampoline_lowered:
0x8: {  	[smem:$0x3FAC] =	sst s0  }
0x9: {  	[smem:$0x3FAD] =	sst s1  }
0xa: {  	[smem:$0x3FAE] =	sst s2  }
0xb: {  	[smem:$0x3FAF] =	sst s3  }
0xc: {  	[smem:$0x3FB0] =	sst s4  }
0xd: {  	[smem:$0x3FB1] =	sst s5  }
0xe: {  	[smem:$0x3FB2] =	sst s6  }
0xf: {  	[smem:$0x3FB3] =	sst s7  }
0x10: {  	[smem:$0x3FB4] =	sst s8  }
0x11: {  	[smem:$0x3FB5] =	sst s9;
	s0 =	simm.s32 @!p0 $0x0  }
0x12: {  	s1 =	sld [smem:$0x3F9B];
	s0 =	simm.s32 @p0 $0x1  }
0x13: {  	[smem:$0x3FB6] =	sst s0;
	s0 =	simm.s32 @!p1 $0x0  }
0x14: {  	s2 =	sld [smem:$0x3F9A];
	s0 =	simm.s32 @p1 $0x1  }
0x15: {  	[smem:$0x3FB7] =	sst s0;
	s0 =	simm.s32 @!p2 $0x0  }
0x16: {  	s3 =	sld [smem:$0x3FDB];
	s0 =	simm.s32 @p2 $0x1  }
0x17: {  	s4 =	simm.s32 $0x1BF5;
	[smem:$0x3FB9] =	sst s0  }
0x18: {  	s0 =	sld [smem:$0x3F9C];
	_ =	swait.ge [sflag:s4], $0x0  }
0x19: {  	s7 =	sld [smem:$0x3F9D]  }
0x1a: {  	s8 =	sadd.s32 $0xFFFFE003, lr  }
0x1b: {  	s9 =	sadd.s32 $0xFFFFFEF7, lr;
	s5 =	simm.s32 $0xFFFFFFFF;
	p2 =	slt.u32 s8, $0xFFFFF086  }
0x1c: {  	p1 =	slt.u32 s9, $0xF7A;
	s5 =	simm.s32 @!p2 $0x0  }
0x1d: {  	s5 =	simm.s32 @p1 $0x1;
	p0 =	seq.s32 s7, s2  }
0x1e: {  	s7 =	smul.u32 @!p0 $0xF7A, s2;
	p2 =	seq.s32 @!p0 s5, $0x0  }
0x1f: {  	s9 =	smul.u32 $0xF7A, s1;
	s8 =	simm.s32 @!p0 $0x1BF5;
	p2 =	por !p2, p0  }
0x20: {  	[sflag:s8] =	ssyncset.s32 @!p0 $0xFFFFF086;
	s6 =	sadd.s32 @!p0 s3, s7;
	s7 =	simm.s32 @!p0 $0x108  }
0x21: {  	s3 =	sadd.s32 s3, s9;
	s6 =	sadd.s32 @!p0 $0x88, s6;
	s7 =	simm.s32 @p2 $0x1082  }
0x22: {  	[simem:s7], [sflag:s8] =	dma.local @!p0 [hbm:s6], $0xF7A  }
0x23: {  	s9 =	sor.u32 $0xD0000000, s2;
	s6 =	simm.s32 $0x108;
	_ =	swait.ge @!p0 [sflag:s8], $0x0  }
0x24: {  	s3 =	sadd.s32 $0x88, s3;
	s6 =	simm.s32 @!p1 $0x1082;
	[sflag:s4] =	ssyncset.s32 $0xFFFFF086  }
0x25: {  	[simem:s6], [sflag:s4] =	dma.local [hbm:s3], $0xF7A  }
0x26: {  	[smem:$0x3F9D] =	sst s1;
	(tag) =	ssettag s2;
	_ =	strace s9  }
0x27: {  	s1 =	sld [smem:$0x3FAD]  }
0x28: {  	s2 =	sld [smem:$0x3FAE]  }
0x29: {  	s4 =	sld [smem:$0x3FB0]  }
0x2a: {  	p0 =	seq.s32 s5, $0x0;
	s5 =	sld [smem:$0x3FB1]  }
0x2b: {  	s6 =	sld [smem:$0x3FB2]  }
0x2c: {  	s7 =	sld [smem:$0x3FB3]  }
0x2d: {  	s3 =	simm.s32 $0x108;
	s8 =	sld [smem:$0x3FB4]  }
0x2e: {  	s3 =	simm.s32 @!p0 $0x1082;
	s9 =	sld [smem:$0x3FB5]  }
0x2f: {  	lr =	sadd.s32 s0, s3;
	s0 =	sld [smem:$0x3FAC]  }
0x30: {  	s3 =	sld [smem:$0x3FAF]  }
0x31: {  	[smem:$0x3FB8] =	sst s10  }
0x32: {  	s10 =	sld [smem:$0x3FB6];
	_ =	sdelay $0x3  }
0x33: {  	p0 =	seq.s32 s10, $0x1;
	s10 =	sld [smem:$0x3FB8];
	_ =	sdelay $0x3  }
0x34: {  	[smem:$0x3FB8] =	sst s10  }
0x35: {  	s10 =	sld [smem:$0x3FB7];
	_ =	sdelay $0x3  }
0x36: {  	p1 =	seq.s32 s10, $0x1;
	s10 =	sld [smem:$0x3FB8];
	_ =	sdelay $0x3  }
0x37: {  	[smem:$0x3FB8] =	sst s10  }
0x38: {  	s10 =	sld [smem:$0x3FB9]  }
0x39: {  	_ = 	snop;
	(pc) =	sbr.ind lr, $3  }
0x3a: {  	_ = 	snop  }
0x3b: {  	_ = 	snop  }
0x3c: {  	p2 =	seq.s32 s10, $0x1;
	s10 =	sld [smem:$0x3FB8]  }
0x3d: {  	_ =	shalt  }
0x3e: {  	_ =	shalt  }
0x3f: {  	_ =	shalt  }
0x40: {  	_ =	shalt  }
0x41: {  	_ =	shalt  }
0x42: {  	_ =	shalt  }
0x43: {  	_ =	shalt  }
0x44: {  	_ =	shalt  }
0x45: {  	_ =	shalt  }
0x46: {  	_ =	shalt  }
0x47: {  	_ =	shalt  }
0x48: {  	_ =	shalt  }
0x49: {  	_ =	shalt  }
0x4a: {  	_ =	shalt  }
0x4b: {  	_ =	shalt  }
0x4c: {  	_ =	shalt  }
0x4d: {  	_ =	shalt  }
0x4e: {  	_ =	shalt  }
0x4f: {  	_ =	shalt  }
0x50: {  	_ =	shalt  }
0x51: {  	_ =	shalt  }
0x52: {  	_ =	shalt  }
0x53: {  	_ =	shalt  }
0x54: {  	_ =	shalt  }
0x55: {  	_ =	shalt  }
0x56: {  	_ =	shalt  }
0x57: {  	_ =	shalt  }
0x58: {  	_ =	shalt  }
0x59: {  	_ =	shalt  }
0x5a: {  	_ =	shalt  }
0x5b: {  	_ =	shalt  }
0x5c: {  	_ =	shalt  }
0x5d: {  	_ =	shalt  }
0x5e: {  	_ =	shalt  }
0x5f: {  	_ =	shalt  }
0x60: {  	_ =	shalt  }
0x61: {  	_ =	shalt  }
0x62: {  	_ =	shalt  }
0x63: {  	_ =	shalt  }
0x64: {  	_ =	shalt  }
0x65: {  	_ =	shalt  }
0x66: {  	_ =	shalt  }
0x67: {  	_ =	shalt  }
0x68: {  	_ =	shalt  }
0x69: {  	_ =	shalt  }
0x6a: {  	_ =	shalt  }
0x6b: {  	_ =	shalt  }
0x6c: {  	_ =	shalt  }
0x6d: {  	_ =	shalt  }
0x6e: {  	_ =	shalt  }
0x6f: {  	_ =	shalt  }
0x70: {  	_ =	shalt  }
0x71: {  	_ =	shalt  }
0x72: {  	_ =	shalt  }
0x73: {  	_ =	shalt  }
0x74: {  	_ =	shalt  }
0x75: {  	_ =	shalt  }
0x76: {  	_ =	shalt  }
0x77: {  	_ =	shalt  }
0x78: {  	_ =	shalt  }
0x79: {  	_ =	shalt  }
0x7a: {  	_ =	shalt  }
0x7b: {  	_ =	shalt  }
0x7c: {  	_ =	shalt  }
0x7d: {  	_ =	shalt  }
0x7e: {  	_ =	shalt  }
0x7f: {  	_ =	shalt  }
0x80: {  	_ =	shalt  }
0x81: {  	_ =	shalt  }
0x82: {  	_ =	shalt  }
0x83: {  	_ =	shalt  }
0x84: {  	_ =	shalt  }
0x85: {  	_ =	shalt  }
0x86: {  	_ =	shalt  }
0x87: {  	_ =	shalt  }
.Lfunc_end0:
.L_simem_size_0:
called_computation_lowered:
.L_overlay_start_0:
0x88: {  	s2 =	sld [smem:$0x3FD9]  }
0x89: {  	s3 =	sld [smem:$0x3FFE];
	_ =	sdelay $0x1  }
0x8a: {  	s1 =	srdreg.scid  }
0x8b: {  	s0 =	sand.u32 $0x1, s1  }
0x8c: {  	s17 =	sshll.u32 s0, $0xA;
	s2 =	sadd.s32 s3, s2  }
0x8d: {  	s2 =	sadd.s32 s2, s17  }
0x8e: {  	[smem:$0x3FC4] =	sst s2  }
0x8f: {  	_ = 	snop  }
0x90: {  	s2 =	sld [smem:$0x3FD0];
	(tm) =	ssettm $0x1  }
0x91: {  	s18 =	sld [smem:$0x3FFB];
	_ =	sdelay $0x3  }
0x92: {  	_ =	strace s18  }
0x93: {  	s3 =	sld [smem:$0x3FFC];
	_ =	sdelay $0x3  }
0x94: {  	_ =	strace s3  }
0x95: {  	s3 =	sld [smem:$0x3FFD];
	_ =	sdelay $0x3  }
0x96: {  	_ =	strace s3  }
0x97: {  	_ =	strace $0x8FFFFFFF  }
0x98: {  	s19 =	sld [smem:$0x3FDB];
	_ =	sdelay $0x1  }
0x99: {  	s4 =	simm.s32 $_scs_section_size  }
0x9a: {  	s5 =	simm.s32 $_size__tile_overlayer_lowered;
	s6 =	simm.s32 $_tile_overlayer_lowered  }
0x9b: {  	s22 =	simm.s32 $0x1BFF;
	s21 =	sshll.u32 s6, $0x1;
	s3 =	sadd.s32 s4, s19  }
0x9c: {  	s7 =	simm.s32 $0x0;
	s20 =	sshll.u32 s5, $0x1;
	s5 =	sadd.s32 s21, s3  }
0x9d: {  	[timem:s7], [sflag:s22] =	dma.local [hbm:s5], s20  }
0x9e: {  	_ =	swait.ge [sflag:s22], s20  }
0x9f: {  	s4 =	ssub.s32 $0x0, s20;
	[sflag:s22] =	ssyncset.done $0x0  }
0xa0: {  	[sflag:s22] =	ssyncadd.s32 s4;
	_ =	sdelay $0x1  }
0xa1: {  	s23 =	simm.s32 $0x1B8B  }
0xa2: {  	_ =	swait.ge [sflag:s23], $0x1  }
0xa3: {  	[sflag:s23] =	ssyncset.done $0x0  }
0xa4: {  	s25 =	simm.s32 $0x1B8E;
	s24 =	sld [smem:$0x3FFE];
	[sflag:s23] =	ssyncadd.s32 $0xFFFFFFFF  }
0xa5: {  	s26 =	simm.s32 $execute0_lowered;
	[smem:$0x3FD2] =	sst s25  }
0xa6: {  	s5 =	sshll.u32 s26, $0x1;
	_ =	strace $0x80000046;
	[dreg:$0x1] =	wrdreg $0xFFFFFFFF  }
0xa7: {  	s28 =	simm.s32 $_size_execute0_lowered;
	s3 =	sadd.s32 s3, s5;
	[dreg:$0x0] =	wrdreg $0x0  }
0xa8: {  	s5 =	sshll.u32 s28, $0x1;
	[dreg:$0x2] =	wrdreg s3  }
0xa9: {  	[dreg:$0x3] =	wrdreg s5  }
0xaa: {  	[dreg:$0x4] =	wrdreg $0xC0  }
0xab: {  	_ =	task [dreg:s7], $0x5FFFF  }
0xac: {  	[dreg:$0x1] =	wrdreg $0xFFFFFFFF  }
0xad: {  	[dreg:$0x0] =	wrdreg $0x60  }
0xae: {  	[dreg:$0x2] =	wrdreg s2  }
0xaf: {  	[dreg:$0x3] =	wrdreg s24  }
0xb0: {  	[dreg:$0x4] =	wrdreg $0x0  }
0xb1: {  	[dreg:$0x5] =	wrdreg $0x9  }
0xb2: {  	_ =	task.clear_ibuf [dreg:s7], $0x6FFFF;
	_ =	strace $0x90000046  }
0xb3: {  	s29 =	simm.s32 $0x9;
	_ =	strace $0x80000048  }
0xb4: {  	_ =	swait.ge [sflag:s29], $0x1  }
0xb5: {  	[sflag:s29] =	ssyncadd.s32 $0xFFFFFFFF  }
0xb6: {  	_ =	strace $0x90000048  }
0xb7: {  	_ =	sfence  }
0xb8: {  	s30 =	sld [smem:$0x0];
	_ =	sdelay $0x2  }
0xb9: {  	s31 =	sshll.u32 s1, $0xD;
	s1 =	sshrl.u32 s1, $0x2  }
0xba: {  	s3 =	sand.u32 $0x4000, s31;
	s1 =	sadd.s32 s1, s30  }
0xbb: {  	s0 =	sor.u32 s3, s0;
	s1 =	sshll.u32 s1, $0x11  }
0xbc: {  	s0 =	sor.u32 s1, s0  }
0xbd: {  	s0 =	sadd.s32 $0x8F2B, s0  }
0xbe: {  	[sflag:s0] =	ssyncadd.remote.s32 $0x1  }
0xbf: {  	_ =	sfence.sel $0xFFFF  }
0xc0: {  	[dreg:$0x0] =	wrdreg $0xFFFFFFFF;
	(pc) =	sbr.abs _section_cstart, $3  }
0xc1: {  	[dreg:$0x1] =	wrdreg $0xFFFFFFFF  }
0xc2: {  	_ =	task.clear_ibuf [dreg:s7], $0x2FFFF;
	_ =	strace $0x9FFFFFFF  }
0xc3: {  	(tm) =	ssettm $0x7FFFFFFF  }
tec
execute0_lowered:
.L_overlay_start_1:
0x0: {  	(tag) =	ssettag $0x1  }
0x1: {  	s5 =	rddreg [dreg:$0x0]  }
0x2: {  	s4 =	rddreg [dreg:$0x1]  }
0x3: {  	s2 =	rddreg [dreg:$0x2]  }
0x4: {  	s0 =	rddreg [dreg:$0x3]  }
0x5: {  	s6 =	srdreg.scid;
	s1 =	stileid.u32;
	s3 =	simm.s32 $0x0  }
0x6: {  	s11 =	simm.s32 $0x7D;
	s12 =	simm.s32 $0x2A80;
	s15 =	simm.s32 $0x0  }
0x7: {  	s6 =	sand.u32 $0x1, s6;
	s7 =	smul.u32 $0x280, s1;
	[smem:$0x7FF] =	sst s3  }
0x8: {  	s13 =	sshll.u32 s1, $0x6;
	s8 =	smul.u32 $0x2800, s6;
	s9 =	sshll.u32 s6, $0x4  }
0x9: {  	_ =	strace $0x80000047;
	s6 =	ssub.s32 $0x2, s6;
	s9 =	sor.u32 s1, s9  }
0xa: {  	s10 =	sshrl.u32 s6, $0x1;
	s8 =	sadd.s32 s7, s8;
	s9 =	smul.u32 $0x500, s9  }
0xb: {  	s13 =	sor.u32 $0x1C01, s13;
	s10 =	ssub.s32 s6, s10;
	s8 =	sshrl.u32 s8, $0x3  }
0xc: {  	s8 =	sadd.s32 s8, s4;
	s4 =	sadd.s32 s7, s2;
	s5 =	sadd.s32 s5, s9  }
0xd: {  	s7 =	smax.u32 s10, $0x1;
	s9 =	simm.s32 $0x1;
	s10 =	simm.s32 $0x280  }
0xe: {  	v0 =	vimm.f32 $0.0e+00;
	v1 =	vimm.f32 $1.000000000e+00;
	s6 =	sadd.s32 $0x15600, s8;
	s8 =	simm.s32 $0x2B00;
	s14 =	sshrl.u32 s4, $0x3  }
.LBB2_1:
0xf: {  	[tilespmem:$0x2B00] =	vst v0  }
0x10: {  	[tilespmem:$0x2B10] =	vst v0  }
0x11: {  	[tilespmem:$0x2B20] =	vst v0  }
0x12: {  	[tilespmem:$0x2B30] =	vst v0  }
0x13: {  	[tilespmem:$0x2B40] =	vst v0  }
0x14: {  	[tilespmem:$0x2B50] =	vst v0  }
0x15: {  	[tilespmem:$0x2B60] =	vst v0  }
0x16: {  	[tilespmem:$0x2B70] =	vst v0  }
0x17: {  	[tilespmem:$0x2B80] =	vst v0  }
0x18: {  	[tilespmem:$0x2B90] =	vst v0  }
0x19: {  	[tilespmem:$0x2BA0] =	vst v0  }
0x1a: {  	[tilespmem:$0x2BB0] =	vst v0  }
0x1b: {  	[tilespmem:$0x2BC0] =	vst v0  }
0x1c: {  	[tilespmem:$0x2BD0] =	vst v0  }
0x1d: {  	[tilespmem:$0x2BE0] =	vst v0  }
0x1e: {  	[tilespmem:$0x2BF0] =	vst v0  }
0x1f: {  	[tilespmem:$0x2C00] =	vst v0  }
0x20: {  	[tilespmem:$0x2C10] =	vst v0  }
0x21: {  	[tilespmem:$0x2C20] =	vst v0  }
0x22: {  	[tilespmem:$0x2C30] =	vst v0  }
0x23: {  	[tilespmem:$0x2C40] =	vst v0  }
0x24: {  	[tilespmem:$0x2C50] =	vst v0  }
0x25: {  	[tilespmem:$0x2C60] =	vst v0  }
0x26: {  	[tilespmem:$0x2C70] =	vst v0  }
0x27: {  	[tilespmem:$0x2C80] =	vst v0  }
0x28: {  	[tilespmem:$0x2C90] =	vst v0  }
0x29: {  	[tilespmem:$0x2CA0] =	vst v0  }
0x2a: {  	[tilespmem:$0x2CB0] =	vst v0  }
0x2b: {  	[tilespmem:$0x2CC0] =	vst v0  }
0x2c: {  	[tilespmem:$0x2CD0] =	vst v0  }
0x2d: {  	[tilespmem:$0x2CE0] =	vst v0  }
0x2e: {  	[tilespmem:$0x2CF0] =	vst v0  }
0x2f: {  	[tilespmem:$0x2D00] =	vst v0  }
0x30: {  	[tilespmem:$0x2D10] =	vst v0  }
0x31: {  	[tilespmem:$0x2D20] =	vst v0  }
0x32: {  	[tilespmem:$0x2D30] =	vst v0  }
0x33: {  	[tilespmem:$0x2D40] =	vst v0  }
0x34: {  	[tilespmem:$0x2D50] =	vst v0  }
0x35: {  	[tilespmem:$0x2D60] =	vst v0  }
0x36: {  	[tilespmem:$0x2D70] =	vst v0  }
0x37: {  	[tilespmem:$0x2A80] =	vst v1  }
0x38: {  	[tilespmem:$0x2A90] =	vst v1  }
0x39: {  	[tilespmem:$0x2AA0] =	vst v1  }
0x3a: {  	[tilespmem:$0x2AB0] =	vst v1  }
0x3b: {  	[tilespmem:$0x2AC0] =	vst v1  }
0x3c: {  	[tilespmem:$0x2AD0] =	vst v1  }
0x3d: {  	[tilespmem:$0x2AE0] =	vst v1  }
0x3e: {  	[tilespmem:$0x2AF0] =	vst v1  }
0x3f: {  	[spmem:s4] =	stream.linear.scatter [tilespmem:s8], [sflag:$0x1], $0x280, $0x38;
	[tilespmem:$0x2D80] =	vst v63  }
0x40: {  	_ =	swait.ge [sflag:s9], $0x280  }
0x41: {  	[sflag:s9] =	ssyncset.done $0x0  }
0x42: {  	[sflag:s9] =	ssyncadd.s32 $0xFFFFFD80  }
0x43: {  	[tilespmem:s10], [sflag:$0x1] =	stream.linear.gather [hbm4b:s5+s3], $0x2800, $0x38;
	[tilespmem:$0x2D80] =	vst v63  }
0x44: {  	_ =	swait.ge [sflag:s9], $0x2800  }
0x45: {  	[sflag:s9] =	ssyncset.done $0x0  }
0x46: {  	[sflag:s9] =	ssyncadd.s32 $0xFFFFD800  }
0x47: {  	s16 =	simm.s32 $0x280;
	[bflag:$0x0] =	sbarrier.arrive $0xFFFF  }
0x48: {  	[spmem:s2] =	stream.indirect.scatter.add.f32 [tilespmem:s12], [sflag:$0x1], $0x1, s16, s11, $0xb8;
	[tilespmem:$0x2D80] =	vst v63  }
0x49: {  	_ =	swait.ge [sflag:s9], $0x7D  }
0x4a: {  	[sflag:s9] =	ssyncset.done $0x0  }
0x4b: {  	s28 =	simm.s32 $0x300;
	[sflag:s9] =	ssyncadd.s32 $0xFFFFFF83  }
0x4c: {  	[spmem:s2] =	stream.indirect.scatter.add.f32 [tilespmem:s12], [sflag:$0x1], $0x1, s28, s11, $0xb8;
	[tilespmem:$0x2D80] =	vst v63  }
0x4d: {  	_ =	swait.ge [sflag:s9], $0x7D  }
0x4e: {  	[sflag:s9] =	ssyncset.done $0x0  }
0x4f: {  	s29 =	simm.s32 $0x380;
	[sflag:s9] =	ssyncadd.s32 $0xFFFFFF83  }
0x50: {  	[spmem:s2] =	stream.indirect.scatter.add.f32 [tilespmem:s12], [sflag:$0x1], $0x1, s29, s11, $0xb8;
	[tilespmem:$0x2D80] =	vst v63  }
0x51: {  	_ =	swait.ge [sflag:s9], $0x7D  }
0x52: {  	[sflag:s9] =	ssyncset.done $0x0  }
0x53: {  	s30 =	simm.s32 $0x400;
	[sflag:s9] =	ssyncadd.s32 $0xFFFFFF83  }
0x54: {  	[spmem:s2] =	stream.indirect.scatter.add.f32 [tilespmem:s12], [sflag:$0x1], $0x1, s30, s11, $0xb8;
	[tilespmem:$0x2D80] =	vst v63  }
0x55: {  	_ =	swait.ge [sflag:s9], $0x7D  }
0x56: {  	[sflag:s9] =	ssyncset.done $0x0  }
0x57: {  	s31 =	simm.s32 $0x480;
	[sflag:s9] =	ssyncadd.s32 $0xFFFFFF83  }
0x58: {  	[spmem:s2] =	stream.indirect.scatter.add.f32 [tilespmem:s12], [sflag:$0x1], $0x1, s31, s11, $0xb8;
	[tilespmem:$0x2D80] =	vst v63  }
0x59: {  	_ =	swait.ge [sflag:s9], $0x7D  }
0x5a: {  	s17 =	simm.s32 $0x1400;
	s16 =	simm.s32 $0x280;
	[sflag:s9] =	ssyncset.done $0x0  }
.LBB2_2:
0x5b: {  	s18 =	sadd.s32 $0x280, s16  }
0x5c: {  	[sflag:s9] =	ssyncadd.s32 $0xFFFFFF83;
	s19 =	smov.u32 s17;
	s20 =	sadd.s32 $0xA00, s17  }
0x5d: {  	[spmem:s2] =	stream.indirect.scatter.add.f32 [tilespmem:s12], [sflag:$0x1], $0x1, s18, s11, $0xb8;
	[tilespmem:$0x2D80] =	vst v63  }
0x5e: {  	p0 =	sne.s32 s17, $0x9600;
	_ =	swait.ge [sflag:s9], $0x7D  }
0x5f: {  	[sflag:s9] =	ssyncset.done $0x0  }
0x60: {  	s17 =	sadd.s32 $0x300, s16;
	[sflag:s9] =	ssyncadd.s32 $0xFFFFFF83  }
0x61: {  	[spmem:s2] =	stream.indirect.scatter.add.f32 [tilespmem:s12], [sflag:$0x1], $0x1, s17, s11, $0xb8;
	[tilespmem:$0x2D80] =	vst v63  }
0x62: {  	_ =	swait.ge [sflag:s9], $0x7D  }
0x63: {  	[sflag:s9] =	ssyncset.done $0x0  }
0x64: {  	s17 =	sadd.s32 $0x380, s16;
	[sflag:s9] =	ssyncadd.s32 $0xFFFFFF83  }
0x65: {  	[spmem:s2] =	stream.indirect.scatter.add.f32 [tilespmem:s12], [sflag:$0x1], $0x1, s17, s11, $0xb8;
	[tilespmem:$0x2D80] =	vst v63  }
0x66: {  	_ =	swait.ge [sflag:s9], $0x7D  }
0x67: {  	[sflag:s9] =	ssyncset.done $0x0  }
0x68: {  	s17 =	sadd.s32 $0x400, s16;
	[sflag:s9] =	ssyncadd.s32 $0xFFFFFF83  }
0x69: {  	[spmem:s2] =	stream.indirect.scatter.add.f32 [tilespmem:s12], [sflag:$0x1], $0x1, s17, s11, $0xb8;
	[tilespmem:$0x2D80] =	vst v63  }
0x6a: {  	_ =	swait.ge [sflag:s9], $0x7D  }
.Ltmp0:
0x6b: {  	[sflag:s9] =	ssyncset.done $0x0;
	(pc) =	sbr.rel @p0 .LBB2_2-.Ltmp0, $4  }
0x6c: {  	s16 =	sadd.s32 $0x480, s16;
	[sflag:s9] =	ssyncadd.s32 $0xFFFFFF83  }
0x6d: {  	[spmem:s2] =	stream.indirect.scatter.add.f32 [tilespmem:s12], [sflag:$0x1], $0x1, s16, s11, $0xb8;
	[tilespmem:$0x2D80] =	vst v63  }
0x6e: {  	_ =	swait.ge [sflag:s9], $0x7D  }
0x6f: {  	s17 =	smov.u32 s20;
	s16 =	sshra.s32 s19, $0x2;
	[sflag:s9] =	ssyncset.done $0x0  }
0x70: {  	s17 =	sadd.s32 $0x280, s16;
	[sflag:s9] =	ssyncadd.s32 $0xFFFFFF83  }
0x71: {  	[spmem:s2] =	stream.indirect.scatter.add.f32 [tilespmem:s12], [sflag:$0x1], $0x1, s17, s11, $0xb8;
	[tilespmem:$0x2D80] =	vst v63  }
0x72: {  	_ =	swait.ge [sflag:s9], $0x7D  }
0x73: {  	[sflag:s9] =	ssyncset.done $0x0  }
0x74: {  	s28 =	sadd.s32 $0x300, s16;
	[sflag:s9] =	ssyncadd.s32 $0xFFFFFF83  }
0x75: {  	[spmem:s2] =	stream.indirect.scatter.add.f32 [tilespmem:s12], [sflag:$0x1], $0x1, s28, s11, $0xb8;
	[tilespmem:$0x2D80] =	vst v63  }
0x76: {  	_ =	swait.ge [sflag:s9], $0x7D  }
0x77: {  	[sflag:s9] =	ssyncset.done $0x0  }
0x78: {  	s29 =	sadd.s32 $0x380, s16;
	[sflag:s9] =	ssyncadd.s32 $0xFFFFFF83  }
0x79: {  	[spmem:s2] =	stream.indirect.scatter.add.f32 [tilespmem:s12], [sflag:$0x1], $0x1, s29, s11, $0xb8;
	[tilespmem:$0x2D80] =	vst v63  }
0x7a: {  	_ =	swait.ge [sflag:s9], $0x7D  }
0x7b: {  	[sflag:s9] =	ssyncset.done $0x0  }
0x7c: {  	s30 =	sadd.s32 $0x400, s16;
	[sflag:s9] =	ssyncadd.s32 $0xFFFFFF83  }
0x7d: {  	[spmem:s2] =	stream.indirect.scatter.add.f32 [tilespmem:s12], [sflag:$0x1], $0x1, s30, s11, $0xb8;
	[tilespmem:$0x2D80] =	vst v63  }
0x7e: {  	_ =	swait.ge [sflag:s9], $0x7D  }
0x7f: {  	[sflag:s9] =	ssyncset.done $0x0  }
0x80: {  	s31 =	sadd.s32 $0x480, s16;
	[sflag:s9] =	ssyncadd.s32 $0xFFFFFF83  }
0x81: {  	[spmem:s2] =	stream.indirect.scatter.add.f32 [tilespmem:s12], [sflag:$0x1], $0x1, s31, s11, $0xb8;
	[tilespmem:$0x2D80] =	vst v63  }
0x82: {  	_ =	swait.ge [sflag:s9], $0x7D  }
0x83: {  	s15 =	sadd.s32 $0x1, s15;
	[sflag:s9] =	ssyncset.done $0x0  }
0x84: {  	p0 =	sne.s32 s15, s7;
	[sflag:s9] =	ssyncadd.s32 $0xFFFFFF83  }
.Ltmp1:
0x85: {  	[bflag:$0x0] =	sbarrier.arrive $0xFFFF;
	(pc) =	sbr.rel @p0 .LBB2_1-.Ltmp1, $4  }
0x86: {  	[hbm:s6], [sflag:s13] =	dma.local [spmem:s14], $0x50  }
0x87: {  	_ =	swait.ge [sflag:s9], $0x50  }
0x88: {  	[sflag:s9] =	ssyncset.done $0x0  }
0x89: {  	[sflag:s9] =	ssyncadd.s32 $0xFFFFFFB0  }
0x8a: {  	_ =	sfence.sel $0x180000  }
0x8b: {  	[bflag:$0x0] =	sbarrier.arrive $0xFFFF  }
0x8c: {  	p0 =	sne.s32 s1, $0x0;
	_ =	strace $0x90000047  }
0x8d: {  	s0 =	sadd.s32 @!p0 $0x100000, s0;
	[bflag:$0x2] =	sbarrier.arrive $0xFFFF  }
0x8e: {  	[sflag:s0] =	ssyncadd.tile.s32 @!p0 $0x1;
	_ =	shalt  }
.Lfunc_end2:
_tile_overlayer_lowered:
.L_overlay_start_2:
0x8f: {  	(tag) =	ssettag $0x2  }
0x90: {  	s0 =	rddreg [dreg:$0x0];
	s2 =	stileid.u32  }
0x91: {  	s1 =	rddreg [dreg:$0x1];
	p0 =	sne.s32 s2, $0x0  }
0x92: {  	s3 =	rddreg [dreg:$0x2];
	[bflag:$0x3] =	sbarrier.arrive $0xFFFF;
	s2 =	simm.s32 @!p0 $0x1C01  }
0x93: {  	[timem:s3], [sflag:s2] =	dma.local @!p0 [hbm:s0], s1  }
0x94: {  	s0 =	simm.s32 @!p0 $0x1  }
0x95: {  	_ =	swait.ge @!p0 [sflag:s0], s1  }
0x96: {  	s1 =	ssub.s32 @!p0 $0x0, s1;
	[sflag:s0] =	ssyncset.done @!p0 $0x0  }
0x97: {  	[sflag:s0] =	ssyncadd.s32 @!p0 s1  }
0x98: {  	[bflag:$0x3] =	sbarrier.arrive $0xFFFF  }
0x99: {  	_ =	shalt  }

// kernel: kernel.9.cloned.1.call-start
scs
__scs_entry_jumppad:
0x0: {  	(pc) =	sbr.rel $0x88, $3  }
0x1: {  	(tag) =	ssettag $0x0;
	lr =	simm.s32 $0x1  }
0x2: {  	[smem:$0x3F9D] =	sst lr;
	_ =	strace $0xD0000000  }
0x3: {  	_ = 	snop  }
0x4: {  	_ = 	snop  }
0x5: {  	_ = 	snop  }
0x6: {  	_ = 	snop  }
0x7: {  	_ = 	snop  }
__scs_overlays_trampoline_lowered:
0x8: {  	[smem:$0x3FAC] =	sst s0  }
0x9: {  	[smem:$0x3FAD] =	sst s1  }
0xa: {  	[smem:$0x3FAE] =	sst s2  }
0xb: {  	[smem:$0x3FAF] =	sst s3  }
0xc: {  	[smem:$0x3FB0] =	sst s4  }
0xd: {  	[smem:$0x3FB1] =	sst s5  }
0xe: {  	[smem:$0x3FB2] =	sst s6  }
0xf: {  	[smem:$0x3FB3] =	sst s7  }
0x10: {  	[smem:$0x3FB4] =	sst s8  }
0x11: {  	[smem:$0x3FB5] =	sst s9;
	s0 =	simm.s32 @!p0 $0x0  }
0x12: {  	s1 =	sld [smem:$0x3F9B];
	s0 =	simm.s32 @p0 $0x1  }
0x13: {  	[smem:$0x3FB6] =	sst s0;
	s0 =	simm.s32 @!p1 $0x0  }
0x14: {  	s2 =	sld [smem:$0x3F9A];
	s0 =	simm.s32 @p1 $0x1  }
0x15: {  	[smem:$0x3FB7] =	sst s0;
	s0 =	simm.s32 @!p2 $0x0  }
0x16: {  	s3 =	sld [smem:$0x3FDB];
	s0 =	simm.s32 @p2 $0x1  }
0x17: {  	s4 =	simm.s32 $0x1BF5;
	[smem:$0x3FB9] =	sst s0  }
0x18: {  	s0 =	sld [smem:$0x3F9C];
	_ =	swait.ge [sflag:s4], $0x0  }
0x19: {  	s7 =	sld [smem:$0x3F9D]  }
0x1a: {  	s8 =	sadd.s32 $0xFFFFE003, lr  }
0x1b: {  	s9 =	sadd.s32 $0xFFFFFEF7, lr;
	s5 =	simm.s32 $0xFFFFFFFF;
	p2 =	slt.u32 s8, $0xFFFFF086  }
0x1c: {  	p1 =	slt.u32 s9, $0xF7A;
	s5 =	simm.s32 @!p2 $0x0  }
0x1d: {  	s5 =	simm.s32 @p1 $0x1;
	p0 =	seq.s32 s7, s2  }
0x1e: {  	s7 =	smul.u32 @!p0 $0xF7A, s2;
	p2 =	seq.s32 @!p0 s5, $0x0  }
0x1f: {  	s9 =	smul.u32 $0xF7A, s1;
	s8 =	simm.s32 @!p0 $0x1BF5;
	p2 =	por !p2, p0  }
0x20: {  	[sflag:s8] =	ssyncset.s32 @!p0 $0xFFFFF086;
	s6 =	sadd.s32 @!p0 s3, s7;
	s7 =	simm.s32 @!p0 $0x108  }
0x21: {  	s3 =	sadd.s32 s3, s9;
	s6 =	sadd.s32 @!p0 $0x88, s6;
	s7 =	simm.s32 @p2 $0x1082  }
0x22: {  	[simem:s7], [sflag:s8] =	dma.local @!p0 [hbm:s6], $0xF7A  }
0x23: {  	s9 =	sor.u32 $0xD0000000, s2;
	s6 =	simm.s32 $0x108;
	_ =	swait.ge @!p0 [sflag:s8], $0x0  }
0x24: {  	s3 =	sadd.s32 $0x88, s3;
	s6 =	simm.s32 @!p1 $0x1082;
	[sflag:s4] =	ssyncset.s32 $0xFFFFF086  }
0x25: {  	[simem:s6], [sflag:s4] =	dma.local [hbm:s3], $0xF7A  }
0x26: {  	[smem:$0x3F9D] =	sst s1;
	(tag) =	ssettag s2;
	_ =	strace s9  }
0x27: {  	s1 =	sld [smem:$0x3FAD]  }
0x28: {  	s2 =	sld [smem:$0x3FAE]  }
0x29: {  	s4 =	sld [smem:$0x3FB0]  }
0x2a: {  	p0 =	seq.s32 s5, $0x0;
	s5 =	sld [smem:$0x3FB1]  }
0x2b: {  	s6 =	sld [smem:$0x3FB2]  }
0x2c: {  	s7 =	sld [smem:$0x3FB3]  }
0x2d: {  	s3 =	simm.s32 $0x108;
	s8 =	sld [smem:$0x3FB4]  }
0x2e: {  	s3 =	simm.s32 @!p0 $0x1082;
	s9 =	sld [smem:$0x3FB5]  }
0x2f: {  	lr =	sadd.s32 s0, s3;
	s0 =	sld [smem:$0x3FAC]  }
0x30: {  	s3 =	sld [smem:$0x3FAF]  }
0x31: {  	[smem:$0x3FB8] =	sst s10  }
0x32: {  	s10 =	sld [smem:$0x3FB6];
	_ =	sdelay $0x3  }
0x33: {  	p0 =	seq.s32 s10, $0x1;
	s10 =	sld [smem:$0x3FB8];
	_ =	sdelay $0x3  }
0x34: {  	[smem:$0x3FB8] =	sst s10  }
0x35: {  	s10 =	sld [smem:$0x3FB7];
	_ =	sdelay $0x3  }
0x36: {  	p1 =	seq.s32 s10, $0x1;
	s10 =	sld [smem:$0x3FB8];
	_ =	sdelay $0x3  }
0x37: {  	[smem:$0x3FB8] =	sst s10  }
0x38: {  	s10 =	sld [smem:$0x3FB9]  }
0x39: {  	_ = 	snop;
	(pc) =	sbr.ind lr, $3  }
0x3a: {  	_ = 	snop  }
0x3b: {  	_ = 	snop  }
0x3c: {  	p2 =	seq.s32 s10, $0x1;
	s10 =	sld [smem:$0x3FB8]  }
0x3d: {  	_ =	shalt  }
0x3e: {  	_ =	shalt  }
0x3f: {  	_ =	shalt  }
0x40: {  	_ =	shalt  }
0x41: {  	_ =	shalt  }
0x42: {  	_ =	shalt  }
0x43: {  	_ =	shalt  }
0x44: {  	_ =	shalt  }
0x45: {  	_ =	shalt  }
0x46: {  	_ =	shalt  }
0x47: {  	_ =	shalt  }
0x48: {  	_ =	shalt  }
0x49: {  	_ =	shalt  }
0x4a: {  	_ =	shalt  }
0x4b: {  	_ =	shalt  }
0x4c: {  	_ =	shalt  }
0x4d: {  	_ =	shalt  }
0x4e: {  	_ =	shalt  }
0x4f: {  	_ =	shalt  }
0x50: {  	_ =	shalt  }
0x51: {  	_ =	shalt  }
0x52: {  	_ =	shalt  }
0x53: {  	_ =	shalt  }
0x54: {  	_ =	shalt  }
0x55: {  	_ =	shalt  }
0x56: {  	_ =	shalt  }
0x57: {  	_ =	shalt  }
0x58: {  	_ =	shalt  }
0x59: {  	_ =	shalt  }
0x5a: {  	_ =	shalt  }
0x5b: {  	_ =	shalt  }
0x5c: {  	_ =	shalt  }
0x5d: {  	_ =	shalt  }
0x5e: {  	_ =	shalt  }
0x5f: {  	_ =	shalt  }
0x60: {  	_ =	shalt  }
0x61: {  	_ =	shalt  }
0x62: {  	_ =	shalt  }
0x63: {  	_ =	shalt  }
0x64: {  	_ =	shalt  }
0x65: {  	_ =	shalt  }
0x66: {  	_ =	shalt  }
0x67: {  	_ =	shalt  }
0x68: {  	_ =	shalt  }
0x69: {  	_ =	shalt  }
0x6a: {  	_ =	shalt  }
0x6b: {  	_ =	shalt  }
0x6c: {  	_ =	shalt  }
0x6d: {  	_ =	shalt  }
0x6e: {  	_ =	shalt  }
0x6f: {  	_ =	shalt  }
0x70: {  	_ =	shalt  }
0x71: {  	_ =	shalt  }
0x72: {  	_ =	shalt  }
0x73: {  	_ =	shalt  }
0x74: {  	_ =	shalt  }
0x75: {  	_ =	shalt  }
0x76: {  	_ =	shalt  }
0x77: {  	_ =	shalt  }
0x78: {  	_ =	shalt  }
0x79: {  	_ =	shalt  }
0x7a: {  	_ =	shalt  }
0x7b: {  	_ =	shalt  }
0x7c: {  	_ =	shalt  }
0x7d: {  	_ =	shalt  }
0x7e: {  	_ =	shalt  }
0x7f: {  	_ =	shalt  }
0x80: {  	_ =	shalt  }
0x81: {  	_ =	shalt  }
0x82: {  	_ =	shalt  }
0x83: {  	_ =	shalt  }
0x84: {  	_ =	shalt  }
0x85: {  	_ =	shalt  }
0x86: {  	_ =	shalt  }
0x87: {  	_ =	shalt  }
.Lfunc_end0:
.L_simem_size_0:
called_computation.1_lowered:
.L_overlay_start_0:
0x88: {  	s2 =	sld [smem:$0x3FD9]  }
0x89: {  	s3 =	sld [smem:$0x3FFE];
	_ =	sdelay $0x1  }
0x8a: {  	s1 =	srdreg.scid  }
0x8b: {  	s0 =	sand.u32 $0x1, s1  }
0x8c: {  	s17 =	sshll.u32 s0, $0xA;
	s2 =	sadd.s32 s3, s2  }
0x8d: {  	s2 =	sadd.s32 s2, s17  }
0x8e: {  	[smem:$0x3FC4] =	sst s2  }
0x8f: {  	_ = 	snop  }
0x90: {  	s2 =	sld [smem:$0x3FD0];
	(tm) =	ssettm $0x1  }
0x91: {  	s18 =	sld [smem:$0x3FFB];
	_ =	sdelay $0x3  }
0x92: {  	_ =	strace s18  }
0x93: {  	s3 =	sld [smem:$0x3FFC];
	_ =	sdelay $0x3  }
0x94: {  	_ =	strace s3  }
0x95: {  	s3 =	sld [smem:$0x3FFD];
	_ =	sdelay $0x3  }
0x96: {  	_ =	strace s3  }
0x97: {  	_ =	strace $0x8FFFFFFF  }
0x98: {  	s19 =	sld [smem:$0x3FDB];
	_ =	sdelay $0x1  }
0x99: {  	s4 =	simm.s32 $_scs_section_size  }
0x9a: {  	s5 =	simm.s32 $_size__tile_overlayer_lowered;
	s6 =	simm.s32 $_tile_overlayer_lowered  }
0x9b: {  	s22 =	simm.s32 $0x1BFF;
	s21 =	sshll.u32 s6, $0x1;
	s3 =	sadd.s32 s4, s19  }
0x9c: {  	s7 =	simm.s32 $0x0;
	s20 =	sshll.u32 s5, $0x1;
	s5 =	sadd.s32 s21, s3  }
0x9d: {  	[timem:s7], [sflag:s22] =	dma.local [hbm:s5], s20  }
0x9e: {  	_ =	swait.ge [sflag:s22], s20  }
0x9f: {  	s4 =	ssub.s32 $0x0, s20;
	[sflag:s22] =	ssyncset.done $0x0  }
0xa0: {  	[sflag:s22] =	ssyncadd.s32 s4;
	_ =	sdelay $0x1  }
0xa1: {  	s23 =	simm.s32 $0x1B8B  }
0xa2: {  	_ =	swait.ge [sflag:s23], $0x1  }
0xa3: {  	[sflag:s23] =	ssyncset.done $0x0  }
0xa4: {  	s25 =	simm.s32 $0x1B8E;
	s24 =	sld [smem:$0x3FFE];
	[sflag:s23] =	ssyncadd.s32 $0xFFFFFFFF  }
0xa5: {  	s26 =	simm.s32 $execute0_lowered;
	[smem:$0x3FD2] =	sst s25  }
0xa6: {  	s5 =	sshll.u32 s26, $0x1;
	_ =	strace $0x80000049;
	[dreg:$0x1] =	wrdreg $0xFFFFFFFF  }
0xa7: {  	s28 =	simm.s32 $_size_execute0_lowered;
	s3 =	sadd.s32 s3, s5;
	[dreg:$0x0] =	wrdreg $0x0  }
0xa8: {  	s5 =	sshll.u32 s28, $0x1;
	[dreg:$0x2] =	wrdreg s3  }
0xa9: {  	[dreg:$0x3] =	wrdreg s5  }
0xaa: {  	[dreg:$0x4] =	wrdreg $0xC0  }
0xab: {  	_ =	task [dreg:s7], $0x5FFFF  }
0xac: {  	[dreg:$0x1] =	wrdreg $0xFFFFFFFF  }
0xad: {  	[dreg:$0x0] =	wrdreg $0x60  }
0xae: {  	[dreg:$0x2] =	wrdreg s2  }
0xaf: {  	[dreg:$0x3] =	wrdreg s24  }
0xb0: {  	[dreg:$0x4] =	wrdreg $0x0  }
0xb1: {  	[dreg:$0x5] =	wrdreg $0x9  }
0xb2: {  	_ =	task.clear_ibuf [dreg:s7], $0x6FFFF;
	_ =	strace $0x90000049  }
0xb3: {  	s29 =	simm.s32 $0x9;
	_ =	strace $0x8000004B  }
0xb4: {  	_ =	swait.ge [sflag:s29], $0x1  }
0xb5: {  	[sflag:s29] =	ssyncadd.s32 $0xFFFFFFFF  }
0xb6: {  	_ =	strace $0x9000004B  }
0xb7: {  	_ =	sfence  }
0xb8: {  	s30 =	sld [smem:$0x0];
	_ =	sdelay $0x2  }
0xb9: {  	s31 =	sshll.u32 s1, $0xD;
	s1 =	sshrl.u32 s1, $0x2  }
0xba: {  	s3 =	sand.u32 $0x4000, s31;
	s1 =	sadd.s32 s1, s30  }
0xbb: {  	s0 =	sor.u32 s3, s0;
	s1 =	sshll.u32 s1, $0x11  }
0xbc: {  	s0 =	sor.u32 s1, s0  }
0xbd: {  	s0 =	sadd.s32 $0x8F2B, s0  }
0xbe: {  	[sflag:s0] =	ssyncadd.remote.s32 $0x1  }
0xbf: {  	_ =	sfence.sel $0xFFFF  }
0xc0: {  	[dreg:$0x0] =	wrdreg $0xFFFFFFFF;
	(pc) =	sbr.abs _section_cstart, $3  }
0xc1: {  	[dreg:$0x1] =	wrdreg $0xFFFFFFFF  }
0xc2: {  	_ =	task.clear_ibuf [dreg:s7], $0x2FFFF;
	_ =	strace $0x9FFFFFFF  }
0xc3: {  	(tm) =	ssettm $0x7FFFFFFF  }
tec
execute0_lowered:
.L_overlay_start_1:
0x0: {  	(tag) =	ssettag $0x1  }
0x1: {  	s0 =	srdreg.scid  }
0x2: {  	s1 =	stileid.u32;
	s3 =	rddreg [dreg:$0x1]  }
0x3: {  	s15 =	simm.s32 $0x0;
	s29 =	simm.s32 $0x13880;
	s11 =	sand.u32 $0x1, s0  }
0x4: {  	[smem:$0x7FF] =	sst s15;
	s0 =	sshll.u32 s11, $0x4;
	s15 =	smul.u32 $0x138800, s11  }
0x5: {  	s4 =	ssub.s32 $0x2, s11;
	s9 =	sor.u32 s1, s0;
	s1 =	smul.u32 $0x13880, s1  }
0x6: {  	s13 =	sadd.s32 $0xB800, s3;
	s5 =	sshrl.u32 s4, $0x1;
	s2 =	smul.u32 $0x4E2, s9  }
0x7: {  	s7 =	sadd.s32 $0x15600, s3;
	s8 =	ssub.s32 s4, s5;
	s14 =	smul.u32 $0x2710, s9  }
0x8: {  	s4 =	sadd.s32 $0x3C00, s1;
	s5 =	sadd.s32 $0x5000, s1;
	s6 =	sadd.s32 $0x6400, s1  }
0x9: {  	s9 =	sadd.s32 $0x7800, s1;
	s10 =	sadd.s32 $0x8C00, s1;
	s11 =	sadd.s32 $0xA000, s1  }
0xa: {  	s12 =	sadd.s32 $0xB400, s1;
	s16 =	sadd.s32 s1, s15;
	s8 =	smax.u32 s8, $0x1  }
0xb: {  	s0 =	sadd.s32 s2, s3;
	s2 =	sadd.s32 s13, s2;
	s3 =	sadd.s32 $0x2800, s1  }
0xc: {  	s14 =	sadd.s32 $0x1388, s14;
	s16 =	sshrl.u32 s16, $0x3;
	s20 =	sadd.s32 s15, s4  }
0xd: {  	s21 =	sadd.s32 s15, s5;
	s25 =	sadd.s32 s15, s6;
	s26 =	sadd.s32 s15, s9  }
0xe: {  	s28 =	sadd.s32 s15, s10;
	[dreg:$0x4] =	wrdreg s2;
	s2 =	sadd.s32 $0x1400, s1  }
0xf: {  	s14 =	sshrl.u32 s14, $0x3;
	s19 =	sadd.s32 s15, s3;
	s22 =	sshrl.u32 s20, $0x3  }
0x10: {  	s23 =	sshrl.u32 s21, $0x3;
	s20 =	sadd.s32 s15, s11;
	s21 =	sadd.s32 s15, s12  }
0x11: {  	s0 =	sadd.s32 $0x1A00, s0;
	s17 =	sadd.s32 s15, s2;
	s13 =	sadd.s32 s13, s14  }
0x12: {  	s24 =	sadd.s32 s7, s23;
	s14 =	sshrl.u32 s20, $0x3;
	[dreg:$0x5] =	wrdreg s13  }
0x13: {  	s17 =	sshrl.u32 s17, $0x3;
	s13 =	sadd.s32 s7, s16;
	[dreg:$0xa] =	wrdreg s24  }
0x14: {  	s16 =	sshrl.u32 s21, $0x3;
	s14 =	sadd.s32 s7, s14;
	s21 =	sadd.s32 $0x11800, s1  }
0x15: {  	[dreg:$0x6] =	wrdreg s13;
	s18 =	sadd.s32 s7, s17;
	s13 =	sshrl.u32 s19, $0x3  }
0x16: {  	s17 =	sshrl.u32 s26, $0x3;
	[dreg:$0xe] =	wrdreg s14;
	s23 =	sadd.s32 s7, s16  }
0x17: {  	s14 =	sadd.s32 $0xDC00, s1;
	s16 =	sadd.s32 $0xF000, s1;
	[dreg:$0x7] =	wrdreg s18  }
0x18: {  	s13 =	sadd.s32 s7, s13;
	s18 =	sshrl.u32 s28, $0x3;
	[dreg:$0xf] =	wrdreg s23  }
0x19: {  	[dreg:$0x8] =	wrdreg s13;
	s13 =	sadd.s32 s7, s22;
	s19 =	sadd.s32 s7, s18  }
0x1a: {  	s18 =	sadd.s32 s15, s14;
	[dreg:$0x9] =	wrdreg s13;
	s13 =	sshrl.u32 s25, $0x3  }
0x1b: {  	[dreg:$0xd] =	wrdreg s19;
	s18 =	sshrl.u32 s18, $0x3;
	s13 =	sadd.s32 s7, s13  }
0x1c: {  	s28 =	sadd.s32 s15, s21;
	s18 =	sadd.s32 s7, s18;
	[dreg:$0xb] =	wrdreg s13  }
0x1d: {  	s19 =	sadd.s32 s15, s16;
	s13 =	sadd.s32 s7, s17;
	[dreg:$0x11] =	wrdreg s18  }
0x1e: {  	s19 =	sshrl.u32 s19, $0x3;
	[dreg:$0xc] =	wrdreg s13;
	s13 =	sadd.s32 $0xC800, s1  }
0x1f: {  	s25 =	sadd.s32 s7, s19;
	s18 =	rddreg [dreg:$0x0];
	s22 =	sadd.s32 s15, s13  }
0x20: {  	s19 =	sshrl.u32 s28, $0x3;
	[dreg:$0x12] =	wrdreg s25;
	s17 =	sshrl.u32 s22, $0x3  }
0x21: {  	s19 =	sadd.s32 s7, s19;
	s24 =	sadd.s32 s7, s17;
	s17 =	sadd.s32 $0x10400, s1  }
0x22: {  	[dreg:$0x14] =	wrdreg s19;
	s22 =	sadd.s32 $0x12C00, s1;
	s20 =	sadd.s32 s15, s17  }
0x23: {  	[dreg:$0x10] =	wrdreg s24;
	s15 =	sadd.s32 s15, s22;
	s20 =	sshrl.u32 s20, $0x3  }
0x24: {  	s15 =	sshrl.u32 s15, $0x3;
	s26 =	sadd.s32 s7, s20;
	s20 =	rddreg [dreg:$0x2]  }
0x25: {  	s7 =	sadd.s32 s7, s15;
	s15 =	simm.s32 $0x18718;
	[dreg:$0x13] =	wrdreg s26  }
0x26: {  	[dreg:$0x15] =	wrdreg s7;
	s23 =	sadd.s32 s1, s20;
	s24 =	sadd.s32 s2, s20  }
0x27: {  	s25 =	sadd.s32 s3, s20;
	s26 =	sadd.s32 s4, s20;
	s28 =	sadd.s32 s5, s20  }
0x28: {  	s30 =	sadd.s32 s6, s20;
	s31 =	sadd.s32 s9, s20;
	s19 =	sadd.s32 s10, s20  }
0x29: {  	s1 =	sadd.s32 s12, s20;
	s2 =	sadd.s32 s13, s20;
	s3 =	sadd.s32 s14, s20  }
0x2a: {  	s4 =	sadd.s32 s16, s20;
	s5 =	sadd.s32 s17, s20;
	s6 =	sadd.s32 s21, s20  }
0x2b: {  	s7 =	sadd.s32 s22, s20;
	_ =	strace $0x8000004A;
	[dreg:$0x16] =	wrdreg s0  }
0x2c: {  	s12 =	simm.s32 $0x9;
	s14 =	simm.s32 $0x28;
	[dreg:$0x17] =	wrdreg s23  }
0x2d: {  	s16 =	simm.s32 $0x19B18;
	s17 =	simm.s32 $0x1AF18;
	[dreg:$0x18] =	wrdreg s24  }
0x2e: {  	s21 =	simm.s32 $0x1C318;
	s9 =	simm.s32 $0x1D718;
	[dreg:$0x19] =	wrdreg s25  }
0x2f: {  	s10 =	simm.s32 $0x2;
	s13 =	simm.s32 $0x4;
	[dreg:$0x1a] =	wrdreg s26  }
0x30: {  	s22 =	simm.s32 $0x5;
	[dreg:$0x1b] =	wrdreg s28;
	s0 =	sadd.s32 s11, s20  }
0x31: {  	[dreg:$0x1c] =	wrdreg s8;
	s11 =	simm.s32 $0x17318;
	s23 =	simm.s32 $0x1  }
0x32: {  	v0 =	vimm.f32 $0.0e+00;
	s8 =	simm.s32 $0x3;
	s24 =	simm.s32 $0x6;
	s25 =	simm.s32 $0x0  }
.LBB2_1:
0x33: {  	[dreg:$0x1d] =	wrdreg s25  }
0x34: {  	s25 =	smov.u32 s7;
	s7 =	smov.u32 s6;
	s6 =	smov.u32 s5  }
0x35: {  	s5 =	smov.u32 s4;
	s4 =	smov.u32 s3;
	s3 =	smov.u32 s2  }
0x36: {  	s2 =	smov.u32 s1;
	s1 =	smov.u32 s0;
	s0 =	smov.u32 s19  }
0x37: {  	s19 =	smov.u32 s31;
	s26 =	simm.s32 $0x0;
	s28 =	rddreg [dreg:$0x16]  }
0x38: {  	[tilespmem:s29], [sflag:$0x7] =	stream.linear.gather [hbm4b:s28+s26], $0x2710, $0x38;
	[tilespmem:$0x1EB18] =	vst v63  }
0x39: {  	s31 =	smov.u32 s30;
	s30 =	simm.s32 $0x15F90;
	s28 =	rddreg [dreg:$0x4]  }
0x3a: {  	[tilespmem:s30], [sflag:$0x8] =	stream.linear.gather [hbm4b:s28+s26], $0x1388, $0x38;
	[tilespmem:$0x1EB18] =	vst v63  }
0x3b: {  	s26 =	simm.s32 $0x0;
	s28 =	simm.s32 $0x200  }
.LBB2_2:
0x3c: {  	p0 =	sne.s32 s28, $0x4E00;
	[tilespmem:s26+$0x17388] =	vst v0  }
0x3d: {  	[tilespmem:s26+$0x17318] =	vst v0  }
0x3e: {  	[tilespmem:s26+$0x17328] =	vst v0  }
.Ltmp0:
0x3f: {  	[tilespmem:s26+$0x17338] =	vst v0;
	(pc) =	sbr.rel @p0 .LBB2_2-.Ltmp0, $4  }
0x40: {  	[tilespmem:s26+$0x17348] =	vst v0  }
0x41: {  	[tilespmem:s26+$0x17358] =	vst v0  }
0x42: {  	[tilespmem:s26+$0x17368] =	vst v0  }
0x43: {  	[tilespmem:s26+$0x17378] =	vst v0;
	s26 =	sshra.s32 s28, $0x2;
	s28 =	sadd.s32 $0x200, s28  }
0x44: {  	[tilespmem:s26+$0x17388] =	vst v0  }
0x45: {  	[tilespmem:s26+$0x17318] =	vst v0  }
0x46: {  	[tilespmem:s26+$0x17328] =	vst v0  }
0x47: {  	[tilespmem:s26+$0x17338] =	vst v0  }
0x48: {  	[tilespmem:s26+$0x17348] =	vst v0  }
0x49: {  	[tilespmem:s26+$0x17358] =	vst v0  }
0x4a: {  	[tilespmem:s26+$0x17368] =	vst v0  }
0x4b: {  	[tilespmem:s26+$0x17378] =	vst v0;
	s28 =	rddreg [dreg:$0x17]  }
0x4c: {  	[spmem:s28] =	stream.linear.scatter [tilespmem:s11], [sflag:$0x9], $0x1400, $0x38;
	[tilespmem:$0x1EB18] =	vst v63  }
0x4d: {  	_ =	swait.ge [sflag:s12], $0x1400  }
0x4e: {  	[sflag:s12] =	ssyncset.done $0x0  }
0x4f: {  	s28 =	rddreg [dreg:$0x18];
	[sflag:s12] =	ssyncadd.s32 $0xFFFFEC00  }
0x50: {  	[spmem:s28] =	stream.linear.scatter [tilespmem:s11], [sflag:$0x9], $0x1400, $0x38;
	[tilespmem:$0x1EB18] =	vst v63  }
0x51: {  	_ =	swait.ge [sflag:s12], $0x1400  }
0x52: {  	[sflag:s12] =	ssyncset.done $0x0  }
0x53: {  	s28 =	rddreg [dreg:$0x19];
	[sflag:s12] =	ssyncadd.s32 $0xFFFFEC00  }
0x54: {  	[spmem:s28] =	stream.linear.scatter [tilespmem:s11], [sflag:$0x9], $0x1400, $0x38;
	[tilespmem:$0x1EB18] =	vst v63  }
0x55: {  	_ =	swait.ge [sflag:s12], $0x1400  }
0x56: {  	[sflag:s12] =	ssyncset.done $0x0  }
0x57: {  	s28 =	rddreg [dreg:$0x1a];
	[sflag:s12] =	ssyncadd.s32 $0xFFFFEC00  }
0x58: {  	[spmem:s28] =	stream.linear.scatter [tilespmem:s11], [sflag:$0x9], $0x1400, $0x38;
	[tilespmem:$0x1EB18] =	vst v63  }
0x59: {  	_ =	swait.ge [sflag:s12], $0x1400  }
0x5a: {  	[sflag:s12] =	ssyncset.done $0x0  }
0x5b: {  	s28 =	rddreg [dreg:$0x1b];
	[sflag:s12] =	ssyncadd.s32 $0xFFFFEC00  }
0x5c: {  	[spmem:s28] =	stream.linear.scatter [tilespmem:s11], [sflag:$0x9], $0x1400, $0x38;
	[tilespmem:$0x1EB18] =	vst v63  }
0x5d: {  	_ =	swait.ge [sflag:s12], $0x1400  }
0x5e: {  	[sflag:s12] =	ssyncset.done $0x0  }
0x5f: {  	[sflag:s12] =	ssyncadd.s32 $0xFFFFEC00  }
0x60: {  	[spmem:s31] =	stream.linear.scatter [tilespmem:s11], [sflag:$0x9], $0x1400, $0x38;
	[tilespmem:$0x1EB18] =	vst v63  }
0x61: {  	_ =	swait.ge [sflag:s12], $0x1400  }
0x62: {  	[sflag:s12] =	ssyncset.done $0x0  }
0x63: {  	[sflag:s12] =	ssyncadd.s32 $0xFFFFEC00  }
0x64: {  	[spmem:s19] =	stream.linear.scatter [tilespmem:s11], [sflag:$0x9], $0x1400, $0x38;
	[tilespmem:$0x1EB18] =	vst v63  }
0x65: {  	_ =	swait.ge [sflag:s12], $0x1400  }
0x66: {  	[sflag:s12] =	ssyncset.done $0x0  }
0x67: {  	[sflag:s12] =	ssyncadd.s32 $0xFFFFEC00  }
0x68: {  	[spmem:s0] =	stream.linear.scatter [tilespmem:s11], [sflag:$0x9], $0x1400, $0x38;
	[tilespmem:$0x1EB18] =	vst v63  }
0x69: {  	_ =	swait.ge [sflag:s12], $0x1400  }
0x6a: {  	[sflag:s12] =	ssyncset.done $0x0  }
0x6b: {  	[sflag:s12] =	ssyncadd.s32 $0xFFFFEC00  }
0x6c: {  	[spmem:s1] =	stream.linear.scatter [tilespmem:s11], [sflag:$0x9], $0x1400, $0x38;
	[tilespmem:$0x1EB18] =	vst v63  }
0x6d: {  	_ =	swait.ge [sflag:s12], $0x1400  }
0x6e: {  	[sflag:s12] =	ssyncset.done $0x0  }
0x6f: {  	[sflag:s12] =	ssyncadd.s32 $0xFFFFEC00  }
0x70: {  	[spmem:s2] =	stream.linear.scatter [tilespmem:s11], [sflag:$0x9], $0x1400, $0x38;
	[tilespmem:$0x1EB18] =	vst v63  }
0x71: {  	_ =	swait.ge [sflag:s12], $0x1400  }
0x72: {  	[sflag:s12] =	ssyncset.done $0x0  }
0x73: {  	[sflag:s12] =	ssyncadd.s32 $0xFFFFEC00  }
0x74: {  	[spmem:s3] =	stream.linear.scatter [tilespmem:s11], [sflag:$0x9], $0x1400, $0x38;
	[tilespmem:$0x1EB18] =	vst v63  }
0x75: {  	_ =	swait.ge [sflag:s12], $0x1400  }
0x76: {  	[sflag:s12] =	ssyncset.done $0x0  }
0x77: {  	[sflag:s12] =	ssyncadd.s32 $0xFFFFEC00  }
0x78: {  	[spmem:s4] =	stream.linear.scatter [tilespmem:s11], [sflag:$0x9], $0x1400, $0x38;
	[tilespmem:$0x1EB18] =	vst v63  }
0x79: {  	_ =	swait.ge [sflag:s12], $0x1400  }
0x7a: {  	[sflag:s12] =	ssyncset.done $0x0  }
0x7b: {  	[sflag:s12] =	ssyncadd.s32 $0xFFFFEC00  }
0x7c: {  	[spmem:s5] =	stream.linear.scatter [tilespmem:s11], [sflag:$0x9], $0x1400, $0x38;
	[tilespmem:$0x1EB18] =	vst v63  }
0x7d: {  	_ =	swait.ge [sflag:s12], $0x1400  }
0x7e: {  	[sflag:s12] =	ssyncset.done $0x0  }
0x7f: {  	[sflag:s12] =	ssyncadd.s32 $0xFFFFEC00  }
0x80: {  	[spmem:s6] =	stream.linear.scatter [tilespmem:s11], [sflag:$0x9], $0x1400, $0x38;
	[tilespmem:$0x1EB18] =	vst v63  }
0x81: {  	_ =	swait.ge [sflag:s12], $0x1400  }
0x82: {  	[sflag:s12] =	ssyncset.done $0x0  }
0x83: {  	[sflag:s12] =	ssyncadd.s32 $0xFFFFEC00  }
0x84: {  	[spmem:s7] =	stream.linear.scatter [tilespmem:s11], [sflag:$0x9], $0x1400, $0x38;
	[tilespmem:$0x1EB18] =	vst v63  }
0x85: {  	_ =	swait.ge [sflag:s12], $0x1400  }
0x86: {  	[sflag:s12] =	ssyncset.done $0x0  }
0x87: {  	[sflag:s12] =	ssyncadd.s32 $0xFFFFEC00  }
0x88: {  	[spmem:s25] =	stream.linear.scatter [tilespmem:s11], [sflag:$0x9], $0xC80, $0x38;
	[tilespmem:$0x1EB18] =	vst v63  }
0x89: {  	_ =	swait.ge [sflag:s12], $0xC80  }
0x8a: {  	[sflag:s12] =	ssyncset.done $0x0  }
0x8b: {  	s26 =	simm.s32 $0x7;
	[sflag:s12] =	ssyncadd.s32 $0xFFFFF380  }
0x8c: {  	_ =	swait.ge [sflag:s26], $0x2710  }
0x8d: {  	[sflag:s26] =	ssyncset.done $0x0  }
0x8e: {  	[sflag:s26] =	ssyncadd.s32 $0xFFFFD8F0  }
0x8f: {  	[tilespmem:s11], [sflag:$0x1] =	stream.indirect.gather [hbm4b:s18+s14], $0x80, s29, s14, $0xb8;
	[tilespmem:$0x1EB18] =	vst v63  }
0x90: {  	s28 =	simm.s32 $0x138A8  }
0x91: {  	[tilespmem:s15], [sflag:$0x2] =	stream.indirect.gather [hbm4b:s18+s14], $0x80, s28, s14, $0xb8;
	[tilespmem:$0x1EB18] =	vst v63  }
0x92: {  	s29 =	simm.s32 $0x138D0  }
0x93: {  	[tilespmem:s16], [sflag:$0x3] =	stream.indirect.gather [hbm4b:s18+s14], $0x80, s29, s14, $0xb8;
	[tilespmem:$0x1EB18] =	vst v63  }
0x94: {  	s26 =	simm.s32 $0x138F8  }
0x95: {  	[tilespmem:s17], [sflag:$0x4] =	stream.indirect.gather [hbm4b:s18+s14], $0x80, s26, s14, $0xb8;
	[tilespmem:$0x1EB18] =	vst v63  }
0x96: {  	s28 =	simm.s32 $0x13920;
	s29 =	simm.s32 $0x8  }
0x97: {  	[tilespmem:s21], [sflag:$0x5] =	stream.indirect.gather [hbm4b:s18+s14], $0x80, s28, s14, $0xb8;
	[tilespmem:$0x1EB18] =	vst v63  }
0x98: {  	_ =	swait.ge [sflag:s29], $0x1388  }
0x99: {  	s30 =	smov.u32 s31;
	s31 =	smov.u32 s19;
	[sflag:s29] =	ssyncset.done $0x0  }
0x9a: {  	s19 =	smov.u32 s0;
	s0 =	smov.u32 s1;
	[sflag:s29] =	ssyncadd.s32 $0xFFFFEC78  }
0x9b: {  	s1 =	smov.u32 s2;
	s2 =	smov.u32 s3;
	[bflag:$0x0] =	sbarrier.arrive $0xFFFF  }
0x9c: {  	s3 =	smov.u32 s4;
	s4 =	smov.u32 s5;
	_ =	swait.ge [sflag:s23], $0x1400  }
0x9d: {  	s5 =	smov.u32 s6;
	s6 =	smov.u32 s7;
	[sflag:s23] =	ssyncset.done $0x0  }
0x9e: {  	s7 =	smov.u32 s25;
	s25 =	simm.s32 $0x13948;
	[sflag:s23] =	ssyncadd.s32 $0xFFFFEC00  }
0x9f: {  	[tilespmem:s9], [sflag:$0x6] =	stream.indirect.gather [hbm4b:s18+s14], $0x80, s25, s14, $0xb8;
	[tilespmem:$0x1EB18] =	vst v63  }
0xa0: {  	s28 =	simm.s32 $0x15F90  }
0xa1: {  	[spmem:s20] =	stream.indirect.scatter.add.f32 [tilespmem:s11], [sflag:$0x9], $0x80, s28, s14, $0xb8;
	[tilespmem:$0x1EB18] =	vst v63  }
0xa2: {  	_ =	swait.ge [sflag:s12], $0x1400  }
0xa3: {  	[sflag:s12] =	ssyncset.done $0x0  }
0xa4: {  	[sflag:s12] =	ssyncadd.s32 $0xFFFFEC00  }
0xa5: {  	_ =	swait.ge [sflag:s10], $0x1400  }
0xa6: {  	[sflag:s10] =	ssyncset.done $0x0  }
0xa7: {  	s29 =	simm.s32 $0x13970;
	[sflag:s10] =	ssyncadd.s32 $0xFFFFEC00  }
0xa8: {  	[tilespmem:s11], [sflag:$0x1] =	stream.indirect.gather [hbm4b:s18+s14], $0x80, s29, s14, $0xb8;
	[tilespmem:$0x1EB18] =	vst v63  }
0xa9: {  	s25 =	simm.s32 $0x15FB8  }
0xaa: {  	[spmem:s20] =	stream.indirect.scatter.add.f32 [tilespmem:s15], [sflag:$0x9], $0x80, s25, s14, $0xb8;
	[tilespmem:$0x1EB18] =	vst v63  }
0xab: {  	_ =	swait.ge [sflag:s12], $0x1400  }
0xac: {  	[sflag:s12] =	ssyncset.done $0x0  }
0xad: {  	[sflag:s12] =	ssyncadd.s32 $0xFFFFEC00  }
0xae: {  	_ =	swait.ge [sflag:s8], $0x1400  }
0xaf: {  	[sflag:s8] =	ssyncset.done $0x0  }
0xb0: {  	s28 =	simm.s32 $0x13998;
	[sflag:s8] =	ssyncadd.s32 $0xFFFFEC00  }
0xb1: {  	[tilespmem:s15], [sflag:$0x2] =	stream.indirect.gather [hbm4b:s18+s14], $0x80, s28, s14, $0xb8;
	[tilespmem:$0x1EB18] =	vst v63  }
0xb2: {  	s29 =	simm.s32 $0x15FE0  }
0xb3: {  	[spmem:s20] =	stream.indirect.scatter.add.f32 [tilespmem:s16], [sflag:$0x9], $0x80, s29, s14, $0xb8;
	[tilespmem:$0x1EB18] =	vst v63  }
0xb4: {  	_ =	swait.ge [sflag:s12], $0x1400  }
0xb5: {  	[sflag:s12] =	ssyncset.done $0x0  }
0xb6: {  	[sflag:s12] =	ssyncadd.s32 $0xFFFFEC00  }
0xb7: {  	_ =	swait.ge [sflag:s13], $0x1400  }
0xb8: {  	[sflag:s13] =	ssyncset.done $0x0  }
0xb9: {  	s25 =	simm.s32 $0x139C0;
	[sflag:s13] =	ssyncadd.s32 $0xFFFFEC00  }
0xba: {  	[tilespmem:s16], [sflag:$0x3] =	stream.indirect.gather [hbm4b:s18+s14], $0x80, s25, s14, $0xb8;
	[tilespmem:$0x1EB18] =	vst v63  }
0xbb: {  	s28 =	simm.s32 $0x16008  }
0xbc: {  	[spmem:s20] =	stream.indirect.scatter.add.f32 [tilespmem:s17], [sflag:$0x9], $0x80, s28, s14, $0xb8;
	[tilespmem:$0x1EB18] =	vst v63  }
0xbd: {  	_ =	swait.ge [sflag:s12], $0x1400  }
0xbe: {  	[sflag:s12] =	ssyncset.done $0x0  }
0xbf: {  	[sflag:s12] =	ssyncadd.s32 $0xFFFFEC00  }
0xc0: {  	_ =	swait.ge [sflag:s22], $0x1400  }
0xc1: {  	[sflag:s22] =	ssyncset.done $0x0  }
0xc2: {  	s29 =	simm.s32 $0x139E8;
	[sflag:s22] =	ssyncadd.s32 $0xFFFFEC00  }
0xc3: {  	[tilespmem:s17], [sflag:$0x4] =	stream.indirect.gather [hbm4b:s18+s14], $0x80, s29, s14, $0xb8;
	[tilespmem:$0x1EB18] =	vst v63  }
0xc4: {  	s25 =	simm.s32 $0x16030  }
0xc5: {  	[spmem:s20] =	stream.indirect.scatter.add.f32 [tilespmem:s21], [sflag:$0x9], $0x80, s25, s14, $0xb8;
	[tilespmem:$0x1EB18] =	vst v63  }
0xc6: {  	_ =	swait.ge [sflag:s12], $0x1400  }
0xc7: {  	[sflag:s12] =	ssyncset.done $0x0  }
0xc8: {  	[sflag:s12] =	ssyncadd.s32 $0xFFFFEC00  }
0xc9: {  	_ =	swait.ge [sflag:s24], $0x1400  }
0xca: {  	[sflag:s24] =	ssyncset.done $0x0  }
0xcb: {  	s28 =	simm.s32 $0x13A10;
	[sflag:s24] =	ssyncadd.s32 $0xFFFFEC00  }
0xcc: {  	[tilespmem:s21], [sflag:$0x5] =	stream.indirect.gather [hbm4b:s18+s14], $0x80, s28, s14, $0xb8;
	[tilespmem:$0x1EB18] =	vst v63  }
0xcd: {  	s29 =	simm.s32 $0x16058  }
0xce: {  	[spmem:s20] =	stream.indirect.scatter.add.f32 [tilespmem:s9], [sflag:$0x9], $0x80, s29, s14, $0xb8;
	[tilespmem:$0x1EB18] =	vst v63  }
0xcf: {  	_ =	swait.ge [sflag:s12], $0x1400  }
0xd0: {  	s26 =	simm.s32 $0x3C0;
	[sflag:s12] =	ssyncset.done $0x0  }
.LBB2_4:
0xd1: {  	p0 =	sne.s32 s26, $0x4380  }
0xd2: {  	[sflag:s12] =	ssyncadd.s32 $0xFFFFEC00;
	s28 =	smov.u32 s26;
	s26 =	sadd.s32 $0x3C0, s26  }
0xd3: {  	_ = 	snop  }
0xd4: {  	_ =	swait.ge [sflag:s23], $0x1400  }
0xd5: {  	s28 =	sshra.s32 s28, $0x2;
	[sflag:s23] =	ssyncset.done $0x0  }
0xd6: {  	s29 =	sadd.s32 $0x13948, s28;
	[sflag:s23] =	ssyncadd.s32 $0xFFFFEC00  }
0xd7: {  	[tilespmem:s9], [sflag:$0x6] =	stream.indirect.gather [hbm4b:s18+s14], $0x80, s29, s14, $0xb8;
	[tilespmem:$0x1EB18] =	vst v63  }
0xd8: {  	s29 =	sadd.s32 $0x15F90, s28  }
0xd9: {  	[spmem:s20] =	stream.indirect.scatter.add.f32 [tilespmem:s11], [sflag:$0x9], $0x80, s29, s14, $0xb8;
	[tilespmem:$0x1EB18] =	vst v63  }
0xda: {  	_ =	swait.ge [sflag:s12], $0x1400  }
0xdb: {  	[sflag:s12] =	ssyncset.done $0x0  }
0xdc: {  	[sflag:s12] =	ssyncadd.s32 $0xFFFFEC00  }
0xdd: {  	_ =	swait.ge [sflag:s10], $0x1400  }
0xde: {  	[sflag:s10] =	ssyncset.done $0x0  }
0xdf: {  	s29 =	sadd.s32 $0x13970, s28;
	[sflag:s10] =	ssyncadd.s32 $0xFFFFEC00  }
0xe0: {  	[tilespmem:s11], [sflag:$0x1] =	stream.indirect.gather [hbm4b:s18+s14], $0x80, s29, s14, $0xb8;
	[tilespmem:$0x1EB18] =	vst v63  }
0xe1: {  	s29 =	sadd.s32 $0x15FB8, s28  }
0xe2: {  	[spmem:s20] =	stream.indirect.scatter.add.f32 [tilespmem:s15], [sflag:$0x9], $0x80, s29, s14, $0xb8;
	[tilespmem:$0x1EB18] =	vst v63  }
0xe3: {  	_ =	swait.ge [sflag:s12], $0x1400  }
0xe4: {  	[sflag:s12] =	ssyncset.done $0x0  }
0xe5: {  	[sflag:s12] =	ssyncadd.s32 $0xFFFFEC00  }
0xe6: {  	_ =	swait.ge [sflag:s8], $0x1400  }
0xe7: {  	[sflag:s8] =	ssyncset.done $0x0  }
0xe8: {  	s29 =	sadd.s32 $0x13998, s28;
	[sflag:s8] =	ssyncadd.s32 $0xFFFFEC00  }
0xe9: {  	[tilespmem:s15], [sflag:$0x2] =	stream.indirect.gather [hbm4b:s18+s14], $0x80, s29, s14, $0xb8;
	[tilespmem:$0x1EB18] =	vst v63  }
0xea: {  	s29 =	sadd.s32 $0x15FE0, s28  }
0xeb: {  	[spmem:s20] =	stream.indirect.scatter.add.f32 [tilespmem:s16], [sflag:$0x9], $0x80, s29, s14, $0xb8;
	[tilespmem:$0x1EB18] =	vst v63  }
0xec: {  	_ =	swait.ge [sflag:s12], $0x1400  }
0xed: {  	[sflag:s12] =	ssyncset.done $0x0  }
0xee: {  	[sflag:s12] =	ssyncadd.s32 $0xFFFFEC00  }
0xef: {  	_ =	swait.ge [sflag:s13], $0x1400  }
0xf0: {  	[sflag:s13] =	ssyncset.done $0x0  }
0xf1: {  	s29 =	sadd.s32 $0x139C0, s28;
	[sflag:s13] =	ssyncadd.s32 $0xFFFFEC00  }
0xf2: {  	[tilespmem:s16], [sflag:$0x3] =	stream.indirect.gather [hbm4b:s18+s14], $0x80, s29, s14, $0xb8;
	[tilespmem:$0x1EB18] =	vst v63  }
0xf3: {  	s29 =	sadd.s32 $0x16008, s28  }
0xf4: {  	[spmem:s20] =	stream.indirect.scatter.add.f32 [tilespmem:s17], [sflag:$0x9], $0x80, s29, s14, $0xb8;
	[tilespmem:$0x1EB18] =	vst v63  }
0xf5: {  	_ =	swait.ge [sflag:s12], $0x1400  }
0xf6: {  	[sflag:s12] =	ssyncset.done $0x0  }
0xf7: {  	[sflag:s12] =	ssyncadd.s32 $0xFFFFEC00  }
0xf8: {  	_ =	swait.ge [sflag:s22], $0x1400  }
0xf9: {  	[sflag:s22] =	ssyncset.done $0x0  }
0xfa: {  	s29 =	sadd.s32 $0x139E8, s28;
	[sflag:s22] =	ssyncadd.s32 $0xFFFFEC00  }
0xfb: {  	[tilespmem:s17], [sflag:$0x4] =	stream.indirect.gather [hbm4b:s18+s14], $0x80, s29, s14, $0xb8;
	[tilespmem:$0x1EB18] =	vst v63  }
0xfc: {  	s29 =	sadd.s32 $0x16030, s28  }
0xfd: {  	[spmem:s20] =	stream.indirect.scatter.add.f32 [tilespmem:s21], [sflag:$0x9], $0x80, s29, s14, $0xb8;
	[tilespmem:$0x1EB18] =	vst v63  }
0xfe: {  	_ =	swait.ge [sflag:s12], $0x1400  }
0xff: {  	[sflag:s12] =	ssyncset.done $0x0  }
0x100: {  	[sflag:s12] =	ssyncadd.s32 $0xFFFFEC00  }
0x101: {  	_ =	swait.ge [sflag:s24], $0x1400  }
0x102: {  	[sflag:s24] =	ssyncset.done $0x0  }
0x103: {  	s29 =	sadd.s32 $0x13A10, s28;
	[sflag:s24] =	ssyncadd.s32 $0xFFFFEC00  }
0x104: {  	[tilespmem:s21], [sflag:$0x5] =	stream.indirect.gather [hbm4b:s18+s14], $0x80, s29, s14, $0xb8;
	[tilespmem:$0x1EB18] =	vst v63  }
.Ltmp1:
0x105: {  	_ = 	snop;
	(pc) =	sbr.rel @p0 .LBB2_4-.Ltmp1, $4  }
0x106: {  	s28 =	sadd.s32 $0x16058, s28  }
0x107: {  	[spmem:s20] =	stream.indirect.scatter.add.f32 [tilespmem:s9], [sflag:$0x9], $0x80, s28, s14, $0xb8;
	[tilespmem:$0x1EB18] =	vst v63  }
0x108: {  	_ =	swait.ge [sflag:s12], $0x1400  }
0x109: {  	[sflag:s12] =	ssyncset.done $0x0  }
0x10a: {  	[sflag:s12] =	ssyncadd.s32 $0xFFFFEC00  }
0x10b: {  	_ =	swait.ge [sflag:s23], $0x1400  }
0x10c: {  	[sflag:s23] =	ssyncset.done $0x0  }
0x10d: {  	s25 =	simm.s32 $0x14B18;
	[sflag:s23] =	ssyncadd.s32 $0xFFFFEC00  }
0x10e: {  	[tilespmem:s9], [sflag:$0x6] =	stream.indirect.gather [hbm4b:s18+s14], $0x80, s25, s14, $0xb8;
	[tilespmem:$0x1EB18] =	vst v63  }
0x10f: {  	s25 =	simm.s32 $0x17160  }
0x110: {  	[spmem:s20] =	stream.indirect.scatter.add.f32 [tilespmem:s11], [sflag:$0x9], $0x80, s25, s14, $0xb8;
	[tilespmem:$0x1EB18] =	vst v63  }
0x111: {  	_ =	swait.ge [sflag:s12], $0x1400  }
0x112: {  	[sflag:s12] =	ssyncset.done $0x0  }
0x113: {  	[sflag:s12] =	ssyncadd.s32 $0xFFFFEC00  }
0x114: {  	_ =	swait.ge [sflag:s10], $0x1400  }
0x115: {  	[sflag:s10] =	ssyncset.done $0x0  }
0x116: {  	s26 =	simm.s32 $0x14B40;
	[sflag:s10] =	ssyncadd.s32 $0xFFFFEC00  }
0x117: {  	[tilespmem:s11], [sflag:$0x1] =	stream.indirect.gather [hbm4b:s18+s14], $0x80, s26, s14, $0xb8;
	[tilespmem:$0x1EB18] =	vst v63  }
0x118: {  	s29 =	simm.s32 $0x17188  }
0x119: {  	[spmem:s20] =	stream.indirect.scatter.add.f32 [tilespmem:s15], [sflag:$0x9], $0x80, s29, s14, $0xb8;
	[tilespmem:$0x1EB18] =	vst v63  }
0x11a: {  	_ =	swait.ge [sflag:s12], $0x1400  }
0x11b: {  	[sflag:s12] =	ssyncset.done $0x0  }
0x11c: {  	[sflag:s12] =	ssyncadd.s32 $0xFFFFEC00  }
0x11d: {  	_ =	swait.ge [sflag:s8], $0x1400  }
0x11e: {  	[sflag:s8] =	ssyncset.done $0x0  }
0x11f: {  	s28 =	simm.s32 $0x14B68;
	[sflag:s8] =	ssyncadd.s32 $0xFFFFEC00  }
0x120: {  	[tilespmem:s15], [sflag:$0x2] =	stream.indirect.gather [hbm4b:s18+s14], $0x80, s28, s14, $0xb8;
	[tilespmem:$0x1EB18] =	vst v63  }
0x121: {  	s29 =	simm.s32 $0x171B0  }
0x122: {  	[spmem:s20] =	stream.indirect.scatter.add.f32 [tilespmem:s16], [sflag:$0x9], $0x80, s29, s14, $0xb8;
	[tilespmem:$0x1EB18] =	vst v63  }
0x123: {  	_ =	swait.ge [sflag:s12], $0x1400  }
0x124: {  	[sflag:s12] =	ssyncset.done $0x0  }
0x125: {  	[sflag:s12] =	ssyncadd.s32 $0xFFFFEC00  }
0x126: {  	_ =	swait.ge [sflag:s13], $0x1400  }
0x127: {  	[sflag:s13] =	ssyncset.done $0x0  }
0x128: {  	s28 =	simm.s32 $0x14B90;
	[sflag:s13] =	ssyncadd.s32 $0xFFFFEC00  }
0x129: {  	[tilespmem:s16], [sflag:$0x3] =	stream.indirect.gather [hbm4b:s18+s14], $0x80, s28, s14, $0xb8;
	[tilespmem:$0x1EB18] =	vst v63  }
0x12a: {  	s29 =	simm.s32 $0x171D8  }
0x12b: {  	[spmem:s20] =	stream.indirect.scatter.add.f32 [tilespmem:s17], [sflag:$0x9], $0x80, s29, s14, $0xb8;
	[tilespmem:$0x1EB18] =	vst v63  }
0x12c: {  	_ =	swait.ge [sflag:s12], $0x1400  }
0x12d: {  	[sflag:s12] =	ssyncset.done $0x0  }
0x12e: {  	[sflag:s12] =	ssyncadd.s32 $0xFFFFEC00  }
0x12f: {  	_ =	swait.ge [sflag:s22], $0x1400  }
0x130: {  	[sflag:s22] =	ssyncset.done $0x0  }
0x131: {  	s28 =	simm.s32 $0x14BB8;
	[sflag:s22] =	ssyncadd.s32 $0xFFFFEC00  }
0x132: {  	[tilespmem:s17], [sflag:$0x4] =	stream.indirect.gather [hbm4b:s18+s14], $0x80, s28, s14, $0xb8;
	[tilespmem:$0x1EB18] =	vst v63  }
0x133: {  	s29 =	simm.s32 $0x17200  }
0x134: {  	[spmem:s20] =	stream.indirect.scatter.add.f32 [tilespmem:s21], [sflag:$0x9], $0x80, s29, s14, $0xb8;
	[tilespmem:$0x1EB18] =	vst v63  }
0x135: {  	_ =	swait.ge [sflag:s12], $0x1400  }
0x136: {  	[sflag:s12] =	ssyncset.done $0x0  }
0x137: {  	[sflag:s12] =	ssyncadd.s32 $0xFFFFEC00  }
0x138: {  	_ =	swait.ge [sflag:s24], $0x1400  }
0x139: {  	[sflag:s24] =	ssyncset.done $0x0  }
0x13a: {  	s28 =	simm.s32 $0x14BE0;
	[sflag:s24] =	ssyncadd.s32 $0xFFFFEC00  }
0x13b: {  	[tilespmem:s21], [sflag:$0x5] =	stream.indirect.gather [hbm4b:s18+s14], $0x80, s28, s14, $0xb8;
	[tilespmem:$0x1EB18] =	vst v63  }
0x13c: {  	s29 =	simm.s32 $0x17228  }
0x13d: {  	[spmem:s20] =	stream.indirect.scatter.add.f32 [tilespmem:s9], [sflag:$0x9], $0x80, s29, s14, $0xb8;
	[tilespmem:$0x1EB18] =	vst v63  }
0x13e: {  	_ =	swait.ge [sflag:s12], $0x1400  }
0x13f: {  	[sflag:s12] =	ssyncset.done $0x0  }
0x140: {  	[sflag:s12] =	ssyncadd.s32 $0xFFFFEC00  }
0x141: {  	_ =	swait.ge [sflag:s23], $0x1400  }
0x142: {  	[sflag:s23] =	ssyncset.done $0x0  }
0x143: {  	s28 =	simm.s32 $0x14C08;
	[sflag:s23] =	ssyncadd.s32 $0xFFFFEC00  }
0x144: {  	[tilespmem:s9], [sflag:$0x6] =	stream.indirect.gather [hbm4b:s18+s14], $0x80, s28, s14, $0xb8;
	[tilespmem:$0x1EB18] =	vst v63  }
0x145: {  	s29 =	simm.s32 $0x17250  }
0x146: {  	[spmem:s20] =	stream.indirect.scatter.add.f32 [tilespmem:s11], [sflag:$0x9], $0x80, s29, s14, $0xb8;
	[tilespmem:$0x1EB18] =	vst v63  }
0x147: {  	_ =	swait.ge [sflag:s12], $0x1400  }
0x148: {  	[sflag:s12] =	ssyncset.done $0x0  }
0x149: {  	[sflag:s12] =	ssyncadd.s32 $0xFFFFEC00  }
0x14a: {  	_ =	swait.ge [sflag:s10], $0x1400  }
0x14b: {  	[sflag:s10] =	ssyncset.done $0x0  }
0x14c: {  	s28 =	simm.s32 $0x14C30;
	[sflag:s10] =	ssyncadd.s32 $0xFFFFEC00  }
0x14d: {  	[tilespmem:s11], [sflag:$0x1] =	stream.indirect.gather [hbm4b:s18+s14], $0x80, s28, s14, $0xb8;
	[tilespmem:$0x1EB18] =	vst v63  }
0x14e: {  	s29 =	simm.s32 $0x17278  }
0x14f: {  	[spmem:s20] =	stream.indirect.scatter.add.f32 [tilespmem:s15], [sflag:$0x9], $0x80, s29, s14, $0xb8;
	[tilespmem:$0x1EB18] =	vst v63  }
0x150: {  	_ =	swait.ge [sflag:s12], $0x1400  }
0x151: {  	[sflag:s12] =	ssyncset.done $0x0  }
0x152: {  	[sflag:s12] =	ssyncadd.s32 $0xFFFFEC00  }
0x153: {  	_ =	swait.ge [sflag:s8], $0x1400  }
0x154: {  	[sflag:s8] =	ssyncset.done $0x0  }
0x155: {  	s28 =	simm.s32 $0x14C58;
	[sflag:s8] =	ssyncadd.s32 $0xFFFFEC00  }
0x156: {  	[tilespmem:s15], [sflag:$0x2] =	stream.indirect.gather [hbm4b:s18+s14], $0x80, s28, s14, $0xb8;
	[tilespmem:$0x1EB18] =	vst v63  }
0x157: {  	s29 =	simm.s32 $0x172A0  }
0x158: {  	[spmem:s20] =	stream.indirect.scatter.add.f32 [tilespmem:s16], [sflag:$0x9], $0x80, s29, s14, $0xb8;
	[tilespmem:$0x1EB18] =	vst v63  }
0x159: {  	_ =	swait.ge [sflag:s12], $0x1400  }
0x15a: {  	[sflag:s12] =	ssyncset.done $0x0  }
0x15b: {  	[sflag:s12] =	ssyncadd.s32 $0xFFFFEC00  }
0x15c: {  	_ =	swait.ge [sflag:s13], $0x1400  }
0x15d: {  	[sflag:s13] =	ssyncset.done $0x0  }
0x15e: {  	s28 =	simm.s32 $0x14C80;
	[sflag:s13] =	ssyncadd.s32 $0xFFFFEC00  }
0x15f: {  	[tilespmem:s16], [sflag:$0x3] =	stream.indirect.gather [hbm4b:s18+s14], $0x80, s28, s14, $0xb8;
	[tilespmem:$0x1EB18] =	vst v63  }
0x160: {  	s29 =	simm.s32 $0x172C8  }
0x161: {  	[spmem:s20] =	stream.indirect.scatter.add.f32 [tilespmem:s17], [sflag:$0x9], $0x80, s29, s14, $0xb8;
	[tilespmem:$0x1EB18] =	vst v63  }
0x162: {  	_ =	swait.ge [sflag:s12], $0x1400  }
0x163: {  	[sflag:s12] =	ssyncset.done $0x0  }
0x164: {  	[sflag:s12] =	ssyncadd.s32 $0xFFFFEC00  }
0x165: {  	_ =	swait.ge [sflag:s22], $0x1400  }
0x166: {  	[sflag:s22] =	ssyncset.done $0x0  }
0x167: {  	s28 =	simm.s32 $0x14CA8;
	[sflag:s22] =	ssyncadd.s32 $0xFFFFEC00  }
0x168: {  	[tilespmem:s17], [sflag:$0x4] =	stream.indirect.gather [hbm4b:s18+s14], $0x80, s28, s14, $0xb8;
	[tilespmem:$0x1EB18] =	vst v63  }
0x169: {  	s29 =	simm.s32 $0x172F0  }
0x16a: {  	[spmem:s20] =	stream.indirect.scatter.add.f32 [tilespmem:s21], [sflag:$0x9], $0x80, s29, s14, $0xb8;
	[tilespmem:$0x1EB18] =	vst v63  }
0x16b: {  	_ =	swait.ge [sflag:s12], $0x1400  }
0x16c: {  	s26 =	simm.s32 $0x0;
	[sflag:s12] =	ssyncset.done $0x0  }
0x16d: {  	s29 =	simm.s32 $0x15F90;
	s28 =	rddreg [dreg:$0x5];
	[sflag:s12] =	ssyncadd.s32 $0xFFFFEC00  }
0x16e: {  	[tilespmem:s29], [sflag:$0x9] =	stream.linear.gather [hbm4b:s28+s26], $0x1388, $0x38;
	[tilespmem:$0x1EB18] =	vst v63  }
0x16f: {  	_ =	swait.ge [sflag:s12], $0x1388  }
0x170: {  	[sflag:s12] =	ssyncset.done $0x0  }
0x171: {  	[sflag:s12] =	ssyncadd.s32 $0xFFFFEC78  }
0x172: {  	_ =	swait.ge [sflag:s24], $0x1400  }
0x173: {  	[sflag:s24] =	ssyncset.done $0x0  }
0x174: {  	s28 =	simm.s32 $0x14CD0;
	[sflag:s24] =	ssyncadd.s32 $0xFFFFEC00  }
0x175: {  	[tilespmem:s21], [sflag:$0x5] =	stream.indirect.gather [hbm4b:s18+s14], $0x80, s28, s14, $0xb8;
	[tilespmem:$0x1EB18] =	vst v63  }
0x176: {  	s29 =	simm.s32 $0x15F90  }
0x177: {  	[spmem:s20] =	stream.indirect.scatter.add.f32 [tilespmem:s9], [sflag:$0x9], $0x80, s29, s14, $0xb8;
	[tilespmem:$0x1EB18] =	vst v63  }
0x178: {  	_ =	swait.ge [sflag:s12], $0x1400  }
0x179: {  	[sflag:s12] =	ssyncset.done $0x0  }
0x17a: {  	[sflag:s12] =	ssyncadd.s32 $0xFFFFEC00  }
0x17b: {  	_ =	swait.ge [sflag:s23], $0x1400  }
0x17c: {  	[sflag:s23] =	ssyncset.done $0x0  }
0x17d: {  	s28 =	simm.s32 $0x14CF8;
	[sflag:s23] =	ssyncadd.s32 $0xFFFFEC00  }
0x17e: {  	[tilespmem:s9], [sflag:$0x6] =	stream.indirect.gather [hbm4b:s18+s14], $0x80, s28, s14, $0xb8;
	[tilespmem:$0x1EB18] =	vst v63  }
0x17f: {  	s29 =	simm.s32 $0x15FB8  }
0x180: {  	[spmem:s20] =	stream.indirect.scatter.add.f32 [tilespmem:s11], [sflag:$0x9], $0x80, s29, s14, $0xb8;
	[tilespmem:$0x1EB18] =	vst v63  }
0x181: {  	_ =	swait.ge [sflag:s12], $0x1400  }
0x182: {  	[sflag:s12] =	ssyncset.done $0x0  }
0x183: {  	[sflag:s12] =	ssyncadd.s32 $0xFFFFEC00  }
0x184: {  	_ =	swait.ge [sflag:s10], $0x1400  }
0x185: {  	[sflag:s10] =	ssyncset.done $0x0  }
0x186: {  	s28 =	simm.s32 $0x14D20;
	[sflag:s10] =	ssyncadd.s32 $0xFFFFEC00  }
0x187: {  	[tilespmem:s11], [sflag:$0x1] =	stream.indirect.gather [hbm4b:s18+s14], $0x80, s28, s14, $0xb8;
	[tilespmem:$0x1EB18] =	vst v63  }
0x188: {  	s29 =	simm.s32 $0x15FE0  }
0x189: {  	[spmem:s20] =	stream.indirect.scatter.add.f32 [tilespmem:s15], [sflag:$0x9], $0x80, s29, s14, $0xb8;
	[tilespmem:$0x1EB18] =	vst v63  }
0x18a: {  	_ =	swait.ge [sflag:s12], $0x1400  }
0x18b: {  	[sflag:s12] =	ssyncset.done $0x0  }
0x18c: {  	[sflag:s12] =	ssyncadd.s32 $0xFFFFEC00  }
0x18d: {  	_ =	swait.ge [sflag:s8], $0x1400  }
0x18e: {  	[sflag:s8] =	ssyncset.done $0x0  }
0x18f: {  	s28 =	simm.s32 $0x14D48;
	[sflag:s8] =	ssyncadd.s32 $0xFFFFEC00  }
0x190: {  	[tilespmem:s15], [sflag:$0x2] =	stream.indirect.gather [hbm4b:s18+s14], $0x80, s28, s14, $0xb8;
	[tilespmem:$0x1EB18] =	vst v63  }
0x191: {  	s29 =	simm.s32 $0x16008  }
0x192: {  	[spmem:s20] =	stream.indirect.scatter.add.f32 [tilespmem:s16], [sflag:$0x9], $0x80, s29, s14, $0xb8;
	[tilespmem:$0x1EB18] =	vst v63  }
0x193: {  	_ =	swait.ge [sflag:s12], $0x1400  }
0x194: {  	[sflag:s12] =	ssyncset.done $0x0  }
0x195: {  	[sflag:s12] =	ssyncadd.s32 $0xFFFFEC00  }
0x196: {  	_ =	swait.ge [sflag:s13], $0x1400  }
0x197: {  	[sflag:s13] =	ssyncset.done $0x0  }
0x198: {  	s28 =	simm.s32 $0x14D70;
	[sflag:s13] =	ssyncadd.s32 $0xFFFFEC00  }
0x199: {  	[tilespmem:s16], [sflag:$0x3] =	stream.indirect.gather [hbm4b:s18+s14], $0x80, s28, s14, $0xb8;
	[tilespmem:$0x1EB18] =	vst v63  }
0x19a: {  	s29 =	simm.s32 $0x16030  }
0x19b: {  	[spmem:s20] =	stream.indirect.scatter.add.f32 [tilespmem:s17], [sflag:$0x9], $0x80, s29, s14, $0xb8;
	[tilespmem:$0x1EB18] =	vst v63  }
0x19c: {  	_ =	swait.ge [sflag:s12], $0x1400  }
0x19d: {  	[sflag:s12] =	ssyncset.done $0x0  }
0x19e: {  	[sflag:s12] =	ssyncadd.s32 $0xFFFFEC00  }
0x19f: {  	_ =	swait.ge [sflag:s22], $0x1400  }
0x1a0: {  	[sflag:s22] =	ssyncset.done $0x0  }
0x1a1: {  	s28 =	simm.s32 $0x14D98;
	[sflag:s22] =	ssyncadd.s32 $0xFFFFEC00  }
0x1a2: {  	[tilespmem:s17], [sflag:$0x4] =	stream.indirect.gather [hbm4b:s18+s14], $0x80, s28, s14, $0xb8;
	[tilespmem:$0x1EB18] =	vst v63  }
0x1a3: {  	s29 =	simm.s32 $0x16058  }
0x1a4: {  	[spmem:s20] =	stream.indirect.scatter.add.f32 [tilespmem:s21], [sflag:$0x9], $0x80, s29, s14, $0xb8;
	[tilespmem:$0x1EB18] =	vst v63  }
0x1a5: {  	_ =	swait.ge [sflag:s12], $0x1400  }
0x1a6: {  	s26 =	simm.s32 $0x3C0;
	[sflag:s12] =	ssyncset.done $0x0  }
.LBB2_6:
0x1a7: {  	p0 =	sne.s32 s26, $0x4380  }
0x1a8: {  	[sflag:s12] =	ssyncadd.s32 $0xFFFFEC00;
	s28 =	smov.u32 s26;
	s26 =	sadd.s32 $0x3C0, s26  }
0x1a9: {  	_ = 	snop  }
0x1aa: {  	_ =	swait.ge [sflag:s24], $0x1400  }
0x1ab: {  	s28 =	sshra.s32 s28, $0x2;
	[sflag:s24] =	ssyncset.done $0x0  }
0x1ac: {  	s29 =	sadd.s32 $0x14CD0, s28;
	[sflag:s24] =	ssyncadd.s32 $0xFFFFEC00  }
0x1ad: {  	[tilespmem:s21], [sflag:$0x5] =	stream.indirect.gather [hbm4b:s18+s14], $0x80, s29, s14, $0xb8;
	[tilespmem:$0x1EB18] =	vst v63  }
0x1ae: {  	s29 =	sadd.s32 $0x15F90, s28  }
0x1af: {  	[spmem:s20] =	stream.indirect.scatter.add.f32 [tilespmem:s9], [sflag:$0x9], $0x80, s29, s14, $0xb8;
	[tilespmem:$0x1EB18] =	vst v63  }
0x1b0: {  	_ =	swait.ge [sflag:s12], $0x1400  }
0x1b1: {  	[sflag:s12] =	ssyncset.done $0x0  }
0x1b2: {  	[sflag:s12] =	ssyncadd.s32 $0xFFFFEC00  }
0x1b3: {  	_ =	swait.ge [sflag:s23], $0x1400  }
0x1b4: {  	[sflag:s23] =	ssyncset.done $0x0  }
0x1b5: {  	s29 =	sadd.s32 $0x14CF8, s28;
	[sflag:s23] =	ssyncadd.s32 $0xFFFFEC00  }
0x1b6: {  	[tilespmem:s9], [sflag:$0x6] =	stream.indirect.gather [hbm4b:s18+s14], $0x80, s29, s14, $0xb8;
	[tilespmem:$0x1EB18] =	vst v63  }
0x1b7: {  	s29 =	sadd.s32 $0x15FB8, s28  }
0x1b8: {  	[spmem:s20] =	stream.indirect.scatter.add.f32 [tilespmem:s11], [sflag:$0x9], $0x80, s29, s14, $0xb8;
	[tilespmem:$0x1EB18] =	vst v63  }
0x1b9: {  	_ =	swait.ge [sflag:s12], $0x1400  }
0x1ba: {  	[sflag:s12] =	ssyncset.done $0x0  }
0x1bb: {  	[sflag:s12] =	ssyncadd.s32 $0xFFFFEC00  }
0x1bc: {  	_ =	swait.ge [sflag:s10], $0x1400  }
0x1bd: {  	[sflag:s10] =	ssyncset.done $0x0  }
0x1be: {  	s29 =	sadd.s32 $0x14D20, s28;
	[sflag:s10] =	ssyncadd.s32 $0xFFFFEC00  }
0x1bf: {  	[tilespmem:s11], [sflag:$0x1] =	stream.indirect.gather [hbm4b:s18+s14], $0x80, s29, s14, $0xb8;
	[tilespmem:$0x1EB18] =	vst v63  }
0x1c0: {  	s29 =	sadd.s32 $0x15FE0, s28  }
0x1c1: {  	[spmem:s20] =	stream.indirect.scatter.add.f32 [tilespmem:s15], [sflag:$0x9], $0x80, s29, s14, $0xb8;
	[tilespmem:$0x1EB18] =	vst v63  }
0x1c2: {  	_ =	swait.ge [sflag:s12], $0x1400  }
0x1c3: {  	[sflag:s12] =	ssyncset.done $0x0  }
0x1c4: {  	[sflag:s12] =	ssyncadd.s32 $0xFFFFEC00  }
0x1c5: {  	_ =	swait.ge [sflag:s8], $0x1400  }
0x1c6: {  	[sflag:s8] =	ssyncset.done $0x0  }
0x1c7: {  	s29 =	sadd.s32 $0x14D48, s28;
	[sflag:s8] =	ssyncadd.s32 $0xFFFFEC00  }
0x1c8: {  	[tilespmem:s15], [sflag:$0x2] =	stream.indirect.gather [hbm4b:s18+s14], $0x80, s29, s14, $0xb8;
	[tilespmem:$0x1EB18] =	vst v63  }
0x1c9: {  	s29 =	sadd.s32 $0x16008, s28  }
0x1ca: {  	[spmem:s20] =	stream.indirect.scatter.add.f32 [tilespmem:s16], [sflag:$0x9], $0x80, s29, s14, $0xb8;
	[tilespmem:$0x1EB18] =	vst v63  }
0x1cb: {  	_ =	swait.ge [sflag:s12], $0x1400  }
0x1cc: {  	[sflag:s12] =	ssyncset.done $0x0  }
0x1cd: {  	[sflag:s12] =	ssyncadd.s32 $0xFFFFEC00  }
0x1ce: {  	_ =	swait.ge [sflag:s13], $0x1400  }
0x1cf: {  	[sflag:s13] =	ssyncset.done $0x0  }
0x1d0: {  	s29 =	sadd.s32 $0x14D70, s28;
	[sflag:s13] =	ssyncadd.s32 $0xFFFFEC00  }
0x1d1: {  	[tilespmem:s16], [sflag:$0x3] =	stream.indirect.gather [hbm4b:s18+s14], $0x80, s29, s14, $0xb8;
	[tilespmem:$0x1EB18] =	vst v63  }
0x1d2: {  	s29 =	sadd.s32 $0x16030, s28  }
0x1d3: {  	[spmem:s20] =	stream.indirect.scatter.add.f32 [tilespmem:s17], [sflag:$0x9], $0x80, s29, s14, $0xb8;
	[tilespmem:$0x1EB18] =	vst v63  }
0x1d4: {  	_ =	swait.ge [sflag:s12], $0x1400  }
0x1d5: {  	[sflag:s12] =	ssyncset.done $0x0  }
0x1d6: {  	[sflag:s12] =	ssyncadd.s32 $0xFFFFEC00  }
0x1d7: {  	_ =	swait.ge [sflag:s22], $0x1400  }
0x1d8: {  	[sflag:s22] =	ssyncset.done $0x0  }
0x1d9: {  	s29 =	sadd.s32 $0x14D98, s28;
	[sflag:s22] =	ssyncadd.s32 $0xFFFFEC00  }
0x1da: {  	[tilespmem:s17], [sflag:$0x4] =	stream.indirect.gather [hbm4b:s18+s14], $0x80, s29, s14, $0xb8;
	[tilespmem:$0x1EB18] =	vst v63  }
.Ltmp2:
0x1db: {  	_ = 	snop;
	(pc) =	sbr.rel @p0 .LBB2_6-.Ltmp2, $4  }
0x1dc: {  	s28 =	sadd.s32 $0x16058, s28  }
0x1dd: {  	[spmem:s20] =	stream.indirect.scatter.add.f32 [tilespmem:s21], [sflag:$0x9], $0x80, s28, s14, $0xb8;
	[tilespmem:$0x1EB18] =	vst v63  }
0x1de: {  	_ =	swait.ge [sflag:s12], $0x1400  }
0x1df: {  	[sflag:s12] =	ssyncset.done $0x0  }
0x1e0: {  	[sflag:s12] =	ssyncadd.s32 $0xFFFFEC00  }
0x1e1: {  	_ =	swait.ge [sflag:s24], $0x1400  }
0x1e2: {  	[sflag:s24] =	ssyncset.done $0x0  }
0x1e3: {  	s26 =	simm.s32 $0x15EA0;
	[sflag:s24] =	ssyncadd.s32 $0xFFFFEC00  }
0x1e4: {  	[tilespmem:s21], [sflag:$0x5] =	stream.indirect.gather [hbm4b:s18+s14], $0x80, s26, s14, $0xb8;
	[tilespmem:$0x1EB18] =	vst v63  }
0x1e5: {  	_ = 	snop  }
0x1e6: {  	[spmem:s20] =	stream.indirect.scatter.add.f32 [tilespmem:s9], [sflag:$0x9], $0x80, s25, s14, $0xb8;
	[tilespmem:$0x1EB18] =	vst v63  }
0x1e7: {  	_ =	swait.ge [sflag:s12], $0x1400  }
0x1e8: {  	[sflag:s12] =	ssyncset.done $0x0  }
0x1e9: {  	[sflag:s12] =	ssyncadd.s32 $0xFFFFEC00  }
0x1ea: {  	_ =	swait.ge [sflag:s23], $0x1400  }
0x1eb: {  	[sflag:s23] =	ssyncset.done $0x0  }
0x1ec: {  	s26 =	simm.s32 $0x15EC8;
	[sflag:s23] =	ssyncadd.s32 $0xFFFFEC00  }
0x1ed: {  	[tilespmem:s9], [sflag:$0x6] =	stream.indirect.gather [hbm4b:s18+s14], $0x80, s26, s14, $0xb8;
	[tilespmem:$0x1EB18] =	vst v63  }
0x1ee: {  	s28 =	simm.s32 $0x17188  }
0x1ef: {  	[spmem:s20] =	stream.indirect.scatter.add.f32 [tilespmem:s11], [sflag:$0x9], $0x80, s28, s14, $0xb8;
	[tilespmem:$0x1EB18] =	vst v63  }
0x1f0: {  	_ =	swait.ge [sflag:s12], $0x1400  }
0x1f1: {  	[sflag:s12] =	ssyncset.done $0x0  }
0x1f2: {  	[sflag:s12] =	ssyncadd.s32 $0xFFFFEC00  }
0x1f3: {  	_ =	swait.ge [sflag:s10], $0x1400  }
0x1f4: {  	[sflag:s10] =	ssyncset.done $0x0  }
0x1f5: {  	s26 =	simm.s32 $0x15EF0;
	[sflag:s10] =	ssyncadd.s32 $0xFFFFEC00  }
0x1f6: {  	[tilespmem:s11], [sflag:$0x1] =	stream.indirect.gather [hbm4b:s18+s14], $0x80, s26, s14, $0xb8;
	[tilespmem:$0x1EB18] =	vst v63  }
0x1f7: {  	s28 =	simm.s32 $0x171B0  }
0x1f8: {  	[spmem:s20] =	stream.indirect.scatter.add.f32 [tilespmem:s15], [sflag:$0x9], $0x80, s28, s14, $0xb8;
	[tilespmem:$0x1EB18] =	vst v63  }
0x1f9: {  	_ =	swait.ge [sflag:s12], $0x1400  }
0x1fa: {  	[sflag:s12] =	ssyncset.done $0x0  }
0x1fb: {  	[sflag:s12] =	ssyncadd.s32 $0xFFFFEC00  }
0x1fc: {  	_ =	swait.ge [sflag:s8], $0x1400  }
0x1fd: {  	[sflag:s8] =	ssyncset.done $0x0  }
0x1fe: {  	s26 =	simm.s32 $0x15F18;
	[sflag:s8] =	ssyncadd.s32 $0xFFFFEC00  }
0x1ff: {  	[tilespmem:s15], [sflag:$0x2] =	stream.indirect.gather [hbm4b:s18+s14], $0x80, s26, s14, $0xb8;
	[tilespmem:$0x1EB18] =	vst v63  }
0x200: {  	s28 =	simm.s32 $0x171D8  }
0x201: {  	[spmem:s20] =	stream.indirect.scatter.add.f32 [tilespmem:s16], [sflag:$0x9], $0x80, s28, s14, $0xb8;
	[tilespmem:$0x1EB18] =	vst v63  }
0x202: {  	_ =	swait.ge [sflag:s12], $0x1400  }
0x203: {  	[sflag:s12] =	ssyncset.done $0x0  }
0x204: {  	[sflag:s12] =	ssyncadd.s32 $0xFFFFEC00  }
0x205: {  	_ =	swait.ge [sflag:s13], $0x1400  }
0x206: {  	[sflag:s13] =	ssyncset.done $0x0  }
0x207: {  	s26 =	simm.s32 $0x15F40;
	[sflag:s13] =	ssyncadd.s32 $0xFFFFEC00  }
0x208: {  	[tilespmem:s16], [sflag:$0x3] =	stream.indirect.gather [hbm4b:s18+s14], $0x80, s26, s14, $0xb8;
	[tilespmem:$0x1EB18] =	vst v63  }
0x209: {  	s28 =	simm.s32 $0x17200  }
0x20a: {  	[spmem:s20] =	stream.indirect.scatter.add.f32 [tilespmem:s17], [sflag:$0x9], $0x80, s28, s14, $0xb8;
	[tilespmem:$0x1EB18] =	vst v63  }
0x20b: {  	_ =	swait.ge [sflag:s12], $0x1400  }
0x20c: {  	[sflag:s12] =	ssyncset.done $0x0  }
0x20d: {  	[sflag:s12] =	ssyncadd.s32 $0xFFFFEC00  }
0x20e: {  	_ =	swait.ge [sflag:s22], $0x1400  }
0x20f: {  	[sflag:s22] =	ssyncset.done $0x0  }
0x210: {  	s26 =	simm.s32 $0x15F68;
	[sflag:s22] =	ssyncadd.s32 $0xFFFFEC00  }
0x211: {  	[tilespmem:s17], [sflag:$0x4] =	stream.indirect.gather [hbm4b:s18+s14], $0x80, s26, s14, $0xb8;
	[tilespmem:$0x1EB18] =	vst v63  }
0x212: {  	s28 =	simm.s32 $0x17228  }
0x213: {  	[spmem:s20] =	stream.indirect.scatter.add.f32 [tilespmem:s21], [sflag:$0x9], $0x80, s28, s14, $0xb8;
	[tilespmem:$0x1EB18] =	vst v63  }
0x214: {  	_ =	swait.ge [sflag:s12], $0x1400  }
0x215: {  	[sflag:s12] =	ssyncset.done $0x0  }
0x216: {  	[sflag:s12] =	ssyncadd.s32 $0xFFFFEC00  }
0x217: {  	_ =	swait.ge [sflag:s24], $0x1400  }
0x218: {  	[sflag:s24] =	ssyncset.done $0x0  }
0x219: {  	s26 =	simm.s32 $0x17250;
	[sflag:s24] =	ssyncadd.s32 $0xFFFFEC00  }
0x21a: {  	[spmem:s20] =	stream.indirect.scatter.add.f32 [tilespmem:s9], [sflag:$0x9], $0x80, s26, s14, $0xb8;
	[tilespmem:$0x1EB18] =	vst v63  }
0x21b: {  	_ =	swait.ge [sflag:s12], $0x1400  }
0x21c: {  	[sflag:s12] =	ssyncset.done $0x0  }
0x21d: {  	[sflag:s12] =	ssyncadd.s32 $0xFFFFEC00  }
0x21e: {  	_ =	swait.ge [sflag:s23], $0x1400  }
0x21f: {  	[sflag:s23] =	ssyncset.done $0x0  }
0x220: {  	s28 =	simm.s32 $0x17278;
	[sflag:s23] =	ssyncadd.s32 $0xFFFFEC00  }
0x221: {  	[spmem:s20] =	stream.indirect.scatter.add.f32 [tilespmem:s11], [sflag:$0x9], $0x80, s28, s14, $0xb8;
	[tilespmem:$0x1EB18] =	vst v63  }
0x222: {  	_ =	swait.ge [sflag:s12], $0x1400  }
0x223: {  	[sflag:s12] =	ssyncset.done $0x0  }
0x224: {  	[sflag:s12] =	ssyncadd.s32 $0xFFFFEC00  }
0x225: {  	_ =	swait.ge [sflag:s10], $0x1400  }
0x226: {  	[sflag:s10] =	ssyncset.done $0x0  }
0x227: {  	s26 =	simm.s32 $0x172A0;
	[sflag:s10] =	ssyncadd.s32 $0xFFFFEC00  }
0x228: {  	[spmem:s20] =	stream.indirect.scatter.add.f32 [tilespmem:s15], [sflag:$0x9], $0x80, s26, s14, $0xb8;
	[tilespmem:$0x1EB18] =	vst v63  }
0x229: {  	_ =	swait.ge [sflag:s12], $0x1400  }
0x22a: {  	[sflag:s12] =	ssyncset.done $0x0  }
0x22b: {  	[sflag:s12] =	ssyncadd.s32 $0xFFFFEC00  }
0x22c: {  	_ =	swait.ge [sflag:s8], $0x1400  }
0x22d: {  	[sflag:s8] =	ssyncset.done $0x0  }
0x22e: {  	s28 =	simm.s32 $0x172C8;
	[sflag:s8] =	ssyncadd.s32 $0xFFFFEC00  }
0x22f: {  	[spmem:s20] =	stream.indirect.scatter.add.f32 [tilespmem:s16], [sflag:$0x9], $0x80, s28, s14, $0xb8;
	[tilespmem:$0x1EB18] =	vst v63  }
0x230: {  	_ =	swait.ge [sflag:s12], $0x1400  }
0x231: {  	[sflag:s12] =	ssyncset.done $0x0  }
0x232: {  	[sflag:s12] =	ssyncadd.s32 $0xFFFFEC00  }
0x233: {  	_ =	swait.ge [sflag:s13], $0x1400  }
0x234: {  	[sflag:s13] =	ssyncset.done $0x0  }
0x235: {  	s26 =	simm.s32 $0x172F0;
	[sflag:s13] =	ssyncadd.s32 $0xFFFFEC00  }
0x236: {  	[spmem:s20] =	stream.indirect.scatter.add.f32 [tilespmem:s17], [sflag:$0x9], $0x80, s26, s14, $0xb8;
	[tilespmem:$0x1EB18] =	vst v63  }
0x237: {  	_ =	swait.ge [sflag:s12], $0x1400  }
0x238: {  	[sflag:s12] =	ssyncset.done $0x0  }
0x239: {  	[sflag:s12] =	ssyncadd.s32 $0xFFFFEC00  }
0x23a: {  	s28 =	stileid.u32;
	[bflag:$0x0] =	sbarrier.arrive $0xFFFF  }
0x23b: {  	s26 =	sshll.u32 s28, $0x6;
	s28 =	rddreg [dreg:$0x17]  }
0x23c: {  	s26 =	sor.u32 $0x1C09, s26;
	s29 =	rddreg [dreg:$0x6];
	s28 =	sshrl.u32 s28, $0x3  }
0x23d: {  	[hbm:s29], [sflag:s26] =	dma.local [spmem:s28], $0x280  }
0x23e: {  	_ =	swait.ge [sflag:s12], $0x280  }
0x23f: {  	[sflag:s12] =	ssyncset.done $0x0;
	s25 =	rddreg [dreg:$0x18]  }
0x240: {  	s29 =	rddreg [dreg:$0x7];
	[sflag:s12] =	ssyncadd.s32 $0xFFFFFD80;
	s28 =	sshrl.u32 s25, $0x3  }
0x241: {  	[hbm:s29], [sflag:s26] =	dma.local [spmem:s28], $0x280  }
0x242: {  	_ =	swait.ge [sflag:s12], $0x280  }
0x243: {  	[sflag:s12] =	ssyncset.done $0x0;
	s25 =	rddreg [dreg:$0x19]  }
0x244: {  	s29 =	rddreg [dreg:$0x8];
	[sflag:s12] =	ssyncadd.s32 $0xFFFFFD80;
	s28 =	sshrl.u32 s25, $0x3  }
0x245: {  	[hbm:s29], [sflag:s26] =	dma.local [spmem:s28], $0x280  }
0x246: {  	_ =	swait.ge [sflag:s12], $0x280  }
0x247: {  	[sflag:s12] =	ssyncset.done $0x0;
	s25 =	rddreg [dreg:$0x1a]  }
0x248: {  	s29 =	rddreg [dreg:$0x9];
	[sflag:s12] =	ssyncadd.s32 $0xFFFFFD80;
	s28 =	sshrl.u32 s25, $0x3  }
0x249: {  	[hbm:s29], [sflag:s26] =	dma.local [spmem:s28], $0x280  }
0x24a: {  	_ =	swait.ge [sflag:s12], $0x280  }
0x24b: {  	[sflag:s12] =	ssyncset.done $0x0;
	s25 =	rddreg [dreg:$0x1b]  }
0x24c: {  	s29 =	rddreg [dreg:$0xa];
	[sflag:s12] =	ssyncadd.s32 $0xFFFFFD80;
	s28 =	sshrl.u32 s25, $0x3  }
0x24d: {  	[hbm:s29], [sflag:s26] =	dma.local [spmem:s28], $0x280  }
0x24e: {  	_ =	swait.ge [sflag:s12], $0x280  }
0x24f: {  	[sflag:s12] =	ssyncset.done $0x0  }
0x250: {  	s25 =	sshrl.u32 s30, $0x3;
	s29 =	rddreg [dreg:$0xb];
	[sflag:s12] =	ssyncadd.s32 $0xFFFFFD80  }
0x251: {  	[hbm:s29], [sflag:s26] =	dma.local [spmem:s25], $0x280  }
0x252: {  	_ =	swait.ge [sflag:s12], $0x280  }
0x253: {  	[sflag:s12] =	ssyncset.done $0x0  }
0x254: {  	s25 =	sshrl.u32 s31, $0x3;
	s29 =	rddreg [dreg:$0xc];
	[sflag:s12] =	ssyncadd.s32 $0xFFFFFD80  }
0x255: {  	[hbm:s29], [sflag:s26] =	dma.local [spmem:s25], $0x280  }
0x256: {  	_ =	swait.ge [sflag:s12], $0x280  }
0x257: {  	[sflag:s12] =	ssyncset.done $0x0  }
0x258: {  	s25 =	sshrl.u32 s19, $0x3;
	s29 =	rddreg [dreg:$0xd];
	[sflag:s12] =	ssyncadd.s32 $0xFFFFFD80  }
0x259: {  	[hbm:s29], [sflag:s26] =	dma.local [spmem:s25], $0x280  }
0x25a: {  	_ =	swait.ge [sflag:s12], $0x280  }
0x25b: {  	[sflag:s12] =	ssyncset.done $0x0  }
0x25c: {  	s25 =	sshrl.u32 s0, $0x3;
	s29 =	rddreg [dreg:$0xe];
	[sflag:s12] =	ssyncadd.s32 $0xFFFFFD80  }
0x25d: {  	[hbm:s29], [sflag:s26] =	dma.local [spmem:s25], $0x280  }
0x25e: {  	_ =	swait.ge [sflag:s12], $0x280  }
0x25f: {  	[sflag:s12] =	ssyncset.done $0x0  }
0x260: {  	s25 =	sshrl.u32 s1, $0x3;
	s29 =	rddreg [dreg:$0xf];
	[sflag:s12] =	ssyncadd.s32 $0xFFFFFD80  }
0x261: {  	[hbm:s29], [sflag:s26] =	dma.local [spmem:s25], $0x280  }
0x262: {  	_ =	swait.ge [sflag:s12], $0x280  }
0x263: {  	[sflag:s12] =	ssyncset.done $0x0  }
0x264: {  	s25 =	sshrl.u32 s2, $0x3;
	s29 =	rddreg [dreg:$0x10];
	[sflag:s12] =	ssyncadd.s32 $0xFFFFFD80  }
0x265: {  	[hbm:s29], [sflag:s26] =	dma.local [spmem:s25], $0x280  }
0x266: {  	_ =	swait.ge [sflag:s12], $0x280  }
0x267: {  	[sflag:s12] =	ssyncset.done $0x0  }
0x268: {  	s25 =	sshrl.u32 s3, $0x3;
	s29 =	rddreg [dreg:$0x11];
	[sflag:s12] =	ssyncadd.s32 $0xFFFFFD80  }
0x269: {  	[hbm:s29], [sflag:s26] =	dma.local [spmem:s25], $0x280  }
0x26a: {  	_ =	swait.ge [sflag:s12], $0x280  }
0x26b: {  	[sflag:s12] =	ssyncset.done $0x0  }
0x26c: {  	s25 =	sshrl.u32 s4, $0x3;
	s29 =	rddreg [dreg:$0x12];
	[sflag:s12] =	ssyncadd.s32 $0xFFFFFD80  }
0x26d: {  	[hbm:s29], [sflag:s26] =	dma.local [spmem:s25], $0x280  }
0x26e: {  	_ =	swait.ge [sflag:s12], $0x280  }
0x26f: {  	[sflag:s12] =	ssyncset.done $0x0  }
0x270: {  	s25 =	sshrl.u32 s5, $0x3;
	s29 =	rddreg [dreg:$0x13];
	[sflag:s12] =	ssyncadd.s32 $0xFFFFFD80  }
0x271: {  	[hbm:s29], [sflag:s26] =	dma.local [spmem:s25], $0x280  }
0x272: {  	_ =	swait.ge [sflag:s12], $0x280  }
0x273: {  	[sflag:s12] =	ssyncset.done $0x0  }
0x274: {  	s25 =	sshrl.u32 s6, $0x3;
	s29 =	rddreg [dreg:$0x14];
	[sflag:s12] =	ssyncadd.s32 $0xFFFFFD80  }
0x275: {  	[hbm:s29], [sflag:s26] =	dma.local [spmem:s25], $0x280  }
0x276: {  	_ =	swait.ge [sflag:s12], $0x280  }
0x277: {  	[sflag:s12] =	ssyncset.done $0x0  }
0x278: {  	s25 =	sshrl.u32 s7, $0x3;
	s29 =	rddreg [dreg:$0x15];
	[sflag:s12] =	ssyncadd.s32 $0xFFFFFD80  }
0x279: {  	[hbm:s29], [sflag:s26] =	dma.local [spmem:s25], $0x190  }
0x27a: {  	_ =	swait.ge [sflag:s12], $0x190  }
0x27b: {  	s26 =	rddreg [dreg:$0x1d]  }
0x27c: {  	s28 =	rddreg [dreg:$0x1c];
	s25 =	sadd.s32 $0x1, s26  }
0x27d: {  	p0 =	sne.s32 s25, s28  }
.Ltmp3:
0x27e: {  	_ = 	snop;
	(pc) =	sbr.rel @p0 .LBB2_1-.Ltmp3, $3  }
0x27f: {  	_ =	sdelay $0x1  }
0x280: {  	[sflag:s12] =	ssyncset.done $0x0  }
0x281: {  	s29 =	simm.s32 $0x13880;
	[sflag:s12] =	ssyncadd.s32 $0xFFFFFE70  }
0x282: {  	_ =	sfence.sel $0x180000  }
0x283: {  	[bflag:$0x0] =	sbarrier.arrive $0xFFFF  }
0x284: {  	_ =	strace $0x9000004A  }
0x285: {  	s0 =	stileid.u32;
	[bflag:$0x2] =	sbarrier.arrive $0xFFFF  }
0x286: {  	p0 =	sne.s32 s0, $0x0;
	s0 =	rddreg [dreg:$0x3]  }
0x287: {  	s0 =	sadd.s32 @!p0 $0x100000, s0  }
0x288: {  	[sflag:s0] =	ssyncadd.tile.s32 @!p0 $0x1;
	_ =	shalt  }
.Lfunc_end2:
_tile_overlayer_lowered:
.L_overlay_start_2:
0x289: {  	(tag) =	ssettag $0x2  }
0x28a: {  	s0 =	rddreg [dreg:$0x0];
	s2 =	stileid.u32  }
0x28b: {  	s1 =	rddreg [dreg:$0x1];
	p0 =	sne.s32 s2, $0x0  }
0x28c: {  	s3 =	rddreg [dreg:$0x2];
	[bflag:$0x3] =	sbarrier.arrive $0xFFFF;
	s2 =	simm.s32 @!p0 $0x1C09  }
0x28d: {  	[timem:s3], [sflag:s2] =	dma.local @!p0 [hbm:s0], s1  }
0x28e: {  	s0 =	simm.s32 @!p0 $0x9  }
0x28f: {  	_ =	swait.ge @!p0 [sflag:s0], s1  }
0x290: {  	s1 =	ssub.s32 @!p0 $0x0, s1;
	[sflag:s0] =	ssyncset.done @!p0 $0x0  }
0x291: {  	[sflag:s0] =	ssyncadd.s32 @!p0 s1  }
0x292: {  	[bflag:$0x3] =	sbarrier.arrive $0xFFFF  }
0x293: {  	_ =	shalt  }

</sc_bundles>
